<compile_context>
chip_gen: v7x
topology: tpu7x:2x2x1
jax: 0.10.2.dev20260603
libtpu: 0.0.44.dev20260713+nightly
codegen_flags: <defaults>
</compile_context>

<pallas_src>
import functools

import jax
import jax.numpy as jnp
from jax import lax
from jax.experimental import pallas as pl
from jax.experimental.pallas import tpu as pltpu
from jax.experimental.pallas import tpu_sc as plsc

_F32 = jnp.float32
_I32 = jnp.int32

_NC = 2
_NS = 16
_NW = _NC * _NS
_CH = 512
_CHR = _CH // 128
_ROWBLK = 512


def _agg1_body(y1, sd, z32, z16, ones_h, s1, l16,
               acc32, acc16, sd_v, midx_v, rows_v, ones_v,
               sa0, sa1, sb0, sb1, sc0, sc1, sd0, sd1,
               *, cpt0, cpt1, npad):
    c = lax.axis_index("c")
    s = lax.axis_index("s")
    rpt32 = npad // _NS
    rpt16 = 2 * npad // _NS
    sa = (sa0, sa1)
    sb = (sb0, sb1)
    sc = (sc0, sc1)
    sdm = (sd0, sd1)
    pltpu.sync_copy(z32.at[pl.ds(0, rpt32)], acc32.at[pl.ds(s * rpt32, rpt32)])
    pltpu.sync_copy(z16, acc16.at[pl.ds(s * rpt16, rpt16)])
    pltpu.sync_copy(ones_h, ones_v)
    plsc.subcore_barrier()
    base = jnp.where(c == 0, s * cpt0, _NS * cpt0 + s * cpt1)
    npairs = jnp.where(c == 0, cpt0 // 2, cpt1 // 2)

    @pl.loop(0, npairs)
    def _pair(p):
        for b in range(2):
            i = p * 2 + b
            row = base + i

            @pl.when(p > 0)
            def _():
                pltpu.make_async_copy(
                    rows_v.at[b], acc32.at[sd_v.at[b, 1]], sc[b]).wait()
                pltpu.make_async_copy(
                    ones_v, acc16.at[midx_v.at[b]], sdm[b]).wait()

            pltpu.async_copy(sd.at[row], sd_v.at[b], sa[b])
            pltpu.make_async_copy(sd.at[row], sd_v.at[b], sa[b]).wait()
            pltpu.async_copy(y1.at[sd_v.at[b, 0]], rows_v.at[b], sb[b])
            for j in range(_CH // 16):
                sl = pl.ds(j * 16, 16)
                sv = sd_v[b, 0, sl]
                dv = sd_v[b, 1, sl]
                midx_v[b, sl] = dv + jnp.where(sv == dv, npad, 0).astype(_I32)
            pltpu.make_async_copy(
                y1.at[sd_v.at[b, 0]], rows_v.at[b], sb[b]).wait()
            pltpu.async_copy(rows_v.at[b], acc32.at[sd_v.at[b, 1]], sc[b],
                             add=True)
            pltpu.async_copy(ones_v, acc16.at[midx_v.at[b]], sdm[b],
                             add=True)

    for b in range(2):
        pltpu.make_async_copy(
            rows_v.at[b], acc32.at[sd_v.at[b, 1]], sc[b]).wait()
        pltpu.make_async_copy(ones_v, acc16.at[midx_v.at[b]], sdm[b]).wait()

    plsc.subcore_barrier()
    sl32 = pl.ds(s * rpt32, rpt32)
    sl16 = pl.ds(s * rpt16, rpt16)
    pltpu.sync_copy(acc32.at[sl32], s1.at[c, sl32])
    pltpu.sync_copy(acc16.at[sl16], l16.at[c, sl16])


def _agg2_body(h, sd, z32, s2,
               acc32, sd_v, rows_v,
               sa0, sa1, sb0, sb1, sc0, sc1,
               *, cpt0, cpt1, npad):
    c = lax.axis_index("c")
    s = lax.axis_index("s")
    wid = c * _NS + s
    rpt32 = npad // _NS
    sa = (sa0, sa1)
    sb = (sb0, sb1)
    sc = (sc0, sc1)
    pltpu.sync_copy(z32.at[pl.ds(0, rpt32)], acc32.at[pl.ds(s * rpt32, rpt32)])
    plsc.subcore_barrier()
    base = jnp.where(c == 0, s * cpt0, _NS * cpt0 + s * cpt1)
    npairs = jnp.where(c == 0, cpt0 // 2, cpt1 // 2)

    @pl.loop(0, npairs)
    def _pair(p):
        for b in range(2):
            i = p * 2 + b
            row = base + i

            @pl.when(p > 0)
            def _():
                pltpu.make_async_copy(
                    rows_v.at[b], acc32.at[sd_v.at[b, 1]], sc[b]).wait()

            pltpu.async_copy(sd.at[row], sd_v.at[b], sa[b])
            pltpu.make_async_copy(sd.at[row], sd_v.at[b], sa[b]).wait()
            pltpu.async_copy(h.at[sd_v.at[b, 0]], rows_v.at[b], sb[b])
            pltpu.make_async_copy(
                h.at[sd_v.at[b, 0]], rows_v.at[b], sb[b]).wait()
            pltpu.async_copy(rows_v.at[b], acc32.at[sd_v.at[b, 1]], sc[b],
                             add=True)

    for b in range(2):
        pltpu.make_async_copy(
            rows_v.at[b], acc32.at[sd_v.at[b, 1]], sc[b]).wait()

    plsc.subcore_barrier()
    sl32 = pl.ds(s * rpt32, rpt32)
    pltpu.sync_copy(acc32.at[sl32], s2.at[c, sl32])


def _mm1_body(x_ref, w_ref, o_ref):
    o_ref[...] = jnp.dot(x_ref[...], w_ref[...],
                         preferred_element_type=_F32)


def _mid_body(s1_ref, la_ref, lb_ref, y1_ref, b1_ref, h_ref, st_ref):
    seg = s1_ref[0] + s1_ref[1]
    la = la_ref[0] + la_ref[1]
    lb = lb_ref[0] + lb_ref[1]
    loop_cnt = lb[:, 0:1]
    deg_raw = la[:, 0:1] + loop_cnt
    missing = jnp.where(loop_cnt > 0.0, 0.0, 1.0)
    deg = jnp.maximum(deg_raw + missing, 1.0)
    y1 = y1_ref[...]
    h = jnp.maximum((seg + y1 * missing) / deg + b1_ref[...], 0.0)
    h_ref[...] = h
    nrows = missing.shape[0]
    st_ref[...] = jnp.concatenate(
        [missing, deg, jnp.zeros((nrows, 14), _F32)], axis=1)


def _fin_body(s2_ref, h_ref, st_ref, w2_ref, b2_ref, o_ref):
    seg = s2_ref[0] + s2_ref[1]
    missing = st_ref[:, 0:1]
    deg = st_ref[:, 1:2]
    aggr = (seg + h_ref[...] * missing) / deg
    z = jnp.dot(aggr, w2_ref[...], preferred_element_type=_F32) + b2_ref[...]
    m = jnp.max(z, axis=1, keepdims=True)
    e = jnp.exp(z - m)
    lse = jnp.log(jnp.sum(e, axis=1, keepdims=True))
    o_ref[...] = z - m - lse


def kernel(x, edge_index, W1, b1, W2, b2):
    n, d_in = x.shape
    e = edge_index.shape[1]
    d_hid = W1.shape[1]
    d_out = W2.shape[1]

    npad = ((n + 2 * _ROWBLK - 1) // _ROWBLK) * _ROWBLK
    trash = npad - 1
    heavy = int(round(e * 0.84))
    cpt0 = 2 * -(-heavy // (2 * _CH * _NS))
    cpt1 = 2 * -(-(e - _NS * cpt0 * _CH) // (2 * _CH * _NS))
    epad = (cpt0 + cpt1) * _NS * _CH
    nblk = npad // _ROWBLK

    src = edge_index[0]
    dst = edge_index[1]
    pad = jnp.full((epad - e,), trash, _I32)
    srcl = jnp.concatenate([src, pad]).reshape(-1, _CH)
    dstl = jnp.concatenate([dst, pad]).reshape(-1, _CH)
    sd = jnp.stack([srcl, dstl], axis=1)
    x_pad = jnp.pad(x, ((0, npad - n), (0, 0)))
    z32 = jnp.zeros((npad // _NS + 8, d_hid), _F32)
    z16 = jnp.zeros((2 * npad // _NS, 16), _F32)
    ones_h = jnp.zeros((_CH, 16), _F32).at[:, 0].set(1.0)

    y1p = pl.pallas_call(
        _mm1_body,
        grid=(nblk,),
        in_specs=[pl.BlockSpec((_ROWBLK, d_in), lambda i: (i, 0)),
                  pl.BlockSpec((d_in, d_hid), lambda i: (0, 0))],
        out_specs=pl.BlockSpec((_ROWBLK, d_hid), lambda i: (i, 0)),
        out_shape=jax.ShapeDtypeStruct((npad, d_hid), _F32),
    )(x_pad, W1)

    mesh = plsc.VectorSubcoreMesh(core_axis_name="c", subcore_axis_name="s",
                                  num_cores=_NC, num_subcores=_NS)
    sc_params = pltpu.CompilerParams(use_tc_tiling_on_sc=False)

    agg1 = pl.kernel(
        functools.partial(_agg1_body, cpt0=cpt0, cpt1=cpt1, npad=npad),
        out_type=[jax.ShapeDtypeStruct((_NC, npad, d_hid), _F32),
                  jax.ShapeDtypeStruct((_NC, 2 * npad, 16), _F32)],
        mesh=mesh,
        scratch_types=[
            pltpu.VMEM_SHARED((npad, d_hid), _F32),
            pltpu.VMEM_SHARED((2 * npad, 16), _F32),
            pltpu.VMEM((2, 2, _CH), _I32),
            pltpu.VMEM((2, _CH), _I32),
            pltpu.VMEM((2, _CH, d_hid), _F32),
            pltpu.VMEM((_CH, 16), _F32),
        ] + [pltpu.SemaphoreType.DMA] * 8,
        compiler_params=sc_params,
    )
    s1, l16 = agg1(y1p, sd, z32, z16, ones_h)

    nboff = npad // _ROWBLK
    h, stats = pl.pallas_call(
        _mid_body,
        grid=(nblk,),
        in_specs=[pl.BlockSpec((_NC, _ROWBLK, d_hid), lambda i: (0, i, 0)),
                  pl.BlockSpec((_NC, _ROWBLK, 16), lambda i: (0, i, 0)),
                  pl.BlockSpec((_NC, _ROWBLK, 16),
                               lambda i: (0, i + nboff, 0)),
                  pl.BlockSpec((_ROWBLK, d_hid), lambda i: (i, 0)),
                  pl.BlockSpec((1, d_hid), lambda i: (0, 0))],
        out_specs=[pl.BlockSpec((_ROWBLK, d_hid), lambda i: (i, 0)),
                   pl.BlockSpec((_ROWBLK, 16), lambda i: (i, 0))],
        out_shape=[jax.ShapeDtypeStruct((npad, d_hid), _F32),
                   jax.ShapeDtypeStruct((npad, 16), _F32)],
    )(s1, l16, l16, y1p, b1.reshape(1, d_hid))

    agg2 = pl.kernel(
        functools.partial(_agg2_body, cpt0=cpt0, cpt1=cpt1, npad=npad),
        out_type=jax.ShapeDtypeStruct((_NC, npad, d_hid), _F32),
        mesh=mesh,
        scratch_types=[
            pltpu.VMEM_SHARED((npad, d_hid), _F32),
            pltpu.VMEM((2, 2, _CH), _I32),
            pltpu.VMEM((2, _CH, d_hid), _F32),
        ] + [pltpu.SemaphoreType.DMA] * 6,
        compiler_params=sc_params,
    )
    s2 = agg2(h, sd, z32)

    out = pl.pallas_call(
        _fin_body,
        grid=(nblk,),
        in_specs=[pl.BlockSpec((_NC, _ROWBLK, d_hid), lambda i: (0, i, 0)),
                  pl.BlockSpec((_ROWBLK, d_hid), lambda i: (i, 0)),
                  pl.BlockSpec((_ROWBLK, 16), lambda i: (i, 0)),
                  pl.BlockSpec((d_hid, d_out), lambda i: (0, 0)),
                  pl.BlockSpec((1, d_out), lambda i: (0, 0))],
        out_specs=pl.BlockSpec((_ROWBLK, d_out), lambda i: (i, 0)),
        out_shape=jax.ShapeDtypeStruct((npad, d_out), _F32),
    )(s2, h, stats, W2, b2.reshape(1, d_out))

    return out[:n]

# --- scband reference (transcript-rebuilt; emitter-appended) ---
"""Pipeline reference for scband-sagenet-5119601017093 (READ-ONLY COPY).

The authoritative reference and input builder live on the scoring server;
editing this copy changes nothing except your own understanding.
"""

import jax, jax.numpy as jnp
import numpy as np

N = 10000
E = 320000
D_IN = 128
D_HID = 32
D_OUT = 128


def setup_inputs(seed: int = 0) -> dict:
    key = jax.random.key(seed)
    k1, k2, k3, k4, k5, k6 = jax.random.split(key, 6)
    x = jax.random.normal(k1, (N, D_IN), dtype=jnp.float32)
    edge_index = jax.random.randint(k2, (2, E), 0, N, dtype=jnp.int32)
    W1 = jax.random.normal(k3, (D_IN, D_HID), dtype=jnp.float32) / np.sqrt(D_IN)
    b1 = jnp.zeros((D_HID,), dtype=jnp.float32)
    W2 = jax.random.normal(k4, (D_HID, D_OUT), dtype=jnp.float32) / np.sqrt(D_HID)
    b2 = jnp.zeros((D_OUT,), dtype=jnp.float32)
    return {"x": x, "edge_index": edge_index, "W1": W1, "b1": b1, "W2": W2, "b2": b2}


def _sage_conv(x, edge_index, W, b):
    # Old-style PyG SAGEConv(normalize=False, concat=False):
    # add_remaining_self_loops, mean-aggregate neighbor features, then linear.
    n = x.shape[0]
    src = edge_index[0]
    dst = edge_index[1]
    flag = (src == dst).astype(jnp.float32)
    loop_cnt = jax.ops.segment_sum(flag, dst, num_segments=n)
    has_loop = (loop_cnt > 0).astype(jnp.float32)
    missing = 1.0 - has_loop  # add self-loop only for nodes lacking one
    msgs = jnp.take(x, src, axis=0)
    summed = jax.ops.segment_sum(msgs, dst, num_segments=n) + x * missing[:, None]
    deg = jax.ops.segment_sum(jnp.ones((E_or(src),), jnp.float32), dst, num_segments=n) + missing
    aggr = summed / jnp.clip(deg, 1.0, None)[:, None]
    return aggr @ W + b


def E_or(src):
    return src.shape[0]


def reference(x, edge_index, W1, b1, W2, b2):
    h = _sage_conv(x, edge_index, W1, b1)
    h = jax.nn.relu(h)
    # F.dropout(p=0.5, training=self.training): identity in eval / deterministic reference
    h = _sage_conv(h, edge_index, W2, b2)
    return jax.nn.log_softmax(h, axis=1)

if __name__ == "__main__":
    import jax
    _d = setup_inputs()
    print(jax.jit(kernel)(*tuple(_d.values())))

</pallas_src>

<mosaic_0001>
#map = affine_map<(d0, d1) -> (0, 0)>
#map1 = affine_map<(d0, d1) -> (0, 0, 0)>
module attributes {stable_mosaic.version = 14 : i64} {
  func.func @_agg2_body(%arg0: i32, %arg1: i32, %arg2: memref<10752x32xf32, #tpu.memory_space<hbm>>, %arg3: memref<640x2x512xi32, #tpu.memory_space<hbm>>, %arg4: memref<680x32xf32, #tpu.memory_space<hbm>>, %arg5: memref<2x10752x32xf32, #tpu.memory_space<hbm>>, %arg6: memref<10752x32xf32, #tpu.memory_space<vmem_shared>>, %arg7: memref<2x2x512xi32, #tpu.memory_space<vmem>>, %arg8: memref<2x512x32xf32, #tpu.memory_space<vmem>>, %arg9: memref<!tpu.dma_semaphore, #tpu.memory_space<semaphore_mem>>, %arg10: memref<!tpu.dma_semaphore, #tpu.memory_space<semaphore_mem>>, %arg11: memref<!tpu.dma_semaphore, #tpu.memory_space<semaphore_mem>>, %arg12: memref<!tpu.dma_semaphore, #tpu.memory_space<semaphore_mem>>, %arg13: memref<!tpu.dma_semaphore, #tpu.memory_space<semaphore_mem>>, %arg14: memref<!tpu.dma_semaphore, #tpu.memory_space<semaphore_mem>>) attributes {dimension_semantics = [#tpu.dimension_semantics<core_parallel>, #tpu.dimension_semantics<subcore_parallel>], iteration_bounds = array<i64: 2, 16>, scalar_prefetch = 0 : i64, scratch_operands = 9 : i64, tpu.core_type = #tpu.core_type<sc_vector_subcore>, window_params = [{transform_indices = #map}, {transform_indices = #map1}, {transform_indices = #map}, {transform_indices = #map1}]} {
    %mul3A = arith.constant 16 : i32
    %mul3A_0 = arith.muli %arg0, %mul3A : i32
    %add3A = arith.addi %mul3A_0, %arg1 : i32
    %mul3A_1 = arith.constant 672 : i32
    %mul3A_2 = arith.muli %arg1, %mul3A_1 : i32
    "tpu.region"() ({
      %run_scoped3A = tpu.sem_alloc : memref<!tpu.dma_semaphore, #tpu.memory_space<semaphore_mem>>
      %dma_start3A = arith.constant 0 : i32
      %dma_start3A_58 = tpu.memref_slice %arg6[%mul3A_2, %dma_start3A] : memref<10752x32xf32, #tpu.memory_space<vmem_shared>> -> memref<672x32xf32, #tpu.memory_space<vmem_shared>>
      %dma_start3A_59 = arith.constant 0 : i32
      %dma_start3A_60 = arith.constant 0 : i32
      %dma_start3A_61 = tpu.memref_slice %arg4[%dma_start3A_59, %dma_start3A_60] : memref<680x32xf32, #tpu.memory_space<hbm>> -> memref<672x32xf32, #tpu.memory_space<hbm>>
      tpu.enqueue_dma source(%dma_start3A_61 : memref<672x32xf32, #tpu.memory_space<hbm>>) target(%dma_start3A_58 : memref<672x32xf32, #tpu.memory_space<vmem_shared>>) target_semaphore(%run_scoped3A : memref<!tpu.dma_semaphore, #tpu.memory_space<semaphore_mem>>)
      %dma_wait3A_62 = arith.constant 0 : i32
      %dma_wait3A_63 = tpu.memref_slice %arg6[%mul3A_2, %dma_wait3A_62] : memref<10752x32xf32, #tpu.memory_space<vmem_shared>> -> memref<672x32xf32, #tpu.memory_space<vmem_shared>>
      %dma_wait3A_64 = arith.constant 0 : i32
      %dma_wait3A_65 = arith.constant 0 : i32
      %dma_wait3A_66 = tpu.memref_slice %arg4[%dma_wait3A_64, %dma_wait3A_65] : memref<680x32xf32, #tpu.memory_space<hbm>> -> memref<672x32xf32, #tpu.memory_space<hbm>>
      tpu.wait_dma2 semaphore(%run_scoped3A : memref<!tpu.dma_semaphore, #tpu.memory_space<semaphore_mem>>) src(%dma_wait3A_66 : memref<672x32xf32, #tpu.memory_space<hbm>>) dst(%dma_wait3A_63 : memref<672x32xf32, #tpu.memory_space<vmem_shared>>)
      tpu.yield
    }) : () -> ()
    %barrier3A = arith.constant 0 : index
    tpu.barrier barrier_id(%barrier3A)
    %eq3A = arith.constant 0 : i32
    %eq3A_3 = arith.cmpi eq, %arg0, %eq3A : i32
    %mul3A_4 = arith.constant 34 : i32
    %mul3A_5 = arith.muli %arg1, %mul3A_4 : i32
    %mul3A_6 = arith.constant 6 : i32
    %mul3A_7 = arith.muli %arg1, %mul3A_6 : i32
    %add3A_8 = arith.constant 544 : i32
    %add3A_9 = arith.addi %add3A_8, %mul3A_7 : i32
    %select_n3A = arith.select %eq3A_3, %mul3A_5, %add3A_9 : i32
    %eq3A_10 = arith.constant 0 : i32
    %eq3A_11 = arith.cmpi eq, %arg0, %eq3A_10 : i32
    %jit3A = arith.constant 17 : i32
    %jit3A_12 = arith.constant 3 : i32
    %select_n3A_13 = arith.select %eq3A_11, %jit3A, %jit3A_12 : i32
    %sub3A = arith.constant 0 : i32
    %sub3A_14 = arith.subi %select_n3A_13, %sub3A : i32
    %sub3A_15 = arith.constant 1 : i32
    %sub3A_16 = arith.constant 1 : i32
    %sub3A_17 = arith.subi %sub3A_15, %sub3A_16 : i32
    %add3A_18 = arith.addi %sub3A_14, %sub3A_17 : i32
    %div3A = arith.constant 1 : i32
    %div3A_19 = arith.divsi %add3A_18, %div3A : i32
    %while3A = arith.constant 1 : i32
    %while3A_20 = arith.constant 0 : i32
    %while3A_21 = arith.constant 0 : i32
    %while3A_22 = arith.subi %div3A_19, %while3A_21 : i32
    %while3A_23 = arith.addi %while3A_21, %while3A_22 : i32
    %while3A_24 = arith.constant 1 : i32
    %while3A_25 = arith.divsi %while3A_22, %while3A_24 : i32
    %while3A_26 = arith.muli %while3A_25, %while3A_24 : i32
    %while3A_27 = arith.addi %while3A_21, %while3A_26 : i32
    %while3A_28 = arith.constant 1 : i32
    scf.for %while3A_58 = %while3A_21 to %while3A_27 step %while3A_28  : i32 {
      %mul3A_59 = arith.muli %while3A_58, %while3A : i32
      %add3A_60 = arith.addi %while3A_20, %mul3A_59 : i32
      %mul3A_61 = arith.constant 2 : i32
      %mul3A_62 = arith.muli %add3A_60, %mul3A_61 : i32
      %add3A_63 = arith.constant 0 : i32
      %add3A_64 = arith.addi %mul3A_62, %add3A_63 : i32
      %add3A_65 = arith.addi %select_n3A, %add3A_64 : i32
      %gt3A = arith.constant 0 : i32
      %gt3A_66 = arith.cmpi sgt, %add3A_60, %gt3A : i32
      %convert_element_type3A = arith.extui %gt3A_66 : i1 to i32
      %cond3A = arith.constant 0 : i32
      %cond3A_67 = arith.cmpi ne, %convert_element_type3A, %cond3A : i32
      scf.if %cond3A_67 {
        %dma_wait3A_223 = arith.constant 0 : i32
        %dma_wait3A_224 = arith.constant 0 : i32
        %dma_wait3A_225 = arith.constant 1 : i32
        %dma_wait3A_226 = arith.constant 0 : i32
        %dma_wait3A_227 = arith.constant 0 : i32
        %dma_wait3A_228 = tpu.memref_slice %arg8[%dma_wait3A_223, %dma_wait3A_226, %dma_wait3A_227] : memref<2x512x32xf32, #tpu.memory_space<vmem>> -> memref<1x512x32xf32, #tpu.memory_space<vmem>>
        %dma_wait3A_229 = tpu.memref_squeeze %dma_wait3A_228 : memref<1x512x32xf32, #tpu.memory_space<vmem>> -> memref<512x32xf32, #tpu.memory_space<vmem>>
        %dma_wait3A_230 = arith.constant 0 : i32
        %dma_wait3A_231 = tpu.memref_slice %arg7[%dma_wait3A_224, %dma_wait3A_225, %dma_wait3A_230] : memref<2x2x512xi32, #tpu.memory_space<vmem>> -> memref<1x1x512xi32, #tpu.memory_space<vmem>>
        %dma_wait3A_232 = tpu.memref_squeeze %dma_wait3A_231 : memref<1x1x512xi32, #tpu.memory_space<vmem>> -> memref<512xi32, #tpu.memory_space<vmem>>
        %dma_wait3A_233 = arith.constant 0 : i32
        %dma_wait3A_234 = arith.constant 0 : i32
        %dma_wait3A_235 = tpu.memref_slice %arg6[%dma_wait3A_233, %dma_wait3A_234] : memref<10752x32xf32, #tpu.memory_space<vmem_shared>> -> memref<10752x32xf32, #tpu.memory_space<vmem_shared>>
        tpu.wait_indirect_dma semaphore(%arg13 : memref<!tpu.dma_semaphore, #tpu.memory_space<semaphore_mem>>) src(%dma_wait3A_229 : memref<512x32xf32, #tpu.memory_space<vmem>>) dst(%dma_wait3A_235 : memref<10752x32xf32, #tpu.memory_space<vmem_shared>>)
      } else {
      }
      %dma_start3A = arith.constant 0 : i32
      %dma_start3A_68 = arith.constant 0 : i32
      %dma_start3A_69 = arith.constant 0 : i32
      %dma_start3A_70 = tpu.memref_slice %arg7[%dma_start3A, %dma_start3A_68, %dma_start3A_69] : memref<2x2x512xi32, #tpu.memory_space<vmem>> -> memref<1x2x512xi32, #tpu.memory_space<vmem>>
      %dma_start3A_71 = tpu.memref_squeeze %dma_start3A_70 : memref<1x2x512xi32, #tpu.memory_space<vmem>> -> memref<2x512xi32, #tpu.memory_space<vmem>>
      %dma_start3A_72 = arith.constant 0 : i32
      %dma_start3A_73 = arith.constant 0 : i32
      %dma_start3A_74 = tpu.memref_slice %arg3[%add3A_65, %dma_start3A_72, %dma_start3A_73] : memref<640x2x512xi32, #tpu.memory_space<hbm>> -> memref<1x2x512xi32, #tpu.memory_space<hbm>>
      %dma_start3A_75 = tpu.memref_squeeze %dma_start3A_74 : memref<1x2x512xi32, #tpu.memory_space<hbm>> -> memref<2x512xi32, #tpu.memory_space<hbm>>
      %dma_start3A_76 = arith.constant 0 : i32
      %dma_start3A_77 = arith.constant 0 : i32
      %dma_start3A_78 = tpu.memref_slice %arg7[%dma_start3A, %dma_start3A_76, %dma_start3A_77] : memref<2x2x512xi32, #tpu.memory_space<vmem>> -> memref<1x2x512xi32, #tpu.memory_space<vmem>>
      %dma_start3A_79 = tpu.memref_squeeze %dma_start3A_78 : memref<1x2x512xi32, #tpu.memory_space<vmem>> -> memref<2x512xi32, #tpu.memory_space<vmem>>
      %dma_start3A_80 = arith.constant 0 : i32
      %dma_start3A_81 = arith.constant 0 : i32
      %dma_start3A_82 = tpu.memref_slice %arg3[%add3A_65, %dma_start3A_80, %dma_start3A_81] : memref<640x2x512xi32, #tpu.memory_space<hbm>> -> memref<1x2x512xi32, #tpu.memory_space<hbm>>
      %dma_start3A_83 = tpu.memref_squeeze %dma_start3A_82 : memref<1x2x512xi32, #tpu.memory_space<hbm>> -> memref<2x512xi32, #tpu.memory_space<hbm>>
      tpu.enqueue_dma source(%dma_start3A_83 : memref<2x512xi32, #tpu.memory_space<hbm>>) target(%dma_start3A_79 : memref<2x512xi32, #tpu.memory_space<vmem>>) target_semaphore(%arg9 : memref<!tpu.dma_semaphore, #tpu.memory_space<semaphore_mem>>)
      %dma_wait3A_84 = arith.constant 0 : i32
      %dma_wait3A_85 = arith.constant 0 : i32
      %dma_wait3A_86 = arith.constant 0 : i32
      %dma_wait3A_87 = tpu.memref_slice %arg7[%dma_wait3A_84, %dma_wait3A_85, %dma_wait3A_86] : memref<2x2x512xi32, #tpu.memory_space<vmem>> -> memref<1x2x512xi32, #tpu.memory_space<vmem>>
      %dma_wait3A_88 = tpu.memref_squeeze %dma_wait3A_87 : memref<1x2x512xi32, #tpu.memory_space<vmem>> -> memref<2x512xi32, #tpu.memory_space<vmem>>
      %dma_wait3A_89 = arith.constant 0 : i32
      %dma_wait3A_90 = arith.constant 0 : i32
      %dma_wait3A_91 = tpu.memref_slice %arg3[%add3A_65, %dma_wait3A_89, %dma_wait3A_90] : memref<640x2x512xi32, #tpu.memory_space<hbm>> -> memref<1x2x512xi32, #tpu.memory_space<hbm>>
      %dma_wait3A_92 = tpu.memref_squeeze %dma_wait3A_91 : memref<1x2x512xi32, #tpu.memory_space<hbm>> -> memref<2x512xi32, #tpu.memory_space<hbm>>
      %dma_wait3A_93 = arith.constant 0 : i32
      %dma_wait3A_94 = arith.constant 0 : i32
      %dma_wait3A_95 = tpu.memref_slice %arg7[%dma_wait3A_84, %dma_wait3A_93, %dma_wait3A_94] : memref<2x2x512xi32, #tpu.memory_space<vmem>> -> memref<1x2x512xi32, #tpu.memory_space<vmem>>
      %dma_wait3A_96 = tpu.memref_squeeze %dma_wait3A_95 : memref<1x2x512xi32, #tpu.memory_space<vmem>> -> memref<2x512xi32, #tpu.memory_space<vmem>>
      %dma_wait3A_97 = arith.constant 0 : i32
      %dma_wait3A_98 = arith.constant 0 : i32
      %dma_wait3A_99 = tpu.memref_slice %arg3[%add3A_65, %dma_wait3A_97, %dma_wait3A_98] : memref<640x2x512xi32, #tpu.memory_space<hbm>> -> memref<1x2x512xi32, #tpu.memory_space<hbm>>
      %dma_wait3A_100 = tpu.memref_squeeze %dma_wait3A_99 : memref<1x2x512xi32, #tpu.memory_space<hbm>> -> memref<2x512xi32, #tpu.memory_space<hbm>>
      tpu.wait_dma2 semaphore(%arg9 : memref<!tpu.dma_semaphore, #tpu.memory_space<semaphore_mem>>) src(%dma_wait3A_100 : memref<2x512xi32, #tpu.memory_space<hbm>>) dst(%dma_wait3A_96 : memref<2x512xi32, #tpu.memory_space<vmem>>)
      %dma_start3A_101 = arith.constant 0 : i32
      %dma_start3A_102 = arith.constant 0 : i32
      %dma_start3A_103 = arith.constant 0 : i32
      %dma_start3A_104 = arith.constant 0 : i32
      %dma_start3A_105 = arith.constant 0 : i32
      %dma_start3A_106 = tpu.memref_slice %arg8[%dma_start3A_103, %dma_start3A_104, %dma_start3A_105] : memref<2x512x32xf32, #tpu.memory_space<vmem>> -> memref<1x512x32xf32, #tpu.memory_space<vmem>>
      %dma_start3A_107 = tpu.memref_squeeze %dma_start3A_106 : memref<1x512x32xf32, #tpu.memory_space<vmem>> -> memref<512x32xf32, #tpu.memory_space<vmem>>
      %dma_start3A_108 = arith.constant 0 : i32
      %dma_start3A_109 = tpu.memref_slice %arg7[%dma_start3A_101, %dma_start3A_102, %dma_start3A_108] : memref<2x2x512xi32, #tpu.memory_space<vmem>> -> memref<1x1x512xi32, #tpu.memory_space<vmem>>
      %dma_start3A_110 = tpu.memref_squeeze %dma_start3A_109 : memref<1x1x512xi32, #tpu.memory_space<vmem>> -> memref<512xi32, #tpu.memory_space<vmem>>
      %dma_start3A_111 = arith.constant 0 : i32
      %dma_start3A_112 = arith.constant 0 : i32
      %dma_start3A_113 = tpu.memref_slice %arg2[%dma_start3A_111, %dma_start3A_112] : memref<10752x32xf32, #tpu.memory_space<hbm>> -> memref<10752x32xf32, #tpu.memory_space<hbm>>
      tpu.enqueue_indirect_dma source(%dma_start3A_113 : memref<10752x32xf32, #tpu.memory_space<hbm>>) target(%dma_start3A_107 : memref<512x32xf32, #tpu.memory_space<vmem>>) offsets(%dma_start3A_110 : memref<512xi32, #tpu.memory_space<vmem>>) semaphore(%arg11 : memref<!tpu.dma_semaphore, #tpu.memory_space<semaphore_mem>>)
      %dma_wait3A_114 = arith.constant 0 : i32
      %dma_wait3A_115 = arith.constant 0 : i32
      %dma_wait3A_116 = arith.constant 0 : i32
      %dma_wait3A_117 = arith.constant 0 : i32
      %dma_wait3A_118 = arith.constant 0 : i32
      %dma_wait3A_119 = tpu.memref_slice %arg8[%dma_wait3A_116, %dma_wait3A_117, %dma_wait3A_118] : memref<2x512x32xf32, #tpu.memory_space<vmem>> -> memref<1x512x32xf32, #tpu.memory_space<vmem>>
      %dma_wait3A_120 = tpu.memref_squeeze %dma_wait3A_119 : memref<1x512x32xf32, #tpu.memory_space<vmem>> -> memref<512x32xf32, #tpu.memory_space<vmem>>
      %dma_wait3A_121 = arith.constant 0 : i32
      %dma_wait3A_122 = tpu.memref_slice %arg7[%dma_wait3A_114, %dma_wait3A_115, %dma_wait3A_121] : memref<2x2x512xi32, #tpu.memory_space<vmem>> -> memref<1x1x512xi32, #tpu.memory_space<vmem>>
      %dma_wait3A_123 = tpu.memref_squeeze %dma_wait3A_122 : memref<1x1x512xi32, #tpu.memory_space<vmem>> -> memref<512xi32, #tpu.memory_space<vmem>>
      %dma_wait3A_124 = arith.constant 0 : i32
      %dma_wait3A_125 = arith.constant 0 : i32
      %dma_wait3A_126 = tpu.memref_slice %arg2[%dma_wait3A_124, %dma_wait3A_125] : memref<10752x32xf32, #tpu.memory_space<hbm>> -> memref<10752x32xf32, #tpu.memory_space<hbm>>
      tpu.wait_indirect_dma semaphore(%arg11 : memref<!tpu.dma_semaphore, #tpu.memory_space<semaphore_mem>>) src(%dma_wait3A_126 : memref<10752x32xf32, #tpu.memory_space<hbm>>) dst(%dma_wait3A_120 : memref<512x32xf32, #tpu.memory_space<vmem>>)
      %dma_start3A_127 = arith.constant 0 : i32
      %dma_start3A_128 = arith.constant 0 : i32
      %dma_start3A_129 = arith.constant 1 : i32
      %dma_start3A_130 = arith.constant 0 : i32
      %dma_start3A_131 = arith.constant 0 : i32
      %dma_start3A_132 = tpu.memref_slice %arg8[%dma_start3A_127, %dma_start3A_130, %dma_start3A_131] : memref<2x512x32xf32, #tpu.memory_space<vmem>> -> memref<1x512x32xf32, #tpu.memory_space<vmem>>
      %dma_start3A_133 = tpu.memref_squeeze %dma_start3A_132 : memref<1x512x32xf32, #tpu.memory_space<vmem>> -> memref<512x32xf32, #tpu.memory_space<vmem>>
      %dma_start3A_134 = arith.constant 0 : i32
      %dma_start3A_135 = tpu.memref_slice %arg7[%dma_start3A_128, %dma_start3A_129, %dma_start3A_134] : memref<2x2x512xi32, #tpu.memory_space<vmem>> -> memref<1x1x512xi32, #tpu.memory_space<vmem>>
      %dma_start3A_136 = tpu.memref_squeeze %dma_start3A_135 : memref<1x1x512xi32, #tpu.memory_space<vmem>> -> memref<512xi32, #tpu.memory_space<vmem>>
      %dma_start3A_137 = arith.constant 0 : i32
      %dma_start3A_138 = arith.constant 0 : i32
      %dma_start3A_139 = tpu.memref_slice %arg6[%dma_start3A_137, %dma_start3A_138] : memref<10752x32xf32, #tpu.memory_space<vmem_shared>> -> memref<10752x32xf32, #tpu.memory_space<vmem_shared>>
      tpu.enqueue_indirect_dma source(%dma_start3A_133 : memref<512x32xf32, #tpu.memory_space<vmem>>) target(%dma_start3A_139 : memref<10752x32xf32, #tpu.memory_space<vmem_shared>>) offsets(%dma_start3A_136 : memref<512xi32, #tpu.memory_space<vmem>>) semaphore(%arg13 : memref<!tpu.dma_semaphore, #tpu.memory_space<semaphore_mem>>) {add = true}
      %mul3A_140 = arith.constant 2 : i32
      %mul3A_141 = arith.muli %add3A_60, %mul3A_140 : i32
      %add3A_142 = arith.constant 1 : i32
      %add3A_143 = arith.addi %mul3A_141, %add3A_142 : i32
      %add3A_144 = arith.addi %select_n3A, %add3A_143 : i32
      %gt3A_145 = arith.constant 0 : i32
      %gt3A_146 = arith.cmpi sgt, %add3A_60, %gt3A_145 : i32
      %convert_element_type3A_147 = arith.extui %gt3A_146 : i1 to i32
      %cond3A_148 = arith.constant 0 : i32
      %cond3A_149 = arith.cmpi ne, %convert_element_type3A_147, %cond3A_148 : i32
      scf.if %cond3A_149 {
        %dma_wait3A_223 = arith.constant 1 : i32
        %dma_wait3A_224 = arith.constant 1 : i32
        %dma_wait3A_225 = arith.constant 1 : i32
        %dma_wait3A_226 = arith.constant 0 : i32
        %dma_wait3A_227 = arith.constant 0 : i32
        %dma_wait3A_228 = tpu.memref_slice %arg8[%dma_wait3A_223, %dma_wait3A_226, %dma_wait3A_227] : memref<2x512x32xf32, #tpu.memory_space<vmem>> -> memref<1x512x32xf32, #tpu.memory_space<vmem>>
        %dma_wait3A_229 = tpu.memref_squeeze %dma_wait3A_228 : memref<1x512x32xf32, #tpu.memory_space<vmem>> -> memref<512x32xf32, #tpu.memory_space<vmem>>
        %dma_wait3A_230 = arith.constant 0 : i32
        %dma_wait3A_231 = tpu.memref_slice %arg7[%dma_wait3A_224, %dma_wait3A_225, %dma_wait3A_230] : memref<2x2x512xi32, #tpu.memory_space<vmem>> -> memref<1x1x512xi32, #tpu.memory_space<vmem>>
        %dma_wait3A_232 = tpu.memref_squeeze %dma_wait3A_231 : memref<1x1x512xi32, #tpu.memory_space<vmem>> -> memref<512xi32, #tpu.memory_space<vmem>>
        %dma_wait3A_233 = arith.constant 0 : i32
        %dma_wait3A_234 = arith.constant 0 : i32
        %dma_wait3A_235 = tpu.memref_slice %arg6[%dma_wait3A_233, %dma_wait3A_234] : memref<10752x32xf32, #tpu.memory_space<vmem_shared>> -> memref<10752x32xf32, #tpu.memory_space<vmem_shared>>
        tpu.wait_indirect_dma semaphore(%arg14 : memref<!tpu.dma_semaphore, #tpu.memory_space<semaphore_mem>>) src(%dma_wait3A_229 : memref<512x32xf32, #tpu.memory_space<vmem>>) dst(%dma_wait3A_235 : memref<10752x32xf32, #tpu.memory_space<vmem_shared>>)
      } else {
      }
      %dma_start3A_150 = arith.constant 1 : i32
      %dma_start3A_151 = arith.constant 0 : i32
      %dma_start3A_152 = arith.constant 0 : i32
      %dma_start3A_153 = tpu.memref_slice %arg7[%dma_start3A_150, %dma_start3A_151, %dma_start3A_152] : memref<2x2x512xi32, #tpu.memory_space<vmem>> -> memref<1x2x512xi32, #tpu.memory_space<vmem>>
      %dma_start3A_154 = tpu.memref_squeeze %dma_start3A_153 : memref<1x2x512xi32, #tpu.memory_space<vmem>> -> memref<2x512xi32, #tpu.memory_space<vmem>>
      %dma_start3A_155 = arith.constant 0 : i32
      %dma_start3A_156 = arith.constant 0 : i32
      %dma_start3A_157 = tpu.memref_slice %arg3[%add3A_144, %dma_start3A_155, %dma_start3A_156] : memref<640x2x512xi32, #tpu.memory_space<hbm>> -> memref<1x2x512xi32, #tpu.memory_space<hbm>>
      %dma_start3A_158 = tpu.memref_squeeze %dma_start3A_157 : memref<1x2x512xi32, #tpu.memory_space<hbm>> -> memref<2x512xi32, #tpu.memory_space<hbm>>
      %dma_start3A_159 = arith.constant 0 : i32
      %dma_start3A_160 = arith.constant 0 : i32
      %dma_start3A_161 = tpu.memref_slice %arg7[%dma_start3A_150, %dma_start3A_159, %dma_start3A_160] : memref<2x2x512xi32, #tpu.memory_space<vmem>> -> memref<1x2x512xi32, #tpu.memory_space<vmem>>
      %dma_start3A_162 = tpu.memref_squeeze %dma_start3A_161 : memref<1x2x512xi32, #tpu.memory_space<vmem>> -> memref<2x512xi32, #tpu.memory_space<vmem>>
      %dma_start3A_163 = arith.constant 0 : i32
      %dma_start3A_164 = arith.constant 0 : i32
      %dma_start3A_165 = tpu.memref_slice %arg3[%add3A_144, %dma_start3A_163, %dma_start3A_164] : memref<640x2x512xi32, #tpu.memory_space<hbm>> -> memref<1x2x512xi32, #tpu.memory_space<hbm>>
      %dma_start3A_166 = tpu.memref_squeeze %dma_start3A_165 : memref<1x2x512xi32, #tpu.memory_space<hbm>> -> memref<2x512xi32, #tpu.memory_space<hbm>>
      tpu.enqueue_dma source(%dma_start3A_166 : memref<2x512xi32, #tpu.memory_space<hbm>>) target(%dma_start3A_162 : memref<2x512xi32, #tpu.memory_space<vmem>>) target_semaphore(%arg10 : memref<!tpu.dma_semaphore, #tpu.memory_space<semaphore_mem>>)
      %dma_wait3A_167 = arith.constant 1 : i32
      %dma_wait3A_168 = arith.constant 0 : i32
      %dma_wait3A_169 = arith.constant 0 : i32
      %dma_wait3A_170 = tpu.memref_slice %arg7[%dma_wait3A_167, %dma_wait3A_168, %dma_wait3A_169] : memref<2x2x512xi32, #tpu.memory_space<vmem>> -> memref<1x2x512xi32, #tpu.memory_space<vmem>>
      %dma_wait3A_171 = tpu.memref_squeeze %dma_wait3A_170 : memref<1x2x512xi32, #tpu.memory_space<vmem>> -> memref<2x512xi32, #tpu.memory_space<vmem>>
      %dma_wait3A_172 = arith.constant 0 : i32
      %dma_wait3A_173 = arith.constant 0 : i32
      %dma_wait3A_174 = tpu.memref_slice %arg3[%add3A_144, %dma_wait3A_172, %dma_wait3A_173] : memref<640x2x512xi32, #tpu.memory_space<hbm>> -> memref<1x2x512xi32, #tpu.memory_space<hbm>>
      %dma_wait3A_175 = tpu.memref_squeeze %dma_wait3A_174 : memref<1x2x512xi32, #tpu.memory_space<hbm>> -> memref<2x512xi32, #tpu.memory_space<hbm>>
      %dma_wait3A_176 = arith.constant 0 : i32
      %dma_wait3A_177 = arith.constant 0 : i32
      %dma_wait3A_178 = tpu.memref_slice %arg7[%dma_wait3A_167, %dma_wait3A_176, %dma_wait3A_177] : memref<2x2x512xi32, #tpu.memory_space<vmem>> -> memref<1x2x512xi32, #tpu.memory_space<vmem>>
      %dma_wait3A_179 = tpu.memref_squeeze %dma_wait3A_178 : memref<1x2x512xi32, #tpu.memory_space<vmem>> -> memref<2x512xi32, #tpu.memory_space<vmem>>
      %dma_wait3A_180 = arith.constant 0 : i32
      %dma_wait3A_181 = arith.constant 0 : i32
      %dma_wait3A_182 = tpu.memref_slice %arg3[%add3A_144, %dma_wait3A_180, %dma_wait3A_181] : memref<640x2x512xi32, #tpu.memory_space<hbm>> -> memref<1x2x512xi32, #tpu.memory_space<hbm>>
      %dma_wait3A_183 = tpu.memref_squeeze %dma_wait3A_182 : memref<1x2x512xi32, #tpu.memory_space<hbm>> -> memref<2x512xi32, #tpu.memory_space<hbm>>
      tpu.wait_dma2 semaphore(%arg10 : memref<!tpu.dma_semaphore, #tpu.memory_space<semaphore_mem>>) src(%dma_wait3A_183 : memref<2x512xi32, #tpu.memory_space<hbm>>) dst(%dma_wait3A_179 : memref<2x512xi32, #tpu.memory_space<vmem>>)
      %dma_start3A_184 = arith.constant 1 : i32
      %dma_start3A_185 = arith.constant 0 : i32
      %dma_start3A_186 = arith.constant 1 : i32
      %dma_start3A_187 = arith.constant 0 : i32
      %dma_start3A_188 = arith.constant 0 : i32
      %dma_start3A_189 = tpu.memref_slice %arg8[%dma_start3A_186, %dma_start3A_187, %dma_start3A_188] : memref<2x512x32xf32, #tpu.memory_space<vmem>> -> memref<1x512x32xf32, #tpu.memory_space<vmem>>
      %dma_start3A_190 = tpu.memref_squeeze %dma_start3A_189 : memref<1x512x32xf32, #tpu.memory_space<vmem>> -> memref<512x32xf32, #tpu.memory_space<vmem>>
      %dma_start3A_191 = arith.constant 0 : i32
      %dma_start3A_192 = tpu.memref_slice %arg7[%dma_start3A_184, %dma_start3A_185, %dma_start3A_191] : memref<2x2x512xi32, #tpu.memory_space<vmem>> -> memref<1x1x512xi32, #tpu.memory_space<vmem>>
      %dma_start3A_193 = tpu.memref_squeeze %dma_start3A_192 : memref<1x1x512xi32, #tpu.memory_space<vmem>> -> memref<512xi32, #tpu.memory_space<vmem>>
      %dma_start3A_194 = arith.constant 0 : i32
      %dma_start3A_195 = arith.constant 0 : i32
      %dma_start3A_196 = tpu.memref_slice %arg2[%dma_start3A_194, %dma_start3A_195] : memref<10752x32xf32, #tpu.memory_space<hbm>> -> memref<10752x32xf32, #tpu.memory_space<hbm>>
      tpu.enqueue_indirect_dma source(%dma_start3A_196 : memref<10752x32xf32, #tpu.memory_space<hbm>>) target(%dma_start3A_190 : memref<512x32xf32, #tpu.memory_space<vmem>>) offsets(%dma_start3A_193 : memref<512xi32, #tpu.memory_space<vmem>>) semaphore(%arg12 : memref<!tpu.dma_semaphore, #tpu.memory_space<semaphore_mem>>)
      %dma_wait3A_197 = arith.constant 1 : i32
      %dma_wait3A_198 = arith.constant 0 : i32
      %dma_wait3A_199 = arith.constant 1 : i32
      %dma_wait3A_200 = arith.constant 0 : i32
      %dma_wait3A_201 = arith.constant 0 : i32
      %dma_wait3A_202 = tpu.memref_slice %arg8[%dma_wait3A_199, %dma_wait3A_200, %dma_wait3A_201] : memref<2x512x32xf32, #tpu.memory_space<vmem>> -> memref<1x512x32xf32, #tpu.memory_space<vmem>>
      %dma_wait3A_203 = tpu.memref_squeeze %dma_wait3A_202 : memref<1x512x32xf32, #tpu.memory_space<vmem>> -> memref<512x32xf32, #tpu.memory_space<vmem>>
      %dma_wait3A_204 = arith.constant 0 : i32
      %dma_wait3A_205 = tpu.memref_slice %arg7[%dma_wait3A_197, %dma_wait3A_198, %dma_wait3A_204] : memref<2x2x512xi32, #tpu.memory_space<vmem>> -> memref<1x1x512xi32, #tpu.memory_space<vmem>>
      %dma_wait3A_206 = tpu.memref_squeeze %dma_wait3A_205 : memref<1x1x512xi32, #tpu.memory_space<vmem>> -> memref<512xi32, #tpu.memory_space<vmem>>
      %dma_wait3A_207 = arith.constant 0 : i32
      %dma_wait3A_208 = arith.constant 0 : i32
      %dma_wait3A_209 = tpu.memref_slice %arg2[%dma_wait3A_207, %dma_wait3A_208] : memref<10752x32xf32, #tpu.memory_space<hbm>> -> memref<10752x32xf32, #tpu.memory_space<hbm>>
      tpu.wait_indirect_dma semaphore(%arg12 : memref<!tpu.dma_semaphore, #tpu.memory_space<semaphore_mem>>) src(%dma_wait3A_209 : memref<10752x32xf32, #tpu.memory_space<hbm>>) dst(%dma_wait3A_203 : memref<512x32xf32, #tpu.memory_space<vmem>>)
      %dma_start3A_210 = arith.constant 1 : i32
      %dma_start3A_211 = arith.constant 1 : i32
      %dma_start3A_212 = arith.constant 1 : i32
      %dma_start3A_213 = arith.constant 0 : i32
      %dma_start3A_214 = arith.constant 0 : i32
      %dma_start3A_215 = tpu.memref_slice %arg8[%dma_start3A_210, %dma_start3A_213, %dma_start3A_214] : memref<2x512x32xf32, #tpu.memory_space<vmem>> -> memref<1x512x32xf32, #tpu.memory_space<vmem>>
      %dma_start3A_216 = tpu.memref_squeeze %dma_start3A_215 : memref<1x512x32xf32, #tpu.memory_space<vmem>> -> memref<512x32xf32, #tpu.memory_space<vmem>>
      %dma_start3A_217 = arith.constant 0 : i32
      %dma_start3A_218 = tpu.memref_slice %arg7[%dma_start3A_211, %dma_start3A_212, %dma_start3A_217] : memref<2x2x512xi32, #tpu.memory_space<vmem>> -> memref<1x1x512xi32, #tpu.memory_space<vmem>>
      %dma_start3A_219 = tpu.memref_squeeze %dma_start3A_218 : memref<1x1x512xi32, #tpu.memory_space<vmem>> -> memref<512xi32, #tpu.memory_space<vmem>>
      %dma_start3A_220 = arith.constant 0 : i32
      %dma_start3A_221 = arith.constant 0 : i32
      %dma_start3A_222 = tpu.memref_slice %arg6[%dma_start3A_220, %dma_start3A_221] : memref<10752x32xf32, #tpu.memory_space<vmem_shared>> -> memref<10752x32xf32, #tpu.memory_space<vmem_shared>>
      tpu.enqueue_indirect_dma source(%dma_start3A_216 : memref<512x32xf32, #tpu.memory_space<vmem>>) target(%dma_start3A_222 : memref<10752x32xf32, #tpu.memory_space<vmem_shared>>) offsets(%dma_start3A_219 : memref<512xi32, #tpu.memory_space<vmem>>) semaphore(%arg14 : memref<!tpu.dma_semaphore, #tpu.memory_space<semaphore_mem>>) {add = true}
    }
    %while3A_29 = arith.constant 1 : i32
    scf.for %while3A_58 = %while3A_27 to %while3A_23 step %while3A_29  : i32 {
      %mul3A_59 = arith.muli %while3A_58, %while3A : i32
      %add3A_60 = arith.addi %while3A_20, %mul3A_59 : i32
      %mul3A_61 = arith.constant 2 : i32
      %mul3A_62 = arith.muli %add3A_60, %mul3A_61 : i32
      %add3A_63 = arith.constant 0 : i32
      %add3A_64 = arith.addi %mul3A_62, %add3A_63 : i32
      %add3A_65 = arith.addi %select_n3A, %add3A_64 : i32
      %gt3A = arith.constant 0 : i32
      %gt3A_66 = arith.cmpi sgt, %add3A_60, %gt3A : i32
      %convert_element_type3A = arith.extui %gt3A_66 : i1 to i32
      %cond3A = arith.constant 0 : i32
      %cond3A_67 = arith.cmpi ne, %convert_element_type3A, %cond3A : i32
      scf.if %cond3A_67 {
        %dma_wait3A_223 = arith.constant 0 : i32
        %dma_wait3A_224 = arith.constant 0 : i32
        %dma_wait3A_225 = arith.constant 1 : i32
        %dma_wait3A_226 = arith.constant 0 : i32
        %dma_wait3A_227 = arith.constant 0 : i32
        %dma_wait3A_228 = tpu.memref_slice %arg8[%dma_wait3A_223, %dma_wait3A_226, %dma_wait3A_227] : memref<2x512x32xf32, #tpu.memory_space<vmem>> -> memref<1x512x32xf32, #tpu.memory_space<vmem>>
        %dma_wait3A_229 = tpu.memref_squeeze %dma_wait3A_228 : memref<1x512x32xf32, #tpu.memory_space<vmem>> -> memref<512x32xf32, #tpu.memory_space<vmem>>
        %dma_wait3A_230 = arith.constant 0 : i32
        %dma_wait3A_231 = tpu.memref_slice %arg7[%dma_wait3A_224, %dma_wait3A_225, %dma_wait3A_230] : memref<2x2x512xi32, #tpu.memory_space<vmem>> -> memref<1x1x512xi32, #tpu.memory_space<vmem>>
        %dma_wait3A_232 = tpu.memref_squeeze %dma_wait3A_231 : memref<1x1x512xi32, #tpu.memory_space<vmem>> -> memref<512xi32, #tpu.memory_space<vmem>>
        %dma_wait3A_233 = arith.constant 0 : i32
        %dma_wait3A_234 = arith.constant 0 : i32
        %dma_wait3A_235 = tpu.memref_slice %arg6[%dma_wait3A_233, %dma_wait3A_234] : memref<10752x32xf32, #tpu.memory_space<vmem_shared>> -> memref<10752x32xf32, #tpu.memory_space<vmem_shared>>
        tpu.wait_indirect_dma semaphore(%arg13 : memref<!tpu.dma_semaphore, #tpu.memory_space<semaphore_mem>>) src(%dma_wait3A_229 : memref<512x32xf32, #tpu.memory_space<vmem>>) dst(%dma_wait3A_235 : memref<10752x32xf32, #tpu.memory_space<vmem_shared>>)
      } else {
      }
      %dma_start3A = arith.constant 0 : i32
      %dma_start3A_68 = arith.constant 0 : i32
      %dma_start3A_69 = arith.constant 0 : i32
      %dma_start3A_70 = tpu.memref_slice %arg7[%dma_start3A, %dma_start3A_68, %dma_start3A_69] : memref<2x2x512xi32, #tpu.memory_space<vmem>> -> memref<1x2x512xi32, #tpu.memory_space<vmem>>
      %dma_start3A_71 = tpu.memref_squeeze %dma_start3A_70 : memref<1x2x512xi32, #tpu.memory_space<vmem>> -> memref<2x512xi32, #tpu.memory_space<vmem>>
      %dma_start3A_72 = arith.constant 0 : i32
      %dma_start3A_73 = arith.constant 0 : i32
      %dma_start3A_74 = tpu.memref_slice %arg3[%add3A_65, %dma_start3A_72, %dma_start3A_73] : memref<640x2x512xi32, #tpu.memory_space<hbm>> -> memref<1x2x512xi32, #tpu.memory_space<hbm>>
      %dma_start3A_75 = tpu.memref_squeeze %dma_start3A_74 : memref<1x2x512xi32, #tpu.memory_space<hbm>> -> memref<2x512xi32, #tpu.memory_space<hbm>>
      %dma_start3A_76 = arith.constant 0 : i32
      %dma_start3A_77 = arith.constant 0 : i32
      %dma_start3A_78 = tpu.memref_slice %arg7[%dma_start3A, %dma_start3A_76, %dma_start3A_77] : memref<2x2x512xi32, #tpu.memory_space<vmem>> -> memref<1x2x512xi32, #tpu.memory_space<vmem>>
      %dma_start3A_79 = tpu.memref_squeeze %dma_start3A_78 : memref<1x2x512xi32, #tpu.memory_space<vmem>> -> memref<2x512xi32, #tpu.memory_space<vmem>>
      %dma_start3A_80 = arith.constant 0 : i32
      %dma_start3A_81 = arith.constant 0 : i32
      %dma_start3A_82 = tpu.memref_slice %arg3[%add3A_65, %dma_start3A_80, %dma_start3A_81] : memref<640x2x512xi32, #tpu.memory_space<hbm>> -> memref<1x2x512xi32, #tpu.memory_space<hbm>>
      %dma_start3A_83 = tpu.memref_squeeze %dma_start3A_82 : memref<1x2x512xi32, #tpu.memory_space<hbm>> -> memref<2x512xi32, #tpu.memory_space<hbm>>
      tpu.enqueue_dma source(%dma_start3A_83 : memref<2x512xi32, #tpu.memory_space<hbm>>) target(%dma_start3A_79 : memref<2x512xi32, #tpu.memory_space<vmem>>) target_semaphore(%arg9 : memref<!tpu.dma_semaphore, #tpu.memory_space<semaphore_mem>>)
      %dma_wait3A_84 = arith.constant 0 : i32
      %dma_wait3A_85 = arith.constant 0 : i32
      %dma_wait3A_86 = arith.constant 0 : i32
      %dma_wait3A_87 = tpu.memref_slice %arg7[%dma_wait3A_84, %dma_wait3A_85, %dma_wait3A_86] : memref<2x2x512xi32, #tpu.memory_space<vmem>> -> memref<1x2x512xi32, #tpu.memory_space<vmem>>
      %dma_wait3A_88 = tpu.memref_squeeze %dma_wait3A_87 : memref<1x2x512xi32, #tpu.memory_space<vmem>> -> memref<2x512xi32, #tpu.memory_space<vmem>>
      %dma_wait3A_89 = arith.constant 0 : i32
      %dma_wait3A_90 = arith.constant 0 : i32
      %dma_wait3A_91 = tpu.memref_slice %arg3[%add3A_65, %dma_wait3A_89, %dma_wait3A_90] : memref<640x2x512xi32, #tpu.memory_space<hbm>> -> memref<1x2x512xi32, #tpu.memory_space<hbm>>
      %dma_wait3A_92 = tpu.memref_squeeze %dma_wait3A_91 : memref<1x2x512xi32, #tpu.memory_space<hbm>> -> memref<2x512xi32, #tpu.memory_space<hbm>>
      %dma_wait3A_93 = arith.constant 0 : i32
      %dma_wait3A_94 = arith.constant 0 : i32
      %dma_wait3A_95 = tpu.memref_slice %arg7[%dma_wait3A_84, %dma_wait3A_93, %dma_wait3A_94] : memref<2x2x512xi32, #tpu.memory_space<vmem>> -> memref<1x2x512xi32, #tpu.memory_space<vmem>>
      %dma_wait3A_96 = tpu.memref_squeeze %dma_wait3A_95 : memref<1x2x512xi32, #tpu.memory_space<vmem>> -> memref<2x512xi32, #tpu.memory_space<vmem>>
      %dma_wait3A_97 = arith.constant 0 : i32
      %dma_wait3A_98 = arith.constant 0 : i32
      %dma_wait3A_99 = tpu.memref_slice %arg3[%add3A_65, %dma_wait3A_97, %dma_wait3A_98] : memref<640x2x512xi32, #tpu.memory_space<hbm>> -> memref<1x2x512xi32, #tpu.memory_space<hbm>>
      %dma_wait3A_100 = tpu.memref_squeeze %dma_wait3A_99 : memref<1x2x512xi32, #tpu.memory_space<hbm>> -> memref<2x512xi32, #tpu.memory_space<hbm>>
      tpu.wait_dma2 semaphore(%arg9 : memref<!tpu.dma_semaphore, #tpu.memory_space<semaphore_mem>>) src(%dma_wait3A_100 : memref<2x512xi32, #tpu.memory_space<hbm>>) dst(%dma_wait3A_96 : memref<2x512xi32, #tpu.memory_space<vmem>>)
      %dma_start3A_101 = arith.constant 0 : i32
      %dma_start3A_102 = arith.constant 0 : i32
      %dma_start3A_103 = arith.constant 0 : i32
      %dma_start3A_104 = arith.constant 0 : i32
      %dma_start3A_105 = arith.constant 0 : i32
      %dma_start3A_106 = tpu.memref_slice %arg8[%dma_start3A_103, %dma_start3A_104, %dma_start3A_105] : memref<2x512x32xf32, #tpu.memory_space<vmem>> -> memref<1x512x32xf32, #tpu.memory_space<vmem>>
      %dma_start3A_107 = tpu.memref_squeeze %dma_start3A_106 : memref<1x512x32xf32, #tpu.memory_space<vmem>> -> memref<512x32xf32, #tpu.memory_space<vmem>>
      %dma_start3A_108 = arith.constant 0 : i32
      %dma_start3A_109 = tpu.memref_slice %arg7[%dma_start3A_101, %dma_start3A_102, %dma_start3A_108] : memref<2x2x512xi32, #tpu.memory_space<vmem>> -> memref<1x1x512xi32, #tpu.memory_space<vmem>>
      %dma_start3A_110 = tpu.memref_squeeze %dma_start3A_109 : memref<1x1x512xi32, #tpu.memory_space<vmem>> -> memref<512xi32, #tpu.memory_space<vmem>>
      %dma_start3A_111 = arith.constant 0 : i32
      %dma_start3A_112 = arith.constant 0 : i32
      %dma_start3A_113 = tpu.memref_slice %arg2[%dma_start3A_111, %dma_start3A_112] : memref<10752x32xf32, #tpu.memory_space<hbm>> -> memref<10752x32xf32, #tpu.memory_space<hbm>>
      tpu.enqueue_indirect_dma source(%dma_start3A_113 : memref<10752x32xf32, #tpu.memory_space<hbm>>) target(%dma_start3A_107 : memref<512x32xf32, #tpu.memory_space<vmem>>) offsets(%dma_start3A_110 : memref<512xi32, #tpu.memory_space<vmem>>) semaphore(%arg11 : memref<!tpu.dma_semaphore, #tpu.memory_space<semaphore_mem>>)
      %dma_wait3A_114 = arith.constant 0 : i32
      %dma_wait3A_115 = arith.constant 0 : i32
      %dma_wait3A_116 = arith.constant 0 : i32
      %dma_wait3A_117 = arith.constant 0 : i32
      %dma_wait3A_118 = arith.constant 0 : i32
      %dma_wait3A_119 = tpu.memref_slice %arg8[%dma_wait3A_116, %dma_wait3A_117, %dma_wait3A_118] : memref<2x512x32xf32, #tpu.memory_space<vmem>> -> memref<1x512x32xf32, #tpu.memory_space<vmem>>
      %dma_wait3A_120 = tpu.memref_squeeze %dma_wait3A_119 : memref<1x512x32xf32, #tpu.memory_space<vmem>> -> memref<512x32xf32, #tpu.memory_space<vmem>>
      %dma_wait3A_121 = arith.constant 0 : i32
      %dma_wait3A_122 = tpu.memref_slice %arg7[%dma_wait3A_114, %dma_wait3A_115, %dma_wait3A_121] : memref<2x2x512xi32, #tpu.memory_space<vmem>> -> memref<1x1x512xi32, #tpu.memory_space<vmem>>
      %dma_wait3A_123 = tpu.memref_squeeze %dma_wait3A_122 : memref<1x1x512xi32, #tpu.memory_space<vmem>> -> memref<512xi32, #tpu.memory_space<vmem>>
      %dma_wait3A_124 = arith.constant 0 : i32
      %dma_wait3A_125 = arith.constant 0 : i32
      %dma_wait3A_126 = tpu.memref_slice %arg2[%dma_wait3A_124, %dma_wait3A_125] : memref<10752x32xf32, #tpu.memory_space<hbm>> -> memref<10752x32xf32, #tpu.memory_space<hbm>>
      tpu.wait_indirect_dma semaphore(%arg11 : memref<!tpu.dma_semaphore, #tpu.memory_space<semaphore_mem>>) src(%dma_wait3A_126 : memref<10752x32xf32, #tpu.memory_space<hbm>>) dst(%dma_wait3A_120 : memref<512x32xf32, #tpu.memory_space<vmem>>)
      %dma_start3A_127 = arith.constant 0 : i32
      %dma_start3A_128 = arith.constant 0 : i32
      %dma_start3A_129 = arith.constant 1 : i32
      %dma_start3A_130 = arith.constant 0 : i32
      %dma_start3A_131 = arith.constant 0 : i32
      %dma_start3A_132 = tpu.memref_slice %arg8[%dma_start3A_127, %dma_start3A_130, %dma_start3A_131] : memref<2x512x32xf32, #tpu.memory_space<vmem>> -> memref<1x512x32xf32, #tpu.memory_space<vmem>>
      %dma_start3A_133 = tpu.memref_squeeze %dma_start3A_132 : memref<1x512x32xf32, #tpu.memory_space<vmem>> -> memref<512x32xf32, #tpu.memory_space<vmem>>
      %dma_start3A_134 = arith.constant 0 : i32
      %dma_start3A_135 = tpu.memref_slice %arg7[%dma_start3A_128, %dma_start3A_129, %dma_start3A_134] : memref<2x2x512xi32, #tpu.memory_space<vmem>> -> memref<1x1x512xi32, #tpu.memory_space<vmem>>
      %dma_start3A_136 = tpu.memref_squeeze %dma_start3A_135 : memref<1x1x512xi32, #tpu.memory_space<vmem>> -> memref<512xi32, #tpu.memory_space<vmem>>
      %dma_start3A_137 = arith.constant 0 : i32
      %dma_start3A_138 = arith.constant 0 : i32
      %dma_start3A_139 = tpu.memref_slice %arg6[%dma_start3A_137, %dma_start3A_138] : memref<10752x32xf32, #tpu.memory_space<vmem_shared>> -> memref<10752x32xf32, #tpu.memory_space<vmem_shared>>
      tpu.enqueue_indirect_dma source(%dma_start3A_133 : memref<512x32xf32, #tpu.memory_space<vmem>>) target(%dma_start3A_139 : memref<10752x32xf32, #tpu.memory_space<vmem_shared>>) offsets(%dma_start3A_136 : memref<512xi32, #tpu.memory_space<vmem>>) semaphore(%arg13 : memref<!tpu.dma_semaphore, #tpu.memory_space<semaphore_mem>>) {add = true}
      %mul3A_140 = arith.constant 2 : i32
      %mul3A_141 = arith.muli %add3A_60, %mul3A_140 : i32
      %add3A_142 = arith.constant 1 : i32
      %add3A_143 = arith.addi %mul3A_141, %add3A_142 : i32
      %add3A_144 = arith.addi %select_n3A, %add3A_143 : i32
      %gt3A_145 = arith.constant 0 : i32
      %gt3A_146 = arith.cmpi sgt, %add3A_60, %gt3A_145 : i32
      %convert_element_type3A_147 = arith.extui %gt3A_146 : i1 to i32
      %cond3A_148 = arith.constant 0 : i32
      %cond3A_149 = arith.cmpi ne, %convert_element_type3A_147, %cond3A_148 : i32
      scf.if %cond3A_149 {
        %dma_wait3A_223 = arith.constant 1 : i32
        %dma_wait3A_224 = arith.constant 1 : i32
        %dma_wait3A_225 = arith.constant 1 : i32
        %dma_wait3A_226 = arith.constant 0 : i32
        %dma_wait3A_227 = arith.constant 0 : i32
        %dma_wait3A_228 = tpu.memref_slice %arg8[%dma_wait3A_223, %dma_wait3A_226, %dma_wait3A_227] : memref<2x512x32xf32, #tpu.memory_space<vmem>> -> memref<1x512x32xf32, #tpu.memory_space<vmem>>
        %dma_wait3A_229 = tpu.memref_squeeze %dma_wait3A_228 : memref<1x512x32xf32, #tpu.memory_space<vmem>> -> memref<512x32xf32, #tpu.memory_space<vmem>>
        %dma_wait3A_230 = arith.constant 0 : i32
        %dma_wait3A_231 = tpu.memref_slice %arg7[%dma_wait3A_224, %dma_wait3A_225, %dma_wait3A_230] : memref<2x2x512xi32, #tpu.memory_space<vmem>> -> memref<1x1x512xi32, #tpu.memory_space<vmem>>
        %dma_wait3A_232 = tpu.memref_squeeze %dma_wait3A_231 : memref<1x1x512xi32, #tpu.memory_space<vmem>> -> memref<512xi32, #tpu.memory_space<vmem>>
        %dma_wait3A_233 = arith.constant 0 : i32
        %dma_wait3A_234 = arith.constant 0 : i32
        %dma_wait3A_235 = tpu.memref_slice %arg6[%dma_wait3A_233, %dma_wait3A_234] : memref<10752x32xf32, #tpu.memory_space<vmem_shared>> -> memref<10752x32xf32, #tpu.memory_space<vmem_shared>>
        tpu.wait_indirect_dma semaphore(%arg14 : memref<!tpu.dma_semaphore, #tpu.memory_space<semaphore_mem>>) src(%dma_wait3A_229 : memref<512x32xf32, #tpu.memory_space<vmem>>) dst(%dma_wait3A_235 : memref<10752x32xf32, #tpu.memory_space<vmem_shared>>)
      } else {
      }
      %dma_start3A_150 = arith.constant 1 : i32
      %dma_start3A_151 = arith.constant 0 : i32
      %dma_start3A_152 = arith.constant 0 : i32
      %dma_start3A_153 = tpu.memref_slice %arg7[%dma_start3A_150, %dma_start3A_151, %dma_start3A_152] : memref<2x2x512xi32, #tpu.memory_space<vmem>> -> memref<1x2x512xi32, #tpu.memory_space<vmem>>
      %dma_start3A_154 = tpu.memref_squeeze %dma_start3A_153 : memref<1x2x512xi32, #tpu.memory_space<vmem>> -> memref<2x512xi32, #tpu.memory_space<vmem>>
      %dma_start3A_155 = arith.constant 0 : i32
      %dma_start3A_156 = arith.constant 0 : i32
      %dma_start3A_157 = tpu.memref_slice %arg3[%add3A_144, %dma_start3A_155, %dma_start3A_156] : memref<640x2x512xi32, #tpu.memory_space<hbm>> -> memref<1x2x512xi32, #tpu.memory_space<hbm>>
      %dma_start3A_158 = tpu.memref_squeeze %dma_start3A_157 : memref<1x2x512xi32, #tpu.memory_space<hbm>> -> memref<2x512xi32, #tpu.memory_space<hbm>>
      %dma_start3A_159 = arith.constant 0 : i32
      %dma_start3A_160 = arith.constant 0 : i32
      %dma_start3A_161 = tpu.memref_slice %arg7[%dma_start3A_150, %dma_start3A_159, %dma_start3A_160] : memref<2x2x512xi32, #tpu.memory_space<vmem>> -> memref<1x2x512xi32, #tpu.memory_space<vmem>>
      %dma_start3A_162 = tpu.memref_squeeze %dma_start3A_161 : memref<1x2x512xi32, #tpu.memory_space<vmem>> -> memref<2x512xi32, #tpu.memory_space<vmem>>
      %dma_start3A_163 = arith.constant 0 : i32
      %dma_start3A_164 = arith.constant 0 : i32
      %dma_start3A_165 = tpu.memref_slice %arg3[%add3A_144, %dma_start3A_163, %dma_start3A_164] : memref<640x2x512xi32, #tpu.memory_space<hbm>> -> memref<1x2x512xi32, #tpu.memory_space<hbm>>
      %dma_start3A_166 = tpu.memref_squeeze %dma_start3A_165 : memref<1x2x512xi32, #tpu.memory_space<hbm>> -> memref<2x512xi32, #tpu.memory_space<hbm>>
      tpu.enqueue_dma source(%dma_start3A_166 : memref<2x512xi32, #tpu.memory_space<hbm>>) target(%dma_start3A_162 : memref<2x512xi32, #tpu.memory_space<vmem>>) target_semaphore(%arg10 : memref<!tpu.dma_semaphore, #tpu.memory_space<semaphore_mem>>)
      %dma_wait3A_167 = arith.constant 1 : i32
      %dma_wait3A_168 = arith.constant 0 : i32
      %dma_wait3A_169 = arith.constant 0 : i32
      %dma_wait3A_170 = tpu.memref_slice %arg7[%dma_wait3A_167, %dma_wait3A_168, %dma_wait3A_169] : memref<2x2x512xi32, #tpu.memory_space<vmem>> -> memref<1x2x512xi32, #tpu.memory_space<vmem>>
      %dma_wait3A_171 = tpu.memref_squeeze %dma_wait3A_170 : memref<1x2x512xi32, #tpu.memory_space<vmem>> -> memref<2x512xi32, #tpu.memory_space<vmem>>
      %dma_wait3A_172 = arith.constant 0 : i32
      %dma_wait3A_173 = arith.constant 0 : i32
      %dma_wait3A_174 = tpu.memref_slice %arg3[%add3A_144, %dma_wait3A_172, %dma_wait3A_173] : memref<640x2x512xi32, #tpu.memory_space<hbm>> -> memref<1x2x512xi32, #tpu.memory_space<hbm>>
      %dma_wait3A_175 = tpu.memref_squeeze %dma_wait3A_174 : memref<1x2x512xi32, #tpu.memory_space<hbm>> -> memref<2x512xi32, #tpu.memory_space<hbm>>
      %dma_wait3A_176 = arith.constant 0 : i32
      %dma_wait3A_177 = arith.constant 0 : i32
      %dma_wait3A_178 = tpu.memref_slice %arg7[%dma_wait3A_167, %dma_wait3A_176, %dma_wait3A_177] : memref<2x2x512xi32, #tpu.memory_space<vmem>> -> memref<1x2x512xi32, #tpu.memory_space<vmem>>
      %dma_wait3A_179 = tpu.memref_squeeze %dma_wait3A_178 : memref<1x2x512xi32, #tpu.memory_space<vmem>> -> memref<2x512xi32, #tpu.memory_space<vmem>>
      %dma_wait3A_180 = arith.constant 0 : i32
      %dma_wait3A_181 = arith.constant 0 : i32
      %dma_wait3A_182 = tpu.memref_slice %arg3[%add3A_144, %dma_wait3A_180, %dma_wait3A_181] : memref<640x2x512xi32, #tpu.memory_space<hbm>> -> memref<1x2x512xi32, #tpu.memory_space<hbm>>
      %dma_wait3A_183 = tpu.memref_squeeze %dma_wait3A_182 : memref<1x2x512xi32, #tpu.memory_space<hbm>> -> memref<2x512xi32, #tpu.memory_space<hbm>>
      tpu.wait_dma2 semaphore(%arg10 : memref<!tpu.dma_semaphore, #tpu.memory_space<semaphore_mem>>) src(%dma_wait3A_183 : memref<2x512xi32, #tpu.memory_space<hbm>>) dst(%dma_wait3A_179 : memref<2x512xi32, #tpu.memory_space<vmem>>)
      %dma_start3A_184 = arith.constant 1 : i32
      %dma_start3A_185 = arith.constant 0 : i32
      %dma_start3A_186 = arith.constant 1 : i32
      %dma_start3A_187 = arith.constant 0 : i32
      %dma_start3A_188 = arith.constant 0 : i32
      %dma_start3A_189 = tpu.memref_slice %arg8[%dma_start3A_186, %dma_start3A_187, %dma_start3A_188] : memref<2x512x32xf32, #tpu.memory_space<vmem>> -> memref<1x512x32xf32, #tpu.memory_space<vmem>>
      %dma_start3A_190 = tpu.memref_squeeze %dma_start3A_189 : memref<1x512x32xf32, #tpu.memory_space<vmem>> -> memref<512x32xf32, #tpu.memory_space<vmem>>
      %dma_start3A_191 = arith.constant 0 : i32
      %dma_start3A_192 = tpu.memref_slice %arg7[%dma_start3A_184, %dma_start3A_185, %dma_start3A_191] : memref<2x2x512xi32, #tpu.memory_space<vmem>> -> memref<1x1x512xi32, #tpu.memory_space<vmem>>
      %dma_start3A_193 = tpu.memref_squeeze %dma_start3A_192 : memref<1x1x512xi32, #tpu.memory_space<vmem>> -> memref<512xi32, #tpu.memory_space<vmem>>
      %dma_start3A_194 = arith.constant 0 : i32
      %dma_start3A_195 = arith.constant 0 : i32
      %dma_start3A_196 = tpu.memref_slice %arg2[%dma_start3A_194, %dma_start3A_195] : memref<10752x32xf32, #tpu.memory_space<hbm>> -> memref<10752x32xf32, #tpu.memory_space<hbm>>
      tpu.enqueue_indirect_dma source(%dma_start3A_196 : memref<10752x32xf32, #tpu.memory_space<hbm>>) target(%dma_start3A_190 : memref<512x32xf32, #tpu.memory_space<vmem>>) offsets(%dma_start3A_193 : memref<512xi32, #tpu.memory_space<vmem>>) semaphore(%arg12 : memref<!tpu.dma_semaphore, #tpu.memory_space<semaphore_mem>>)
      %dma_wait3A_197 = arith.constant 1 : i32
      %dma_wait3A_198 = arith.constant 0 : i32
      %dma_wait3A_199 = arith.constant 1 : i32
      %dma_wait3A_200 = arith.constant 0 : i32
      %dma_wait3A_201 = arith.constant 0 : i32
      %dma_wait3A_202 = tpu.memref_slice %arg8[%dma_wait3A_199, %dma_wait3A_200, %dma_wait3A_201] : memref<2x512x32xf32, #tpu.memory_space<vmem>> -> memref<1x512x32xf32, #tpu.memory_space<vmem>>
      %dma_wait3A_203 = tpu.memref_squeeze %dma_wait3A_202 : memref<1x512x32xf32, #tpu.memory_space<vmem>> -> memref<512x32xf32, #tpu.memory_space<vmem>>
      %dma_wait3A_204 = arith.constant 0 : i32
      %dma_wait3A_205 = tpu.memref_slice %arg7[%dma_wait3A_197, %dma_wait3A_198, %dma_wait3A_204] : memref<2x2x512xi32, #tpu.memory_space<vmem>> -> memref<1x1x512xi32, #tpu.memory_space<vmem>>
      %dma_wait3A_206 = tpu.memref_squeeze %dma_wait3A_205 : memref<1x1x512xi32, #tpu.memory_space<vmem>> -> memref<512xi32, #tpu.memory_space<vmem>>
      %dma_wait3A_207 = arith.constant 0 : i32
      %dma_wait3A_208 = arith.constant 0 : i32
      %dma_wait3A_209 = tpu.memref_slice %arg2[%dma_wait3A_207, %dma_wait3A_208] : memref<10752x32xf32, #tpu.memory_space<hbm>> -> memref<10752x32xf32, #tpu.memory_space<hbm>>
      tpu.wait_indirect_dma semaphore(%arg12 : memref<!tpu.dma_semaphore, #tpu.memory_space<semaphore_mem>>) src(%dma_wait3A_209 : memref<10752x32xf32, #tpu.memory_space<hbm>>) dst(%dma_wait3A_203 : memref<512x32xf32, #tpu.memory_space<vmem>>)
      %dma_start3A_210 = arith.constant 1 : i32
      %dma_start3A_211 = arith.constant 1 : i32
      %dma_start3A_212 = arith.constant 1 : i32
      %dma_start3A_213 = arith.constant 0 : i32
      %dma_start3A_214 = arith.constant 0 : i32
      %dma_start3A_215 = tpu.memref_slice %arg8[%dma_start3A_210, %dma_start3A_213, %dma_start3A_214] : memref<2x512x32xf32, #tpu.memory_space<vmem>> -> memref<1x512x32xf32, #tpu.memory_space<vmem>>
      %dma_start3A_216 = tpu.memref_squeeze %dma_start3A_215 : memref<1x512x32xf32, #tpu.memory_space<vmem>> -> memref<512x32xf32, #tpu.memory_space<vmem>>
      %dma_start3A_217 = arith.constant 0 : i32
      %dma_start3A_218 = tpu.memref_slice %arg7[%dma_start3A_211, %dma_start3A_212, %dma_start3A_217] : memref<2x2x512xi32, #tpu.memory_space<vmem>> -> memref<1x1x512xi32, #tpu.memory_space<vmem>>
      %dma_start3A_219 = tpu.memref_squeeze %dma_start3A_218 : memref<1x1x512xi32, #tpu.memory_space<vmem>> -> memref<512xi32, #tpu.memory_space<vmem>>
      %dma_start3A_220 = arith.constant 0 : i32
      %dma_start3A_221 = arith.constant 0 : i32
      %dma_start3A_222 = tpu.memref_slice %arg6[%dma_start3A_220, %dma_start3A_221] : memref<10752x32xf32, #tpu.memory_space<vmem_shared>> -> memref<10752x32xf32, #tpu.memory_space<vmem_shared>>
      tpu.enqueue_indirect_dma source(%dma_start3A_216 : memref<512x32xf32, #tpu.memory_space<vmem>>) target(%dma_start3A_222 : memref<10752x32xf32, #tpu.memory_space<vmem_shared>>) offsets(%dma_start3A_219 : memref<512xi32, #tpu.memory_space<vmem>>) semaphore(%arg14 : memref<!tpu.dma_semaphore, #tpu.memory_space<semaphore_mem>>) {add = true}
    }
    %dma_wait3A = arith.constant 0 : i32
    %dma_wait3A_30 = arith.constant 0 : i32
    %dma_wait3A_31 = arith.constant 1 : i32
    %dma_wait3A_32 = arith.constant 0 : i32
    %dma_wait3A_33 = arith.constant 0 : i32
    %dma_wait3A_34 = tpu.memref_slice %arg8[%dma_wait3A, %dma_wait3A_32, %dma_wait3A_33] : memref<2x512x32xf32, #tpu.memory_space<vmem>> -> memref<1x512x32xf32, #tpu.memory_space<vmem>>
    %dma_wait3A_35 = tpu.memref_squeeze %dma_wait3A_34 : memref<1x512x32xf32, #tpu.memory_space<vmem>> -> memref<512x32xf32, #tpu.memory_space<vmem>>
    %dma_wait3A_36 = arith.constant 0 : i32
    %dma_wait3A_37 = tpu.memref_slice %arg7[%dma_wait3A_30, %dma_wait3A_31, %dma_wait3A_36] : memref<2x2x512xi32, #tpu.memory_space<vmem>> -> memref<1x1x512xi32, #tpu.memory_space<vmem>>
    %dma_wait3A_38 = tpu.memref_squeeze %dma_wait3A_37 : memref<1x1x512xi32, #tpu.memory_space<vmem>> -> memref<512xi32, #tpu.memory_space<vmem>>
    %dma_wait3A_39 = arith.constant 0 : i32
    %dma_wait3A_40 = arith.constant 0 : i32
    %dma_wait3A_41 = tpu.memref_slice %arg6[%dma_wait3A_39, %dma_wait3A_40] : memref<10752x32xf32, #tpu.memory_space<vmem_shared>> -> memref<10752x32xf32, #tpu.memory_space<vmem_shared>>
    tpu.wait_indirect_dma semaphore(%arg13 : memref<!tpu.dma_semaphore, #tpu.memory_space<semaphore_mem>>) src(%dma_wait3A_35 : memref<512x32xf32, #tpu.memory_space<vmem>>) dst(%dma_wait3A_41 : memref<10752x32xf32, #tpu.memory_space<vmem_shared>>)
    %dma_wait3A_42 = arith.constant 1 : i32
    %dma_wait3A_43 = arith.constant 1 : i32
    %dma_wait3A_44 = arith.constant 1 : i32
    %dma_wait3A_45 = arith.constant 0 : i32
    %dma_wait3A_46 = arith.constant 0 : i32
    %dma_wait3A_47 = tpu.memref_slice %arg8[%dma_wait3A_42, %dma_wait3A_45, %dma_wait3A_46] : memref<2x512x32xf32, #tpu.memory_space<vmem>> -> memref<1x512x32xf32, #tpu.memory_space<vmem>>
    %dma_wait3A_48 = tpu.memref_squeeze %dma_wait3A_47 : memref<1x512x32xf32, #tpu.memory_space<vmem>> -> memref<512x32xf32, #tpu.memory_space<vmem>>
    %dma_wait3A_49 = arith.constant 0 : i32
    %dma_wait3A_50 = tpu.memref_slice %arg7[%dma_wait3A_43, %dma_wait3A_44, %dma_wait3A_49] : memref<2x2x512xi32, #tpu.memory_space<vmem>> -> memref<1x1x512xi32, #tpu.memory_space<vmem>>
    %dma_wait3A_51 = tpu.memref_squeeze %dma_wait3A_50 : memref<1x1x512xi32, #tpu.memory_space<vmem>> -> memref<512xi32, #tpu.memory_space<vmem>>
    %dma_wait3A_52 = arith.constant 0 : i32
    %dma_wait3A_53 = arith.constant 0 : i32
    %dma_wait3A_54 = tpu.memref_slice %arg6[%dma_wait3A_52, %dma_wait3A_53] : memref<10752x32xf32, #tpu.memory_space<vmem_shared>> -> memref<10752x32xf32, #tpu.memory_space<vmem_shared>>
    tpu.wait_indirect_dma semaphore(%arg14 : memref<!tpu.dma_semaphore, #tpu.memory_space<semaphore_mem>>) src(%dma_wait3A_48 : memref<512x32xf32, #tpu.memory_space<vmem>>) dst(%dma_wait3A_54 : memref<10752x32xf32, #tpu.memory_space<vmem_shared>>)
    %barrier3A_55 = arith.constant 0 : index
    tpu.barrier barrier_id(%barrier3A_55)
    %mul3A_56 = arith.constant 672 : i32
    %mul3A_57 = arith.muli %arg1, %mul3A_56 : i32
    "tpu.region"() ({
      %run_scoped3A = tpu.sem_alloc : memref<!tpu.dma_semaphore, #tpu.memory_space<semaphore_mem>>
      %dma_start3A = arith.constant 0 : i32
      %dma_start3A_58 = tpu.memref_slice %arg5[%arg0, %mul3A_57, %dma_start3A] : memref<2x10752x32xf32, #tpu.memory_space<hbm>> -> memref<1x672x32xf32, #tpu.memory_space<hbm>>
      %dma_start3A_59 = tpu.memref_squeeze %dma_start3A_58 : memref<1x672x32xf32, #tpu.memory_space<hbm>> -> memref<672x32xf32, #tpu.memory_space<hbm>>
      %dma_start3A_60 = arith.constant 0 : i32
      %dma_start3A_61 = tpu.memref_slice %arg6[%mul3A_57, %dma_start3A_60] : memref<10752x32xf32, #tpu.memory_space<vmem_shared>> -> memref<672x32xf32, #tpu.memory_space<vmem_shared>>
      tpu.enqueue_dma source(%dma_start3A_61 : memref<672x32xf32, #tpu.memory_space<vmem_shared>>) target(%dma_start3A_59 : memref<672x32xf32, #tpu.memory_space<hbm>>) target_semaphore(%run_scoped3A : memref<!tpu.dma_semaphore, #tpu.memory_space<semaphore_mem>>)
      %dma_wait3A_62 = arith.constant 0 : i32
      %dma_wait3A_63 = tpu.memref_slice %arg5[%arg0, %mul3A_57, %dma_wait3A_62] : memref<2x10752x32xf32, #tpu.memory_space<hbm>> -> memref<1x672x32xf32, #tpu.memory_space<hbm>>
      %dma_wait3A_64 = tpu.memref_squeeze %dma_wait3A_63 : memref<1x672x32xf32, #tpu.memory_space<hbm>> -> memref<672x32xf32, #tpu.memory_space<hbm>>
      %dma_wait3A_65 = arith.constant 0 : i32
      %dma_wait3A_66 = tpu.memref_slice %arg6[%mul3A_57, %dma_wait3A_65] : memref<10752x32xf32, #tpu.memory_space<vmem_shared>> -> memref<672x32xf32, #tpu.memory_space<vmem_shared>>
      tpu.wait_dma2 semaphore(%run_scoped3A : memref<!tpu.dma_semaphore, #tpu.memory_space<semaphore_mem>>) src(%dma_wait3A_66 : memref<672x32xf32, #tpu.memory_space<vmem_shared>>) dst(%dma_wait3A_64 : memref<672x32xf32, #tpu.memory_space<hbm>>)
      tpu.yield
    }) : () -> ()
    return
  }
}

#map = affine_map<(d0, d1) -> (0, 0)>
#map1 = affine_map<(d0, d1) -> (0, 0, 0)>
module attributes {stable_mosaic.version = 14 : i64} {
  func.func @_agg1_body(%arg0: i32, %arg1: i32, %arg2: memref<10752x32xf32, #tpu.memory_space<hbm>>, %arg3: memref<640x2x512xi32, #tpu.memory_space<hbm>>, %arg4: memref<680x32xf32, #tpu.memory_space<hbm>>, %arg5: memref<1344x16xf32, #tpu.memory_space<hbm>>, %arg6: memref<512x16xf32, #tpu.memory_space<hbm>>, %arg7: memref<2x10752x32xf32, #tpu.memory_space<hbm>>, %arg8: memref<2x21504x16xf32, #tpu.memory_space<hbm>>, %arg9: memref<10752x32xf32, #tpu.memory_space<vmem_shared>>, %arg10: memref<21504x16xf32, #tpu.memory_space<vmem_shared>>, %arg11: memref<2x2x512xi32, #tpu.memory_space<vmem>>, %arg12: memref<2x512xi32, #tpu.memory_space<vmem>>, %arg13: memref<2x512x32xf32, #tpu.memory_space<vmem>>, %arg14: memref<512x16xf32, #tpu.memory_space<vmem>>, %arg15: memref<!tpu.dma_semaphore, #tpu.memory_space<semaphore_mem>>, %arg16: memref<!tpu.dma_semaphore, #tpu.memory_space<semaphore_mem>>, %arg17: memref<!tpu.dma_semaphore, #tpu.memory_space<semaphore_mem>>, %arg18: memref<!tpu.dma_semaphore, #tpu.memory_space<semaphore_mem>>, %arg19: memref<!tpu.dma_semaphore, #tpu.memory_space<semaphore_mem>>, %arg20: memref<!tpu.dma_semaphore, #tpu.memory_space<semaphore_mem>>, %arg21: memref<!tpu.dma_semaphore, #tpu.memory_space<semaphore_mem>>, %arg22: memref<!tpu.dma_semaphore, #tpu.memory_space<semaphore_mem>>) attributes {dimension_semantics = [#tpu.dimension_semantics<core_parallel>, #tpu.dimension_semantics<subcore_parallel>], iteration_bounds = array<i64: 2, 16>, scalar_prefetch = 0 : i64, scratch_operands = 14 : i64, tpu.core_type = #tpu.core_type<sc_vector_subcore>, window_params = [{transform_indices = #map}, {transform_indices = #map1}, {transform_indices = #map}, {transform_indices = #map}, {transform_indices = #map}, {transform_indices = #map1}, {transform_indices = #map1}]} {
    %mul3A = arith.constant 672 : i32
    %mul3A_0 = arith.muli %arg1, %mul3A : i32
    "tpu.region"() ({
      %run_scoped3A = tpu.sem_alloc : memref<!tpu.dma_semaphore, #tpu.memory_space<semaphore_mem>>
      %dma_start3A = arith.constant 0 : i32
      %dma_start3A_73 = tpu.memref_slice %arg9[%mul3A_0, %dma_start3A] : memref<10752x32xf32, #tpu.memory_space<vmem_shared>> -> memref<672x32xf32, #tpu.memory_space<vmem_shared>>
      %dma_start3A_74 = arith.constant 0 : i32
      %dma_start3A_75 = arith.constant 0 : i32
      %dma_start3A_76 = tpu.memref_slice %arg4[%dma_start3A_74, %dma_start3A_75] : memref<680x32xf32, #tpu.memory_space<hbm>> -> memref<672x32xf32, #tpu.memory_space<hbm>>
      tpu.enqueue_dma source(%dma_start3A_76 : memref<672x32xf32, #tpu.memory_space<hbm>>) target(%dma_start3A_73 : memref<672x32xf32, #tpu.memory_space<vmem_shared>>) target_semaphore(%run_scoped3A : memref<!tpu.dma_semaphore, #tpu.memory_space<semaphore_mem>>)
      %dma_wait3A_77 = arith.constant 0 : i32
      %dma_wait3A_78 = tpu.memref_slice %arg9[%mul3A_0, %dma_wait3A_77] : memref<10752x32xf32, #tpu.memory_space<vmem_shared>> -> memref<672x32xf32, #tpu.memory_space<vmem_shared>>
      %dma_wait3A_79 = arith.constant 0 : i32
      %dma_wait3A_80 = arith.constant 0 : i32
      %dma_wait3A_81 = tpu.memref_slice %arg4[%dma_wait3A_79, %dma_wait3A_80] : memref<680x32xf32, #tpu.memory_space<hbm>> -> memref<672x32xf32, #tpu.memory_space<hbm>>
      tpu.wait_dma2 semaphore(%run_scoped3A : memref<!tpu.dma_semaphore, #tpu.memory_space<semaphore_mem>>) src(%dma_wait3A_81 : memref<672x32xf32, #tpu.memory_space<hbm>>) dst(%dma_wait3A_78 : memref<672x32xf32, #tpu.memory_space<vmem_shared>>)
      tpu.yield
    }) : () -> ()
    %mul3A_1 = arith.constant 1344 : i32
    %mul3A_2 = arith.muli %arg1, %mul3A_1 : i32
    "tpu.region"() ({
      %run_scoped3A = tpu.sem_alloc : memref<!tpu.dma_semaphore, #tpu.memory_space<semaphore_mem>>
      %dma_start3A = arith.constant 0 : i32
      %dma_start3A_73 = tpu.memref_slice %arg10[%mul3A_2, %dma_start3A] : memref<21504x16xf32, #tpu.memory_space<vmem_shared>> -> memref<1344x16xf32, #tpu.memory_space<vmem_shared>>
      tpu.enqueue_dma source(%arg5 : memref<1344x16xf32, #tpu.memory_space<hbm>>) target(%dma_start3A_73 : memref<1344x16xf32, #tpu.memory_space<vmem_shared>>) target_semaphore(%run_scoped3A : memref<!tpu.dma_semaphore, #tpu.memory_space<semaphore_mem>>)
      %dma_wait3A_74 = arith.constant 0 : i32
      %dma_wait3A_75 = tpu.memref_slice %arg10[%mul3A_2, %dma_wait3A_74] : memref<21504x16xf32, #tpu.memory_space<vmem_shared>> -> memref<1344x16xf32, #tpu.memory_space<vmem_shared>>
      tpu.wait_dma2 semaphore(%run_scoped3A : memref<!tpu.dma_semaphore, #tpu.memory_space<semaphore_mem>>) src(%arg5 : memref<1344x16xf32, #tpu.memory_space<hbm>>) dst(%dma_wait3A_75 : memref<1344x16xf32, #tpu.memory_space<vmem_shared>>)
      tpu.yield
    }) : () -> ()
    "tpu.region"() ({
      %run_scoped3A = tpu.sem_alloc : memref<!tpu.dma_semaphore, #tpu.memory_space<semaphore_mem>>
      tpu.enqueue_dma source(%arg6 : memref<512x16xf32, #tpu.memory_space<hbm>>) target(%arg14 : memref<512x16xf32, #tpu.memory_space<vmem>>) target_semaphore(%run_scoped3A : memref<!tpu.dma_semaphore, #tpu.memory_space<semaphore_mem>>)
      tpu.wait_dma2 semaphore(%run_scoped3A : memref<!tpu.dma_semaphore, #tpu.memory_space<semaphore_mem>>) src(%arg6 : memref<512x16xf32, #tpu.memory_space<hbm>>) dst(%arg14 : memref<512x16xf32, #tpu.memory_space<vmem>>)
      tpu.yield
    }) : () -> ()
    %barrier3A = arith.constant 0 : index
    tpu.barrier barrier_id(%barrier3A)
    %eq3A = arith.constant 0 : i32
    %eq3A_3 = arith.cmpi eq, %arg0, %eq3A : i32
    %mul3A_4 = arith.constant 34 : i32
    %mul3A_5 = arith.muli %arg1, %mul3A_4 : i32
    %mul3A_6 = arith.constant 6 : i32
    %mul3A_7 = arith.muli %arg1, %mul3A_6 : i32
    %add3A = arith.constant 544 : i32
    %add3A_8 = arith.addi %add3A, %mul3A_7 : i32
    %select_n3A = arith.select %eq3A_3, %mul3A_5, %add3A_8 : i32
    %eq3A_9 = arith.constant 0 : i32
    %eq3A_10 = arith.cmpi eq, %arg0, %eq3A_9 : i32
    %jit3A = arith.constant 17 : i32
    %jit3A_11 = arith.constant 3 : i32
    %select_n3A_12 = arith.select %eq3A_10, %jit3A, %jit3A_11 : i32
    %sub3A = arith.constant 0 : i32
    %sub3A_13 = arith.subi %select_n3A_12, %sub3A : i32
    %sub3A_14 = arith.constant 1 : i32
    %sub3A_15 = arith.constant 1 : i32
    %sub3A_16 = arith.subi %sub3A_14, %sub3A_15 : i32
    %add3A_17 = arith.addi %sub3A_13, %sub3A_16 : i32
    %div3A = arith.constant 1 : i32
    %div3A_18 = arith.divsi %add3A_17, %div3A : i32
    %while3A = arith.constant 1 : i32
    %while3A_19 = arith.constant 0 : i32
    %while3A_20 = arith.constant 0 : i32
    %while3A_21 = arith.subi %div3A_18, %while3A_20 : i32
    %while3A_22 = arith.addi %while3A_20, %while3A_21 : i32
    %while3A_23 = arith.constant 1 : i32
    %while3A_24 = arith.divsi %while3A_21, %while3A_23 : i32
    %while3A_25 = arith.muli %while3A_24, %while3A_23 : i32
    %while3A_26 = arith.addi %while3A_20, %while3A_25 : i32
    %while3A_27 = arith.constant 1 : i32
    scf.for %while3A_73 = %while3A_20 to %while3A_26 step %while3A_27  : i32 {
      %mul3A_74 = arith.muli %while3A_73, %while3A : i32
      %add3A_75 = arith.addi %while3A_19, %mul3A_74 : i32
      %mul3A_76 = arith.constant 2 : i32
      %mul3A_77 = arith.muli %add3A_75, %mul3A_76 : i32
      %add3A_78 = arith.constant 0 : i32
      %add3A_79 = arith.addi %mul3A_77, %add3A_78 : i32
      %add3A_80 = arith.addi %select_n3A, %add3A_79 : i32
      %gt3A = arith.constant 0 : i32
      %gt3A_81 = arith.cmpi sgt, %add3A_75, %gt3A : i32
      %convert_element_type3A = arith.extui %gt3A_81 : i1 to i32
      %cond3A = arith.constant 0 : i32
      %cond3A_82 = arith.cmpi ne, %convert_element_type3A, %cond3A : i32
      scf.if %cond3A_82 {
        %dma_wait3A_1977 = arith.constant 0 : i32
        %dma_wait3A_1978 = arith.constant 0 : i32
        %dma_wait3A_1979 = arith.constant 1 : i32
        %dma_wait3A_1980 = arith.constant 0 : i32
        %dma_wait3A_1981 = arith.constant 0 : i32
        %dma_wait3A_1982 = tpu.memref_slice %arg13[%dma_wait3A_1977, %dma_wait3A_1980, %dma_wait3A_1981] : memref<2x512x32xf32, #tpu.memory_space<vmem>> -> memref<1x512x32xf32, #tpu.memory_space<vmem>>
        %dma_wait3A_1983 = tpu.memref_squeeze %dma_wait3A_1982 : memref<1x512x32xf32, #tpu.memory_space<vmem>> -> memref<512x32xf32, #tpu.memory_space<vmem>>
        %dma_wait3A_1984 = arith.constant 0 : i32
        %dma_wait3A_1985 = tpu.memref_slice %arg11[%dma_wait3A_1978, %dma_wait3A_1979, %dma_wait3A_1984] : memref<2x2x512xi32, #tpu.memory_space<vmem>> -> memref<1x1x512xi32, #tpu.memory_space<vmem>>
        %dma_wait3A_1986 = tpu.memref_squeeze %dma_wait3A_1985 : memref<1x1x512xi32, #tpu.memory_space<vmem>> -> memref<512xi32, #tpu.memory_space<vmem>>
        %dma_wait3A_1987 = arith.constant 0 : i32
        %dma_wait3A_1988 = arith.constant 0 : i32
        %dma_wait3A_1989 = tpu.memref_slice %arg9[%dma_wait3A_1987, %dma_wait3A_1988] : memref<10752x32xf32, #tpu.memory_space<vmem_shared>> -> memref<10752x32xf32, #tpu.memory_space<vmem_shared>>
        tpu.wait_indirect_dma semaphore(%arg19 : memref<!tpu.dma_semaphore, #tpu.memory_space<semaphore_mem>>) src(%dma_wait3A_1983 : memref<512x32xf32, #tpu.memory_space<vmem>>) dst(%dma_wait3A_1989 : memref<10752x32xf32, #tpu.memory_space<vmem_shared>>)
        %dma_wait3A_1990 = arith.constant 0 : i32
        %dma_wait3A_1991 = arith.constant 0 : i32
        %dma_wait3A_1992 = tpu.memref_slice %arg12[%dma_wait3A_1990, %dma_wait3A_1991] : memref<2x512xi32, #tpu.memory_space<vmem>> -> memref<1x512xi32, #tpu.memory_space<vmem>>
        %dma_wait3A_1993 = tpu.memref_squeeze %dma_wait3A_1992 : memref<1x512xi32, #tpu.memory_space<vmem>> -> memref<512xi32, #tpu.memory_space<vmem>>
        %dma_wait3A_1994 = arith.constant 0 : i32
        %dma_wait3A_1995 = arith.constant 0 : i32
        %dma_wait3A_1996 = tpu.memref_slice %arg10[%dma_wait3A_1994, %dma_wait3A_1995] : memref<21504x16xf32, #tpu.memory_space<vmem_shared>> -> memref<21504x16xf32, #tpu.memory_space<vmem_shared>>
        tpu.wait_indirect_dma semaphore(%arg21 : memref<!tpu.dma_semaphore, #tpu.memory_space<semaphore_mem>>) src(%arg14 : memref<512x16xf32, #tpu.memory_space<vmem>>) dst(%dma_wait3A_1996 : memref<21504x16xf32, #tpu.memory_space<vmem_shared>>)
      } else {
      }
      %dma_start3A = arith.constant 0 : i32
      %dma_start3A_83 = arith.constant 0 : i32
      %dma_start3A_84 = arith.constant 0 : i32
      %dma_start3A_85 = tpu.memref_slice %arg11[%dma_start3A, %dma_start3A_83, %dma_start3A_84] : memref<2x2x512xi32, #tpu.memory_space<vmem>> -> memref<1x2x512xi32, #tpu.memory_space<vmem>>
      %dma_start3A_86 = tpu.memref_squeeze %dma_start3A_85 : memref<1x2x512xi32, #tpu.memory_space<vmem>> -> memref<2x512xi32, #tpu.memory_space<vmem>>
      %dma_start3A_87 = arith.constant 0 : i32
      %dma_start3A_88 = arith.constant 0 : i32
      %dma_start3A_89 = tpu.memref_slice %arg3[%add3A_80, %dma_start3A_87, %dma_start3A_88] : memref<640x2x512xi32, #tpu.memory_space<hbm>> -> memref<1x2x512xi32, #tpu.memory_space<hbm>>
      %dma_start3A_90 = tpu.memref_squeeze %dma_start3A_89 : memref<1x2x512xi32, #tpu.memory_space<hbm>> -> memref<2x512xi32, #tpu.memory_space<hbm>>
      %dma_start3A_91 = arith.constant 0 : i32
      %dma_start3A_92 = arith.constant 0 : i32
      %dma_start3A_93 = tpu.memref_slice %arg11[%dma_start3A, %dma_start3A_91, %dma_start3A_92] : memref<2x2x512xi32, #tpu.memory_space<vmem>> -> memref<1x2x512xi32, #tpu.memory_space<vmem>>
      %dma_start3A_94 = tpu.memref_squeeze %dma_start3A_93 : memref<1x2x512xi32, #tpu.memory_space<vmem>> -> memref<2x512xi32, #tpu.memory_space<vmem>>
      %dma_start3A_95 = arith.constant 0 : i32
      %dma_start3A_96 = arith.constant 0 : i32
      %dma_start3A_97 = tpu.memref_slice %arg3[%add3A_80, %dma_start3A_95, %dma_start3A_96] : memref<640x2x512xi32, #tpu.memory_space<hbm>> -> memref<1x2x512xi32, #tpu.memory_space<hbm>>
      %dma_start3A_98 = tpu.memref_squeeze %dma_start3A_97 : memref<1x2x512xi32, #tpu.memory_space<hbm>> -> memref<2x512xi32, #tpu.memory_space<hbm>>
      tpu.enqueue_dma source(%dma_start3A_98 : memref<2x512xi32, #tpu.memory_space<hbm>>) target(%dma_start3A_94 : memref<2x512xi32, #tpu.memory_space<vmem>>) target_semaphore(%arg15 : memref<!tpu.dma_semaphore, #tpu.memory_space<semaphore_mem>>)
      %dma_wait3A_99 = arith.constant 0 : i32
      %dma_wait3A_100 = arith.constant 0 : i32
      %dma_wait3A_101 = arith.constant 0 : i32
      %dma_wait3A_102 = tpu.memref_slice %arg11[%dma_wait3A_99, %dma_wait3A_100, %dma_wait3A_101] : memref<2x2x512xi32, #tpu.memory_space<vmem>> -> memref<1x2x512xi32, #tpu.memory_space<vmem>>
      %dma_wait3A_103 = tpu.memref_squeeze %dma_wait3A_102 : memref<1x2x512xi32, #tpu.memory_space<vmem>> -> memref<2x512xi32, #tpu.memory_space<vmem>>
      %dma_wait3A_104 = arith.constant 0 : i32
      %dma_wait3A_105 = arith.constant 0 : i32
      %dma_wait3A_106 = tpu.memref_slice %arg3[%add3A_80, %dma_wait3A_104, %dma_wait3A_105] : memref<640x2x512xi32, #tpu.memory_space<hbm>> -> memref<1x2x512xi32, #tpu.memory_space<hbm>>
      %dma_wait3A_107 = tpu.memref_squeeze %dma_wait3A_106 : memref<1x2x512xi32, #tpu.memory_space<hbm>> -> memref<2x512xi32, #tpu.memory_space<hbm>>
      %dma_wait3A_108 = arith.constant 0 : i32
      %dma_wait3A_109 = arith.constant 0 : i32
      %dma_wait3A_110 = tpu.memref_slice %arg11[%dma_wait3A_99, %dma_wait3A_108, %dma_wait3A_109] : memref<2x2x512xi32, #tpu.memory_space<vmem>> -> memref<1x2x512xi32, #tpu.memory_space<vmem>>
      %dma_wait3A_111 = tpu.memref_squeeze %dma_wait3A_110 : memref<1x2x512xi32, #tpu.memory_space<vmem>> -> memref<2x512xi32, #tpu.memory_space<vmem>>
      %dma_wait3A_112 = arith.constant 0 : i32
      %dma_wait3A_113 = arith.constant 0 : i32
      %dma_wait3A_114 = tpu.memref_slice %arg3[%add3A_80, %dma_wait3A_112, %dma_wait3A_113] : memref<640x2x512xi32, #tpu.memory_space<hbm>> -> memref<1x2x512xi32, #tpu.memory_space<hbm>>
      %dma_wait3A_115 = tpu.memref_squeeze %dma_wait3A_114 : memref<1x2x512xi32, #tpu.memory_space<hbm>> -> memref<2x512xi32, #tpu.memory_space<hbm>>
      tpu.wait_dma2 semaphore(%arg15 : memref<!tpu.dma_semaphore, #tpu.memory_space<semaphore_mem>>) src(%dma_wait3A_115 : memref<2x512xi32, #tpu.memory_space<hbm>>) dst(%dma_wait3A_111 : memref<2x512xi32, #tpu.memory_space<vmem>>)
      %dma_start3A_116 = arith.constant 0 : i32
      %dma_start3A_117 = arith.constant 0 : i32
      %dma_start3A_118 = arith.constant 0 : i32
      %dma_start3A_119 = arith.constant 0 : i32
      %dma_start3A_120 = arith.constant 0 : i32
      %dma_start3A_121 = tpu.memref_slice %arg13[%dma_start3A_118, %dma_start3A_119, %dma_start3A_120] : memref<2x512x32xf32, #tpu.memory_space<vmem>> -> memref<1x512x32xf32, #tpu.memory_space<vmem>>
      %dma_start3A_122 = tpu.memref_squeeze %dma_start3A_121 : memref<1x512x32xf32, #tpu.memory_space<vmem>> -> memref<512x32xf32, #tpu.memory_space<vmem>>
      %dma_start3A_123 = arith.constant 0 : i32
      %dma_start3A_124 = tpu.memref_slice %arg11[%dma_start3A_116, %dma_start3A_117, %dma_start3A_123] : memref<2x2x512xi32, #tpu.memory_space<vmem>> -> memref<1x1x512xi32, #tpu.memory_space<vmem>>
      %dma_start3A_125 = tpu.memref_squeeze %dma_start3A_124 : memref<1x1x512xi32, #tpu.memory_space<vmem>> -> memref<512xi32, #tpu.memory_space<vmem>>
      %dma_start3A_126 = arith.constant 0 : i32
      %dma_start3A_127 = arith.constant 0 : i32
      %dma_start3A_128 = tpu.memref_slice %arg2[%dma_start3A_126, %dma_start3A_127] : memref<10752x32xf32, #tpu.memory_space<hbm>> -> memref<10752x32xf32, #tpu.memory_space<hbm>>
      tpu.enqueue_indirect_dma source(%dma_start3A_128 : memref<10752x32xf32, #tpu.memory_space<hbm>>) target(%dma_start3A_122 : memref<512x32xf32, #tpu.memory_space<vmem>>) offsets(%dma_start3A_125 : memref<512xi32, #tpu.memory_space<vmem>>) semaphore(%arg17 : memref<!tpu.dma_semaphore, #tpu.memory_space<semaphore_mem>>)
      %get3A = arith.constant 0 : i32
      %get3A_129 = arith.constant 0 : i32
      %get3A_130 = arith.index_cast %get3A : i32 to index
      %get3A_131 = arith.index_cast %get3A_129 : i32 to index
      %get3A_132 = arith.constant 0 : index
      %get3A_133 = tpu.vector_load %arg11[%get3A_130, %get3A_131, %get3A_132] {strides = array<i32>} : memref<2x2x512xi32, #tpu.memory_space<vmem>>, vector<1x1x16xi32>,
      %get3A_134 = vector.shape_cast %get3A_133 : vector<1x1x16xi32> to vector<16xi32>
      %get3A_135 = arith.constant 0 : i32
      %get3A_136 = arith.constant 1 : i32
      %get3A_137 = arith.index_cast %get3A_135 : i32 to index
      %get3A_138 = arith.index_cast %get3A_136 : i32 to index
      %get3A_139 = arith.constant 0 : index
      %get3A_140 = tpu.vector_load %arg11[%get3A_137, %get3A_138, %get3A_139] {strides = array<i32>} : memref<2x2x512xi32, #tpu.memory_space<vmem>>, vector<1x1x16xi32>,
      %get3A_141 = vector.shape_cast %get3A_140 : vector<1x1x16xi32> to vector<16xi32>
      %eq3A_142 = arith.cmpi eq, %get3A_134, %get3A_141 : vector<16xi32>
      %jit3A_143 = arith.constant 10752 : i32
      %jit3A_144 = arith.constant 0 : i32
      %broadcast_in_dim3A = vector.broadcast %jit3A_143 : i32 to vector<16xi32>
      %broadcast_in_dim3A_145 = vector.broadcast %jit3A_144 : i32 to vector<16xi32>
      %select_n3A_146 = arith.select %eq3A_142, %broadcast_in_dim3A, %broadcast_in_dim3A_145 : vector<16xi1>, vector<16xi32>
      %add3A_147 = arith.addi %get3A_141, %select_n3A_146 : vector<16xi32>
      %swap3A = arith.constant 0 : i32
      %swap3A_148 = arith.index_cast %swap3A : i32 to index
      %swap3A_149 = arith.constant 0 : index
      %swap3A_150 = tpu.vector_load %arg12[%swap3A_148, %swap3A_149] {strides = array<i32>} : memref<2x512xi32, #tpu.memory_space<vmem>>, vector<1x16xi32>,
      %swap3A_151 = vector.shape_cast %swap3A_150 : vector<1x16xi32> to vector<16xi32>
      %swap3A_152 = vector.shape_cast %add3A_147 : vector<16xi32> to vector<1x16xi32>
      tpu.vector_store %arg12[%swap3A_148, %swap3A_149], %swap3A_152 {strides = array<i32>} : memref<2x512xi32, #tpu.memory_space<vmem>>, vector<1x16xi32>,
      %get3A_153 = arith.constant 0 : i32
      %get3A_154 = arith.constant 0 : i32
      %get3A_155 = arith.index_cast %get3A_153 : i32 to index
      %get3A_156 = arith.index_cast %get3A_154 : i32 to index
      %get3A_157 = arith.constant 16 : index
      %get3A_158 = tpu.vector_load %arg11[%get3A_155, %get3A_156, %get3A_157] {strides = array<i32>} : memref<2x2x512xi32, #tpu.memory_space<vmem>>, vector<1x1x16xi32>,
      %get3A_159 = vector.shape_cast %get3A_158 : vector<1x1x16xi32> to vector<16xi32>
      %get3A_160 = arith.constant 0 : i32
      %get3A_161 = arith.constant 1 : i32
      %get3A_162 = arith.index_cast %get3A_160 : i32 to index
      %get3A_163 = arith.index_cast %get3A_161 : i32 to index
      %get3A_164 = arith.constant 16 : index
      %get3A_165 = tpu.vector_load %arg11[%get3A_162, %get3A_163, %get3A_164] {strides = array<i32>} : memref<2x2x512xi32, #tpu.memory_space<vmem>>, vector<1x1x16xi32>,
      %get3A_166 = vector.shape_cast %get3A_165 : vector<1x1x16xi32> to vector<16xi32>
      %eq3A_167 = arith.cmpi eq, %get3A_159, %get3A_166 : vector<16xi32>
      %jit3A_168 = arith.constant 10752 : i32
      %jit3A_169 = arith.constant 0 : i32
      %broadcast_in_dim3A_170 = vector.broadcast %jit3A_168 : i32 to vector<16xi32>
      %broadcast_in_dim3A_171 = vector.broadcast %jit3A_169 : i32 to vector<16xi32>
      %select_n3A_172 = arith.select %eq3A_167, %broadcast_in_dim3A_170, %broadcast_in_dim3A_171 : vector<16xi1>, vector<16xi32>
      %add3A_173 = arith.addi %get3A_166, %select_n3A_172 : vector<16xi32>
      %swap3A_174 = arith.constant 0 : i32
      %swap3A_175 = arith.index_cast %swap3A_174 : i32 to index
      %swap3A_176 = arith.constant 16 : index
      %swap3A_177 = tpu.vector_load %arg12[%swap3A_175, %swap3A_176] {strides = array<i32>} : memref<2x512xi32, #tpu.memory_space<vmem>>, vector<1x16xi32>,
      %swap3A_178 = vector.shape_cast %swap3A_177 : vector<1x16xi32> to vector<16xi32>
      %swap3A_179 = vector.shape_cast %add3A_173 : vector<16xi32> to vector<1x16xi32>
      tpu.vector_store %arg12[%swap3A_175, %swap3A_176], %swap3A_179 {strides = array<i32>} : memref<2x512xi32, #tpu.memory_space<vmem>>, vector<1x16xi32>,
      %get3A_180 = arith.constant 0 : i32
      %get3A_181 = arith.constant 0 : i32
      %get3A_182 = arith.index_cast %get3A_180 : i32 to index
      %get3A_183 = arith.index_cast %get3A_181 : i32 to index
      %get3A_184 = arith.constant 32 : index
      %get3A_185 = tpu.vector_load %arg11[%get3A_182, %get3A_183, %get3A_184] {strides = array<i32>} : memref<2x2x512xi32, #tpu.memory_space<vmem>>, vector<1x1x16xi32>,
      %get3A_186 = vector.shape_cast %get3A_185 : vector<1x1x16xi32> to vector<16xi32>
      %get3A_187 = arith.constant 0 : i32
      %get3A_188 = arith.constant 1 : i32
      %get3A_189 = arith.index_cast %get3A_187 : i32 to index
      %get3A_190 = arith.index_cast %get3A_188 : i32 to index
      %get3A_191 = arith.constant 32 : index
      %get3A_192 = tpu.vector_load %arg11[%get3A_189, %get3A_190, %get3A_191] {strides = array<i32>} : memref<2x2x512xi32, #tpu.memory_space<vmem>>, vector<1x1x16xi32>,
      %get3A_193 = vector.shape_cast %get3A_192 : vector<1x1x16xi32> to vector<16xi32>
      %eq3A_194 = arith.cmpi eq, %get3A_186, %get3A_193 : vector<16xi32>
      %jit3A_195 = arith.constant 10752 : i32
      %jit3A_196 = arith.constant 0 : i32
      %broadcast_in_dim3A_197 = vector.broadcast %jit3A_195 : i32 to vector<16xi32>
      %broadcast_in_dim3A_198 = vector.broadcast %jit3A_196 : i32 to vector<16xi32>
      %select_n3A_199 = arith.select %eq3A_194, %broadcast_in_dim3A_197, %broadcast_in_dim3A_198 : vector<16xi1>, vector<16xi32>
      %add3A_200 = arith.addi %get3A_193, %select_n3A_199 : vector<16xi32>
      %swap3A_201 = arith.constant 0 : i32
      %swap3A_202 = arith.index_cast %swap3A_201 : i32 to index
      %swap3A_203 = arith.constant 32 : index
      %swap3A_204 = tpu.vector_load %arg12[%swap3A_202, %swap3A_203] {strides = array<i32>} : memref<2x512xi32, #tpu.memory_space<vmem>>, vector<1x16xi32>,
      %swap3A_205 = vector.shape_cast %swap3A_204 : vector<1x16xi32> to vector<16xi32>
      %swap3A_206 = vector.shape_cast %add3A_200 : vector<16xi32> to vector<1x16xi32>
      tpu.vector_store %arg12[%swap3A_202, %swap3A_203], %swap3A_206 {strides = array<i32>} : memref<2x512xi32, #tpu.memory_space<vmem>>, vector<1x16xi32>,
      %get3A_207 = arith.constant 0 : i32
      %get3A_208 = arith.constant 0 : i32
      %get3A_209 = arith.index_cast %get3A_207 : i32 to index
      %get3A_210 = arith.index_cast %get3A_208 : i32 to index
      %get3A_211 = arith.constant 48 : index
      %get3A_212 = tpu.vector_load %arg11[%get3A_209, %get3A_210, %get3A_211] {strides = array<i32>} : memref<2x2x512xi32, #tpu.memory_space<vmem>>, vector<1x1x16xi32>,
      %get3A_213 = vector.shape_cast %get3A_212 : vector<1x1x16xi32> to vector<16xi32>
      %get3A_214 = arith.constant 0 : i32
      %get3A_215 = arith.constant 1 : i32
      %get3A_216 = arith.index_cast %get3A_214 : i32 to index
      %get3A_217 = arith.index_cast %get3A_215 : i32 to index
      %get3A_218 = arith.constant 48 : index
      %get3A_219 = tpu.vector_load %arg11[%get3A_216, %get3A_217, %get3A_218] {strides = array<i32>} : memref<2x2x512xi32, #tpu.memory_space<vmem>>, vector<1x1x16xi32>,
      %get3A_220 = vector.shape_cast %get3A_219 : vector<1x1x16xi32> to vector<16xi32>
      %eq3A_221 = arith.cmpi eq, %get3A_213, %get3A_220 : vector<16xi32>
      %jit3A_222 = arith.constant 10752 : i32
      %jit3A_223 = arith.constant 0 : i32
      %broadcast_in_dim3A_224 = vector.broadcast %jit3A_222 : i32 to vector<16xi32>
      %broadcast_in_dim3A_225 = vector.broadcast %jit3A_223 : i32 to vector<16xi32>
      %select_n3A_226 = arith.select %eq3A_221, %broadcast_in_dim3A_224, %broadcast_in_dim3A_225 : vector<16xi1>, vector<16xi32>
      %add3A_227 = arith.addi %get3A_220, %select_n3A_226 : vector<16xi32>
      %swap3A_228 = arith.constant 0 : i32
      %swap3A_229 = arith.index_cast %swap3A_228 : i32 to index
      %swap3A_230 = arith.constant 48 : index
      %swap3A_231 = tpu.vector_load %arg12[%swap3A_229, %swap3A_230] {strides = array<i32>} : memref<2x512xi32, #tpu.memory_space<vmem>>, vector<1x16xi32>,
      %swap3A_232 = vector.shape_cast %swap3A_231 : vector<1x16xi32> to vector<16xi32>
      %swap3A_233 = vector.shape_cast %add3A_227 : vector<16xi32> to vector<1x16xi32>
      tpu.vector_store %arg12[%swap3A_229, %swap3A_230], %swap3A_233 {strides = array<i32>} : memref<2x512xi32, #tpu.memory_space<vmem>>, vector<1x16xi32>,
      %get3A_234 = arith.constant 0 : i32
      %get3A_235 = arith.constant 0 : i32
      %get3A_236 = arith.index_cast %get3A_234 : i32 to index
      %get3A_237 = arith.index_cast %get3A_235 : i32 to index
      %get3A_238 = arith.constant 64 : index
      %get3A_239 = tpu.vector_load %arg11[%get3A_236, %get3A_237, %get3A_238] {strides = array<i32>} : memref<2x2x512xi32, #tpu.memory_space<vmem>>, vector<1x1x16xi32>,
      %get3A_240 = vector.shape_cast %get3A_239 : vector<1x1x16xi32> to vector<16xi32>
      %get3A_241 = arith.constant 0 : i32
      %get3A_242 = arith.constant 1 : i32
      %get3A_243 = arith.index_cast %get3A_241 : i32 to index
      %get3A_244 = arith.index_cast %get3A_242 : i32 to index
      %get3A_245 = arith.constant 64 : index
      %get3A_246 = tpu.vector_load %arg11[%get3A_243, %get3A_244, %get3A_245] {strides = array<i32>} : memref<2x2x512xi32, #tpu.memory_space<vmem>>, vector<1x1x16xi32>,
      %get3A_247 = vector.shape_cast %get3A_246 : vector<1x1x16xi32> to vector<16xi32>
      %eq3A_248 = arith.cmpi eq, %get3A_240, %get3A_247 : vector<16xi32>
      %jit3A_249 = arith.constant 10752 : i32
      %jit3A_250 = arith.constant 0 : i32
      %broadcast_in_dim3A_251 = vector.broadcast %jit3A_249 : i32 to vector<16xi32>
      %broadcast_in_dim3A_252 = vector.broadcast %jit3A_250 : i32 to vector<16xi32>
      %select_n3A_253 = arith.select %eq3A_248, %broadcast_in_dim3A_251, %broadcast_in_dim3A_252 : vector<16xi1>, vector<16xi32>
      %add3A_254 = arith.addi %get3A_247, %select_n3A_253 : vector<16xi32>
      %swap3A_255 = arith.constant 0 : i32
      %swap3A_256 = arith.index_cast %swap3A_255 : i32 to index
      %swap3A_257 = arith.constant 64 : index
      %swap3A_258 = tpu.vector_load %arg12[%swap3A_256, %swap3A_257] {strides = array<i32>} : memref<2x512xi32, #tpu.memory_space<vmem>>, vector<1x16xi32>,
      %swap3A_259 = vector.shape_cast %swap3A_258 : vector<1x16xi32> to vector<16xi32>
      %swap3A_260 = vector.shape_cast %add3A_254 : vector<16xi32> to vector<1x16xi32>
      tpu.vector_store %arg12[%swap3A_256, %swap3A_257], %swap3A_260 {strides = array<i32>} : memref<2x512xi32, #tpu.memory_space<vmem>>, vector<1x16xi32>,
      %get3A_261 = arith.constant 0 : i32
      %get3A_262 = arith.constant 0 : i32
      %get3A_263 = arith.index_cast %get3A_261 : i32 to index
      %get3A_264 = arith.index_cast %get3A_262 : i32 to index
      %get3A_265 = arith.constant 80 : index
      %get3A_266 = tpu.vector_load %arg11[%get3A_263, %get3A_264, %get3A_265] {strides = array<i32>} : memref<2x2x512xi32, #tpu.memory_space<vmem>>, vector<1x1x16xi32>,
      %get3A_267 = vector.shape_cast %get3A_266 : vector<1x1x16xi32> to vector<16xi32>
      %get3A_268 = arith.constant 0 : i32
      %get3A_269 = arith.constant 1 : i32
      %get3A_270 = arith.index_cast %get3A_268 : i32 to index
      %get3A_271 = arith.index_cast %get3A_269 : i32 to index
      %get3A_272 = arith.constant 80 : index
      %get3A_273 = tpu.vector_load %arg11[%get3A_270, %get3A_271, %get3A_272] {strides = array<i32>} : memref<2x2x512xi32, #tpu.memory_space<vmem>>, vector<1x1x16xi32>,
      %get3A_274 = vector.shape_cast %get3A_273 : vector<1x1x16xi32> to vector<16xi32>
      %eq3A_275 = arith.cmpi eq, %get3A_267, %get3A_274 : vector<16xi32>
      %jit3A_276 = arith.constant 10752 : i32
      %jit3A_277 = arith.constant 0 : i32
      %broadcast_in_dim3A_278 = vector.broadcast %jit3A_276 : i32 to vector<16xi32>
      %broadcast_in_dim3A_279 = vector.broadcast %jit3A_277 : i32 to vector<16xi32>
      %select_n3A_280 = arith.select %eq3A_275, %broadcast_in_dim3A_278, %broadcast_in_dim3A_279 : vector<16xi1>, vector<16xi32>
      %add3A_281 = arith.addi %get3A_274, %select_n3A_280 : vector<16xi32>
      %swap3A_282 = arith.constant 0 : i32
      %swap3A_283 = arith.index_cast %swap3A_282 : i32 to index
      %swap3A_284 = arith.constant 80 : index
      %swap3A_285 = tpu.vector_load %arg12[%swap3A_283, %swap3A_284] {strides = array<i32>} : memref<2x512xi32, #tpu.memory_space<vmem>>, vector<1x16xi32>,
      %swap3A_286 = vector.shape_cast %swap3A_285 : vector<1x16xi32> to vector<16xi32>
      %swap3A_287 = vector.shape_cast %add3A_281 : vector<16xi32> to vector<1x16xi32>
      tpu.vector_store %arg12[%swap3A_283, %swap3A_284], %swap3A_287 {strides = array<i32>} : memref<2x512xi32, #tpu.memory_space<vmem>>, vector<1x16xi32>,
      %get3A_288 = arith.constant 0 : i32
      %get3A_289 = arith.constant 0 : i32
      %get3A_290 = arith.index_cast %get3A_288 : i32 to index
      %get3A_291 = arith.index_cast %get3A_289 : i32 to index
      %get3A_292 = arith.constant 96 : index
      %get3A_293 = tpu.vector_load %arg11[%get3A_290, %get3A_291, %get3A_292] {strides = array<i32>} : memref<2x2x512xi32, #tpu.memory_space<vmem>>, vector<1x1x16xi32>,
      %get3A_294 = vector.shape_cast %get3A_293 : vector<1x1x16xi32> to vector<16xi32>
      %get3A_295 = arith.constant 0 : i32
      %get3A_296 = arith.constant 1 : i32
      %get3A_297 = arith.index_cast %get3A_295 : i32 to index
      %get3A_298 = arith.index_cast %get3A_296 : i32 to index
      %get3A_299 = arith.constant 96 : index
      %get3A_300 = tpu.vector_load %arg11[%get3A_297, %get3A_298, %get3A_299] {strides = array<i32>} : memref<2x2x512xi32, #tpu.memory_space<vmem>>, vector<1x1x16xi32>,
      %get3A_301 = vector.shape_cast %get3A_300 : vector<1x1x16xi32> to vector<16xi32>
      %eq3A_302 = arith.cmpi eq, %get3A_294, %get3A_301 : vector<16xi32>
      %jit3A_303 = arith.constant 10752 : i32
      %jit3A_304 = arith.constant 0 : i32
      %broadcast_in_dim3A_305 = vector.broadcast %jit3A_303 : i32 to vector<16xi32>
      %broadcast_in_dim3A_306 = vector.broadcast %jit3A_304 : i32 to vector<16xi32>
      %select_n3A_307 = arith.select %eq3A_302, %broadcast_in_dim3A_305, %broadcast_in_dim3A_306 : vector<16xi1>, vector<16xi32>
      %add3A_308 = arith.addi %get3A_301, %select_n3A_307 : vector<16xi32>
      %swap3A_309 = arith.constant 0 : i32
      %swap3A_310 = arith.index_cast %swap3A_309 : i32 to index
      %swap3A_311 = arith.constant 96 : index
      %swap3A_312 = tpu.vector_load %arg12[%swap3A_310, %swap3A_311] {strides = array<i32>} : memref<2x512xi32, #tpu.memory_space<vmem>>, vector<1x16xi32>,
      %swap3A_313 = vector.shape_cast %swap3A_312 : vector<1x16xi32> to vector<16xi32>
      %swap3A_314 = vector.shape_cast %add3A_308 : vector<16xi32> to vector<1x16xi32>
      tpu.vector_store %arg12[%swap3A_310, %swap3A_311], %swap3A_314 {strides = array<i32>} : memref<2x512xi32, #tpu.memory_space<vmem>>, vector<1x16xi32>,
      %get3A_315 = arith.constant 0 : i32
      %get3A_316 = arith.constant 0 : i32
      %get3A_317 = arith.index_cast %get3A_315 : i32 to index
      %get3A_318 = arith.index_cast %get3A_316 : i32 to index
      %get3A_319 = arith.constant 112 : index
      %get3A_320 = tpu.vector_load %arg11[%get3A_317, %get3A_318, %get3A_319] {strides = array<i32>} : memref<2x2x512xi32, #tpu.memory_space<vmem>>, vector<1x1x16xi32>,
      %get3A_321 = vector.shape_cast %get3A_320 : vector<1x1x16xi32> to vector<16xi32>
      %get3A_322 = arith.constant 0 : i32
      %get3A_323 = arith.constant 1 : i32
      %get3A_324 = arith.index_cast %get3A_322 : i32 to index
      %get3A_325 = arith.index_cast %get3A_323 : i32 to index
      %get3A_326 = arith.constant 112 : index
      %get3A_327 = tpu.vector_load %arg11[%get3A_324, %get3A_325, %get3A_326] {strides = array<i32>} : memref<2x2x512xi32, #tpu.memory_space<vmem>>, vector<1x1x16xi32>,
      %get3A_328 = vector.shape_cast %get3A_327 : vector<1x1x16xi32> to vector<16xi32>
      %eq3A_329 = arith.cmpi eq, %get3A_321, %get3A_328 : vector<16xi32>
      %jit3A_330 = arith.constant 10752 : i32
      %jit3A_331 = arith.constant 0 : i32
      %broadcast_in_dim3A_332 = vector.broadcast %jit3A_330 : i32 to vector<16xi32>
      %broadcast_in_dim3A_333 = vector.broadcast %jit3A_331 : i32 to vector<16xi32>
      %select_n3A_334 = arith.select %eq3A_329, %broadcast_in_dim3A_332, %broadcast_in_dim3A_333 : vector<16xi1>, vector<16xi32>
      %add3A_335 = arith.addi %get3A_328, %select_n3A_334 : vector<16xi32>
      %swap3A_336 = arith.constant 0 : i32
      %swap3A_337 = arith.index_cast %swap3A_336 : i32 to index
      %swap3A_338 = arith.constant 112 : index
      %swap3A_339 = tpu.vector_load %arg12[%swap3A_337, %swap3A_338] {strides = array<i32>} : memref<2x512xi32, #tpu.memory_space<vmem>>, vector<1x16xi32>,
      %swap3A_340 = vector.shape_cast %swap3A_339 : vector<1x16xi32> to vector<16xi32>
      %swap3A_341 = vector.shape_cast %add3A_335 : vector<16xi32> to vector<1x16xi32>
      tpu.vector_store %arg12[%swap3A_337, %swap3A_338], %swap3A_341 {strides = array<i32>} : memref<2x512xi32, #tpu.memory_space<vmem>>, vector<1x16xi32>,
      %get3A_342 = arith.constant 0 : i32
      %get3A_343 = arith.constant 0 : i32
      %get3A_344 = arith.index_cast %get3A_342 : i32 to index
      %get3A_345 = arith.index_cast %get3A_343 : i32 to index
      %get3A_346 = arith.constant 128 : index
      %get3A_347 = tpu.vector_load %arg11[%get3A_344, %get3A_345, %get3A_346] {strides = array<i32>} : memref<2x2x512xi32, #tpu.memory_space<vmem>>, vector<1x1x16xi32>,
      %get3A_348 = vector.shape_cast %get3A_347 : vector<1x1x16xi32> to vector<16xi32>
      %get3A_349 = arith.constant 0 : i32
      %get3A_350 = arith.constant 1 : i32
      %get3A_351 = arith.index_cast %get3A_349 : i32 to index
      %get3A_352 = arith.index_cast %get3A_350 : i32 to index
      %get3A_353 = arith.constant 128 : index
      %get3A_354 = tpu.vector_load %arg11[%get3A_351, %get3A_352, %get3A_353] {strides = array<i32>} : memref<2x2x512xi32, #tpu.memory_space<vmem>>, vector<1x1x16xi32>,
      %get3A_355 = vector.shape_cast %get3A_354 : vector<1x1x16xi32> to vector<16xi32>
      %eq3A_356 = arith.cmpi eq, %get3A_348, %get3A_355 : vector<16xi32>
      %jit3A_357 = arith.constant 10752 : i32
      %jit3A_358 = arith.constant 0 : i32
      %broadcast_in_dim3A_359 = vector.broadcast %jit3A_357 : i32 to vector<16xi32>
      %broadcast_in_dim3A_360 = vector.broadcast %jit3A_358 : i32 to vector<16xi32>
      %select_n3A_361 = arith.select %eq3A_356, %broadcast_in_dim3A_359, %broadcast_in_dim3A_360 : vector<16xi1>, vector<16xi32>
      %add3A_362 = arith.addi %get3A_355, %select_n3A_361 : vector<16xi32>
      %swap3A_363 = arith.constant 0 : i32
      %swap3A_364 = arith.index_cast %swap3A_363 : i32 to index
      %swap3A_365 = arith.constant 128 : index
      %swap3A_366 = tpu.vector_load %arg12[%swap3A_364, %swap3A_365] {strides = array<i32>} : memref<2x512xi32, #tpu.memory_space<vmem>>, vector<1x16xi32>,
      %swap3A_367 = vector.shape_cast %swap3A_366 : vector<1x16xi32> to vector<16xi32>
      %swap3A_368 = vector.shape_cast %add3A_362 : vector<16xi32> to vector<1x16xi32>
      tpu.vector_store %arg12[%swap3A_364, %swap3A_365], %swap3A_368 {strides = array<i32>} : memref<2x512xi32, #tpu.memory_space<vmem>>, vector<1x16xi32>,
      %get3A_369 = arith.constant 0 : i32
      %get3A_370 = arith.constant 0 : i32
      %get3A_371 = arith.index_cast %get3A_369 : i32 to index
      %get3A_372 = arith.index_cast %get3A_370 : i32 to index
      %get3A_373 = arith.constant 144 : index
      %get3A_374 = tpu.vector_load %arg11[%get3A_371, %get3A_372, %get3A_373] {strides = array<i32>} : memref<2x2x512xi32, #tpu.memory_space<vmem>>, vector<1x1x16xi32>,
      %get3A_375 = vector.shape_cast %get3A_374 : vector<1x1x16xi32> to vector<16xi32>
      %get3A_376 = arith.constant 0 : i32
      %get3A_377 = arith.constant 1 : i32
      %get3A_378 = arith.index_cast %get3A_376 : i32 to index
      %get3A_379 = arith.index_cast %get3A_377 : i32 to index
      %get3A_380 = arith.constant 144 : index
      %get3A_381 = tpu.vector_load %arg11[%get3A_378, %get3A_379, %get3A_380] {strides = array<i32>} : memref<2x2x512xi32, #tpu.memory_space<vmem>>, vector<1x1x16xi32>,
      %get3A_382 = vector.shape_cast %get3A_381 : vector<1x1x16xi32> to vector<16xi32>
      %eq3A_383 = arith.cmpi eq, %get3A_375, %get3A_382 : vector<16xi32>
      %jit3A_384 = arith.constant 10752 : i32
      %jit3A_385 = arith.constant 0 : i32
      %broadcast_in_dim3A_386 = vector.broadcast %jit3A_384 : i32 to vector<16xi32>
      %broadcast_in_dim3A_387 = vector.broadcast %jit3A_385 : i32 to vector<16xi32>
      %select_n3A_388 = arith.select %eq3A_383, %broadcast_in_dim3A_386, %broadcast_in_dim3A_387 : vector<16xi1>, vector<16xi32>
      %add3A_389 = arith.addi %get3A_382, %select_n3A_388 : vector<16xi32>
      %swap3A_390 = arith.constant 0 : i32
      %swap3A_391 = arith.index_cast %swap3A_390 : i32 to index
      %swap3A_392 = arith.constant 144 : index
      %swap3A_393 = tpu.vector_load %arg12[%swap3A_391, %swap3A_392] {strides = array<i32>} : memref<2x512xi32, #tpu.memory_space<vmem>>, vector<1x16xi32>,
      %swap3A_394 = vector.shape_cast %swap3A_393 : vector<1x16xi32> to vector<16xi32>
      %swap3A_395 = vector.shape_cast %add3A_389 : vector<16xi32> to vector<1x16xi32>
      tpu.vector_store %arg12[%swap3A_391, %swap3A_392], %swap3A_395 {strides = array<i32>} : memref<2x512xi32, #tpu.memory_space<vmem>>, vector<1x16xi32>,
      %get3A_396 = arith.constant 0 : i32
      %get3A_397 = arith.constant 0 : i32
      %get3A_398 = arith.index_cast %get3A_396 : i32 to index
      %get3A_399 = arith.index_cast %get3A_397 : i32 to index
      %get3A_400 = arith.constant 160 : index
      %get3A_401 = tpu.vector_load %arg11[%get3A_398, %get3A_399, %get3A_400] {strides = array<i32>} : memref<2x2x512xi32, #tpu.memory_space<vmem>>, vector<1x1x16xi32>,
      %get3A_402 = vector.shape_cast %get3A_401 : vector<1x1x16xi32> to vector<16xi32>
      %get3A_403 = arith.constant 0 : i32
      %get3A_404 = arith.constant 1 : i32
      %get3A_405 = arith.index_cast %get3A_403 : i32 to index
      %get3A_406 = arith.index_cast %get3A_404 : i32 to index
      %get3A_407 = arith.constant 160 : index
      %get3A_408 = tpu.vector_load %arg11[%get3A_405, %get3A_406, %get3A_407] {strides = array<i32>} : memref<2x2x512xi32, #tpu.memory_space<vmem>>, vector<1x1x16xi32>,
      %get3A_409 = vector.shape_cast %get3A_408 : vector<1x1x16xi32> to vector<16xi32>
      %eq3A_410 = arith.cmpi eq, %get3A_402, %get3A_409 : vector<16xi32>
      %jit3A_411 = arith.constant 10752 : i32
      %jit3A_412 = arith.constant 0 : i32
      %broadcast_in_dim3A_413 = vector.broadcast %jit3A_411 : i32 to vector<16xi32>
      %broadcast_in_dim3A_414 = vector.broadcast %jit3A_412 : i32 to vector<16xi32>
      %select_n3A_415 = arith.select %eq3A_410, %broadcast_in_dim3A_413, %broadcast_in_dim3A_414 : vector<16xi1>, vector<16xi32>
      %add3A_416 = arith.addi %get3A_409, %select_n3A_415 : vector<16xi32>
      %swap3A_417 = arith.constant 0 : i32
      %swap3A_418 = arith.index_cast %swap3A_417 : i32 to index
      %swap3A_419 = arith.constant 160 : index
      %swap3A_420 = tpu.vector_load %arg12[%swap3A_418, %swap3A_419] {strides = array<i32>} : memref<2x512xi32, #tpu.memory_space<vmem>>, vector<1x16xi32>,
      %swap3A_421 = vector.shape_cast %swap3A_420 : vector<1x16xi32> to vector<16xi32>
      %swap3A_422 = vector.shape_cast %add3A_416 : vector<16xi32> to vector<1x16xi32>
      tpu.vector_store %arg12[%swap3A_418, %swap3A_419], %swap3A_422 {strides = array<i32>} : memref<2x512xi32, #tpu.memory_space<vmem>>, vector<1x16xi32>,
      %get3A_423 = arith.constant 0 : i32
      %get3A_424 = arith.constant 0 : i32
      %get3A_425 = arith.index_cast %get3A_423 : i32 to index
      %get3A_426 = arith.index_cast %get3A_424 : i32 to index
      %get3A_427 = arith.constant 176 : index
      %get3A_428 = tpu.vector_load %arg11[%get3A_425, %get3A_426, %get3A_427] {strides = array<i32>} : memref<2x2x512xi32, #tpu.memory_space<vmem>>, vector<1x1x16xi32>,
      %get3A_429 = vector.shape_cast %get3A_428 : vector<1x1x16xi32> to vector<16xi32>
      %get3A_430 = arith.constant 0 : i32
      %get3A_431 = arith.constant 1 : i32
      %get3A_432 = arith.index_cast %get3A_430 : i32 to index
      %get3A_433 = arith.index_cast %get3A_431 : i32 to index
      %get3A_434 = arith.constant 176 : index
      %get3A_435 = tpu.vector_load %arg11[%get3A_432, %get3A_433, %get3A_434] {strides = array<i32>} : memref<2x2x512xi32, #tpu.memory_space<vmem>>, vector<1x1x16xi32>,
      %get3A_436 = vector.shape_cast %get3A_435 : vector<1x1x16xi32> to vector<16xi32>
      %eq3A_437 = arith.cmpi eq, %get3A_429, %get3A_436 : vector<16xi32>
      %jit3A_438 = arith.constant 10752 : i32
      %jit3A_439 = arith.constant 0 : i32
      %broadcast_in_dim3A_440 = vector.broadcast %jit3A_438 : i32 to vector<16xi32>
      %broadcast_in_dim3A_441 = vector.broadcast %jit3A_439 : i32 to vector<16xi32>
      %select_n3A_442 = arith.select %eq3A_437, %broadcast_in_dim3A_440, %broadcast_in_dim3A_441 : vector<16xi1>, vector<16xi32>
      %add3A_443 = arith.addi %get3A_436, %select_n3A_442 : vector<16xi32>
      %swap3A_444 = arith.constant 0 : i32
      %swap3A_445 = arith.index_cast %swap3A_444 : i32 to index
      %swap3A_446 = arith.constant 176 : index
      %swap3A_447 = tpu.vector_load %arg12[%swap3A_445, %swap3A_446] {strides = array<i32>} : memref<2x512xi32, #tpu.memory_space<vmem>>, vector<1x16xi32>,
      %swap3A_448 = vector.shape_cast %swap3A_447 : vector<1x16xi32> to vector<16xi32>
      %swap3A_449 = vector.shape_cast %add3A_443 : vector<16xi32> to vector<1x16xi32>
      tpu.vector_store %arg12[%swap3A_445, %swap3A_446], %swap3A_449 {strides = array<i32>} : memref<2x512xi32, #tpu.memory_space<vmem>>, vector<1x16xi32>,
      %get3A_450 = arith.constant 0 : i32
      %get3A_451 = arith.constant 0 : i32
      %get3A_452 = arith.index_cast %get3A_450 : i32 to index
      %get3A_453 = arith.index_cast %get3A_451 : i32 to index
      %get3A_454 = arith.constant 192 : index
      %get3A_455 = tpu.vector_load %arg11[%get3A_452, %get3A_453, %get3A_454] {strides = array<i32>} : memref<2x2x512xi32, #tpu.memory_space<vmem>>, vector<1x1x16xi32>,
      %get3A_456 = vector.shape_cast %get3A_455 : vector<1x1x16xi32> to vector<16xi32>
      %get3A_457 = arith.constant 0 : i32
      %get3A_458 = arith.constant 1 : i32
      %get3A_459 = arith.index_cast %get3A_457 : i32 to index
      %get3A_460 = arith.index_cast %get3A_458 : i32 to index
      %get3A_461 = arith.constant 192 : index
      %get3A_462 = tpu.vector_load %arg11[%get3A_459, %get3A_460, %get3A_461] {strides = array<i32>} : memref<2x2x512xi32, #tpu.memory_space<vmem>>, vector<1x1x16xi32>,
      %get3A_463 = vector.shape_cast %get3A_462 : vector<1x1x16xi32> to vector<16xi32>
      %eq3A_464 = arith.cmpi eq, %get3A_456, %get3A_463 : vector<16xi32>
      %jit3A_465 = arith.constant 10752 : i32
      %jit3A_466 = arith.constant 0 : i32
      %broadcast_in_dim3A_467 = vector.broadcast %jit3A_465 : i32 to vector<16xi32>
      %broadcast_in_dim3A_468 = vector.broadcast %jit3A_466 : i32 to vector<16xi32>
      %select_n3A_469 = arith.select %eq3A_464, %broadcast_in_dim3A_467, %broadcast_in_dim3A_468 : vector<16xi1>, vector<16xi32>
      %add3A_470 = arith.addi %get3A_463, %select_n3A_469 : vector<16xi32>
      %swap3A_471 = arith.constant 0 : i32
      %swap3A_472 = arith.index_cast %swap3A_471 : i32 to index
      %swap3A_473 = arith.constant 192 : index
      %swap3A_474 = tpu.vector_load %arg12[%swap3A_472, %swap3A_473] {strides = array<i32>} : memref<2x512xi32, #tpu.memory_space<vmem>>, vector<1x16xi32>,
      %swap3A_475 = vector.shape_cast %swap3A_474 : vector<1x16xi32> to vector<16xi32>
      %swap3A_476 = vector.shape_cast %add3A_470 : vector<16xi32> to vector<1x16xi32>
      tpu.vector_store %arg12[%swap3A_472, %swap3A_473], %swap3A_476 {strides = array<i32>} : memref<2x512xi32, #tpu.memory_space<vmem>>, vector<1x16xi32>,
      %get3A_477 = arith.constant 0 : i32
      %get3A_478 = arith.constant 0 : i32
      %get3A_479 = arith.index_cast %get3A_477 : i32 to index
      %get3A_480 = arith.index_cast %get3A_478 : i32 to index
      %get3A_481 = arith.constant 208 : index
      %get3A_482 = tpu.vector_load %arg11[%get3A_479, %get3A_480, %get3A_481] {strides = array<i32>} : memref<2x2x512xi32, #tpu.memory_space<vmem>>, vector<1x1x16xi32>,
      %get3A_483 = vector.shape_cast %get3A_482 : vector<1x1x16xi32> to vector<16xi32>
      %get3A_484 = arith.constant 0 : i32
      %get3A_485 = arith.constant 1 : i32
      %get3A_486 = arith.index_cast %get3A_484 : i32 to index
      %get3A_487 = arith.index_cast %get3A_485 : i32 to index
      %get3A_488 = arith.constant 208 : index
      %get3A_489 = tpu.vector_load %arg11[%get3A_486, %get3A_487, %get3A_488] {strides = array<i32>} : memref<2x2x512xi32, #tpu.memory_space<vmem>>, vector<1x1x16xi32>,
      %get3A_490 = vector.shape_cast %get3A_489 : vector<1x1x16xi32> to vector<16xi32>
      %eq3A_491 = arith.cmpi eq, %get3A_483, %get3A_490 : vector<16xi32>
      %jit3A_492 = arith.constant 10752 : i32
      %jit3A_493 = arith.constant 0 : i32
      %broadcast_in_dim3A_494 = vector.broadcast %jit3A_492 : i32 to vector<16xi32>
      %broadcast_in_dim3A_495 = vector.broadcast %jit3A_493 : i32 to vector<16xi32>
      %select_n3A_496 = arith.select %eq3A_491, %broadcast_in_dim3A_494, %broadcast_in_dim3A_495 : vector<16xi1>, vector<16xi32>
      %add3A_497 = arith.addi %get3A_490, %select_n3A_496 : vector<16xi32>
      %swap3A_498 = arith.constant 0 : i32
      %swap3A_499 = arith.index_cast %swap3A_498 : i32 to index
      %swap3A_500 = arith.constant 208 : index
      %swap3A_501 = tpu.vector_load %arg12[%swap3A_499, %swap3A_500] {strides = array<i32>} : memref<2x512xi32, #tpu.memory_space<vmem>>, vector<1x16xi32>,
      %swap3A_502 = vector.shape_cast %swap3A_501 : vector<1x16xi32> to vector<16xi32>
      %swap3A_503 = vector.shape_cast %add3A_497 : vector<16xi32> to vector<1x16xi32>
      tpu.vector_store %arg12[%swap3A_499, %swap3A_500], %swap3A_503 {strides = array<i32>} : memref<2x512xi32, #tpu.memory_space<vmem>>, vector<1x16xi32>,
      %get3A_504 = arith.constant 0 : i32
      %get3A_505 = arith.constant 0 : i32
      %get3A_506 = arith.index_cast %get3A_504 : i32 to index
      %get3A_507 = arith.index_cast %get3A_505 : i32 to index
      %get3A_508 = arith.constant 224 : index
      %get3A_509 = tpu.vector_load %arg11[%get3A_506, %get3A_507, %get3A_508] {strides = array<i32>} : memref<2x2x512xi32, #tpu.memory_space<vmem>>, vector<1x1x16xi32>,
      %get3A_510 = vector.shape_cast %get3A_509 : vector<1x1x16xi32> to vector<16xi32>
      %get3A_511 = arith.constant 0 : i32
      %get3A_512 = arith.constant 1 : i32
      %get3A_513 = arith.index_cast %get3A_511 : i32 to index
      %get3A_514 = arith.index_cast %get3A_512 : i32 to index
      %get3A_515 = arith.constant 224 : index
      %get3A_516 = tpu.vector_load %arg11[%get3A_513, %get3A_514, %get3A_515] {strides = array<i32>} : memref<2x2x512xi32, #tpu.memory_space<vmem>>, vector<1x1x16xi32>,
      %get3A_517 = vector.shape_cast %get3A_516 : vector<1x1x16xi32> to vector<16xi32>
      %eq3A_518 = arith.cmpi eq, %get3A_510, %get3A_517 : vector<16xi32>
      %jit3A_519 = arith.constant 10752 : i32
      %jit3A_520 = arith.constant 0 : i32
      %broadcast_in_dim3A_521 = vector.broadcast %jit3A_519 : i32 to vector<16xi32>
      %broadcast_in_dim3A_522 = vector.broadcast %jit3A_520 : i32 to vector<16xi32>
      %select_n3A_523 = arith.select %eq3A_518, %broadcast_in_dim3A_521, %broadcast_in_dim3A_522 : vector<16xi1>, vector<16xi32>
      %add3A_524 = arith.addi %get3A_517, %select_n3A_523 : vector<16xi32>
      %swap3A_525 = arith.constant 0 : i32
      %swap3A_526 = arith.index_cast %swap3A_525 : i32 to index
      %swap3A_527 = arith.constant 224 : index
      %swap3A_528 = tpu.vector_load %arg12[%swap3A_526, %swap3A_527] {strides = array<i32>} : memref<2x512xi32, #tpu.memory_space<vmem>>, vector<1x16xi32>,
      %swap3A_529 = vector.shape_cast %swap3A_528 : vector<1x16xi32> to vector<16xi32>
      %swap3A_530 = vector.shape_cast %add3A_524 : vector<16xi32> to vector<1x16xi32>
      tpu.vector_store %arg12[%swap3A_526, %swap3A_527], %swap3A_530 {strides = array<i32>} : memref<2x512xi32, #tpu.memory_space<vmem>>, vector<1x16xi32>,
      %get3A_531 = arith.constant 0 : i32
      %get3A_532 = arith.constant 0 : i32
      %get3A_533 = arith.index_cast %get3A_531 : i32 to index
      %get3A_534 = arith.index_cast %get3A_532 : i32 to index
      %get3A_535 = arith.constant 240 : index
      %get3A_536 = tpu.vector_load %arg11[%get3A_533, %get3A_534, %get3A_535] {strides = array<i32>} : memref<2x2x512xi32, #tpu.memory_space<vmem>>, vector<1x1x16xi32>,
      %get3A_537 = vector.shape_cast %get3A_536 : vector<1x1x16xi32> to vector<16xi32>
      %get3A_538 = arith.constant 0 : i32
      %get3A_539 = arith.constant 1 : i32
      %get3A_540 = arith.index_cast %get3A_538 : i32 to index
      %get3A_541 = arith.index_cast %get3A_539 : i32 to index
      %get3A_542 = arith.constant 240 : index
      %get3A_543 = tpu.vector_load %arg11[%get3A_540, %get3A_541, %get3A_542] {strides = array<i32>} : memref<2x2x512xi32, #tpu.memory_space<vmem>>, vector<1x1x16xi32>,
      %get3A_544 = vector.shape_cast %get3A_543 : vector<1x1x16xi32> to vector<16xi32>
      %eq3A_545 = arith.cmpi eq, %get3A_537, %get3A_544 : vector<16xi32>
      %jit3A_546 = arith.constant 10752 : i32
      %jit3A_547 = arith.constant 0 : i32
      %broadcast_in_dim3A_548 = vector.broadcast %jit3A_546 : i32 to vector<16xi32>
      %broadcast_in_dim3A_549 = vector.broadcast %jit3A_547 : i32 to vector<16xi32>
      %select_n3A_550 = arith.select %eq3A_545, %broadcast_in_dim3A_548, %broadcast_in_dim3A_549 : vector<16xi1>, vector<16xi32>
      %add3A_551 = arith.addi %get3A_544, %select_n3A_550 : vector<16xi32>
      %swap3A_552 = arith.constant 0 : i32
      %swap3A_553 = arith.index_cast %swap3A_552 : i32 to index
      %swap3A_554 = arith.constant 240 : index
      %swap3A_555 = tpu.vector_load %arg12[%swap3A_553, %swap3A_554] {strides = array<i32>} : memref<2x512xi32, #tpu.memory_space<vmem>>, vector<1x16xi32>,
      %swap3A_556 = vector.shape_cast %swap3A_555 : vector<1x16xi32> to vector<16xi32>
      %swap3A_557 = vector.shape_cast %add3A_551 : vector<16xi32> to vector<1x16xi32>
      tpu.vector_store %arg12[%swap3A_553, %swap3A_554], %swap3A_557 {strides = array<i32>} : memref<2x512xi32, #tpu.memory_space<vmem>>, vector<1x16xi32>,
      %get3A_558 = arith.constant 0 : i32
      %get3A_559 = arith.constant 0 : i32
      %get3A_560 = arith.index_cast %get3A_558 : i32 to index
      %get3A_561 = arith.index_cast %get3A_559 : i32 to index
      %get3A_562 = arith.constant 256 : index
      %get3A_563 = tpu.vector_load %arg11[%get3A_560, %get3A_561, %get3A_562] {strides = array<i32>} : memref<2x2x512xi32, #tpu.memory_space<vmem>>, vector<1x1x16xi32>,
      %get3A_564 = vector.shape_cast %get3A_563 : vector<1x1x16xi32> to vector<16xi32>
      %get3A_565 = arith.constant 0 : i32
      %get3A_566 = arith.constant 1 : i32
      %get3A_567 = arith.index_cast %get3A_565 : i32 to index
      %get3A_568 = arith.index_cast %get3A_566 : i32 to index
      %get3A_569 = arith.constant 256 : index
      %get3A_570 = tpu.vector_load %arg11[%get3A_567, %get3A_568, %get3A_569] {strides = array<i32>} : memref<2x2x512xi32, #tpu.memory_space<vmem>>, vector<1x1x16xi32>,
      %get3A_571 = vector.shape_cast %get3A_570 : vector<1x1x16xi32> to vector<16xi32>
      %eq3A_572 = arith.cmpi eq, %get3A_564, %get3A_571 : vector<16xi32>
      %jit3A_573 = arith.constant 10752 : i32
      %jit3A_574 = arith.constant 0 : i32
      %broadcast_in_dim3A_575 = vector.broadcast %jit3A_573 : i32 to vector<16xi32>
      %broadcast_in_dim3A_576 = vector.broadcast %jit3A_574 : i32 to vector<16xi32>
      %select_n3A_577 = arith.select %eq3A_572, %broadcast_in_dim3A_575, %broadcast_in_dim3A_576 : vector<16xi1>, vector<16xi32>
      %add3A_578 = arith.addi %get3A_571, %select_n3A_577 : vector<16xi32>
      %swap3A_579 = arith.constant 0 : i32
      %swap3A_580 = arith.index_cast %swap3A_579 : i32 to index
      %swap3A_581 = arith.constant 256 : index
      %swap3A_582 = tpu.vector_load %arg12[%swap3A_580, %swap3A_581] {strides = array<i32>} : memref<2x512xi32, #tpu.memory_space<vmem>>, vector<1x16xi32>,
      %swap3A_583 = vector.shape_cast %swap3A_582 : vector<1x16xi32> to vector<16xi32>
      %swap3A_584 = vector.shape_cast %add3A_578 : vector<16xi32> to vector<1x16xi32>
      tpu.vector_store %arg12[%swap3A_580, %swap3A_581], %swap3A_584 {strides = array<i32>} : memref<2x512xi32, #tpu.memory_space<vmem>>, vector<1x16xi32>,
      %get3A_585 = arith.constant 0 : i32
      %get3A_586 = arith.constant 0 : i32
      %get3A_587 = arith.index_cast %get3A_585 : i32 to index
      %get3A_588 = arith.index_cast %get3A_586 : i32 to index
      %get3A_589 = arith.constant 272 : index
      %get3A_590 = tpu.vector_load %arg11[%get3A_587, %get3A_588, %get3A_589] {strides = array<i32>} : memref<2x2x512xi32, #tpu.memory_space<vmem>>, vector<1x1x16xi32>,
      %get3A_591 = vector.shape_cast %get3A_590 : vector<1x1x16xi32> to vector<16xi32>
      %get3A_592 = arith.constant 0 : i32
      %get3A_593 = arith.constant 1 : i32
      %get3A_594 = arith.index_cast %get3A_592 : i32 to index
      %get3A_595 = arith.index_cast %get3A_593 : i32 to index
      %get3A_596 = arith.constant 272 : index
      %get3A_597 = tpu.vector_load %arg11[%get3A_594, %get3A_595, %get3A_596] {strides = array<i32>} : memref<2x2x512xi32, #tpu.memory_space<vmem>>, vector<1x1x16xi32>,
      %get3A_598 = vector.shape_cast %get3A_597 : vector<1x1x16xi32> to vector<16xi32>
      %eq3A_599 = arith.cmpi eq, %get3A_591, %get3A_598 : vector<16xi32>
      %jit3A_600 = arith.constant 10752 : i32
      %jit3A_601 = arith.constant 0 : i32
      %broadcast_in_dim3A_602 = vector.broadcast %jit3A_600 : i32 to vector<16xi32>
      %broadcast_in_dim3A_603 = vector.broadcast %jit3A_601 : i32 to vector<16xi32>
      %select_n3A_604 = arith.select %eq3A_599, %broadcast_in_dim3A_602, %broadcast_in_dim3A_603 : vector<16xi1>, vector<16xi32>
      %add3A_605 = arith.addi %get3A_598, %select_n3A_604 : vector<16xi32>
      %swap3A_606 = arith.constant 0 : i32
      %swap3A_607 = arith.index_cast %swap3A_606 : i32 to index
      %swap3A_608 = arith.constant 272 : index
      %swap3A_609 = tpu.vector_load %arg12[%swap3A_607, %swap3A_608] {strides = array<i32>} : memref<2x512xi32, #tpu.memory_space<vmem>>, vector<1x16xi32>,
      %swap3A_610 = vector.shape_cast %swap3A_609 : vector<1x16xi32> to vector<16xi32>
      %swap3A_611 = vector.shape_cast %add3A_605 : vector<16xi32> to vector<1x16xi32>
      tpu.vector_store %arg12[%swap3A_607, %swap3A_608], %swap3A_611 {strides = array<i32>} : memref<2x512xi32, #tpu.memory_space<vmem>>, vector<1x16xi32>,
      %get3A_612 = arith.constant 0 : i32
      %get3A_613 = arith.constant 0 : i32
      %get3A_614 = arith.index_cast %get3A_612 : i32 to index
      %get3A_615 = arith.index_cast %get3A_613 : i32 to index
      %get3A_616 = arith.constant 288 : index
      %get3A_617 = tpu.vector_load %arg11[%get3A_614, %get3A_615, %get3A_616] {strides = array<i32>} : memref<2x2x512xi32, #tpu.memory_space<vmem>>, vector<1x1x16xi32>,
      %get3A_618 = vector.shape_cast %get3A_617 : vector<1x1x16xi32> to vector<16xi32>
      %get3A_619 = arith.constant 0 : i32
      %get3A_620 = arith.constant 1 : i32
      %get3A_621 = arith.index_cast %get3A_619 : i32 to index
      %get3A_622 = arith.index_cast %get3A_620 : i32 to index
      %get3A_623 = arith.constant 288 : index
      %get3A_624 = tpu.vector_load %arg11[%get3A_621, %get3A_622, %get3A_623] {strides = array<i32>} : memref<2x2x512xi32, #tpu.memory_space<vmem>>, vector<1x1x16xi32>,
      %get3A_625 = vector.shape_cast %get3A_624 : vector<1x1x16xi32> to vector<16xi32>
      %eq3A_626 = arith.cmpi eq, %get3A_618, %get3A_625 : vector<16xi32>
      %jit3A_627 = arith.constant 10752 : i32
      %jit3A_628 = arith.constant 0 : i32
      %broadcast_in_dim3A_629 = vector.broadcast %jit3A_627 : i32 to vector<16xi32>
      %broadcast_in_dim3A_630 = vector.broadcast %jit3A_628 : i32 to vector<16xi32>
      %select_n3A_631 = arith.select %eq3A_626, %broadcast_in_dim3A_629, %broadcast_in_dim3A_630 : vector<16xi1>, vector<16xi32>
      %add3A_632 = arith.addi %get3A_625, %select_n3A_631 : vector<16xi32>
      %swap3A_633 = arith.constant 0 : i32
      %swap3A_634 = arith.index_cast %swap3A_633 : i32 to index
      %swap3A_635 = arith.constant 288 : index
      %swap3A_636 = tpu.vector_load %arg12[%swap3A_634, %swap3A_635] {strides = array<i32>} : memref<2x512xi32, #tpu.memory_space<vmem>>, vector<1x16xi32>,
      %swap3A_637 = vector.shape_cast %swap3A_636 : vector<1x16xi32> to vector<16xi32>
      %swap3A_638 = vector.shape_cast %add3A_632 : vector<16xi32> to vector<1x16xi32>
      tpu.vector_store %arg12[%swap3A_634, %swap3A_635], %swap3A_638 {strides = array<i32>} : memref<2x512xi32, #tpu.memory_space<vmem>>, vector<1x16xi32>,
      %get3A_639 = arith.constant 0 : i32
      %get3A_640 = arith.constant 0 : i32
      %get3A_641 = arith.index_cast %get3A_639 : i32 to index
      %get3A_642 = arith.index_cast %get3A_640 : i32 to index
      %get3A_643 = arith.constant 304 : index
      %get3A_644 = tpu.vector_load %arg11[%get3A_641, %get3A_642, %get3A_643] {strides = array<i32>} : memref<2x2x512xi32, #tpu.memory_space<vmem>>, vector<1x1x16xi32>,
      %get3A_645 = vector.shape_cast %get3A_644 : vector<1x1x16xi32> to vector<16xi32>
      %get3A_646 = arith.constant 0 : i32
      %get3A_647 = arith.constant 1 : i32
      %get3A_648 = arith.index_cast %get3A_646 : i32 to index
      %get3A_649 = arith.index_cast %get3A_647 : i32 to index
      %get3A_650 = arith.constant 304 : index
      %get3A_651 = tpu.vector_load %arg11[%get3A_648, %get3A_649, %get3A_650] {strides = array<i32>} : memref<2x2x512xi32, #tpu.memory_space<vmem>>, vector<1x1x16xi32>,
      %get3A_652 = vector.shape_cast %get3A_651 : vector<1x1x16xi32> to vector<16xi32>
      %eq3A_653 = arith.cmpi eq, %get3A_645, %get3A_652 : vector<16xi32>
      %jit3A_654 = arith.constant 10752 : i32
      %jit3A_655 = arith.constant 0 : i32
      %broadcast_in_dim3A_656 = vector.broadcast %jit3A_654 : i32 to vector<16xi32>
      %broadcast_in_dim3A_657 = vector.broadcast %jit3A_655 : i32 to vector<16xi32>
      %select_n3A_658 = arith.select %eq3A_653, %broadcast_in_dim3A_656, %broadcast_in_dim3A_657 : vector<16xi1>, vector<16xi32>
      %add3A_659 = arith.addi %get3A_652, %select_n3A_658 : vector<16xi32>
      %swap3A_660 = arith.constant 0 : i32
      %swap3A_661 = arith.index_cast %swap3A_660 : i32 to index
      %swap3A_662 = arith.constant 304 : index
      %swap3A_663 = tpu.vector_load %arg12[%swap3A_661, %swap3A_662] {strides = array<i32>} : memref<2x512xi32, #tpu.memory_space<vmem>>, vector<1x16xi32>,
      %swap3A_664 = vector.shape_cast %swap3A_663 : vector<1x16xi32> to vector<16xi32>
      %swap3A_665 = vector.shape_cast %add3A_659 : vector<16xi32> to vector<1x16xi32>
      tpu.vector_store %arg12[%swap3A_661, %swap3A_662], %swap3A_665 {strides = array<i32>} : memref<2x512xi32, #tpu.memory_space<vmem>>, vector<1x16xi32>,
      %get3A_666 = arith.constant 0 : i32
      %get3A_667 = arith.constant 0 : i32
      %get3A_668 = arith.index_cast %get3A_666 : i32 to index
      %get3A_669 = arith.index_cast %get3A_667 : i32 to index
      %get3A_670 = arith.constant 320 : index
      %get3A_671 = tpu.vector_load %arg11[%get3A_668, %get3A_669, %get3A_670] {strides = array<i32>} : memref<2x2x512xi32, #tpu.memory_space<vmem>>, vector<1x1x16xi32>,
      %get3A_672 = vector.shape_cast %get3A_671 : vector<1x1x16xi32> to vector<16xi32>
      %get3A_673 = arith.constant 0 : i32
      %get3A_674 = arith.constant 1 : i32
      %get3A_675 = arith.index_cast %get3A_673 : i32 to index
      %get3A_676 = arith.index_cast %get3A_674 : i32 to index
      %get3A_677 = arith.constant 320 : index
      %get3A_678 = tpu.vector_load %arg11[%get3A_675, %get3A_676, %get3A_677] {strides = array<i32>} : memref<2x2x512xi32, #tpu.memory_space<vmem>>, vector<1x1x16xi32>,
      %get3A_679 = vector.shape_cast %get3A_678 : vector<1x1x16xi32> to vector<16xi32>
      %eq3A_680 = arith.cmpi eq, %get3A_672, %get3A_679 : vector<16xi32>
      %jit3A_681 = arith.constant 10752 : i32
      %jit3A_682 = arith.constant 0 : i32
      %broadcast_in_dim3A_683 = vector.broadcast %jit3A_681 : i32 to vector<16xi32>
      %broadcast_in_dim3A_684 = vector.broadcast %jit3A_682 : i32 to vector<16xi32>
      %select_n3A_685 = arith.select %eq3A_680, %broadcast_in_dim3A_683, %broadcast_in_dim3A_684 : vector<16xi1>, vector<16xi32>
      %add3A_686 = arith.addi %get3A_679, %select_n3A_685 : vector<16xi32>
      %swap3A_687 = arith.constant 0 : i32
      %swap3A_688 = arith.index_cast %swap3A_687 : i32 to index
      %swap3A_689 = arith.constant 320 : index
      %swap3A_690 = tpu.vector_load %arg12[%swap3A_688, %swap3A_689] {strides = array<i32>} : memref<2x512xi32, #tpu.memory_space<vmem>>, vector<1x16xi32>,
      %swap3A_691 = vector.shape_cast %swap3A_690 : vector<1x16xi32> to vector<16xi32>
      %swap3A_692 = vector.shape_cast %add3A_686 : vector<16xi32> to vector<1x16xi32>
      tpu.vector_store %arg12[%swap3A_688, %swap3A_689], %swap3A_692 {strides = array<i32>} : memref<2x512xi32, #tpu.memory_space<vmem>>, vector<1x16xi32>,
      %get3A_693 = arith.constant 0 : i32
      %get3A_694 = arith.constant 0 : i32
      %get3A_695 = arith.index_cast %get3A_693 : i32 to index
      %get3A_696 = arith.index_cast %get3A_694 : i32 to index
      %get3A_697 = arith.constant 336 : index
      %get3A_698 = tpu.vector_load %arg11[%get3A_695, %get3A_696, %get3A_697] {strides = array<i32>} : memref<2x2x512xi32, #tpu.memory_space<vmem>>, vector<1x1x16xi32>,
      %get3A_699 = vector.shape_cast %get3A_698 : vector<1x1x16xi32> to vector<16xi32>
      %get3A_700 = arith.constant 0 : i32
      %get3A_701 = arith.constant 1 : i32
      %get3A_702 = arith.index_cast %get3A_700 : i32 to index
      %get3A_703 = arith.index_cast %get3A_701 : i32 to index
      %get3A_704 = arith.constant 336 : index
      %get3A_705 = tpu.vector_load %arg11[%get3A_702, %get3A_703, %get3A_704] {strides = array<i32>} : memref<2x2x512xi32, #tpu.memory_space<vmem>>, vector<1x1x16xi32>,
      %get3A_706 = vector.shape_cast %get3A_705 : vector<1x1x16xi32> to vector<16xi32>
      %eq3A_707 = arith.cmpi eq, %get3A_699, %get3A_706 : vector<16xi32>
      %jit3A_708 = arith.constant 10752 : i32
      %jit3A_709 = arith.constant 0 : i32
      %broadcast_in_dim3A_710 = vector.broadcast %jit3A_708 : i32 to vector<16xi32>
      %broadcast_in_dim3A_711 = vector.broadcast %jit3A_709 : i32 to vector<16xi32>
      %select_n3A_712 = arith.select %eq3A_707, %broadcast_in_dim3A_710, %broadcast_in_dim3A_711 : vector<16xi1>, vector<16xi32>
      %add3A_713 = arith.addi %get3A_706, %select_n3A_712 : vector<16xi32>
      %swap3A_714 = arith.constant 0 : i32
      %swap3A_715 = arith.index_cast %swap3A_714 : i32 to index
      %swap3A_716 = arith.constant 336 : index
      %swap3A_717 = tpu.vector_load %arg12[%swap3A_715, %swap3A_716] {strides = array<i32>} : memref<2x512xi32, #tpu.memory_space<vmem>>, vector<1x16xi32>,
      %swap3A_718 = vector.shape_cast %swap3A_717 : vector<1x16xi32> to vector<16xi32>
      %swap3A_719 = vector.shape_cast %add3A_713 : vector<16xi32> to vector<1x16xi32>
      tpu.vector_store %arg12[%swap3A_715, %swap3A_716], %swap3A_719 {strides = array<i32>} : memref<2x512xi32, #tpu.memory_space<vmem>>, vector<1x16xi32>,
      %get3A_720 = arith.constant 0 : i32
      %get3A_721 = arith.constant 0 : i32
      %get3A_722 = arith.index_cast %get3A_720 : i32 to index
      %get3A_723 = arith.index_cast %get3A_721 : i32 to index
      %get3A_724 = arith.constant 352 : index
      %get3A_725 = tpu.vector_load %arg11[%get3A_722, %get3A_723, %get3A_724] {strides = array<i32>} : memref<2x2x512xi32, #tpu.memory_space<vmem>>, vector<1x1x16xi32>,
      %get3A_726 = vector.shape_cast %get3A_725 : vector<1x1x16xi32> to vector<16xi32>
      %get3A_727 = arith.constant 0 : i32
      %get3A_728 = arith.constant 1 : i32
      %get3A_729 = arith.index_cast %get3A_727 : i32 to index
      %get3A_730 = arith.index_cast %get3A_728 : i32 to index
      %get3A_731 = arith.constant 352 : index
      %get3A_732 = tpu.vector_load %arg11[%get3A_729, %get3A_730, %get3A_731] {strides = array<i32>} : memref<2x2x512xi32, #tpu.memory_space<vmem>>, vector<1x1x16xi32>,
      %get3A_733 = vector.shape_cast %get3A_732 : vector<1x1x16xi32> to vector<16xi32>
      %eq3A_734 = arith.cmpi eq, %get3A_726, %get3A_733 : vector<16xi32>
      %jit3A_735 = arith.constant 10752 : i32
      %jit3A_736 = arith.constant 0 : i32
      %broadcast_in_dim3A_737 = vector.broadcast %jit3A_735 : i32 to vector<16xi32>
      %broadcast_in_dim3A_738 = vector.broadcast %jit3A_736 : i32 to vector<16xi32>
      %select_n3A_739 = arith.select %eq3A_734, %broadcast_in_dim3A_737, %broadcast_in_dim3A_738 : vector<16xi1>, vector<16xi32>
      %add3A_740 = arith.addi %get3A_733, %select_n3A_739 : vector<16xi32>
      %swap3A_741 = arith.constant 0 : i32
      %swap3A_742 = arith.index_cast %swap3A_741 : i32 to index
      %swap3A_743 = arith.constant 352 : index
      %swap3A_744 = tpu.vector_load %arg12[%swap3A_742, %swap3A_743] {strides = array<i32>} : memref<2x512xi32, #tpu.memory_space<vmem>>, vector<1x16xi32>,
      %swap3A_745 = vector.shape_cast %swap3A_744 : vector<1x16xi32> to vector<16xi32>
      %swap3A_746 = vector.shape_cast %add3A_740 : vector<16xi32> to vector<1x16xi32>
      tpu.vector_store %arg12[%swap3A_742, %swap3A_743], %swap3A_746 {strides = array<i32>} : memref<2x512xi32, #tpu.memory_space<vmem>>, vector<1x16xi32>,
      %get3A_747 = arith.constant 0 : i32
      %get3A_748 = arith.constant 0 : i32
      %get3A_749 = arith.index_cast %get3A_747 : i32 to index
      %get3A_750 = arith.index_cast %get3A_748 : i32 to index
      %get3A_751 = arith.constant 368 : index
      %get3A_752 = tpu.vector_load %arg11[%get3A_749, %get3A_750, %get3A_751] {strides = array<i32>} : memref<2x2x512xi32, #tpu.memory_space<vmem>>, vector<1x1x16xi32>,
      %get3A_753 = vector.shape_cast %get3A_752 : vector<1x1x16xi32> to vector<16xi32>
      %get3A_754 = arith.constant 0 : i32
      %get3A_755 = arith.constant 1 : i32
      %get3A_756 = arith.index_cast %get3A_754 : i32 to index
      %get3A_757 = arith.index_cast %get3A_755 : i32 to index
      %get3A_758 = arith.constant 368 : index
      %get3A_759 = tpu.vector_load %arg11[%get3A_756, %get3A_757, %get3A_758] {strides = array<i32>} : memref<2x2x512xi32, #tpu.memory_space<vmem>>, vector<1x1x16xi32>,
      %get3A_760 = vector.shape_cast %get3A_759 : vector<1x1x16xi32> to vector<16xi32>
      %eq3A_761 = arith.cmpi eq, %get3A_753, %get3A_760 : vector<16xi32>
      %jit3A_762 = arith.constant 10752 : i32
      %jit3A_763 = arith.constant 0 : i32
      %broadcast_in_dim3A_764 = vector.broadcast %jit3A_762 : i32 to vector<16xi32>
      %broadcast_in_dim3A_765 = vector.broadcast %jit3A_763 : i32 to vector<16xi32>
      %select_n3A_766 = arith.select %eq3A_761, %broadcast_in_dim3A_764, %broadcast_in_dim3A_765 : vector<16xi1>, vector<16xi32>
      %add3A_767 = arith.addi %get3A_760, %select_n3A_766 : vector<16xi32>
      %swap3A_768 = arith.constant 0 : i32
      %swap3A_769 = arith.index_cast %swap3A_768 : i32 to index
      %swap3A_770 = arith.constant 368 : index
      %swap3A_771 = tpu.vector_load %arg12[%swap3A_769, %swap3A_770] {strides = array<i32>} : memref<2x512xi32, #tpu.memory_space<vmem>>, vector<1x16xi32>,
      %swap3A_772 = vector.shape_cast %swap3A_771 : vector<1x16xi32> to vector<16xi32>
      %swap3A_773 = vector.shape_cast %add3A_767 : vector<16xi32> to vector<1x16xi32>
      tpu.vector_store %arg12[%swap3A_769, %swap3A_770], %swap3A_773 {strides = array<i32>} : memref<2x512xi32, #tpu.memory_space<vmem>>, vector<1x16xi32>,
      %get3A_774 = arith.constant 0 : i32
      %get3A_775 = arith.constant 0 : i32
      %get3A_776 = arith.index_cast %get3A_774 : i32 to index
      %get3A_777 = arith.index_cast %get3A_775 : i32 to index
      %get3A_778 = arith.constant 384 : index
      %get3A_779 = tpu.vector_load %arg11[%get3A_776, %get3A_777, %get3A_778] {strides = array<i32>} : memref<2x2x512xi32, #tpu.memory_space<vmem>>, vector<1x1x16xi32>,
      %get3A_780 = vector.shape_cast %get3A_779 : vector<1x1x16xi32> to vector<16xi32>
      %get3A_781 = arith.constant 0 : i32
      %get3A_782 = arith.constant 1 : i32
      %get3A_783 = arith.index_cast %get3A_781 : i32 to index
      %get3A_784 = arith.index_cast %get3A_782 : i32 to index
      %get3A_785 = arith.constant 384 : index
      %get3A_786 = tpu.vector_load %arg11[%get3A_783, %get3A_784, %get3A_785] {strides = array<i32>} : memref<2x2x512xi32, #tpu.memory_space<vmem>>, vector<1x1x16xi32>,
      %get3A_787 = vector.shape_cast %get3A_786 : vector<1x1x16xi32> to vector<16xi32>
      %eq3A_788 = arith.cmpi eq, %get3A_780, %get3A_787 : vector<16xi32>
      %jit3A_789 = arith.constant 10752 : i32
      %jit3A_790 = arith.constant 0 : i32
      %broadcast_in_dim3A_791 = vector.broadcast %jit3A_789 : i32 to vector<16xi32>
      %broadcast_in_dim3A_792 = vector.broadcast %jit3A_790 : i32 to vector<16xi32>
      %select_n3A_793 = arith.select %eq3A_788, %broadcast_in_dim3A_791, %broadcast_in_dim3A_792 : vector<16xi1>, vector<16xi32>
      %add3A_794 = arith.addi %get3A_787, %select_n3A_793 : vector<16xi32>
      %swap3A_795 = arith.constant 0 : i32
      %swap3A_796 = arith.index_cast %swap3A_795 : i32 to index
      %swap3A_797 = arith.constant 384 : index
      %swap3A_798 = tpu.vector_load %arg12[%swap3A_796, %swap3A_797] {strides = array<i32>} : memref<2x512xi32, #tpu.memory_space<vmem>>, vector<1x16xi32>,
      %swap3A_799 = vector.shape_cast %swap3A_798 : vector<1x16xi32> to vector<16xi32>
      %swap3A_800 = vector.shape_cast %add3A_794 : vector<16xi32> to vector<1x16xi32>
      tpu.vector_store %arg12[%swap3A_796, %swap3A_797], %swap3A_800 {strides = array<i32>} : memref<2x512xi32, #tpu.memory_space<vmem>>, vector<1x16xi32>,
      %get3A_801 = arith.constant 0 : i32
      %get3A_802 = arith.constant 0 : i32
      %get3A_803 = arith.index_cast %get3A_801 : i32 to index
      %get3A_804 = arith.index_cast %get3A_802 : i32 to index
      %get3A_805 = arith.constant 400 : index
      %get3A_806 = tpu.vector_load %arg11[%get3A_803, %get3A_804, %get3A_805] {strides = array<i32>} : memref<2x2x512xi32, #tpu.memory_space<vmem>>, vector<1x1x16xi32>,
      %get3A_807 = vector.shape_cast %get3A_806 : vector<1x1x16xi32> to vector<16xi32>
      %get3A_808 = arith.constant 0 : i32
      %get3A_809 = arith.constant 1 : i32
      %get3A_810 = arith.index_cast %get3A_808 : i32 to index
      %get3A_811 = arith.index_cast %get3A_809 : i32 to index
      %get3A_812 = arith.constant 400 : index
      %get3A_813 = tpu.vector_load %arg11[%get3A_810, %get3A_811, %get3A_812] {strides = array<i32>} : memref<2x2x512xi32, #tpu.memory_space<vmem>>, vector<1x1x16xi32>,
      %get3A_814 = vector.shape_cast %get3A_813 : vector<1x1x16xi32> to vector<16xi32>
      %eq3A_815 = arith.cmpi eq, %get3A_807, %get3A_814 : vector<16xi32>
      %jit3A_816 = arith.constant 10752 : i32
      %jit3A_817 = arith.constant 0 : i32
      %broadcast_in_dim3A_818 = vector.broadcast %jit3A_816 : i32 to vector<16xi32>
      %broadcast_in_dim3A_819 = vector.broadcast %jit3A_817 : i32 to vector<16xi32>
      %select_n3A_820 = arith.select %eq3A_815, %broadcast_in_dim3A_818, %broadcast_in_dim3A_819 : vector<16xi1>, vector<16xi32>
      %add3A_821 = arith.addi %get3A_814, %select_n3A_820 : vector<16xi32>
      %swap3A_822 = arith.constant 0 : i32
      %swap3A_823 = arith.index_cast %swap3A_822 : i32 to index
      %swap3A_824 = arith.constant 400 : index
      %swap3A_825 = tpu.vector_load %arg12[%swap3A_823, %swap3A_824] {strides = array<i32>} : memref<2x512xi32, #tpu.memory_space<vmem>>, vector<1x16xi32>,
      %swap3A_826 = vector.shape_cast %swap3A_825 : vector<1x16xi32> to vector<16xi32>
      %swap3A_827 = vector.shape_cast %add3A_821 : vector<16xi32> to vector<1x16xi32>
      tpu.vector_store %arg12[%swap3A_823, %swap3A_824], %swap3A_827 {strides = array<i32>} : memref<2x512xi32, #tpu.memory_space<vmem>>, vector<1x16xi32>,
      %get3A_828 = arith.constant 0 : i32
      %get3A_829 = arith.constant 0 : i32
      %get3A_830 = arith.index_cast %get3A_828 : i32 to index
      %get3A_831 = arith.index_cast %get3A_829 : i32 to index
      %get3A_832 = arith.constant 416 : index
      %get3A_833 = tpu.vector_load %arg11[%get3A_830, %get3A_831, %get3A_832] {strides = array<i32>} : memref<2x2x512xi32, #tpu.memory_space<vmem>>, vector<1x1x16xi32>,
      %get3A_834 = vector.shape_cast %get3A_833 : vector<1x1x16xi32> to vector<16xi32>
      %get3A_835 = arith.constant 0 : i32
      %get3A_836 = arith.constant 1 : i32
      %get3A_837 = arith.index_cast %get3A_835 : i32 to index
      %get3A_838 = arith.index_cast %get3A_836 : i32 to index
      %get3A_839 = arith.constant 416 : index
      %get3A_840 = tpu.vector_load %arg11[%get3A_837, %get3A_838, %get3A_839] {strides = array<i32>} : memref<2x2x512xi32, #tpu.memory_space<vmem>>, vector<1x1x16xi32>,
      %get3A_841 = vector.shape_cast %get3A_840 : vector<1x1x16xi32> to vector<16xi32>
      %eq3A_842 = arith.cmpi eq, %get3A_834, %get3A_841 : vector<16xi32>
      %jit3A_843 = arith.constant 10752 : i32
      %jit3A_844 = arith.constant 0 : i32
      %broadcast_in_dim3A_845 = vector.broadcast %jit3A_843 : i32 to vector<16xi32>
      %broadcast_in_dim3A_846 = vector.broadcast %jit3A_844 : i32 to vector<16xi32>
      %select_n3A_847 = arith.select %eq3A_842, %broadcast_in_dim3A_845, %broadcast_in_dim3A_846 : vector<16xi1>, vector<16xi32>
      %add3A_848 = arith.addi %get3A_841, %select_n3A_847 : vector<16xi32>
      %swap3A_849 = arith.constant 0 : i32
      %swap3A_850 = arith.index_cast %swap3A_849 : i32 to index
      %swap3A_851 = arith.constant 416 : index
      %swap3A_852 = tpu.vector_load %arg12[%swap3A_850, %swap3A_851] {strides = array<i32>} : memref<2x512xi32, #tpu.memory_space<vmem>>, vector<1x16xi32>,
      %swap3A_853 = vector.shape_cast %swap3A_852 : vector<1x16xi32> to vector<16xi32>
      %swap3A_854 = vector.shape_cast %add3A_848 : vector<16xi32> to vector<1x16xi32>
      tpu.vector_store %arg12[%swap3A_850, %swap3A_851], %swap3A_854 {strides = array<i32>} : memref<2x512xi32, #tpu.memory_space<vmem>>, vector<1x16xi32>,
      %get3A_855 = arith.constant 0 : i32
      %get3A_856 = arith.constant 0 : i32
      %get3A_857 = arith.index_cast %get3A_855 : i32 to index
      %get3A_858 = arith.index_cast %get3A_856 : i32 to index
      %get3A_859 = arith.constant 432 : index
      %get3A_860 = tpu.vector_load %arg11[%get3A_857, %get3A_858, %get3A_859] {strides = array<i32>} : memref<2x2x512xi32, #tpu.memory_space<vmem>>, vector<1x1x16xi32>,
      %get3A_861 = vector.shape_cast %get3A_860 : vector<1x1x16xi32> to vector<16xi32>
      %get3A_862 = arith.constant 0 : i32
      %get3A_863 = arith.constant 1 : i32
      %get3A_864 = arith.index_cast %get3A_862 : i32 to index
      %get3A_865 = arith.index_cast %get3A_863 : i32 to index
      %get3A_866 = arith.constant 432 : index
      %get3A_867 = tpu.vector_load %arg11[%get3A_864, %get3A_865, %get3A_866] {strides = array<i32>} : memref<2x2x512xi32, #tpu.memory_space<vmem>>, vector<1x1x16xi32>,
      %get3A_868 = vector.shape_cast %get3A_867 : vector<1x1x16xi32> to vector<16xi32>
      %eq3A_869 = arith.cmpi eq, %get3A_861, %get3A_868 : vector<16xi32>
      %jit3A_870 = arith.constant 10752 : i32
      %jit3A_871 = arith.constant 0 : i32
      %broadcast_in_dim3A_872 = vector.broadcast %jit3A_870 : i32 to vector<16xi32>
      %broadcast_in_dim3A_873 = vector.broadcast %jit3A_871 : i32 to vector<16xi32>
      %select_n3A_874 = arith.select %eq3A_869, %broadcast_in_dim3A_872, %broadcast_in_dim3A_873 : vector<16xi1>, vector<16xi32>
      %add3A_875 = arith.addi %get3A_868, %select_n3A_874 : vector<16xi32>
      %swap3A_876 = arith.constant 0 : i32
      %swap3A_877 = arith.index_cast %swap3A_876 : i32 to index
      %swap3A_878 = arith.constant 432 : index
      %swap3A_879 = tpu.vector_load %arg12[%swap3A_877, %swap3A_878] {strides = array<i32>} : memref<2x512xi32, #tpu.memory_space<vmem>>, vector<1x16xi32>,
      %swap3A_880 = vector.shape_cast %swap3A_879 : vector<1x16xi32> to vector<16xi32>
      %swap3A_881 = vector.shape_cast %add3A_875 : vector<16xi32> to vector<1x16xi32>
      tpu.vector_store %arg12[%swap3A_877, %swap3A_878], %swap3A_881 {strides = array<i32>} : memref<2x512xi32, #tpu.memory_space<vmem>>, vector<1x16xi32>,
      %get3A_882 = arith.constant 0 : i32
      %get3A_883 = arith.constant 0 : i32
      %get3A_884 = arith.index_cast %get3A_882 : i32 to index
      %get3A_885 = arith.index_cast %get3A_883 : i32 to index
      %get3A_886 = arith.constant 448 : index
      %get3A_887 = tpu.vector_load %arg11[%get3A_884, %get3A_885, %get3A_886] {strides = array<i32>} : memref<2x2x512xi32, #tpu.memory_space<vmem>>, vector<1x1x16xi32>,
      %get3A_888 = vector.shape_cast %get3A_887 : vector<1x1x16xi32> to vector<16xi32>
      %get3A_889 = arith.constant 0 : i32
      %get3A_890 = arith.constant 1 : i32
      %get3A_891 = arith.index_cast %get3A_889 : i32 to index
      %get3A_892 = arith.index_cast %get3A_890 : i32 to index
      %get3A_893 = arith.constant 448 : index
      %get3A_894 = tpu.vector_load %arg11[%get3A_891, %get3A_892, %get3A_893] {strides = array<i32>} : memref<2x2x512xi32, #tpu.memory_space<vmem>>, vector<1x1x16xi32>,
      %get3A_895 = vector.shape_cast %get3A_894 : vector<1x1x16xi32> to vector<16xi32>
      %eq3A_896 = arith.cmpi eq, %get3A_888, %get3A_895 : vector<16xi32>
      %jit3A_897 = arith.constant 10752 : i32
      %jit3A_898 = arith.constant 0 : i32
      %broadcast_in_dim3A_899 = vector.broadcast %jit3A_897 : i32 to vector<16xi32>
      %broadcast_in_dim3A_900 = vector.broadcast %jit3A_898 : i32 to vector<16xi32>
      %select_n3A_901 = arith.select %eq3A_896, %broadcast_in_dim3A_899, %broadcast_in_dim3A_900 : vector<16xi1>, vector<16xi32>
      %add3A_902 = arith.addi %get3A_895, %select_n3A_901 : vector<16xi32>
      %swap3A_903 = arith.constant 0 : i32
      %swap3A_904 = arith.index_cast %swap3A_903 : i32 to index
      %swap3A_905 = arith.constant 448 : index
      %swap3A_906 = tpu.vector_load %arg12[%swap3A_904, %swap3A_905] {strides = array<i32>} : memref<2x512xi32, #tpu.memory_space<vmem>>, vector<1x16xi32>,
      %swap3A_907 = vector.shape_cast %swap3A_906 : vector<1x16xi32> to vector<16xi32>
      %swap3A_908 = vector.shape_cast %add3A_902 : vector<16xi32> to vector<1x16xi32>
      tpu.vector_store %arg12[%swap3A_904, %swap3A_905], %swap3A_908 {strides = array<i32>} : memref<2x512xi32, #tpu.memory_space<vmem>>, vector<1x16xi32>,
      %get3A_909 = arith.constant 0 : i32
      %get3A_910 = arith.constant 0 : i32
      %get3A_911 = arith.index_cast %get3A_909 : i32 to index
      %get3A_912 = arith.index_cast %get3A_910 : i32 to index
      %get3A_913 = arith.constant 464 : index
      %get3A_914 = tpu.vector_load %arg11[%get3A_911, %get3A_912, %get3A_913] {strides = array<i32>} : memref<2x2x512xi32, #tpu.memory_space<vmem>>, vector<1x1x16xi32>,
      %get3A_915 = vector.shape_cast %get3A_914 : vector<1x1x16xi32> to vector<16xi32>
      %get3A_916 = arith.constant 0 : i32
      %get3A_917 = arith.constant 1 : i32
      %get3A_918 = arith.index_cast %get3A_916 : i32 to index
      %get3A_919 = arith.index_cast %get3A_917 : i32 to index
      %get3A_920 = arith.constant 464 : index
      %get3A_921 = tpu.vector_load %arg11[%get3A_918, %get3A_919, %get3A_920] {strides = array<i32>} : memref<2x2x512xi32, #tpu.memory_space<vmem>>, vector<1x1x16xi32>,
      %get3A_922 = vector.shape_cast %get3A_921 : vector<1x1x16xi32> to vector<16xi32>
      %eq3A_923 = arith.cmpi eq, %get3A_915, %get3A_922 : vector<16xi32>
      %jit3A_924 = arith.constant 10752 : i32
      %jit3A_925 = arith.constant 0 : i32
      %broadcast_in_dim3A_926 = vector.broadcast %jit3A_924 : i32 to vector<16xi32>
      %broadcast_in_dim3A_927 = vector.broadcast %jit3A_925 : i32 to vector<16xi32>
      %select_n3A_928 = arith.select %eq3A_923, %broadcast_in_dim3A_926, %broadcast_in_dim3A_927 : vector<16xi1>, vector<16xi32>
      %add3A_929 = arith.addi %get3A_922, %select_n3A_928 : vector<16xi32>
      %swap3A_930 = arith.constant 0 : i32
      %swap3A_931 = arith.index_cast %swap3A_930 : i32 to index
      %swap3A_932 = arith.constant 464 : index
      %swap3A_933 = tpu.vector_load %arg12[%swap3A_931, %swap3A_932] {strides = array<i32>} : memref<2x512xi32, #tpu.memory_space<vmem>>, vector<1x16xi32>,
      %swap3A_934 = vector.shape_cast %swap3A_933 : vector<1x16xi32> to vector<16xi32>
      %swap3A_935 = vector.shape_cast %add3A_929 : vector<16xi32> to vector<1x16xi32>
      tpu.vector_store %arg12[%swap3A_931, %swap3A_932], %swap3A_935 {strides = array<i32>} : memref<2x512xi32, #tpu.memory_space<vmem>>, vector<1x16xi32>,
      %get3A_936 = arith.constant 0 : i32
      %get3A_937 = arith.constant 0 : i32
      %get3A_938 = arith.index_cast %get3A_936 : i32 to index
      %get3A_939 = arith.index_cast %get3A_937 : i32 to index
      %get3A_940 = arith.constant 480 : index
      %get3A_941 = tpu.vector_load %arg11[%get3A_938, %get3A_939, %get3A_940] {strides = array<i32>} : memref<2x2x512xi32, #tpu.memory_space<vmem>>, vector<1x1x16xi32>,
      %get3A_942 = vector.shape_cast %get3A_941 : vector<1x1x16xi32> to vector<16xi32>
      %get3A_943 = arith.constant 0 : i32
      %get3A_944 = arith.constant 1 : i32
      %get3A_945 = arith.index_cast %get3A_943 : i32 to index
      %get3A_946 = arith.index_cast %get3A_944 : i32 to index
      %get3A_947 = arith.constant 480 : index
      %get3A_948 = tpu.vector_load %arg11[%get3A_945, %get3A_946, %get3A_947] {strides = array<i32>} : memref<2x2x512xi32, #tpu.memory_space<vmem>>, vector<1x1x16xi32>,
      %get3A_949 = vector.shape_cast %get3A_948 : vector<1x1x16xi32> to vector<16xi32>
      %eq3A_950 = arith.cmpi eq, %get3A_942, %get3A_949 : vector<16xi32>
      %jit3A_951 = arith.constant 10752 : i32
      %jit3A_952 = arith.constant 0 : i32
      %broadcast_in_dim3A_953 = vector.broadcast %jit3A_951 : i32 to vector<16xi32>
      %broadcast_in_dim3A_954 = vector.broadcast %jit3A_952 : i32 to vector<16xi32>
      %select_n3A_955 = arith.select %eq3A_950, %broadcast_in_dim3A_953, %broadcast_in_dim3A_954 : vector<16xi1>, vector<16xi32>
      %add3A_956 = arith.addi %get3A_949, %select_n3A_955 : vector<16xi32>
      %swap3A_957 = arith.constant 0 : i32
      %swap3A_958 = arith.index_cast %swap3A_957 : i32 to index
      %swap3A_959 = arith.constant 480 : index
      %swap3A_960 = tpu.vector_load %arg12[%swap3A_958, %swap3A_959] {strides = array<i32>} : memref<2x512xi32, #tpu.memory_space<vmem>>, vector<1x16xi32>,
      %swap3A_961 = vector.shape_cast %swap3A_960 : vector<1x16xi32> to vector<16xi32>
      %swap3A_962 = vector.shape_cast %add3A_956 : vector<16xi32> to vector<1x16xi32>
      tpu.vector_store %arg12[%swap3A_958, %swap3A_959], %swap3A_962 {strides = array<i32>} : memref<2x512xi32, #tpu.memory_space<vmem>>, vector<1x16xi32>,
      %get3A_963 = arith.constant 0 : i32
      %get3A_964 = arith.constant 0 : i32
      %get3A_965 = arith.index_cast %get3A_963 : i32 to index
      %get3A_966 = arith.index_cast %get3A_964 : i32 to index
      %get3A_967 = arith.constant 496 : index
      %get3A_968 = tpu.vector_load %arg11[%get3A_965, %get3A_966, %get3A_967] {strides = array<i32>} : memref<2x2x512xi32, #tpu.memory_space<vmem>>, vector<1x1x16xi32>,
      %get3A_969 = vector.shape_cast %get3A_968 : vector<1x1x16xi32> to vector<16xi32>
      %get3A_970 = arith.constant 0 : i32
      %get3A_971 = arith.constant 1 : i32
      %get3A_972 = arith.index_cast %get3A_970 : i32 to index
      %get3A_973 = arith.index_cast %get3A_971 : i32 to index
      %get3A_974 = arith.constant 496 : index
      %get3A_975 = tpu.vector_load %arg11[%get3A_972, %get3A_973, %get3A_974] {strides = array<i32>} : memref<2x2x512xi32, #tpu.memory_space<vmem>>, vector<1x1x16xi32>,
      %get3A_976 = vector.shape_cast %get3A_975 : vector<1x1x16xi32> to vector<16xi32>
      %eq3A_977 = arith.cmpi eq, %get3A_969, %get3A_976 : vector<16xi32>
      %jit3A_978 = arith.constant 10752 : i32
      %jit3A_979 = arith.constant 0 : i32
      %broadcast_in_dim3A_980 = vector.broadcast %jit3A_978 : i32 to vector<16xi32>
      %broadcast_in_dim3A_981 = vector.broadcast %jit3A_979 : i32 to vector<16xi32>
      %select_n3A_982 = arith.select %eq3A_977, %broadcast_in_dim3A_980, %broadcast_in_dim3A_981 : vector<16xi1>, vector<16xi32>
      %add3A_983 = arith.addi %get3A_976, %select_n3A_982 : vector<16xi32>
      %swap3A_984 = arith.constant 0 : i32
      %swap3A_985 = arith.index_cast %swap3A_984 : i32 to index
      %swap3A_986 = arith.constant 496 : index
      %swap3A_987 = tpu.vector_load %arg12[%swap3A_985, %swap3A_986] {strides = array<i32>} : memref<2x512xi32, #tpu.memory_space<vmem>>, vector<1x16xi32>,
      %swap3A_988 = vector.shape_cast %swap3A_987 : vector<1x16xi32> to vector<16xi32>
      %swap3A_989 = vector.shape_cast %add3A_983 : vector<16xi32> to vector<1x16xi32>
      tpu.vector_store %arg12[%swap3A_985, %swap3A_986], %swap3A_989 {strides = array<i32>} : memref<2x512xi32, #tpu.memory_space<vmem>>, vector<1x16xi32>,
      %dma_wait3A_990 = arith.constant 0 : i32
      %dma_wait3A_991 = arith.constant 0 : i32
      %dma_wait3A_992 = arith.constant 0 : i32
      %dma_wait3A_993 = arith.constant 0 : i32
      %dma_wait3A_994 = arith.constant 0 : i32
      %dma_wait3A_995 = tpu.memref_slice %arg13[%dma_wait3A_992, %dma_wait3A_993, %dma_wait3A_994] : memref<2x512x32xf32, #tpu.memory_space<vmem>> -> memref<1x512x32xf32, #tpu.memory_space<vmem>>
      %dma_wait3A_996 = tpu.memref_squeeze %dma_wait3A_995 : memref<1x512x32xf32, #tpu.memory_space<vmem>> -> memref<512x32xf32, #tpu.memory_space<vmem>>
      %dma_wait3A_997 = arith.constant 0 : i32
      %dma_wait3A_998 = tpu.memref_slice %arg11[%dma_wait3A_990, %dma_wait3A_991, %dma_wait3A_997] : memref<2x2x512xi32, #tpu.memory_space<vmem>> -> memref<1x1x512xi32, #tpu.memory_space<vmem>>
      %dma_wait3A_999 = tpu.memref_squeeze %dma_wait3A_998 : memref<1x1x512xi32, #tpu.memory_space<vmem>> -> memref<512xi32, #tpu.memory_space<vmem>>
      %dma_wait3A_1000 = arith.constant 0 : i32
      %dma_wait3A_1001 = arith.constant 0 : i32
      %dma_wait3A_1002 = tpu.memref_slice %arg2[%dma_wait3A_1000, %dma_wait3A_1001] : memref<10752x32xf32, #tpu.memory_space<hbm>> -> memref<10752x32xf32, #tpu.memory_space<hbm>>
      tpu.wait_indirect_dma semaphore(%arg17 : memref<!tpu.dma_semaphore, #tpu.memory_space<semaphore_mem>>) src(%dma_wait3A_1002 : memref<10752x32xf32, #tpu.memory_space<hbm>>) dst(%dma_wait3A_996 : memref<512x32xf32, #tpu.memory_space<vmem>>)
      %dma_start3A_1003 = arith.constant 0 : i32
      %dma_start3A_1004 = arith.constant 0 : i32
      %dma_start3A_1005 = arith.constant 1 : i32
      %dma_start3A_1006 = arith.constant 0 : i32
      %dma_start3A_1007 = arith.constant 0 : i32
      %dma_start3A_1008 = tpu.memref_slice %arg13[%dma_start3A_1003, %dma_start3A_1006, %dma_start3A_1007] : memref<2x512x32xf32, #tpu.memory_space<vmem>> -> memref<1x512x32xf32, #tpu.memory_space<vmem>>
      %dma_start3A_1009 = tpu.memref_squeeze %dma_start3A_1008 : memref<1x512x32xf32, #tpu.memory_space<vmem>> -> memref<512x32xf32, #tpu.memory_space<vmem>>
      %dma_start3A_1010 = arith.constant 0 : i32
      %dma_start3A_1011 = tpu.memref_slice %arg11[%dma_start3A_1004, %dma_start3A_1005, %dma_start3A_1010] : memref<2x2x512xi32, #tpu.memory_space<vmem>> -> memref<1x1x512xi32, #tpu.memory_space<vmem>>
      %dma_start3A_1012 = tpu.memref_squeeze %dma_start3A_1011 : memref<1x1x512xi32, #tpu.memory_space<vmem>> -> memref<512xi32, #tpu.memory_space<vmem>>
      %dma_start3A_1013 = arith.constant 0 : i32
      %dma_start3A_1014 = arith.constant 0 : i32
      %dma_start3A_1015 = tpu.memref_slice %arg9[%dma_start3A_1013, %dma_start3A_1014] : memref<10752x32xf32, #tpu.memory_space<vmem_shared>> -> memref<10752x32xf32, #tpu.memory_space<vmem_shared>>
      tpu.enqueue_indirect_dma source(%dma_start3A_1009 : memref<512x32xf32, #tpu.memory_space<vmem>>) target(%dma_start3A_1015 : memref<10752x32xf32, #tpu.memory_space<vmem_shared>>) offsets(%dma_start3A_1012 : memref<512xi32, #tpu.memory_space<vmem>>) semaphore(%arg19 : memref<!tpu.dma_semaphore, #tpu.memory_space<semaphore_mem>>) {add = true}
      %dma_start3A_1016 = arith.constant 0 : i32
      %dma_start3A_1017 = arith.constant 0 : i32
      %dma_start3A_1018 = tpu.memref_slice %arg12[%dma_start3A_1016, %dma_start3A_1017] : memref<2x512xi32, #tpu.memory_space<vmem>> -> memref<1x512xi32, #tpu.memory_space<vmem>>
      %dma_start3A_1019 = tpu.memref_squeeze %dma_start3A_1018 : memref<1x512xi32, #tpu.memory_space<vmem>> -> memref<512xi32, #tpu.memory_space<vmem>>
      %dma_start3A_1020 = arith.constant 0 : i32
      %dma_start3A_1021 = arith.constant 0 : i32
      %dma_start3A_1022 = tpu.memref_slice %arg10[%dma_start3A_1020, %dma_start3A_1021] : memref<21504x16xf32, #tpu.memory_space<vmem_shared>> -> memref<21504x16xf32, #tpu.memory_space<vmem_shared>>
      tpu.enqueue_indirect_dma source(%arg14 : memref<512x16xf32, #tpu.memory_space<vmem>>) target(%dma_start3A_1022 : memref<21504x16xf32, #tpu.memory_space<vmem_shared>>) offsets(%dma_start3A_1019 : memref<512xi32, #tpu.memory_space<vmem>>) semaphore(%arg21 : memref<!tpu.dma_semaphore, #tpu.memory_space<semaphore_mem>>) {add = true}
      %mul3A_1023 = arith.constant 2 : i32
      %mul3A_1024 = arith.muli %add3A_75, %mul3A_1023 : i32
      %add3A_1025 = arith.constant 1 : i32
      %add3A_1026 = arith.addi %mul3A_1024, %add3A_1025 : i32
      %add3A_1027 = arith.addi %select_n3A, %add3A_1026 : i32
      %gt3A_1028 = arith.constant 0 : i32
      %gt3A_1029 = arith.cmpi sgt, %add3A_75, %gt3A_1028 : i32
      %convert_element_type3A_1030 = arith.extui %gt3A_1029 : i1 to i32
      %cond3A_1031 = arith.constant 0 : i32
      %cond3A_1032 = arith.cmpi ne, %convert_element_type3A_1030, %cond3A_1031 : i32
      scf.if %cond3A_1032 {
        %dma_wait3A_1977 = arith.constant 1 : i32
        %dma_wait3A_1978 = arith.constant 1 : i32
        %dma_wait3A_1979 = arith.constant 1 : i32
        %dma_wait3A_1980 = arith.constant 0 : i32
        %dma_wait3A_1981 = arith.constant 0 : i32
        %dma_wait3A_1982 = tpu.memref_slice %arg13[%dma_wait3A_1977, %dma_wait3A_1980, %dma_wait3A_1981] : memref<2x512x32xf32, #tpu.memory_space<vmem>> -> memref<1x512x32xf32, #tpu.memory_space<vmem>>
        %dma_wait3A_1983 = tpu.memref_squeeze %dma_wait3A_1982 : memref<1x512x32xf32, #tpu.memory_space<vmem>> -> memref<512x32xf32, #tpu.memory_space<vmem>>
        %dma_wait3A_1984 = arith.constant 0 : i32
        %dma_wait3A_1985 = tpu.memref_slice %arg11[%dma_wait3A_1978, %dma_wait3A_1979, %dma_wait3A_1984] : memref<2x2x512xi32, #tpu.memory_space<vmem>> -> memref<1x1x512xi32, #tpu.memory_space<vmem>>
        %dma_wait3A_1986 = tpu.memref_squeeze %dma_wait3A_1985 : memref<1x1x512xi32, #tpu.memory_space<vmem>> -> memref<512xi32, #tpu.memory_space<vmem>>
        %dma_wait3A_1987 = arith.constant 0 : i32
        %dma_wait3A_1988 = arith.constant 0 : i32
        %dma_wait3A_1989 = tpu.memref_slice %arg9[%dma_wait3A_1987, %dma_wait3A_1988] : memref<10752x32xf32, #tpu.memory_space<vmem_shared>> -> memref<10752x32xf32, #tpu.memory_space<vmem_shared>>
        tpu.wait_indirect_dma semaphore(%arg20 : memref<!tpu.dma_semaphore, #tpu.memory_space<semaphore_mem>>) src(%dma_wait3A_1983 : memref<512x32xf32, #tpu.memory_space<vmem>>) dst(%dma_wait3A_1989 : memref<10752x32xf32, #tpu.memory_space<vmem_shared>>)
        %dma_wait3A_1990 = arith.constant 1 : i32
        %dma_wait3A_1991 = arith.constant 0 : i32
        %dma_wait3A_1992 = tpu.memref_slice %arg12[%dma_wait3A_1990, %dma_wait3A_1991] : memref<2x512xi32, #tpu.memory_space<vmem>> -> memref<1x512xi32, #tpu.memory_space<vmem>>
        %dma_wait3A_1993 = tpu.memref_squeeze %dma_wait3A_1992 : memref<1x512xi32, #tpu.memory_space<vmem>> -> memref<512xi32, #tpu.memory_space<vmem>>
        %dma_wait3A_1994 = arith.constant 0 : i32
        %dma_wait3A_1995 = arith.constant 0 : i32
        %dma_wait3A_1996 = tpu.memref_slice %arg10[%dma_wait3A_1994, %dma_wait3A_1995] : memref<21504x16xf32, #tpu.memory_space<vmem_shared>> -> memref<21504x16xf32, #tpu.memory_space<vmem_shared>>
        tpu.wait_indirect_dma semaphore(%arg22 : memref<!tpu.dma_semaphore, #tpu.memory_space<semaphore_mem>>) src(%arg14 : memref<512x16xf32, #tpu.memory_space<vmem>>) dst(%dma_wait3A_1996 : memref<21504x16xf32, #tpu.memory_space<vmem_shared>>)
      } else {
      }
      %dma_start3A_1033 = arith.constant 1 : i32
      %dma_start3A_1034 = arith.constant 0 : i32
      %dma_start3A_1035 = arith.constant 0 : i32
      %dma_start3A_1036 = tpu.memref_slice %arg11[%dma_start3A_1033, %dma_start3A_1034, %dma_start3A_1035] : memref<2x2x512xi32, #tpu.memory_space<vmem>> -> memref<1x2x512xi32, #tpu.memory_space<vmem>>
      %dma_start3A_1037 = tpu.memref_squeeze %dma_start3A_1036 : memref<1x2x512xi32, #tpu.memory_space<vmem>> -> memref<2x512xi32, #tpu.memory_space<vmem>>
      %dma_start3A_1038 = arith.constant 0 : i32
      %dma_start3A_1039 = arith.constant 0 : i32
      %dma_start3A_1040 = tpu.memref_slice %arg3[%add3A_1027, %dma_start3A_1038, %dma_start3A_1039] : memref<640x2x512xi32, #tpu.memory_space<hbm>> -> memref<1x2x512xi32, #tpu.memory_space<hbm>>
      %dma_start3A_1041 = tpu.memref_squeeze %dma_start3A_1040 : memref<1x2x512xi32, #tpu.memory_space<hbm>> -> memref<2x512xi32, #tpu.memory_space<hbm>>
      %dma_start3A_1042 = arith.constant 0 : i32
      %dma_start3A_1043 = arith.constant 0 : i32
      %dma_start3A_1044 = tpu.memref_slice %arg11[%dma_start3A_1033, %dma_start3A_1042, %dma_start3A_1043] : memref<2x2x512xi32, #tpu.memory_space<vmem>> -> memref<1x2x512xi32, #tpu.memory_space<vmem>>
      %dma_start3A_1045 = tpu.memref_squeeze %dma_start3A_1044 : memref<1x2x512xi32, #tpu.memory_space<vmem>> -> memref<2x512xi32, #tpu.memory_space<vmem>>
      %dma_start3A_1046 = arith.constant 0 : i32
      %dma_start3A_1047 = arith.constant 0 : i32
      %dma_start3A_1048 = tpu.memref_slice %arg3[%add3A_1027, %dma_start3A_1046, %dma_start3A_1047] : memref<640x2x512xi32, #tpu.memory_space<hbm>> -> memref<1x2x512xi32, #tpu.memory_space<hbm>>
      %dma_start3A_1049 = tpu.memref_squeeze %dma_start3A_1048 : memref<1x2x512xi32, #tpu.memory_space<hbm>> -> memref<2x512xi32, #tpu.memory_space<hbm>>
      tpu.enqueue_dma source(%dma_start3A_1049 : memref<2x512xi32, #tpu.memory_space<hbm>>) target(%dma_start3A_1045 : memref<2x512xi32, #tpu.memory_space<vmem>>) target_semaphore(%arg16 : memref<!tpu.dma_semaphore, #tpu.memory_space<semaphore_mem>>)
      %dma_wait3A_1050 = arith.constant 1 : i32
      %dma_wait3A_1051 = arith.constant 0 : i32
      %dma_wait3A_1052 = arith.constant 0 : i32
      %dma_wait3A_1053 = tpu.memref_slice %arg11[%dma_wait3A_1050, %dma_wait3A_1051, %dma_wait3A_1052] : memref<2x2x512xi32, #tpu.memory_space<vmem>> -> memref<1x2x512xi32, #tpu.memory_space<vmem>>
      %dma_wait3A_1054 = tpu.memref_squeeze %dma_wait3A_1053 : memref<1x2x512xi32, #tpu.memory_space<vmem>> -> memref<2x512xi32, #tpu.memory_space<vmem>>
      %dma_wait3A_1055 = arith.constant 0 : i32
      %dma_wait3A_1056 = arith.constant 0 : i32
      %dma_wait3A_1057 = tpu.memref_slice %arg3[%add3A_1027, %dma_wait3A_1055, %dma_wait3A_1056] : memref<640x2x512xi32, #tpu.memory_space<hbm>> -> memref<1x2x512xi32, #tpu.memory_space<hbm>>
      %dma_wait3A_1058 = tpu.memref_squeeze %dma_wait3A_1057 : memref<1x2x512xi32, #tpu.memory_space<hbm>> -> memref<2x512xi32, #tpu.memory_space<hbm>>
      %dma_wait3A_1059 = arith.constant 0 : i32
      %dma_wait3A_1060 = arith.constant 0 : i32
      %dma_wait3A_1061 = tpu.memref_slice %arg11[%dma_wait3A_1050, %dma_wait3A_1059, %dma_wait3A_1060] : memref<2x2x512xi32, #tpu.memory_space<vmem>> -> memref<1x2x512xi32, #tpu.memory_space<vmem>>
      %dma_wait3A_1062 = tpu.memref_squeeze %dma_wait3A_1061 : memref<1x2x512xi32, #tpu.memory_space<vmem>> -> memref<2x512xi32, #tpu.memory_space<vmem>>
      %dma_wait3A_1063 = arith.constant 0 : i32
      %dma_wait3A_1064 = arith.constant 0 : i32
      %dma_wait3A_1065 = tpu.memref_slice %arg3[%add3A_1027, %dma_wait3A_1063, %dma_wait3A_1064] : memref<640x2x512xi32, #tpu.memory_space<hbm>> -> memref<1x2x512xi32, #tpu.memory_space<hbm>>
      %dma_wait3A_1066 = tpu.memref_squeeze %dma_wait3A_1065 : memref<1x2x512xi32, #tpu.memory_space<hbm>> -> memref<2x512xi32, #tpu.memory_space<hbm>>
      tpu.wait_dma2 semaphore(%arg16 : memref<!tpu.dma_semaphore, #tpu.memory_space<semaphore_mem>>) src(%dma_wait3A_1066 : memref<2x512xi32, #tpu.memory_space<hbm>>) dst(%dma_wait3A_1062 : memref<2x512xi32, #tpu.memory_space<vmem>>)
      %dma_start3A_1067 = arith.constant 1 : i32
      %dma_start3A_1068 = arith.constant 0 : i32
      %dma_start3A_1069 = arith.constant 1 : i32
      %dma_start3A_1070 = arith.constant 0 : i32
      %dma_start3A_1071 = arith.constant 0 : i32
      %dma_start3A_1072 = tpu.memref_slice %arg13[%dma_start3A_1069, %dma_start3A_1070, %dma_start3A_1071] : memref<2x512x32xf32, #tpu.memory_space<vmem>> -> memref<1x512x32xf32, #tpu.memory_space<vmem>>
      %dma_start3A_1073 = tpu.memref_squeeze %dma_start3A_1072 : memref<1x512x32xf32, #tpu.memory_space<vmem>> -> memref<512x32xf32, #tpu.memory_space<vmem>>
      %dma_start3A_1074 = arith.constant 0 : i32
      %dma_start3A_1075 = tpu.memref_slice %arg11[%dma_start3A_1067, %dma_start3A_1068, %dma_start3A_1074] : memref<2x2x512xi32, #tpu.memory_space<vmem>> -> memref<1x1x512xi32, #tpu.memory_space<vmem>>
      %dma_start3A_1076 = tpu.memref_squeeze %dma_start3A_1075 : memref<1x1x512xi32, #tpu.memory_space<vmem>> -> memref<512xi32, #tpu.memory_space<vmem>>
      %dma_start3A_1077 = arith.constant 0 : i32
      %dma_start3A_1078 = arith.constant 0 : i32
      %dma_start3A_1079 = tpu.memref_slice %arg2[%dma_start3A_1077, %dma_start3A_1078] : memref<10752x32xf32, #tpu.memory_space<hbm>> -> memref<10752x32xf32, #tpu.memory_space<hbm>>
      tpu.enqueue_indirect_dma source(%dma_start3A_1079 : memref<10752x32xf32, #tpu.memory_space<hbm>>) target(%dma_start3A_1073 : memref<512x32xf32, #tpu.memory_space<vmem>>) offsets(%dma_start3A_1076 : memref<512xi32, #tpu.memory_space<vmem>>) semaphore(%arg18 : memref<!tpu.dma_semaphore, #tpu.memory_space<semaphore_mem>>)
      %get3A_1080 = arith.constant 1 : i32
      %get3A_1081 = arith.constant 0 : i32
      %get3A_1082 = arith.index_cast %get3A_1080 : i32 to index
      %get3A_1083 = arith.index_cast %get3A_1081 : i32 to index
      %get3A_1084 = arith.constant 0 : index
      %get3A_1085 = tpu.vector_load %arg11[%get3A_1082, %get3A_1083, %get3A_1084] {strides = array<i32>} : memref<2x2x512xi32, #tpu.memory_space<vmem>>, vector<1x1x16xi32>,
      %get3A_1086 = vector.shape_cast %get3A_1085 : vector<1x1x16xi32> to vector<16xi32>
      %get3A_1087 = arith.constant 1 : i32
      %get3A_1088 = arith.constant 1 : i32
      %get3A_1089 = arith.index_cast %get3A_1087 : i32 to index
      %get3A_1090 = arith.index_cast %get3A_1088 : i32 to index
      %get3A_1091 = arith.constant 0 : index
      %get3A_1092 = tpu.vector_load %arg11[%get3A_1089, %get3A_1090, %get3A_1091] {strides = array<i32>} : memref<2x2x512xi32, #tpu.memory_space<vmem>>, vector<1x1x16xi32>,
      %get3A_1093 = vector.shape_cast %get3A_1092 : vector<1x1x16xi32> to vector<16xi32>
      %eq3A_1094 = arith.cmpi eq, %get3A_1086, %get3A_1093 : vector<16xi32>
      %jit3A_1095 = arith.constant 10752 : i32
      %jit3A_1096 = arith.constant 0 : i32
      %broadcast_in_dim3A_1097 = vector.broadcast %jit3A_1095 : i32 to vector<16xi32>
      %broadcast_in_dim3A_1098 = vector.broadcast %jit3A_1096 : i32 to vector<16xi32>
      %select_n3A_1099 = arith.select %eq3A_1094, %broadcast_in_dim3A_1097, %broadcast_in_dim3A_1098 : vector<16xi1>, vector<16xi32>
      %add3A_1100 = arith.addi %get3A_1093, %select_n3A_1099 : vector<16xi32>
      %swap3A_1101 = arith.constant 1 : i32
      %swap3A_1102 = arith.index_cast %swap3A_1101 : i32 to index
      %swap3A_1103 = arith.constant 0 : index
      %swap3A_1104 = tpu.vector_load %arg12[%swap3A_1102, %swap3A_1103] {strides = array<i32>} : memref<2x512xi32, #tpu.memory_space<vmem>>, vector<1x16xi32>,
      %swap3A_1105 = vector.shape_cast %swap3A_1104 : vector<1x16xi32> to vector<16xi32>
      %swap3A_1106 = vector.shape_cast %add3A_1100 : vector<16xi32> to vector<1x16xi32>
      tpu.vector_store %arg12[%swap3A_1102, %swap3A_1103], %swap3A_1106 {strides = array<i32>} : memref<2x512xi32, #tpu.memory_space<vmem>>, vector<1x16xi32>,
      %get3A_1107 = arith.constant 1 : i32
      %get3A_1108 = arith.constant 0 : i32
      %get3A_1109 = arith.index_cast %get3A_1107 : i32 to index
      %get3A_1110 = arith.index_cast %get3A_1108 : i32 to index
      %get3A_1111 = arith.constant 16 : index
      %get3A_1112 = tpu.vector_load %arg11[%get3A_1109, %get3A_1110, %get3A_1111] {strides = array<i32>} : memref<2x2x512xi32, #tpu.memory_space<vmem>>, vector<1x1x16xi32>,
      %get3A_1113 = vector.shape_cast %get3A_1112 : vector<1x1x16xi32> to vector<16xi32>
      %get3A_1114 = arith.constant 1 : i32
      %get3A_1115 = arith.constant 1 : i32
      %get3A_1116 = arith.index_cast %get3A_1114 : i32 to index
      %get3A_1117 = arith.index_cast %get3A_1115 : i32 to index
      %get3A_1118 = arith.constant 16 : index
      %get3A_1119 = tpu.vector_load %arg11[%get3A_1116, %get3A_1117, %get3A_1118] {strides = array<i32>} : memref<2x2x512xi32, #tpu.memory_space<vmem>>, vector<1x1x16xi32>,
      %get3A_1120 = vector.shape_cast %get3A_1119 : vector<1x1x16xi32> to vector<16xi32>
      %eq3A_1121 = arith.cmpi eq, %get3A_1113, %get3A_1120 : vector<16xi32>
      %jit3A_1122 = arith.constant 10752 : i32
      %jit3A_1123 = arith.constant 0 : i32
      %broadcast_in_dim3A_1124 = vector.broadcast %jit3A_1122 : i32 to vector<16xi32>
      %broadcast_in_dim3A_1125 = vector.broadcast %jit3A_1123 : i32 to vector<16xi32>
      %select_n3A_1126 = arith.select %eq3A_1121, %broadcast_in_dim3A_1124, %broadcast_in_dim3A_1125 : vector<16xi1>, vector<16xi32>
      %add3A_1127 = arith.addi %get3A_1120, %select_n3A_1126 : vector<16xi32>
      %swap3A_1128 = arith.constant 1 : i32
      %swap3A_1129 = arith.index_cast %swap3A_1128 : i32 to index
      %swap3A_1130 = arith.constant 16 : index
      %swap3A_1131 = tpu.vector_load %arg12[%swap3A_1129, %swap3A_1130] {strides = array<i32>} : memref<2x512xi32, #tpu.memory_space<vmem>>, vector<1x16xi32>,
      %swap3A_1132 = vector.shape_cast %swap3A_1131 : vector<1x16xi32> to vector<16xi32>
      %swap3A_1133 = vector.shape_cast %add3A_1127 : vector<16xi32> to vector<1x16xi32>
      tpu.vector_store %arg12[%swap3A_1129, %swap3A_1130], %swap3A_1133 {strides = array<i32>} : memref<2x512xi32, #tpu.memory_space<vmem>>, vector<1x16xi32>,
      %get3A_1134 = arith.constant 1 : i32
      %get3A_1135 = arith.constant 0 : i32
      %get3A_1136 = arith.index_cast %get3A_1134 : i32 to index
      %get3A_1137 = arith.index_cast %get3A_1135 : i32 to index
      %get3A_1138 = arith.constant 32 : index
      %get3A_1139 = tpu.vector_load %arg11[%get3A_1136, %get3A_1137, %get3A_1138] {strides = array<i32>} : memref<2x2x512xi32, #tpu.memory_space<vmem>>, vector<1x1x16xi32>,
      %get3A_1140 = vector.shape_cast %get3A_1139 : vector<1x1x16xi32> to vector<16xi32>
      %get3A_1141 = arith.constant 1 : i32
      %get3A_1142 = arith.constant 1 : i32
      %get3A_1143 = arith.index_cast %get3A_1141 : i32 to index
      %get3A_1144 = arith.index_cast %get3A_1142 : i32 to index
      %get3A_1145 = arith.constant 32 : index
      %get3A_1146 = tpu.vector_load %arg11[%get3A_1143, %get3A_1144, %get3A_1145] {strides = array<i32>} : memref<2x2x512xi32, #tpu.memory_space<vmem>>, vector<1x1x16xi32>,
      %get3A_1147 = vector.shape_cast %get3A_1146 : vector<1x1x16xi32> to vector<16xi32>
      %eq3A_1148 = arith.cmpi eq, %get3A_1140, %get3A_1147 : vector<16xi32>
      %jit3A_1149 = arith.constant 10752 : i32
      %jit3A_1150 = arith.constant 0 : i32
      %broadcast_in_dim3A_1151 = vector.broadcast %jit3A_1149 : i32 to vector<16xi32>
      %broadcast_in_dim3A_1152 = vector.broadcast %jit3A_1150 : i32 to vector<16xi32>
      %select_n3A_1153 = arith.select %eq3A_1148, %broadcast_in_dim3A_1151, %broadcast_in_dim3A_1152 : vector<16xi1>, vector<16xi32>
      %add3A_1154 = arith.addi %get3A_1147, %select_n3A_1153 : vector<16xi32>
      %swap3A_1155 = arith.constant 1 : i32
      %swap3A_1156 = arith.index_cast %swap3A_1155 : i32 to index
      %swap3A_1157 = arith.constant 32 : index
      %swap3A_1158 = tpu.vector_load %arg12[%swap3A_1156, %swap3A_1157] {strides = array<i32>} : memref<2x512xi32, #tpu.memory_space<vmem>>, vector<1x16xi32>,
      %swap3A_1159 = vector.shape_cast %swap3A_1158 : vector<1x16xi32> to vector<16xi32>
      %swap3A_1160 = vector.shape_cast %add3A_1154 : vector<16xi32> to vector<1x16xi32>
      tpu.vector_store %arg12[%swap3A_1156, %swap3A_1157], %swap3A_1160 {strides = array<i32>} : memref<2x512xi32, #tpu.memory_space<vmem>>, vector<1x16xi32>,
      %get3A_1161 = arith.constant 1 : i32
      %get3A_1162 = arith.constant 0 : i32
      %get3A_1163 = arith.index_cast %get3A_1161 : i32 to index
      %get3A_1164 = arith.index_cast %get3A_1162 : i32 to index
      %get3A_1165 = arith.constant 48 : index
      %get3A_1166 = tpu.vector_load %arg11[%get3A_1163, %get3A_1164, %get3A_1165] {strides = array<i32>} : memref<2x2x512xi32, #tpu.memory_space<vmem>>, vector<1x1x16xi32>,
      %get3A_1167 = vector.shape_cast %get3A_1166 : vector<1x1x16xi32> to vector<16xi32>
      %get3A_1168 = arith.constant 1 : i32
      %get3A_1169 = arith.constant 1 : i32
      %get3A_1170 = arith.index_cast %get3A_1168 : i32 to index
      %get3A_1171 = arith.index_cast %get3A_1169 : i32 to index
      %get3A_1172 = arith.constant 48 : index
      %get3A_1173 = tpu.vector_load %arg11[%get3A_1170, %get3A_1171, %get3A_1172] {strides = array<i32>} : memref<2x2x512xi32, #tpu.memory_space<vmem>>, vector<1x1x16xi32>,
      %get3A_1174 = vector.shape_cast %get3A_1173 : vector<1x1x16xi32> to vector<16xi32>
      %eq3A_1175 = arith.cmpi eq, %get3A_1167, %get3A_1174 : vector<16xi32>
      %jit3A_1176 = arith.constant 10752 : i32
      %jit3A_1177 = arith.constant 0 : i32
      %broadcast_in_dim3A_1178 = vector.broadcast %jit3A_1176 : i32 to vector<16xi32>
      %broadcast_in_dim3A_1179 = vector.broadcast %jit3A_1177 : i32 to vector<16xi32>
      %select_n3A_1180 = arith.select %eq3A_1175, %broadcast_in_dim3A_1178, %broadcast_in_dim3A_1179 : vector<16xi1>, vector<16xi32>
      %add3A_1181 = arith.addi %get3A_1174, %select_n3A_1180 : vector<16xi32>
      %swap3A_1182 = arith.constant 1 : i32
      %swap3A_1183 = arith.index_cast %swap3A_1182 : i32 to index
      %swap3A_1184 = arith.constant 48 : index
      %swap3A_1185 = tpu.vector_load %arg12[%swap3A_1183, %swap3A_1184] {strides = array<i32>} : memref<2x512xi32, #tpu.memory_space<vmem>>, vector<1x16xi32>,
      %swap3A_1186 = vector.shape_cast %swap3A_1185 : vector<1x16xi32> to vector<16xi32>
      %swap3A_1187 = vector.shape_cast %add3A_1181 : vector<16xi32> to vector<1x16xi32>
      tpu.vector_store %arg12[%swap3A_1183, %swap3A_1184], %swap3A_1187 {strides = array<i32>} : memref<2x512xi32, #tpu.memory_space<vmem>>, vector<1x16xi32>,
      %get3A_1188 = arith.constant 1 : i32
      %get3A_1189 = arith.constant 0 : i32
      %get3A_1190 = arith.index_cast %get3A_1188 : i32 to index
      %get3A_1191 = arith.index_cast %get3A_1189 : i32 to index
      %get3A_1192 = arith.constant 64 : index
      %get3A_1193 = tpu.vector_load %arg11[%get3A_1190, %get3A_1191, %get3A_1192] {strides = array<i32>} : memref<2x2x512xi32, #tpu.memory_space<vmem>>, vector<1x1x16xi32>,
      %get3A_1194 = vector.shape_cast %get3A_1193 : vector<1x1x16xi32> to vector<16xi32>
      %get3A_1195 = arith.constant 1 : i32
      %get3A_1196 = arith.constant 1 : i32
      %get3A_1197 = arith.index_cast %get3A_1195 : i32 to index
      %get3A_1198 = arith.index_cast %get3A_1196 : i32 to index
      %get3A_1199 = arith.constant 64 : index
      %get3A_1200 = tpu.vector_load %arg11[%get3A_1197, %get3A_1198, %get3A_1199] {strides = array<i32>} : memref<2x2x512xi32, #tpu.memory_space<vmem>>, vector<1x1x16xi32>,
      %get3A_1201 = vector.shape_cast %get3A_1200 : vector<1x1x16xi32> to vector<16xi32>
      %eq3A_1202 = arith.cmpi eq, %get3A_1194, %get3A_1201 : vector<16xi32>
      %jit3A_1203 = arith.constant 10752 : i32
      %jit3A_1204 = arith.constant 0 : i32
      %broadcast_in_dim3A_1205 = vector.broadcast %jit3A_1203 : i32 to vector<16xi32>
      %broadcast_in_dim3A_1206 = vector.broadcast %jit3A_1204 : i32 to vector<16xi32>
      %select_n3A_1207 = arith.select %eq3A_1202, %broadcast_in_dim3A_1205, %broadcast_in_dim3A_1206 : vector<16xi1>, vector<16xi32>
      %add3A_1208 = arith.addi %get3A_1201, %select_n3A_1207 : vector<16xi32>
      %swap3A_1209 = arith.constant 1 : i32
      %swap3A_1210 = arith.index_cast %swap3A_1209 : i32 to index
      %swap3A_1211 = arith.constant 64 : index
      %swap3A_1212 = tpu.vector_load %arg12[%swap3A_1210, %swap3A_1211] {strides = array<i32>} : memref<2x512xi32, #tpu.memory_space<vmem>>, vector<1x16xi32>,
      %swap3A_1213 = vector.shape_cast %swap3A_1212 : vector<1x16xi32> to vector<16xi32>
      %swap3A_1214 = vector.shape_cast %add3A_1208 : vector<16xi32> to vector<1x16xi32>
      tpu.vector_store %arg12[%swap3A_1210, %swap3A_1211], %swap3A_1214 {strides = array<i32>} : memref<2x512xi32, #tpu.memory_space<vmem>>, vector<1x16xi32>,
      %get3A_1215 = arith.constant 1 : i32
      %get3A_1216 = arith.constant 0 : i32
      %get3A_1217 = arith.index_cast %get3A_1215 : i32 to index
      %get3A_1218 = arith.index_cast %get3A_1216 : i32 to index
      %get3A_1219 = arith.constant 80 : index
      %get3A_1220 = tpu.vector_load %arg11[%get3A_1217, %get3A_1218, %get3A_1219] {strides = array<i32>} : memref<2x2x512xi32, #tpu.memory_space<vmem>>, vector<1x1x16xi32>,
      %get3A_1221 = vector.shape_cast %get3A_1220 : vector<1x1x16xi32> to vector<16xi32>
      %get3A_1222 = arith.constant 1 : i32
      %get3A_1223 = arith.constant 1 : i32
      %get3A_1224 = arith.index_cast %get3A_1222 : i32 to index
      %get3A_1225 = arith.index_cast %get3A_1223 : i32 to index
      %get3A_1226 = arith.constant 80 : index
      %get3A_1227 = tpu.vector_load %arg11[%get3A_1224, %get3A_1225, %get3A_1226] {strides = array<i32>} : memref<2x2x512xi32, #tpu.memory_space<vmem>>, vector<1x1x16xi32>,
      %get3A_1228 = vector.shape_cast %get3A_1227 : vector<1x1x16xi32> to vector<16xi32>
      %eq3A_1229 = arith.cmpi eq, %get3A_1221, %get3A_1228 : vector<16xi32>
      %jit3A_1230 = arith.constant 10752 : i32
      %jit3A_1231 = arith.constant 0 : i32
      %broadcast_in_dim3A_1232 = vector.broadcast %jit3A_1230 : i32 to vector<16xi32>
      %broadcast_in_dim3A_1233 = vector.broadcast %jit3A_1231 : i32 to vector<16xi32>
      %select_n3A_1234 = arith.select %eq3A_1229, %broadcast_in_dim3A_1232, %broadcast_in_dim3A_1233 : vector<16xi1>, vector<16xi32>
      %add3A_1235 = arith.addi %get3A_1228, %select_n3A_1234 : vector<16xi32>
      %swap3A_1236 = arith.constant 1 : i32
      %swap3A_1237 = arith.index_cast %swap3A_1236 : i32 to index
      %swap3A_1238 = arith.constant 80 : index
      %swap3A_1239 = tpu.vector_load %arg12[%swap3A_1237, %swap3A_1238] {strides = array<i32>} : memref<2x512xi32, #tpu.memory_space<vmem>>, vector<1x16xi32>,
      %swap3A_1240 = vector.shape_cast %swap3A_1239 : vector<1x16xi32> to vector<16xi32>
      %swap3A_1241 = vector.shape_cast %add3A_1235 : vector<16xi32> to vector<1x16xi32>
      tpu.vector_store %arg12[%swap3A_1237, %swap3A_1238], %swap3A_1241 {strides = array<i32>} : memref<2x512xi32, #tpu.memory_space<vmem>>, vector<1x16xi32>,
      %get3A_1242 = arith.constant 1 : i32
      %get3A_1243 = arith.constant 0 : i32
      %get3A_1244 = arith.index_cast %get3A_1242 : i32 to index
      %get3A_1245 = arith.index_cast %get3A_1243 : i32 to index
      %get3A_1246 = arith.constant 96 : index
      %get3A_1247 = tpu.vector_load %arg11[%get3A_1244, %get3A_1245, %get3A_1246] {strides = array<i32>} : memref<2x2x512xi32, #tpu.memory_space<vmem>>, vector<1x1x16xi32>,
      %get3A_1248 = vector.shape_cast %get3A_1247 : vector<1x1x16xi32> to vector<16xi32>
      %get3A_1249 = arith.constant 1 : i32
      %get3A_1250 = arith.constant 1 : i32
      %get3A_1251 = arith.index_cast %get3A_1249 : i32 to index
      %get3A_1252 = arith.index_cast %get3A_1250 : i32 to index
      %get3A_1253 = arith.constant 96 : index
      %get3A_1254 = tpu.vector_load %arg11[%get3A_1251, %get3A_1252, %get3A_1253] {strides = array<i32>} : memref<2x2x512xi32, #tpu.memory_space<vmem>>, vector<1x1x16xi32>,
      %get3A_1255 = vector.shape_cast %get3A_1254 : vector<1x1x16xi32> to vector<16xi32>
      %eq3A_1256 = arith.cmpi eq, %get3A_1248, %get3A_1255 : vector<16xi32>
      %jit3A_1257 = arith.constant 10752 : i32
      %jit3A_1258 = arith.constant 0 : i32
      %broadcast_in_dim3A_1259 = vector.broadcast %jit3A_1257 : i32 to vector<16xi32>
      %broadcast_in_dim3A_1260 = vector.broadcast %jit3A_1258 : i32 to vector<16xi32>
      %select_n3A_1261 = arith.select %eq3A_1256, %broadcast_in_dim3A_1259, %broadcast_in_dim3A_1260 : vector<16xi1>, vector<16xi32>
      %add3A_1262 = arith.addi %get3A_1255, %select_n3A_1261 : vector<16xi32>
      %swap3A_1263 = arith.constant 1 : i32
      %swap3A_1264 = arith.index_cast %swap3A_1263 : i32 to index
      %swap3A_1265 = arith.constant 96 : index
      %swap3A_1266 = tpu.vector_load %arg12[%swap3A_1264, %swap3A_1265] {strides = array<i32>} : memref<2x512xi32, #tpu.memory_space<vmem>>, vector<1x16xi32>,
      %swap3A_1267 = vector.shape_cast %swap3A_1266 : vector<1x16xi32> to vector<16xi32>
      %swap3A_1268 = vector.shape_cast %add3A_1262 : vector<16xi32> to vector<1x16xi32>
      tpu.vector_store %arg12[%swap3A_1264, %swap3A_1265], %swap3A_1268 {strides = array<i32>} : memref<2x512xi32, #tpu.memory_space<vmem>>, vector<1x16xi32>,
      %get3A_1269 = arith.constant 1 : i32
      %get3A_1270 = arith.constant 0 : i32
      %get3A_1271 = arith.index_cast %get3A_1269 : i32 to index
      %get3A_1272 = arith.index_cast %get3A_1270 : i32 to index
      %get3A_1273 = arith.constant 112 : index
      %get3A_1274 = tpu.vector_load %arg11[%get3A_1271, %get3A_1272, %get3A_1273] {strides = array<i32>} : memref<2x2x512xi32, #tpu.memory_space<vmem>>, vector<1x1x16xi32>,
      %get3A_1275 = vector.shape_cast %get3A_1274 : vector<1x1x16xi32> to vector<16xi32>
      %get3A_1276 = arith.constant 1 : i32
      %get3A_1277 = arith.constant 1 : i32
      %get3A_1278 = arith.index_cast %get3A_1276 : i32 to index
      %get3A_1279 = arith.index_cast %get3A_1277 : i32 to index
      %get3A_1280 = arith.constant 112 : index
      %get3A_1281 = tpu.vector_load %arg11[%get3A_1278, %get3A_1279, %get3A_1280] {strides = array<i32>} : memref<2x2x512xi32, #tpu.memory_space<vmem>>, vector<1x1x16xi32>,
      %get3A_1282 = vector.shape_cast %get3A_1281 : vector<1x1x16xi32> to vector<16xi32>
      %eq3A_1283 = arith.cmpi eq, %get3A_1275, %get3A_1282 : vector<16xi32>
      %jit3A_1284 = arith.constant 10752 : i32
      %jit3A_1285 = arith.constant 0 : i32
      %broadcast_in_dim3A_1286 = vector.broadcast %jit3A_1284 : i32 to vector<16xi32>
      %broadcast_in_dim3A_1287 = vector.broadcast %jit3A_1285 : i32 to vector<16xi32>
      %select_n3A_1288 = arith.select %eq3A_1283, %broadcast_in_dim3A_1286, %broadcast_in_dim3A_1287 : vector<16xi1>, vector<16xi32>
      %add3A_1289 = arith.addi %get3A_1282, %select_n3A_1288 : vector<16xi32>
      %swap3A_1290 = arith.constant 1 : i32
      %swap3A_1291 = arith.index_cast %swap3A_1290 : i32 to index
      %swap3A_1292 = arith.constant 112 : index
      %swap3A_1293 = tpu.vector_load %arg12[%swap3A_1291, %swap3A_1292] {strides = array<i32>} : memref<2x512xi32, #tpu.memory_space<vmem>>, vector<1x16xi32>,
      %swap3A_1294 = vector.shape_cast %swap3A_1293 : vector<1x16xi32> to vector<16xi32>
      %swap3A_1295 = vector.shape_cast %add3A_1289 : vector<16xi32> to vector<1x16xi32>
      tpu.vector_store %arg12[%swap3A_1291, %swap3A_1292], %swap3A_1295 {strides = array<i32>} : memref<2x512xi32, #tpu.memory_space<vmem>>, vector<1x16xi32>,
      %get3A_1296 = arith.constant 1 : i32
      %get3A_1297 = arith.constant 0 : i32
      %get3A_1298 = arith.index_cast %get3A_1296 : i32 to index
      %get3A_1299 = arith.index_cast %get3A_1297 : i32 to index
      %get3A_1300 = arith.constant 128 : index
      %get3A_1301 = tpu.vector_load %arg11[%get3A_1298, %get3A_1299, %get3A_1300] {strides = array<i32>} : memref<2x2x512xi32, #tpu.memory_space<vmem>>, vector<1x1x16xi32>,
      %get3A_1302 = vector.shape_cast %get3A_1301 : vector<1x1x16xi32> to vector<16xi32>
      %get3A_1303 = arith.constant 1 : i32
      %get3A_1304 = arith.constant 1 : i32
      %get3A_1305 = arith.index_cast %get3A_1303 : i32 to index
      %get3A_1306 = arith.index_cast %get3A_1304 : i32 to index
      %get3A_1307 = arith.constant 128 : index
      %get3A_1308 = tpu.vector_load %arg11[%get3A_1305, %get3A_1306, %get3A_1307] {strides = array<i32>} : memref<2x2x512xi32, #tpu.memory_space<vmem>>, vector<1x1x16xi32>,
      %get3A_1309 = vector.shape_cast %get3A_1308 : vector<1x1x16xi32> to vector<16xi32>
      %eq3A_1310 = arith.cmpi eq, %get3A_1302, %get3A_1309 : vector<16xi32>
      %jit3A_1311 = arith.constant 10752 : i32
      %jit3A_1312 = arith.constant 0 : i32
      %broadcast_in_dim3A_1313 = vector.broadcast %jit3A_1311 : i32 to vector<16xi32>
      %broadcast_in_dim3A_1314 = vector.broadcast %jit3A_1312 : i32 to vector<16xi32>
      %select_n3A_1315 = arith.select %eq3A_1310, %broadcast_in_dim3A_1313, %broadcast_in_dim3A_1314 : vector<16xi1>, vector<16xi32>
      %add3A_1316 = arith.addi %get3A_1309, %select_n3A_1315 : vector<16xi32>
      %swap3A_1317 = arith.constant 1 : i32
      %swap3A_1318 = arith.index_cast %swap3A_1317 : i32 to index
      %swap3A_1319 = arith.constant 128 : index
      %swap3A_1320 = tpu.vector_load %arg12[%swap3A_1318, %swap3A_1319] {strides = array<i32>} : memref<2x512xi32, #tpu.memory_space<vmem>>, vector<1x16xi32>,
      %swap3A_1321 = vector.shape_cast %swap3A_1320 : vector<1x16xi32> to vector<16xi32>
      %swap3A_1322 = vector.shape_cast %add3A_1316 : vector<16xi32> to vector<1x16xi32>
      tpu.vector_store %arg12[%swap3A_1318, %swap3A_1319], %swap3A_1322 {strides = array<i32>} : memref<2x512xi32, #tpu.memory_space<vmem>>, vector<1x16xi32>,
      %get3A_1323 = arith.constant 1 : i32
      %get3A_1324 = arith.constant 0 : i32
      %get3A_1325 = arith.index_cast %get3A_1323 : i32 to index
      %get3A_1326 = arith.index_cast %get3A_1324 : i32 to index
      %get3A_1327 = arith.constant 144 : index
      %get3A_1328 = tpu.vector_load %arg11[%get3A_1325, %get3A_1326, %get3A_1327] {strides = array<i32>} : memref<2x2x512xi32, #tpu.memory_space<vmem>>, vector<1x1x16xi32>,
      %get3A_1329 = vector.shape_cast %get3A_1328 : vector<1x1x16xi32> to vector<16xi32>
      %get3A_1330 = arith.constant 1 : i32
      %get3A_1331 = arith.constant 1 : i32
      %get3A_1332 = arith.index_cast %get3A_1330 : i32 to index
      %get3A_1333 = arith.index_cast %get3A_1331 : i32 to index
      %get3A_1334 = arith.constant 144 : index
      %get3A_1335 = tpu.vector_load %arg11[%get3A_1332, %get3A_1333, %get3A_1334] {strides = array<i32>} : memref<2x2x512xi32, #tpu.memory_space<vmem>>, vector<1x1x16xi32>,
      %get3A_1336 = vector.shape_cast %get3A_1335 : vector<1x1x16xi32> to vector<16xi32>
      %eq3A_1337 = arith.cmpi eq, %get3A_1329, %get3A_1336 : vector<16xi32>
      %jit3A_1338 = arith.constant 10752 : i32
      %jit3A_1339 = arith.constant 0 : i32
      %broadcast_in_dim3A_1340 = vector.broadcast %jit3A_1338 : i32 to vector<16xi32>
      %broadcast_in_dim3A_1341 = vector.broadcast %jit3A_1339 : i32 to vector<16xi32>
      %select_n3A_1342 = arith.select %eq3A_1337, %broadcast_in_dim3A_1340, %broadcast_in_dim3A_1341 : vector<16xi1>, vector<16xi32>
      %add3A_1343 = arith.addi %get3A_1336, %select_n3A_1342 : vector<16xi32>
      %swap3A_1344 = arith.constant 1 : i32
      %swap3A_1345 = arith.index_cast %swap3A_1344 : i32 to index
      %swap3A_1346 = arith.constant 144 : index
      %swap3A_1347 = tpu.vector_load %arg12[%swap3A_1345, %swap3A_1346] {strides = array<i32>} : memref<2x512xi32, #tpu.memory_space<vmem>>, vector<1x16xi32>,
      %swap3A_1348 = vector.shape_cast %swap3A_1347 : vector<1x16xi32> to vector<16xi32>
      %swap3A_1349 = vector.shape_cast %add3A_1343 : vector<16xi32> to vector<1x16xi32>
      tpu.vector_store %arg12[%swap3A_1345, %swap3A_1346], %swap3A_1349 {strides = array<i32>} : memref<2x512xi32, #tpu.memory_space<vmem>>, vector<1x16xi32>,
      %get3A_1350 = arith.constant 1 : i32
      %get3A_1351 = arith.constant 0 : i32
      %get3A_1352 = arith.index_cast %get3A_1350 : i32 to index
      %get3A_1353 = arith.index_cast %get3A_1351 : i32 to index
      %get3A_1354 = arith.constant 160 : index
      %get3A_1355 = tpu.vector_load %arg11[%get3A_1352, %get3A_1353, %get3A_1354] {strides = array<i32>} : memref<2x2x512xi32, #tpu.memory_space<vmem>>, vector<1x1x16xi32>,
      %get3A_1356 = vector.shape_cast %get3A_1355 : vector<1x1x16xi32> to vector<16xi32>
      %get3A_1357 = arith.constant 1 : i32
      %get3A_1358 = arith.constant 1 : i32
      %get3A_1359 = arith.index_cast %get3A_1357 : i32 to index
      %get3A_1360 = arith.index_cast %get3A_1358 : i32 to index
      %get3A_1361 = arith.constant 160 : index
      %get3A_1362 = tpu.vector_load %arg11[%get3A_1359, %get3A_1360, %get3A_1361] {strides = array<i32>} : memref<2x2x512xi32, #tpu.memory_space<vmem>>, vector<1x1x16xi32>,
      %get3A_1363 = vector.shape_cast %get3A_1362 : vector<1x1x16xi32> to vector<16xi32>
      %eq3A_1364 = arith.cmpi eq, %get3A_1356, %get3A_1363 : vector<16xi32>
      %jit3A_1365 = arith.constant 10752 : i32
      %jit3A_1366 = arith.constant 0 : i32
      %broadcast_in_dim3A_1367 = vector.broadcast %jit3A_1365 : i32 to vector<16xi32>
      %broadcast_in_dim3A_1368 = vector.broadcast %jit3A_1366 : i32 to vector<16xi32>
      %select_n3A_1369 = arith.select %eq3A_1364, %broadcast_in_dim3A_1367, %broadcast_in_dim3A_1368 : vector<16xi1>, vector<16xi32>
      %add3A_1370 = arith.addi %get3A_1363, %select_n3A_1369 : vector<16xi32>
      %swap3A_1371 = arith.constant 1 : i32
      %swap3A_1372 = arith.index_cast %swap3A_1371 : i32 to index
      %swap3A_1373 = arith.constant 160 : index
      %swap3A_1374 = tpu.vector_load %arg12[%swap3A_1372, %swap3A_1373] {strides = array<i32>} : memref<2x512xi32, #tpu.memory_space<vmem>>, vector<1x16xi32>,
      %swap3A_1375 = vector.shape_cast %swap3A_1374 : vector<1x16xi32> to vector<16xi32>
      %swap3A_1376 = vector.shape_cast %add3A_1370 : vector<16xi32> to vector<1x16xi32>
      tpu.vector_store %arg12[%swap3A_1372, %swap3A_1373], %swap3A_1376 {strides = array<i32>} : memref<2x512xi32, #tpu.memory_space<vmem>>, vector<1x16xi32>,
      %get3A_1377 = arith.constant 1 : i32
      %get3A_1378 = arith.constant 0 : i32
      %get3A_1379 = arith.index_cast %get3A_1377 : i32 to index
      %get3A_1380 = arith.index_cast %get3A_1378 : i32 to index
      %get3A_1381 = arith.constant 176 : index
      %get3A_1382 = tpu.vector_load %arg11[%get3A_1379, %get3A_1380, %get3A_1381] {strides = array<i32>} : memref<2x2x512xi32, #tpu.memory_space<vmem>>, vector<1x1x16xi32>,
      %get3A_1383 = vector.shape_cast %get3A_1382 : vector<1x1x16xi32> to vector<16xi32>
      %get3A_1384 = arith.constant 1 : i32
      %get3A_1385 = arith.constant 1 : i32
      %get3A_1386 = arith.index_cast %get3A_1384 : i32 to index
      %get3A_1387 = arith.index_cast %get3A_1385 : i32 to index
      %get3A_1388 = arith.constant 176 : index
      %get3A_1389 = tpu.vector_load %arg11[%get3A_1386, %get3A_1387, %get3A_1388] {strides = array<i32>} : memref<2x2x512xi32, #tpu.memory_space<vmem>>, vector<1x1x16xi32>,
      %get3A_1390 = vector.shape_cast %get3A_1389 : vector<1x1x16xi32> to vector<16xi32>
      %eq3A_1391 = arith.cmpi eq, %get3A_1383, %get3A_1390 : vector<16xi32>
      %jit3A_1392 = arith.constant 10752 : i32
      %jit3A_1393 = arith.constant 0 : i32
      %broadcast_in_dim3A_1394 = vector.broadcast %jit3A_1392 : i32 to vector<16xi32>
      %broadcast_in_dim3A_1395 = vector.broadcast %jit3A_1393 : i32 to vector<16xi32>
      %select_n3A_1396 = arith.select %eq3A_1391, %broadcast_in_dim3A_1394, %broadcast_in_dim3A_1395 : vector<16xi1>, vector<16xi32>
      %add3A_1397 = arith.addi %get3A_1390, %select_n3A_1396 : vector<16xi32>
      %swap3A_1398 = arith.constant 1 : i32
      %swap3A_1399 = arith.index_cast %swap3A_1398 : i32 to index
      %swap3A_1400 = arith.constant 176 : index
      %swap3A_1401 = tpu.vector_load %arg12[%swap3A_1399, %swap3A_1400] {strides = array<i32>} : memref<2x512xi32, #tpu.memory_space<vmem>>, vector<1x16xi32>,
      %swap3A_1402 = vector.shape_cast %swap3A_1401 : vector<1x16xi32> to vector<16xi32>
      %swap3A_1403 = vector.shape_cast %add3A_1397 : vector<16xi32> to vector<1x16xi32>
      tpu.vector_store %arg12[%swap3A_1399, %swap3A_1400], %swap3A_1403 {strides = array<i32>} : memref<2x512xi32, #tpu.memory_space<vmem>>, vector<1x16xi32>,
      %get3A_1404 = arith.constant 1 : i32
      %get3A_1405 = arith.constant 0 : i32
      %get3A_1406 = arith.index_cast %get3A_1404 : i32 to index
      %get3A_1407 = arith.index_cast %get3A_1405 : i32 to index
      %get3A_1408 = arith.constant 192 : index
      %get3A_1409 = tpu.vector_load %arg11[%get3A_1406, %get3A_1407, %get3A_1408] {strides = array<i32>} : memref<2x2x512xi32, #tpu.memory_space<vmem>>, vector<1x1x16xi32>,
      %get3A_1410 = vector.shape_cast %get3A_1409 : vector<1x1x16xi32> to vector<16xi32>
      %get3A_1411 = arith.constant 1 : i32
      %get3A_1412 = arith.constant 1 : i32
      %get3A_1413 = arith.index_cast %get3A_1411 : i32 to index
      %get3A_1414 = arith.index_cast %get3A_1412 : i32 to index
      %get3A_1415 = arith.constant 192 : index
      %get3A_1416 = tpu.vector_load %arg11[%get3A_1413, %get3A_1414, %get3A_1415] {strides = array<i32>} : memref<2x2x512xi32, #tpu.memory_space<vmem>>, vector<1x1x16xi32>,
      %get3A_1417 = vector.shape_cast %get3A_1416 : vector<1x1x16xi32> to vector<16xi32>
      %eq3A_1418 = arith.cmpi eq, %get3A_1410, %get3A_1417 : vector<16xi32>
      %jit3A_1419 = arith.constant 10752 : i32
      %jit3A_1420 = arith.constant 0 : i32
      %broadcast_in_dim3A_1421 = vector.broadcast %jit3A_1419 : i32 to vector<16xi32>
      %broadcast_in_dim3A_1422 = vector.broadcast %jit3A_1420 : i32 to vector<16xi32>
      %select_n3A_1423 = arith.select %eq3A_1418, %broadcast_in_dim3A_1421, %broadcast_in_dim3A_1422 : vector<16xi1>, vector<16xi32>
      %add3A_1424 = arith.addi %get3A_1417, %select_n3A_1423 : vector<16xi32>
      %swap3A_1425 = arith.constant 1 : i32
      %swap3A_1426 = arith.index_cast %swap3A_1425 : i32 to index
      %swap3A_1427 = arith.constant 192 : index
      %swap3A_1428 = tpu.vector_load %arg12[%swap3A_1426, %swap3A_1427] {strides = array<i32>} : memref<2x512xi32, #tpu.memory_space<vmem>>, vector<1x16xi32>,
      %swap3A_1429 = vector.shape_cast %swap3A_1428 : vector<1x16xi32> to vector<16xi32>
      %swap3A_1430 = vector.shape_cast %add3A_1424 : vector<16xi32> to vector<1x16xi32>
      tpu.vector_store %arg12[%swap3A_1426, %swap3A_1427], %swap3A_1430 {strides = array<i32>} : memref<2x512xi32, #tpu.memory_space<vmem>>, vector<1x16xi32>,
      %get3A_1431 = arith.constant 1 : i32
      %get3A_1432 = arith.constant 0 : i32
      %get3A_1433 = arith.index_cast %get3A_1431 : i32 to index
      %get3A_1434 = arith.index_cast %get3A_1432 : i32 to index
      %get3A_1435 = arith.constant 208 : index
      %get3A_1436 = tpu.vector_load %arg11[%get3A_1433, %get3A_1434, %get3A_1435] {strides = array<i32>} : memref<2x2x512xi32, #tpu.memory_space<vmem>>, vector<1x1x16xi32>,
      %get3A_1437 = vector.shape_cast %get3A_1436 : vector<1x1x16xi32> to vector<16xi32>
      %get3A_1438 = arith.constant 1 : i32
      %get3A_1439 = arith.constant 1 : i32
      %get3A_1440 = arith.index_cast %get3A_1438 : i32 to index
      %get3A_1441 = arith.index_cast %get3A_1439 : i32 to index
      %get3A_1442 = arith.constant 208 : index
      %get3A_1443 = tpu.vector_load %arg11[%get3A_1440, %get3A_1441, %get3A_1442] {strides = array<i32>} : memref<2x2x512xi32, #tpu.memory_space<vmem>>, vector<1x1x16xi32>,
      %get3A_1444 = vector.shape_cast %get3A_1443 : vector<1x1x16xi32> to vector<16xi32>
      %eq3A_1445 = arith.cmpi eq, %get3A_1437, %get3A_1444 : vector<16xi32>
      %jit3A_1446 = arith.constant 10752 : i32
      %jit3A_1447 = arith.constant 0 : i32
      %broadcast_in_dim3A_1448 = vector.broadcast %jit3A_1446 : i32 to vector<16xi32>
      %broadcast_in_dim3A_1449 = vector.broadcast %jit3A_1447 : i32 to vector<16xi32>
      %select_n3A_1450 = arith.select %eq3A_1445, %broadcast_in_dim3A_1448, %broadcast_in_dim3A_1449 : vector<16xi1>, vector<16xi32>
      %add3A_1451 = arith.addi %get3A_1444, %select_n3A_1450 : vector<16xi32>
      %swap3A_1452 = arith.constant 1 : i32
      %swap3A_1453 = arith.index_cast %swap3A_1452 : i32 to index
      %swap3A_1454 = arith.constant 208 : index
      %swap3A_1455 = tpu.vector_load %arg12[%swap3A_1453, %swap3A_1454] {strides = array<i32>} : memref<2x512xi32, #tpu.memory_space<vmem>>, vector<1x16xi32>,
      %swap3A_1456 = vector.shape_cast %swap3A_1455 : vector<1x16xi32> to vector<16xi32>
      %swap3A_1457 = vector.shape_cast %add3A_1451 : vector<16xi32> to vector<1x16xi32>
      tpu.vector_store %arg12[%swap3A_1453, %swap3A_1454], %swap3A_1457 {strides = array<i32>} : memref<2x512xi32, #tpu.memory_space<vmem>>, vector<1x16xi32>,
      %get3A_1458 = arith.constant 1 : i32
      %get3A_1459 = arith.constant 0 : i32
      %get3A_1460 = arith.index_cast %get3A_1458 : i32 to index
      %get3A_1461 = arith.index_cast %get3A_1459 : i32 to index
      %get3A_1462 = arith.constant 224 : index
      %get3A_1463 = tpu.vector_load %arg11[%get3A_1460, %get3A_1461, %get3A_1462] {strides = array<i32>} : memref<2x2x512xi32, #tpu.memory_space<vmem>>, vector<1x1x16xi32>,
      %get3A_1464 = vector.shape_cast %get3A_1463 : vector<1x1x16xi32> to vector<16xi32>
      %get3A_1465 = arith.constant 1 : i32
      %get3A_1466 = arith.constant 1 : i32
      %get3A_1467 = arith.index_cast %get3A_1465 : i32 to index
      %get3A_1468 = arith.index_cast %get3A_1466 : i32 to index
      %get3A_1469 = arith.constant 224 : index
      %get3A_1470 = tpu.vector_load %arg11[%get3A_1467, %get3A_1468, %get3A_1469] {strides = array<i32>} : memref<2x2x512xi32, #tpu.memory_space<vmem>>, vector<1x1x16xi32>,
      %get3A_1471 = vector.shape_cast %get3A_1470 : vector<1x1x16xi32> to vector<16xi32>
      %eq3A_1472 = arith.cmpi eq, %get3A_1464, %get3A_1471 : vector<16xi32>
      %jit3A_1473 = arith.constant 10752 : i32
      %jit3A_1474 = arith.constant 0 : i32
      %broadcast_in_dim3A_1475 = vector.broadcast %jit3A_1473 : i32 to vector<16xi32>
      %broadcast_in_dim3A_1476 = vector.broadcast %jit3A_1474 : i32 to vector<16xi32>
      %select_n3A_1477 = arith.select %eq3A_1472, %broadcast_in_dim3A_1475, %broadcast_in_dim3A_1476 : vector<16xi1>, vector<16xi32>
      %add3A_1478 = arith.addi %get3A_1471, %select_n3A_1477 : vector<16xi32>
      %swap3A_1479 = arith.constant 1 : i32
      %swap3A_1480 = arith.index_cast %swap3A_1479 : i32 to index
      %swap3A_1481 = arith.constant 224 : index
      %swap3A_1482 = tpu.vector_load %arg12[%swap3A_1480, %swap3A_1481] {strides = array<i32>} : memref<2x512xi32, #tpu.memory_space<vmem>>, vector<1x16xi32>,
      %swap3A_1483 = vector.shape_cast %swap3A_1482 : vector<1x16xi32> to vector<16xi32>
      %swap3A_1484 = vector.shape_cast %add3A_1478 : vector<16xi32> to vector<1x16xi32>
      tpu.vector_store %arg12[%swap3A_1480, %swap3A_1481], %swap3A_1484 {strides = array<i32>} : memref<2x512xi32, #tpu.memory_space<vmem>>, vector<1x16xi32>,
      %get3A_1485 = arith.constant 1 : i32
      %get3A_1486 = arith.constant 0 : i32
      %get3A_1487 = arith.index_cast %get3A_1485 : i32 to index
      %get3A_1488 = arith.index_cast %get3A_1486 : i32 to index
      %get3A_1489 = arith.constant 240 : index
      %get3A_1490 = tpu.vector_load %arg11[%get3A_1487, %get3A_1488, %get3A_1489] {strides = array<i32>} : memref<2x2x512xi32, #tpu.memory_space<vmem>>, vector<1x1x16xi32>,
      %get3A_1491 = vector.shape_cast %get3A_1490 : vector<1x1x16xi32> to vector<16xi32>
      %get3A_1492 = arith.constant 1 : i32
      %get3A_1493 = arith.constant 1 : i32
      %get3A_1494 = arith.index_cast %get3A_1492 : i32 to index
      %get3A_1495 = arith.index_cast %get3A_1493 : i32 to index
      %get3A_1496 = arith.constant 240 : index
      %get3A_1497 = tpu.vector_load %arg11[%get3A_1494, %get3A_1495, %get3A_1496] {strides = array<i32>} : memref<2x2x512xi32, #tpu.memory_space<vmem>>, vector<1x1x16xi32>,
      %get3A_1498 = vector.shape_cast %get3A_1497 : vector<1x1x16xi32> to vector<16xi32>
      %eq3A_1499 = arith.cmpi eq, %get3A_1491, %get3A_1498 : vector<16xi32>
      %jit3A_1500 = arith.constant 10752 : i32
      %jit3A_1501 = arith.constant 0 : i32
      %broadcast_in_dim3A_1502 = vector.broadcast %jit3A_1500 : i32 to vector<16xi32>
      %broadcast_in_dim3A_1503 = vector.broadcast %jit3A_1501 : i32 to vector<16xi32>
      %select_n3A_1504 = arith.select %eq3A_1499, %broadcast_in_dim3A_1502, %broadcast_in_dim3A_1503 : vector<16xi1>, vector<16xi32>
      %add3A_1505 = arith.addi %get3A_1498, %select_n3A_1504 : vector<16xi32>
      %swap3A_1506 = arith.constant 1 : i32
      %swap3A_1507 = arith.index_cast %swap3A_1506 : i32 to index
      %swap3A_1508 = arith.constant 240 : index
      %swap3A_1509 = tpu.vector_load %arg12[%swap3A_1507, %swap3A_1508] {strides = array<i32>} : memref<2x512xi32, #tpu.memory_space<vmem>>, vector<1x16xi32>,
      %swap3A_1510 = vector.shape_cast %swap3A_1509 : vector<1x16xi32> to vector<16xi32>
      %swap3A_1511 = vector.shape_cast %add3A_1505 : vector<16xi32> to vector<1x16xi32>
      tpu.vector_store %arg12[%swap3A_1507, %swap3A_1508], %swap3A_1511 {strides = array<i32>} : memref<2x512xi32, #tpu.memory_space<vmem>>, vector<1x16xi32>,
      %get3A_1512 = arith.constant 1 : i32
      %get3A_1513 = arith.constant 0 : i32
      %get3A_1514 = arith.index_cast %get3A_1512 : i32 to index
      %get3A_1515 = arith.index_cast %get3A_1513 : i32 to index
      %get3A_1516 = arith.constant 256 : index
      %get3A_1517 = tpu.vector_load %arg11[%get3A_1514, %get3A_1515, %get3A_1516] {strides = array<i32>} : memref<2x2x512xi32, #tpu.memory_space<vmem>>, vector<1x1x16xi32>,
      %get3A_1518 = vector.shape_cast %get3A_1517 : vector<1x1x16xi32> to vector<16xi32>
      %get3A_1519 = arith.constant 1 : i32
      %get3A_1520 = arith.constant 1 : i32
      %get3A_1521 = arith.index_cast %get3A_1519 : i32 to index
      %get3A_1522 = arith.index_cast %get3A_1520 : i32 to index
      %get3A_1523 = arith.constant 256 : index
      %get3A_1524 = tpu.vector_load %arg11[%get3A_1521, %get3A_1522, %get3A_1523] {strides = array<i32>} : memref<2x2x512xi32, #tpu.memory_space<vmem>>, vector<1x1x16xi32>,
      %get3A_1525 = vector.shape_cast %get3A_1524 : vector<1x1x16xi32> to vector<16xi32>
      %eq3A_1526 = arith.cmpi eq, %get3A_1518, %get3A_1525 : vector<16xi32>
      %jit3A_1527 = arith.constant 10752 : i32
      %jit3A_1528 = arith.constant 0 : i32
      %broadcast_in_dim3A_1529 = vector.broadcast %jit3A_1527 : i32 to vector<16xi32>
      %broadcast_in_dim3A_1530 = vector.broadcast %jit3A_1528 : i32 to vector<16xi32>
      %select_n3A_1531 = arith.select %eq3A_1526, %broadcast_in_dim3A_1529, %broadcast_in_dim3A_1530 : vector<16xi1>, vector<16xi32>
      %add3A_1532 = arith.addi %get3A_1525, %select_n3A_1531 : vector<16xi32>
      %swap3A_1533 = arith.constant 1 : i32
      %swap3A_1534 = arith.index_cast %swap3A_1533 : i32 to index
      %swap3A_1535 = arith.constant 256 : index
      %swap3A_1536 = tpu.vector_load %arg12[%swap3A_1534, %swap3A_1535] {strides = array<i32>} : memref<2x512xi32, #tpu.memory_space<vmem>>, vector<1x16xi32>,
      %swap3A_1537 = vector.shape_cast %swap3A_1536 : vector<1x16xi32> to vector<16xi32>
      %swap3A_1538 = vector.shape_cast %add3A_1532 : vector<16xi32> to vector<1x16xi32>
      tpu.vector_store %arg12[%swap3A_1534, %swap3A_1535], %swap3A_1538 {strides = array<i32>} : memref<2x512xi32, #tpu.memory_space<vmem>>, vector<1x16xi32>,
      %get3A_1539 = arith.constant 1 : i32
      %get3A_1540 = arith.constant 0 : i32
      %get3A_1541 = arith.index_cast %get3A_1539 : i32 to index
      %get3A_1542 = arith.index_cast %get3A_1540 : i32 to index
      %get3A_1543 = arith.constant 272 : index
      %get3A_1544 = tpu.vector_load %arg11[%get3A_1541, %get3A_1542, %get3A_1543] {strides = array<i32>} : memref<2x2x512xi32, #tpu.memory_space<vmem>>, vector<1x1x16xi32>,
      %get3A_1545 = vector.shape_cast %get3A_1544 : vector<1x1x16xi32> to vector<16xi32>
      %get3A_1546 = arith.constant 1 : i32
      %get3A_1547 = arith.constant 1 : i32
      %get3A_1548 = arith.index_cast %get3A_1546 : i32 to index
      %get3A_1549 = arith.index_cast %get3A_1547 : i32 to index
      %get3A_1550 = arith.constant 272 : index
      %get3A_1551 = tpu.vector_load %arg11[%get3A_1548, %get3A_1549, %get3A_1550] {strides = array<i32>} : memref<2x2x512xi32, #tpu.memory_space<vmem>>, vector<1x1x16xi32>,
      %get3A_1552 = vector.shape_cast %get3A_1551 : vector<1x1x16xi32> to vector<16xi32>
      %eq3A_1553 = arith.cmpi eq, %get3A_1545, %get3A_1552 : vector<16xi32>
      %jit3A_1554 = arith.constant 10752 : i32
      %jit3A_1555 = arith.constant 0 : i32
      %broadcast_in_dim3A_1556 = vector.broadcast %jit3A_1554 : i32 to vector<16xi32>
      %broadcast_in_dim3A_1557 = vector.broadcast %jit3A_1555 : i32 to vector<16xi32>
      %select_n3A_1558 = arith.select %eq3A_1553, %broadcast_in_dim3A_1556, %broadcast_in_dim3A_1557 : vector<16xi1>, vector<16xi32>
      %add3A_1559 = arith.addi %get3A_1552, %select_n3A_1558 : vector<16xi32>
      %swap3A_1560 = arith.constant 1 : i32
      %swap3A_1561 = arith.index_cast %swap3A_1560 : i32 to index
      %swap3A_1562 = arith.constant 272 : index
      %swap3A_1563 = tpu.vector_load %arg12[%swap3A_1561, %swap3A_1562] {strides = array<i32>} : memref<2x512xi32, #tpu.memory_space<vmem>>, vector<1x16xi32>,
      %swap3A_1564 = vector.shape_cast %swap3A_1563 : vector<1x16xi32> to vector<16xi32>
      %swap3A_1565 = vector.shape_cast %add3A_1559 : vector<16xi32> to vector<1x16xi32>
      tpu.vector_store %arg12[%swap3A_1561, %swap3A_1562], %swap3A_1565 {strides = array<i32>} : memref<2x512xi32, #tpu.memory_space<vmem>>, vector<1x16xi32>,
      %get3A_1566 = arith.constant 1 : i32
      %get3A_1567 = arith.constant 0 : i32
      %get3A_1568 = arith.index_cast %get3A_1566 : i32 to index
      %get3A_1569 = arith.index_cast %get3A_1567 : i32 to index
      %get3A_1570 = arith.constant 288 : index
      %get3A_1571 = tpu.vector_load %arg11[%get3A_1568, %get3A_1569, %get3A_1570] {strides = array<i32>} : memref<2x2x512xi32, #tpu.memory_space<vmem>>, vector<1x1x16xi32>,
      %get3A_1572 = vector.shape_cast %get3A_1571 : vector<1x1x16xi32> to vector<16xi32>
      %get3A_1573 = arith.constant 1 : i32
      %get3A_1574 = arith.constant 1 : i32
      %get3A_1575 = arith.index_cast %get3A_1573 : i32 to index
      %get3A_1576 = arith.index_cast %get3A_1574 : i32 to index
      %get3A_1577 = arith.constant 288 : index
      %get3A_1578 = tpu.vector_load %arg11[%get3A_1575, %get3A_1576, %get3A_1577] {strides = array<i32>} : memref<2x2x512xi32, #tpu.memory_space<vmem>>, vector<1x1x16xi32>,
      %get3A_1579 = vector.shape_cast %get3A_1578 : vector<1x1x16xi32> to vector<16xi32>
      %eq3A_1580 = arith.cmpi eq, %get3A_1572, %get3A_1579 : vector<16xi32>
      %jit3A_1581 = arith.constant 10752 : i32
      %jit3A_1582 = arith.constant 0 : i32
      %broadcast_in_dim3A_1583 = vector.broadcast %jit3A_1581 : i32 to vector<16xi32>
      %broadcast_in_dim3A_1584 = vector.broadcast %jit3A_1582 : i32 to vector<16xi32>
      %select_n3A_1585 = arith.select %eq3A_1580, %broadcast_in_dim3A_1583, %broadcast_in_dim3A_1584 : vector<16xi1>, vector<16xi32>
      %add3A_1586 = arith.addi %get3A_1579, %select_n3A_1585 : vector<16xi32>
      %swap3A_1587 = arith.constant 1 : i32
      %swap3A_1588 = arith.index_cast %swap3A_1587 : i32 to index
      %swap3A_1589 = arith.constant 288 : index
      %swap3A_1590 = tpu.vector_load %arg12[%swap3A_1588, %swap3A_1589] {strides = array<i32>} : memref<2x512xi32, #tpu.memory_space<vmem>>, vector<1x16xi32>,
      %swap3A_1591 = vector.shape_cast %swap3A_1590 : vector<1x16xi32> to vector<16xi32>
      %swap3A_1592 = vector.shape_cast %add3A_1586 : vector<16xi32> to vector<1x16xi32>
      tpu.vector_store %arg12[%swap3A_1588, %swap3A_1589], %swap3A_1592 {strides = array<i32>} : memref<2x512xi32, #tpu.memory_space<vmem>>, vector<1x16xi32>,
      %get3A_1593 = arith.constant 1 : i32
      %get3A_1594 = arith.constant 0 : i32
      %get3A_1595 = arith.index_cast %get3A_1593 : i32 to index
      %get3A_1596 = arith.index_cast %get3A_1594 : i32 to index
      %get3A_1597 = arith.constant 304 : index
      %get3A_1598 = tpu.vector_load %arg11[%get3A_1595, %get3A_1596, %get3A_1597] {strides = array<i32>} : memref<2x2x512xi32, #tpu.memory_space<vmem>>, vector<1x1x16xi32>,
      %get3A_1599 = vector.shape_cast %get3A_1598 : vector<1x1x16xi32> to vector<16xi32>
      %get3A_1600 = arith.constant 1 : i32
      %get3A_1601 = arith.constant 1 : i32
      %get3A_1602 = arith.index_cast %get3A_1600 : i32 to index
      %get3A_1603 = arith.index_cast %get3A_1601 : i32 to index
      %get3A_1604 = arith.constant 304 : index
      %get3A_1605 = tpu.vector_load %arg11[%get3A_1602, %get3A_1603, %get3A_1604] {strides = array<i32>} : memref<2x2x512xi32, #tpu.memory_space<vmem>>, vector<1x1x16xi32>,
      %get3A_1606 = vector.shape_cast %get3A_1605 : vector<1x1x16xi32> to vector<16xi32>
      %eq3A_1607 = arith.cmpi eq, %get3A_1599, %get3A_1606 : vector<16xi32>
      %jit3A_1608 = arith.constant 10752 : i32
      %jit3A_1609 = arith.constant 0 : i32
      %broadcast_in_dim3A_1610 = vector.broadcast %jit3A_1608 : i32 to vector<16xi32>
      %broadcast_in_dim3A_1611 = vector.broadcast %jit3A_1609 : i32 to vector<16xi32>
      %select_n3A_1612 = arith.select %eq3A_1607, %broadcast_in_dim3A_1610, %broadcast_in_dim3A_1611 : vector<16xi1>, vector<16xi32>
      %add3A_1613 = arith.addi %get3A_1606, %select_n3A_1612 : vector<16xi32>
      %swap3A_1614 = arith.constant 1 : i32
      %swap3A_1615 = arith.index_cast %swap3A_1614 : i32 to index
      %swap3A_1616 = arith.constant 304 : index
      %swap3A_1617 = tpu.vector_load %arg12[%swap3A_1615, %swap3A_1616] {strides = array<i32>} : memref<2x512xi32, #tpu.memory_space<vmem>>, vector<1x16xi32>,
      %swap3A_1618 = vector.shape_cast %swap3A_1617 : vector<1x16xi32> to vector<16xi32>
      %swap3A_1619 = vector.shape_cast %add3A_1613 : vector<16xi32> to vector<1x16xi32>
      tpu.vector_store %arg12[%swap3A_1615, %swap3A_1616], %swap3A_1619 {strides = array<i32>} : memref<2x512xi32, #tpu.memory_space<vmem>>, vector<1x16xi32>,
      %get3A_1620 = arith.constant 1 : i32
      %get3A_1621 = arith.constant 0 : i32
      %get3A_1622 = arith.index_cast %get3A_1620 : i32 to index
      %get3A_1623 = arith.index_cast %get3A_1621 : i32 to index
      %get3A_1624 = arith.constant 320 : index
      %get3A_1625 = tpu.vector_load %arg11[%get3A_1622, %get3A_1623, %get3A_1624] {strides = array<i32>} : memref<2x2x512xi32, #tpu.memory_space<vmem>>, vector<1x1x16xi32>,
      %get3A_1626 = vector.shape_cast %get3A_1625 : vector<1x1x16xi32> to vector<16xi32>
      %get3A_1627 = arith.constant 1 : i32
      %get3A_1628 = arith.constant 1 : i32
      %get3A_1629 = arith.index_cast %get3A_1627 : i32 to index
      %get3A_1630 = arith.index_cast %get3A_1628 : i32 to index
      %get3A_1631 = arith.constant 320 : index
      %get3A_1632 = tpu.vector_load %arg11[%get3A_1629, %get3A_1630, %get3A_1631] {strides = array<i32>} : memref<2x2x512xi32, #tpu.memory_space<vmem>>, vector<1x1x16xi32>,
      %get3A_1633 = vector.shape_cast %get3A_1632 : vector<1x1x16xi32> to vector<16xi32>
      %eq3A_1634 = arith.cmpi eq, %get3A_1626, %get3A_1633 : vector<16xi32>
      %jit3A_1635 = arith.constant 10752 : i32
      %jit3A_1636 = arith.constant 0 : i32
      %broadcast_in_dim3A_1637 = vector.broadcast %jit3A_1635 : i32 to vector<16xi32>
      %broadcast_in_dim3A_1638 = vector.broadcast %jit3A_1636 : i32 to vector<16xi32>
      %select_n3A_1639 = arith.select %eq3A_1634, %broadcast_in_dim3A_1637, %broadcast_in_dim3A_1638 : vector<16xi1>, vector<16xi32>
      %add3A_1640 = arith.addi %get3A_1633, %select_n3A_1639 : vector<16xi32>
      %swap3A_1641 = arith.constant 1 : i32
      %swap3A_1642 = arith.index_cast %swap3A_1641 : i32 to index
      %swap3A_1643 = arith.constant 320 : index
      %swap3A_1644 = tpu.vector_load %arg12[%swap3A_1642, %swap3A_1643] {strides = array<i32>} : memref<2x512xi32, #tpu.memory_space<vmem>>, vector<1x16xi32>,
      %swap3A_1645 = vector.shape_cast %swap3A_1644 : vector<1x16xi32> to vector<16xi32>
      %swap3A_1646 = vector.shape_cast %add3A_1640 : vector<16xi32> to vector<1x16xi32>
      tpu.vector_store %arg12[%swap3A_1642, %swap3A_1643], %swap3A_1646 {strides = array<i32>} : memref<2x512xi32, #tpu.memory_space<vmem>>, vector<1x16xi32>,
      %get3A_1647 = arith.constant 1 : i32
      %get3A_1648 = arith.constant 0 : i32
      %get3A_1649 = arith.index_cast %get3A_1647 : i32 to index
      %get3A_1650 = arith.index_cast %get3A_1648 : i32 to index
      %get3A_1651 = arith.constant 336 : index
      %get3A_1652 = tpu.vector_load %arg11[%get3A_1649, %get3A_1650, %get3A_1651] {strides = array<i32>} : memref<2x2x512xi32, #tpu.memory_space<vmem>>, vector<1x1x16xi32>,
      %get3A_1653 = vector.shape_cast %get3A_1652 : vector<1x1x16xi32> to vector<16xi32>
      %get3A_1654 = arith.constant 1 : i32
      %get3A_1655 = arith.constant 1 : i32
      %get3A_1656 = arith.index_cast %get3A_1654 : i32 to index
      %get3A_1657 = arith.index_cast %get3A_1655 : i32 to index
      %get3A_1658 = arith.constant 336 : index
      %get3A_1659 = tpu.vector_load %arg11[%get3A_1656, %get3A_1657, %get3A_1658] {strides = array<i32>} : memref<2x2x512xi32, #tpu.memory_space<vmem>>, vector<1x1x16xi32>,
      %get3A_1660 = vector.shape_cast %get3A_1659 : vector<1x1x16xi32> to vector<16xi32>
      %eq3A_1661 = arith.cmpi eq, %get3A_1653, %get3A_1660 : vector<16xi32>
      %jit3A_1662 = arith.constant 10752 : i32
      %jit3A_1663 = arith.constant 0 : i32
      %broadcast_in_dim3A_1664 = vector.broadcast %jit3A_1662 : i32 to vector<16xi32>
      %broadcast_in_dim3A_1665 = vector.broadcast %jit3A_1663 : i32 to vector<16xi32>
      %select_n3A_1666 = arith.select %eq3A_1661, %broadcast_in_dim3A_1664, %broadcast_in_dim3A_1665 : vector<16xi1>, vector<16xi32>
      %add3A_1667 = arith.addi %get3A_1660, %select_n3A_1666 : vector<16xi32>
      %swap3A_1668 = arith.constant 1 : i32
      %swap3A_1669 = arith.index_cast %swap3A_1668 : i32 to index
      %swap3A_1670 = arith.constant 336 : index
      %swap3A_1671 = tpu.vector_load %arg12[%swap3A_1669, %swap3A_1670] {strides = array<i32>} : memref<2x512xi32, #tpu.memory_space<vmem>>, vector<1x16xi32>,
      %swap3A_1672 = vector.shape_cast %swap3A_1671 : vector<1x16xi32> to vector<16xi32>
      %swap3A_1673 = vector.shape_cast %add3A_1667 : vector<16xi32> to vector<1x16xi32>
      tpu.vector_store %arg12[%swap3A_1669, %swap3A_1670], %swap3A_1673 {strides = array<i32>} : memref<2x512xi32, #tpu.memory_space<vmem>>, vector<1x16xi32>,
      %get3A_1674 = arith.constant 1 : i32
      %get3A_1675 = arith.constant 0 : i32
      %get3A_1676 = arith.index_cast %get3A_1674 : i32 to index
      %get3A_1677 = arith.index_cast %get3A_1675 : i32 to index
      %get3A_1678 = arith.constant 352 : index
      %get3A_1679 = tpu.vector_load %arg11[%get3A_1676, %get3A_1677, %get3A_1678] {strides = array<i32>} : memref<2x2x512xi32, #tpu.memory_space<vmem>>, vector<1x1x16xi32>,
      %get3A_1680 = vector.shape_cast %get3A_1679 : vector<1x1x16xi32> to vector<16xi32>
      %get3A_1681 = arith.constant 1 : i32
      %get3A_1682 = arith.constant 1 : i32
      %get3A_1683 = arith.index_cast %get3A_1681 : i32 to index
      %get3A_1684 = arith.index_cast %get3A_1682 : i32 to index
      %get3A_1685 = arith.constant 352 : index
      %get3A_1686 = tpu.vector_load %arg11[%get3A_1683, %get3A_1684, %get3A_1685] {strides = array<i32>} : memref<2x2x512xi32, #tpu.memory_space<vmem>>, vector<1x1x16xi32>,
      %get3A_1687 = vector.shape_cast %get3A_1686 : vector<1x1x16xi32> to vector<16xi32>
      %eq3A_1688 = arith.cmpi eq, %get3A_1680, %get3A_1687 : vector<16xi32>
      %jit3A_1689 = arith.constant 10752 : i32
      %jit3A_1690 = arith.constant 0 : i32
      %broadcast_in_dim3A_1691 = vector.broadcast %jit3A_1689 : i32 to vector<16xi32>
      %broadcast_in_dim3A_1692 = vector.broadcast %jit3A_1690 : i32 to vector<16xi32>
      %select_n3A_1693 = arith.select %eq3A_1688, %broadcast_in_dim3A_1691, %broadcast_in_dim3A_1692 : vector<16xi1>, vector<16xi32>
      %add3A_1694 = arith.addi %get3A_1687, %select_n3A_1693 : vector<16xi32>
      %swap3A_1695 = arith.constant 1 : i32
      %swap3A_1696 = arith.index_cast %swap3A_1695 : i32 to index
      %swap3A_1697 = arith.constant 352 : index
      %swap3A_1698 = tpu.vector_load %arg12[%swap3A_1696, %swap3A_1697] {strides = array<i32>} : memref<2x512xi32, #tpu.memory_space<vmem>>, vector<1x16xi32>,
      %swap3A_1699 = vector.shape_cast %swap3A_1698 : vector<1x16xi32> to vector<16xi32>
      %swap3A_1700 = vector.shape_cast %add3A_1694 : vector<16xi32> to vector<1x16xi32>
      tpu.vector_store %arg12[%swap3A_1696, %swap3A_1697], %swap3A_1700 {strides = array<i32>} : memref<2x512xi32, #tpu.memory_space<vmem>>, vector<1x16xi32>,
      %get3A_1701 = arith.constant 1 : i32
      %get3A_1702 = arith.constant 0 : i32
      %get3A_1703 = arith.index_cast %get3A_1701 : i32 to index
      %get3A_1704 = arith.index_cast %get3A_1702 : i32 to index
      %get3A_1705 = arith.constant 368 : index
      %get3A_1706 = tpu.vector_load %arg11[%get3A_1703, %get3A_1704, %get3A_1705] {strides = array<i32>} : memref<2x2x512xi32, #tpu.memory_space<vmem>>, vector<1x1x16xi32>,
      %get3A_1707 = vector.shape_cast %get3A_1706 : vector<1x1x16xi32> to vector<16xi32>
      %get3A_1708 = arith.constant 1 : i32
      %get3A_1709 = arith.constant 1 : i32
      %get3A_1710 = arith.index_cast %get3A_1708 : i32 to index
      %get3A_1711 = arith.index_cast %get3A_1709 : i32 to index
      %get3A_1712 = arith.constant 368 : index
      %get3A_1713 = tpu.vector_load %arg11[%get3A_1710, %get3A_1711, %get3A_1712] {strides = array<i32>} : memref<2x2x512xi32, #tpu.memory_space<vmem>>, vector<1x1x16xi32>,
      %get3A_1714 = vector.shape_cast %get3A_1713 : vector<1x1x16xi32> to vector<16xi32>
      %eq3A_1715 = arith.cmpi eq, %get3A_1707, %get3A_1714 : vector<16xi32>
      %jit3A_1716 = arith.constant 10752 : i32
      %jit3A_1717 = arith.constant 0 : i32
      %broadcast_in_dim3A_1718 = vector.broadcast %jit3A_1716 : i32 to vector<16xi32>
      %broadcast_in_dim3A_1719 = vector.broadcast %jit3A_1717 : i32 to vector<16xi32>
      %select_n3A_1720 = arith.select %eq3A_1715, %broadcast_in_dim3A_1718, %broadcast_in_dim3A_1719 : vector<16xi1>, vector<16xi32>
      %add3A_1721 = arith.addi %get3A_1714, %select_n3A_1720 : vector<16xi32>
      %swap3A_1722 = arith.constant 1 : i32
      %swap3A_1723 = arith.index_cast %swap3A_1722 : i32 to index
      %swap3A_1724 = arith.constant 368 : index
      %swap3A_1725 = tpu.vector_load %arg12[%swap3A_1723, %swap3A_1724] {strides = array<i32>} : memref<2x512xi32, #tpu.memory_space<vmem>>, vector<1x16xi32>,
      %swap3A_1726 = vector.shape_cast %swap3A_1725 : vector<1x16xi32> to vector<16xi32>
      %swap3A_1727 = vector.shape_cast %add3A_1721 : vector<16xi32> to vector<1x16xi32>
      tpu.vector_store %arg12[%swap3A_1723, %swap3A_1724], %swap3A_1727 {strides = array<i32>} : memref<2x512xi32, #tpu.memory_space<vmem>>, vector<1x16xi32>,
      %get3A_1728 = arith.constant 1 : i32
      %get3A_1729 = arith.constant 0 : i32
      %get3A_1730 = arith.index_cast %get3A_1728 : i32 to index
      %get3A_1731 = arith.index_cast %get3A_1729 : i32 to index
      %get3A_1732 = arith.constant 384 : index
      %get3A_1733 = tpu.vector_load %arg11[%get3A_1730, %get3A_1731, %get3A_1732] {strides = array<i32>} : memref<2x2x512xi32, #tpu.memory_space<vmem>>, vector<1x1x16xi32>,
      %get3A_1734 = vector.shape_cast %get3A_1733 : vector<1x1x16xi32> to vector<16xi32>
      %get3A_1735 = arith.constant 1 : i32
      %get3A_1736 = arith.constant 1 : i32
      %get3A_1737 = arith.index_cast %get3A_1735 : i32 to index
      %get3A_1738 = arith.index_cast %get3A_1736 : i32 to index
      %get3A_1739 = arith.constant 384 : index
      %get3A_1740 = tpu.vector_load %arg11[%get3A_1737, %get3A_1738, %get3A_1739] {strides = array<i32>} : memref<2x2x512xi32, #tpu.memory_space<vmem>>, vector<1x1x16xi32>,
      %get3A_1741 = vector.shape_cast %get3A_1740 : vector<1x1x16xi32> to vector<16xi32>
      %eq3A_1742 = arith.cmpi eq, %get3A_1734, %get3A_1741 : vector<16xi32>
      %jit3A_1743 = arith.constant 10752 : i32
      %jit3A_1744 = arith.constant 0 : i32
      %broadcast_in_dim3A_1745 = vector.broadcast %jit3A_1743 : i32 to vector<16xi32>
      %broadcast_in_dim3A_1746 = vector.broadcast %jit3A_1744 : i32 to vector<16xi32>
      %select_n3A_1747 = arith.select %eq3A_1742, %broadcast_in_dim3A_1745, %broadcast_in_dim3A_1746 : vector<16xi1>, vector<16xi32>
      %add3A_1748 = arith.addi %get3A_1741, %select_n3A_1747 : vector<16xi32>
      %swap3A_1749 = arith.constant 1 : i32
      %swap3A_1750 = arith.index_cast %swap3A_1749 : i32 to index
      %swap3A_1751 = arith.constant 384 : index
      %swap3A_1752 = tpu.vector_load %arg12[%swap3A_1750, %swap3A_1751] {strides = array<i32>} : memref<2x512xi32, #tpu.memory_space<vmem>>, vector<1x16xi32>,
      %swap3A_1753 = vector.shape_cast %swap3A_1752 : vector<1x16xi32> to vector<16xi32>
      %swap3A_1754 = vector.shape_cast %add3A_1748 : vector<16xi32> to vector<1x16xi32>
      tpu.vector_store %arg12[%swap3A_1750, %swap3A_1751], %swap3A_1754 {strides = array<i32>} : memref<2x512xi32, #tpu.memory_space<vmem>>, vector<1x16xi32>,
      %get3A_1755 = arith.constant 1 : i32
      %get3A_1756 = arith.constant 0 : i32
      %get3A_1757 = arith.index_cast %get3A_1755 : i32 to index
      %get3A_1758 = arith.index_cast %get3A_1756 : i32 to index
      %get3A_1759 = arith.constant 400 : index
      %get3A_1760 = tpu.vector_load %arg11[%get3A_1757, %get3A_1758, %get3A_1759] {strides = array<i32>} : memref<2x2x512xi32, #tpu.memory_space<vmem>>, vector<1x1x16xi32>,
      %get3A_1761 = vector.shape_cast %get3A_1760 : vector<1x1x16xi32> to vector<16xi32>
      %get3A_1762 = arith.constant 1 : i32
      %get3A_1763 = arith.constant 1 : i32
      %get3A_1764 = arith.index_cast %get3A_1762 : i32 to index
      %get3A_1765 = arith.index_cast %get3A_1763 : i32 to index
      %get3A_1766 = arith.constant 400 : index
      %get3A_1767 = tpu.vector_load %arg11[%get3A_1764, %get3A_1765, %get3A_1766] {strides = array<i32>} : memref<2x2x512xi32, #tpu.memory_space<vmem>>, vector<1x1x16xi32>,
      %get3A_1768 = vector.shape_cast %get3A_1767 : vector<1x1x16xi32> to vector<16xi32>
      %eq3A_1769 = arith.cmpi eq, %get3A_1761, %get3A_1768 : vector<16xi32>
      %jit3A_1770 = arith.constant 10752 : i32
      %jit3A_1771 = arith.constant 0 : i32
      %broadcast_in_dim3A_1772 = vector.broadcast %jit3A_1770 : i32 to vector<16xi32>
      %broadcast_in_dim3A_1773 = vector.broadcast %jit3A_1771 : i32 to vector<16xi32>
      %select_n3A_1774 = arith.select %eq3A_1769, %broadcast_in_dim3A_1772, %broadcast_in_dim3A_1773 : vector<16xi1>, vector<16xi32>
      %add3A_1775 = arith.addi %get3A_1768, %select_n3A_1774 : vector<16xi32>
      %swap3A_1776 = arith.constant 1 : i32
      %swap3A_1777 = arith.index_cast %swap3A_1776 : i32 to index
      %swap3A_1778 = arith.constant 400 : index
      %swap3A_1779 = tpu.vector_load %arg12[%swap3A_1777, %swap3A_1778] {strides = array<i32>} : memref<2x512xi32, #tpu.memory_space<vmem>>, vector<1x16xi32>,
      %swap3A_1780 = vector.shape_cast %swap3A_1779 : vector<1x16xi32> to vector<16xi32>
      %swap3A_1781 = vector.shape_cast %add3A_1775 : vector<16xi32> to vector<1x16xi32>
      tpu.vector_store %arg12[%swap3A_1777, %swap3A_1778], %swap3A_1781 {strides = array<i32>} : memref<2x512xi32, #tpu.memory_space<vmem>>, vector<1x16xi32>,
      %get3A_1782 = arith.constant 1 : i32
      %get3A_1783 = arith.constant 0 : i32
      %get3A_1784 = arith.index_cast %get3A_1782 : i32 to index
      %get3A_1785 = arith.index_cast %get3A_1783 : i32 to index
      %get3A_1786 = arith.constant 416 : index
      %get3A_1787 = tpu.vector_load %arg11[%get3A_1784, %get3A_1785, %get3A_1786] {strides = array<i32>} : memref<2x2x512xi32, #tpu.memory_space<vmem>>, vector<1x1x16xi32>,
      %get3A_1788 = vector.shape_cast %get3A_1787 : vector<1x1x16xi32> to vector<16xi32>
      %get3A_1789 = arith.constant 1 : i32
      %get3A_1790 = arith.constant 1 : i32
      %get3A_1791 = arith.index_cast %get3A_1789 : i32 to index
      %get3A_1792 = arith.index_cast %get3A_1790 : i32 to index
      %get3A_1793 = arith.constant 416 : index
      %get3A_1794 = tpu.vector_load %arg11[%get3A_1791, %get3A_1792, %get3A_1793] {strides = array<i32>} : memref<2x2x512xi32, #tpu.memory_space<vmem>>, vector<1x1x16xi32>,
      %get3A_1795 = vector.shape_cast %get3A_1794 : vector<1x1x16xi32> to vector<16xi32>
      %eq3A_1796 = arith.cmpi eq, %get3A_1788, %get3A_1795 : vector<16xi32>
      %jit3A_1797 = arith.constant 10752 : i32
      %jit3A_1798 = arith.constant 0 : i32
      %broadcast_in_dim3A_1799 = vector.broadcast %jit3A_1797 : i32 to vector<16xi32>
      %broadcast_in_dim3A_1800 = vector.broadcast %jit3A_1798 : i32 to vector<16xi32>
      %select_n3A_1801 = arith.select %eq3A_1796, %broadcast_in_dim3A_1799, %broadcast_in_dim3A_1800 : vector<16xi1>, vector<16xi32>
      %add3A_1802 = arith.addi %get3A_1795, %select_n3A_1801 : vector<16xi32>
      %swap3A_1803 = arith.constant 1 : i32
      %swap3A_1804 = arith.index_cast %swap3A_1803 : i32 to index
      %swap3A_1805 = arith.constant 416 : index
      %swap3A_1806 = tpu.vector_load %arg12[%swap3A_1804, %swap3A_1805] {strides = array<i32>} : memref<2x512xi32, #tpu.memory_space<vmem>>, vector<1x16xi32>,
      %swap3A_1807 = vector.shape_cast %swap3A_1806 : vector<1x16xi32> to vector<16xi32>
      %swap3A_1808 = vector.shape_cast %add3A_1802 : vector<16xi32> to vector<1x16xi32>
      tpu.vector_store %arg12[%swap3A_1804, %swap3A_1805], %swap3A_1808 {strides = array<i32>} : memref<2x512xi32, #tpu.memory_space<vmem>>, vector<1x16xi32>,
      %get3A_1809 = arith.constant 1 : i32
      %get3A_1810 = arith.constant 0 : i32
      %get3A_1811 = arith.index_cast %get3A_1809 : i32 to index
      %get3A_1812 = arith.index_cast %get3A_1810 : i32 to index
      %get3A_1813 = arith.constant 432 : index
      %get3A_1814 = tpu.vector_load %arg11[%get3A_1811, %get3A_1812, %get3A_1813] {strides = array<i32>} : memref<2x2x512xi32, #tpu.memory_space<vmem>>, vector<1x1x16xi32>,
      %get3A_1815 = vector.shape_cast %get3A_1814 : vector<1x1x16xi32> to vector<16xi32>
      %get3A_1816 = arith.constant 1 : i32
      %get3A_1817 = arith.constant 1 : i32
      %get3A_1818 = arith.index_cast %get3A_1816 : i32 to index
      %get3A_1819 = arith.index_cast %get3A_1817 : i32 to index
      %get3A_1820 = arith.constant 432 : index
      %get3A_1821 = tpu.vector_load %arg11[%get3A_1818, %get3A_1819, %get3A_1820] {strides = array<i32>} : memref<2x2x512xi32, #tpu.memory_space<vmem>>, vector<1x1x16xi32>,
      %get3A_1822 = vector.shape_cast %get3A_1821 : vector<1x1x16xi32> to vector<16xi32>
      %eq3A_1823 = arith.cmpi eq, %get3A_1815, %get3A_1822 : vector<16xi32>
      %jit3A_1824 = arith.constant 10752 : i32
      %jit3A_1825 = arith.constant 0 : i32
      %broadcast_in_dim3A_1826 = vector.broadcast %jit3A_1824 : i32 to vector<16xi32>
      %broadcast_in_dim3A_1827 = vector.broadcast %jit3A_1825 : i32 to vector<16xi32>
      %select_n3A_1828 = arith.select %eq3A_1823, %broadcast_in_dim3A_1826, %broadcast_in_dim3A_1827 : vector<16xi1>, vector<16xi32>
      %add3A_1829 = arith.addi %get3A_1822, %select_n3A_1828 : vector<16xi32>
      %swap3A_1830 = arith.constant 1 : i32
      %swap3A_1831 = arith.index_cast %swap3A_1830 : i32 to index
      %swap3A_1832 = arith.constant 432 : index
      %swap3A_1833 = tpu.vector_load %arg12[%swap3A_1831, %swap3A_1832] {strides = array<i32>} : memref<2x512xi32, #tpu.memory_space<vmem>>, vector<1x16xi32>,
      %swap3A_1834 = vector.shape_cast %swap3A_1833 : vector<1x16xi32> to vector<16xi32>
      %swap3A_1835 = vector.shape_cast %add3A_1829 : vector<16xi32> to vector<1x16xi32>
      tpu.vector_store %arg12[%swap3A_1831, %swap3A_1832], %swap3A_1835 {strides = array<i32>} : memref<2x512xi32, #tpu.memory_space<vmem>>, vector<1x16xi32>,
      %get3A_1836 = arith.constant 1 : i32
      %get3A_1837 = arith.constant 0 : i32
      %get3A_1838 = arith.index_cast %get3A_1836 : i32 to index
      %get3A_1839 = arith.index_cast %get3A_1837 : i32 to index
      %get3A_1840 = arith.constant 448 : index
      %get3A_1841 = tpu.vector_load %arg11[%get3A_1838, %get3A_1839, %get3A_1840] {strides = array<i32>} : memref<2x2x512xi32, #tpu.memory_space<vmem>>, vector<1x1x16xi32>,
      %get3A_1842 = vector.shape_cast %get3A_1841 : vector<1x1x16xi32> to vector<16xi32>
      %get3A_1843 = arith.constant 1 : i32
      %get3A_1844 = arith.constant 1 : i32
      %get3A_1845 = arith.index_cast %get3A_1843 : i32 to index
      %get3A_1846 = arith.index_cast %get3A_1844 : i32 to index
      %get3A_1847 = arith.constant 448 : index
      %get3A_1848 = tpu.vector_load %arg11[%get3A_1845, %get3A_1846, %get3A_1847] {strides = array<i32>} : memref<2x2x512xi32, #tpu.memory_space<vmem>>, vector<1x1x16xi32>,
      %get3A_1849 = vector.shape_cast %get3A_1848 : vector<1x1x16xi32> to vector<16xi32>
      %eq3A_1850 = arith.cmpi eq, %get3A_1842, %get3A_1849 : vector<16xi32>
      %jit3A_1851 = arith.constant 10752 : i32
      %jit3A_1852 = arith.constant 0 : i32
      %broadcast_in_dim3A_1853 = vector.broadcast %jit3A_1851 : i32 to vector<16xi32>
      %broadcast_in_dim3A_1854 = vector.broadcast %jit3A_1852 : i32 to vector<16xi32>
      %select_n3A_1855 = arith.select %eq3A_1850, %broadcast_in_dim3A_1853, %broadcast_in_dim3A_1854 : vector<16xi1>, vector<16xi32>
      %add3A_1856 = arith.addi %get3A_1849, %select_n3A_1855 : vector<16xi32>
      %swap3A_1857 = arith.constant 1 : i32
      %swap3A_1858 = arith.index_cast %swap3A_1857 : i32 to index
      %swap3A_1859 = arith.constant 448 : index
      %swap3A_1860 = tpu.vector_load %arg12[%swap3A_1858, %swap3A_1859] {strides = array<i32>} : memref<2x512xi32, #tpu.memory_space<vmem>>, vector<1x16xi32>,
      %swap3A_1861 = vector.shape_cast %swap3A_1860 : vector<1x16xi32> to vector<16xi32>
      %swap3A_1862 = vector.shape_cast %add3A_1856 : vector<16xi32> to vector<1x16xi32>
      tpu.vector_store %arg12[%swap3A_1858, %swap3A_1859], %swap3A_1862 {strides = array<i32>} : memref<2x512xi32, #tpu.memory_space<vmem>>, vector<1x16xi32>,
      %get3A_1863 = arith.constant 1 : i32
      %get3A_1864 = arith.constant 0 : i32
      %get3A_1865 = arith.index_cast %get3A_1863 : i32 to index
      %get3A_1866 = arith.index_cast %get3A_1864 : i32 to index
      %get3A_1867 = arith.constant 464 : index
      %get3A_1868 = tpu.vector_load %arg11[%get3A_1865, %get3A_1866, %get3A_1867] {strides = array<i32>} : memref<2x2x512xi32, #tpu.memory_space<vmem>>, vector<1x1x16xi32>,
      %get3A_1869 = vector.shape_cast %get3A_1868 : vector<1x1x16xi32> to vector<16xi32>
      %get3A_1870 = arith.constant 1 : i32
      %get3A_1871 = arith.constant 1 : i32
      %get3A_1872 = arith.index_cast %get3A_1870 : i32 to index
      %get3A_1873 = arith.index_cast %get3A_1871 : i32 to index
      %get3A_1874 = arith.constant 464 : index
      %get3A_1875 = tpu.vector_load %arg11[%get3A_1872, %get3A_1873, %get3A_1874] {strides = array<i32>} : memref<2x2x512xi32, #tpu.memory_space<vmem>>, vector<1x1x16xi32>,
      %get3A_1876 = vector.shape_cast %get3A_1875 : vector<1x1x16xi32> to vector<16xi32>
      %eq3A_1877 = arith.cmpi eq, %get3A_1869, %get3A_1876 : vector<16xi32>
      %jit3A_1878 = arith.constant 10752 : i32
      %jit3A_1879 = arith.constant 0 : i32
      %broadcast_in_dim3A_1880 = vector.broadcast %jit3A_1878 : i32 to vector<16xi32>
      %broadcast_in_dim3A_1881 = vector.broadcast %jit3A_1879 : i32 to vector<16xi32>
      %select_n3A_1882 = arith.select %eq3A_1877, %broadcast_in_dim3A_1880, %broadcast_in_dim3A_1881 : vector<16xi1>, vector<16xi32>
      %add3A_1883 = arith.addi %get3A_1876, %select_n3A_1882 : vector<16xi32>
      %swap3A_1884 = arith.constant 1 : i32
      %swap3A_1885 = arith.index_cast %swap3A_1884 : i32 to index
      %swap3A_1886 = arith.constant 464 : index
      %swap3A_1887 = tpu.vector_load %arg12[%swap3A_1885, %swap3A_1886] {strides = array<i32>} : memref<2x512xi32, #tpu.memory_space<vmem>>, vector<1x16xi32>,
      %swap3A_1888 = vector.shape_cast %swap3A_1887 : vector<1x16xi32> to vector<16xi32>
      %swap3A_1889 = vector.shape_cast %add3A_1883 : vector<16xi32> to vector<1x16xi32>
      tpu.vector_store %arg12[%swap3A_1885, %swap3A_1886], %swap3A_1889 {strides = array<i32>} : memref<2x512xi32, #tpu.memory_space<vmem>>, vector<1x16xi32>,
      %get3A_1890 = arith.constant 1 : i32
      %get3A_1891 = arith.constant 0 : i32
      %get3A_1892 = arith.index_cast %get3A_1890 : i32 to index
      %get3A_1893 = arith.index_cast %get3A_1891 : i32 to index
      %get3A_1894 = arith.constant 480 : index
      %get3A_1895 = tpu.vector_load %arg11[%get3A_1892, %get3A_1893, %get3A_1894] {strides = array<i32>} : memref<2x2x512xi32, #tpu.memory_space<vmem>>, vector<1x1x16xi32>,
      %get3A_1896 = vector.shape_cast %get3A_1895 : vector<1x1x16xi32> to vector<16xi32>
      %get3A_1897 = arith.constant 1 : i32
      %get3A_1898 = arith.constant 1 : i32
      %get3A_1899 = arith.index_cast %get3A_1897 : i32 to index
      %get3A_1900 = arith.index_cast %get3A_1898 : i32 to index
      %get3A_1901 = arith.constant 480 : index
      %get3A_1902 = tpu.vector_load %arg11[%get3A_1899, %get3A_1900, %get3A_1901] {strides = array<i32>} : memref<2x2x512xi32, #tpu.memory_space<vmem>>, vector<1x1x16xi32>,
      %get3A_1903 = vector.shape_cast %get3A_1902 : vector<1x1x16xi32> to vector<16xi32>
      %eq3A_1904 = arith.cmpi eq, %get3A_1896, %get3A_1903 : vector<16xi32>
      %jit3A_1905 = arith.constant 10752 : i32
      %jit3A_1906 = arith.constant 0 : i32
      %broadcast_in_dim3A_1907 = vector.broadcast %jit3A_1905 : i32 to vector<16xi32>
      %broadcast_in_dim3A_1908 = vector.broadcast %jit3A_1906 : i32 to vector<16xi32>
      %select_n3A_1909 = arith.select %eq3A_1904, %broadcast_in_dim3A_1907, %broadcast_in_dim3A_1908 : vector<16xi1>, vector<16xi32>
      %add3A_1910 = arith.addi %get3A_1903, %select_n3A_1909 : vector<16xi32>
      %swap3A_1911 = arith.constant 1 : i32
      %swap3A_1912 = arith.index_cast %swap3A_1911 : i32 to index
      %swap3A_1913 = arith.constant 480 : index
      %swap3A_1914 = tpu.vector_load %arg12[%swap3A_1912, %swap3A_1913] {strides = array<i32>} : memref<2x512xi32, #tpu.memory_space<vmem>>, vector<1x16xi32>,
      %swap3A_1915 = vector.shape_cast %swap3A_1914 : vector<1x16xi32> to vector<16xi32>
      %swap3A_1916 = vector.shape_cast %add3A_1910 : vector<16xi32> to vector<1x16xi32>
      tpu.vector_store %arg12[%swap3A_1912, %swap3A_1913], %swap3A_1916 {strides = array<i32>} : memref<2x512xi32, #tpu.memory_space<vmem>>, vector<1x16xi32>,
      %get3A_1917 = arith.constant 1 : i32
      %get3A_1918 = arith.constant 0 : i32
      %get3A_1919 = arith.index_cast %get3A_1917 : i32 to index
      %get3A_1920 = arith.index_cast %get3A_1918 : i32 to index
      %get3A_1921 = arith.constant 496 : index
      %get3A_1922 = tpu.vector_load %arg11[%get3A_1919, %get3A_1920, %get3A_1921] {strides = array<i32>} : memref<2x2x512xi32, #tpu.memory_space<vmem>>, vector<1x1x16xi32>,
      %get3A_1923 = vector.shape_cast %get3A_1922 : vector<1x1x16xi32> to vector<16xi32>
      %get3A_1924 = arith.constant 1 : i32
      %get3A_1925 = arith.constant 1 : i32
      %get3A_1926 = arith.index_cast %get3A_1924 : i32 to index
      %get3A_1927 = arith.index_cast %get3A_1925 : i32 to index
      %get3A_1928 = arith.constant 496 : index
      %get3A_1929 = tpu.vector_load %arg11[%get3A_1926, %get3A_1927, %get3A_1928] {strides = array<i32>} : memref<2x2x512xi32, #tpu.memory_space<vmem>>, vector<1x1x16xi32>,
      %get3A_1930 = vector.shape_cast %get3A_1929 : vector<1x1x16xi32> to vector<16xi32>
      %eq3A_1931 = arith.cmpi eq, %get3A_1923, %get3A_1930 : vector<16xi32>
      %jit3A_1932 = arith.constant 10752 : i32
      %jit3A_1933 = arith.constant 0 : i32
      %broadcast_in_dim3A_1934 = vector.broadcast %jit3A_1932 : i32 to vector<16xi32>
      %broadcast_in_dim3A_1935 = vector.broadcast %jit3A_1933 : i32 to vector<16xi32>
      %select_n3A_1936 = arith.select %eq3A_1931, %broadcast_in_dim3A_1934, %broadcast_in_dim3A_1935 : vector<16xi1>, vector<16xi32>
      %add3A_1937 = arith.addi %get3A_1930, %select_n3A_1936 : vector<16xi32>
      %swap3A_1938 = arith.constant 1 : i32
      %swap3A_1939 = arith.index_cast %swap3A_1938 : i32 to index
      %swap3A_1940 = arith.constant 496 : index
      %swap3A_1941 = tpu.vector_load %arg12[%swap3A_1939, %swap3A_1940] {strides = array<i32>} : memref<2x512xi32, #tpu.memory_space<vmem>>, vector<1x16xi32>,
      %swap3A_1942 = vector.shape_cast %swap3A_1941 : vector<1x16xi32> to vector<16xi32>
      %swap3A_1943 = vector.shape_cast %add3A_1937 : vector<16xi32> to vector<1x16xi32>
      tpu.vector_store %arg12[%swap3A_1939, %swap3A_1940], %swap3A_1943 {strides = array<i32>} : memref<2x512xi32, #tpu.memory_space<vmem>>, vector<1x16xi32>,
      %dma_wait3A_1944 = arith.constant 1 : i32
      %dma_wait3A_1945 = arith.constant 0 : i32
      %dma_wait3A_1946 = arith.constant 1 : i32
      %dma_wait3A_1947 = arith.constant 0 : i32
      %dma_wait3A_1948 = arith.constant 0 : i32
      %dma_wait3A_1949 = tpu.memref_slice %arg13[%dma_wait3A_1946, %dma_wait3A_1947, %dma_wait3A_1948] : memref<2x512x32xf32, #tpu.memory_space<vmem>> -> memref<1x512x32xf32, #tpu.memory_space<vmem>>
      %dma_wait3A_1950 = tpu.memref_squeeze %dma_wait3A_1949 : memref<1x512x32xf32, #tpu.memory_space<vmem>> -> memref<512x32xf32, #tpu.memory_space<vmem>>
      %dma_wait3A_1951 = arith.constant 0 : i32
      %dma_wait3A_1952 = tpu.memref_slice %arg11[%dma_wait3A_1944, %dma_wait3A_1945, %dma_wait3A_1951] : memref<2x2x512xi32, #tpu.memory_space<vmem>> -> memref<1x1x512xi32, #tpu.memory_space<vmem>>
      %dma_wait3A_1953 = tpu.memref_squeeze %dma_wait3A_1952 : memref<1x1x512xi32, #tpu.memory_space<vmem>> -> memref<512xi32, #tpu.memory_space<vmem>>
      %dma_wait3A_1954 = arith.constant 0 : i32
      %dma_wait3A_1955 = arith.constant 0 : i32
      %dma_wait3A_1956 = tpu.memref_slice %arg2[%dma_wait3A_1954, %dma_wait3A_1955] : memref<10752x32xf32, #tpu.memory_space<hbm>> -> memref<10752x32xf32, #tpu.memory_space<hbm>>
      tpu.wait_indirect_dma semaphore(%arg18 : memref<!tpu.dma_semaphore, #tpu.memory_space<semaphore_mem>>) src(%dma_wait3A_1956 : memref<10752x32xf32, #tpu.memory_space<hbm>>) dst(%dma_wait3A_1950 : memref<512x32xf32, #tpu.memory_space<vmem>>)
      %dma_start3A_1957 = arith.constant 1 : i32
      %dma_start3A_1958 = arith.constant 1 : i32
      %dma_start3A_1959 = arith.constant 1 : i32
      %dma_start3A_1960 = arith.constant 0 : i32
      %dma_start3A_1961 = arith.constant 0 : i32
      %dma_start3A_1962 = tpu.memref_slice %arg13[%dma_start3A_1957, %dma_start3A_1960, %dma_start3A_1961] : memref<2x512x32xf32, #tpu.memory_space<vmem>> -> memref<1x512x32xf32, #tpu.memory_space<vmem>>
      %dma_start3A_1963 = tpu.memref_squeeze %dma_start3A_1962 : memref<1x512x32xf32, #tpu.memory_space<vmem>> -> memref<512x32xf32, #tpu.memory_space<vmem>>
      %dma_start3A_1964 = arith.constant 0 : i32
      %dma_start3A_1965 = tpu.memref_slice %arg11[%dma_start3A_1958, %dma_start3A_1959, %dma_start3A_1964] : memref<2x2x512xi32, #tpu.memory_space<vmem>> -> memref<1x1x512xi32, #tpu.memory_space<vmem>>
      %dma_start3A_1966 = tpu.memref_squeeze %dma_start3A_1965 : memref<1x1x512xi32, #tpu.memory_space<vmem>> -> memref<512xi32, #tpu.memory_space<vmem>>
      %dma_start3A_1967 = arith.constant 0 : i32
      %dma_start3A_1968 = arith.constant 0 : i32
      %dma_start3A_1969 = tpu.memref_slice %arg9[%dma_start3A_1967, %dma_start3A_1968] : memref<10752x32xf32, #tpu.memory_space<vmem_shared>> -> memref<10752x32xf32, #tpu.memory_space<vmem_shared>>
      tpu.enqueue_indirect_dma source(%dma_start3A_1963 : memref<512x32xf32, #tpu.memory_space<vmem>>) target(%dma_start3A_1969 : memref<10752x32xf32, #tpu.memory_space<vmem_shared>>) offsets(%dma_start3A_1966 : memref<512xi32, #tpu.memory_space<vmem>>) semaphore(%arg20 : memref<!tpu.dma_semaphore, #tpu.memory_space<semaphore_mem>>) {add = true}
      %dma_start3A_1970 = arith.constant 1 : i32
      %dma_start3A_1971 = arith.constant 0 : i32
      %dma_start3A_1972 = tpu.memref_slice %arg12[%dma_start3A_1970, %dma_start3A_1971] : memref<2x512xi32, #tpu.memory_space<vmem>> -> memref<1x512xi32, #tpu.memory_space<vmem>>
      %dma_start3A_1973 = tpu.memref_squeeze %dma_start3A_1972 : memref<1x512xi32, #tpu.memory_space<vmem>> -> memref<512xi32, #tpu.memory_space<vmem>>
      %dma_start3A_1974 = arith.constant 0 : i32
      %dma_start3A_1975 = arith.constant 0 : i32
      %dma_start3A_1976 = tpu.memref_slice %arg10[%dma_start3A_1974, %dma_start3A_1975] : memref<21504x16xf32, #tpu.memory_space<vmem_shared>> -> memref<21504x16xf32, #tpu.memory_space<vmem_shared>>
      tpu.enqueue_indirect_dma source(%arg14 : memref<512x16xf32, #tpu.memory_space<vmem>>) target(%dma_start3A_1976 : memref<21504x16xf32, #tpu.memory_space<vmem_shared>>) offsets(%dma_start3A_1973 : memref<512xi32, #tpu.memory_space<vmem>>) semaphore(%arg22 : memref<!tpu.dma_semaphore, #tpu.memory_space<semaphore_mem>>) {add = true}
    }
    %while3A_28 = arith.constant 1 : i32
    scf.for %while3A_73 = %while3A_26 to %while3A_22 step %while3A_28  : i32 {
      %mul3A_74 = arith.muli %while3A_73, %while3A : i32
      %add3A_75 = arith.addi %while3A_19, %mul3A_74 : i32
      %mul3A_76 = arith.constant 2 : i32
      %mul3A_77 = arith.muli %add3A_75, %mul3A_76 : i32
      %add3A_78 = arith.constant 0 : i32
      %add3A_79 = arith.addi %mul3A_77, %add3A_78 : i32
      %add3A_80 = arith.addi %select_n3A, %add3A_79 : i32
      %gt3A = arith.constant 0 : i32
      %gt3A_81 = arith.cmpi sgt, %add3A_75, %gt3A : i32
      %convert_element_type3A = arith.extui %gt3A_81 : i1 to i32
      %cond3A = arith.constant 0 : i32
      %cond3A_82 = arith.cmpi ne, %convert_element_type3A, %cond3A : i32
      scf.if %cond3A_82 {
        %dma_wait3A_1977 = arith.constant 0 : i32
        %dma_wait3A_1978 = arith.constant 0 : i32
        %dma_wait3A_1979 = arith.constant 1 : i32
        %dma_wait3A_1980 = arith.constant 0 : i32
        %dma_wait3A_1981 = arith.constant 0 : i32
        %dma_wait3A_1982 = tpu.memref_slice %arg13[%dma_wait3A_1977, %dma_wait3A_1980, %dma_wait3A_1981] : memref<2x512x32xf32, #tpu.memory_space<vmem>> -> memref<1x512x32xf32, #tpu.memory_space<vmem>>
        %dma_wait3A_1983 = tpu.memref_squeeze %dma_wait3A_1982 : memref<1x512x32xf32, #tpu.memory_space<vmem>> -> memref<512x32xf32, #tpu.memory_space<vmem>>
        %dma_wait3A_1984 = arith.constant 0 : i32
        %dma_wait3A_1985 = tpu.memref_slice %arg11[%dma_wait3A_1978, %dma_wait3A_1979, %dma_wait3A_1984] : memref<2x2x512xi32, #tpu.memory_space<vmem>> -> memref<1x1x512xi32, #tpu.memory_space<vmem>>
        %dma_wait3A_1986 = tpu.memref_squeeze %dma_wait3A_1985 : memref<1x1x512xi32, #tpu.memory_space<vmem>> -> memref<512xi32, #tpu.memory_space<vmem>>
        %dma_wait3A_1987 = arith.constant 0 : i32
        %dma_wait3A_1988 = arith.constant 0 : i32
        %dma_wait3A_1989 = tpu.memref_slice %arg9[%dma_wait3A_1987, %dma_wait3A_1988] : memref<10752x32xf32, #tpu.memory_space<vmem_shared>> -> memref<10752x32xf32, #tpu.memory_space<vmem_shared>>
        tpu.wait_indirect_dma semaphore(%arg19 : memref<!tpu.dma_semaphore, #tpu.memory_space<semaphore_mem>>) src(%dma_wait3A_1983 : memref<512x32xf32, #tpu.memory_space<vmem>>) dst(%dma_wait3A_1989 : memref<10752x32xf32, #tpu.memory_space<vmem_shared>>)
        %dma_wait3A_1990 = arith.constant 0 : i32
        %dma_wait3A_1991 = arith.constant 0 : i32
        %dma_wait3A_1992 = tpu.memref_slice %arg12[%dma_wait3A_1990, %dma_wait3A_1991] : memref<2x512xi32, #tpu.memory_space<vmem>> -> memref<1x512xi32, #tpu.memory_space<vmem>>
        %dma_wait3A_1993 = tpu.memref_squeeze %dma_wait3A_1992 : memref<1x512xi32, #tpu.memory_space<vmem>> -> memref<512xi32, #tpu.memory_space<vmem>>
        %dma_wait3A_1994 = arith.constant 0 : i32
        %dma_wait3A_1995 = arith.constant 0 : i32
        %dma_wait3A_1996 = tpu.memref_slice %arg10[%dma_wait3A_1994, %dma_wait3A_1995] : memref<21504x16xf32, #tpu.memory_space<vmem_shared>> -> memref<21504x16xf32, #tpu.memory_space<vmem_shared>>
        tpu.wait_indirect_dma semaphore(%arg21 : memref<!tpu.dma_semaphore, #tpu.memory_space<semaphore_mem>>) src(%arg14 : memref<512x16xf32, #tpu.memory_space<vmem>>) dst(%dma_wait3A_1996 : memref<21504x16xf32, #tpu.memory_space<vmem_shared>>)
      } else {
      }
      %dma_start3A = arith.constant 0 : i32
      %dma_start3A_83 = arith.constant 0 : i32
      %dma_start3A_84 = arith.constant 0 : i32
      %dma_start3A_85 = tpu.memref_slice %arg11[%dma_start3A, %dma_start3A_83, %dma_start3A_84] : memref<2x2x512xi32, #tpu.memory_space<vmem>> -> memref<1x2x512xi32, #tpu.memory_space<vmem>>
      %dma_start3A_86 = tpu.memref_squeeze %dma_start3A_85 : memref<1x2x512xi32, #tpu.memory_space<vmem>> -> memref<2x512xi32, #tpu.memory_space<vmem>>
      %dma_start3A_87 = arith.constant 0 : i32
      %dma_start3A_88 = arith.constant 0 : i32
      %dma_start3A_89 = tpu.memref_slice %arg3[%add3A_80, %dma_start3A_87, %dma_start3A_88] : memref<640x2x512xi32, #tpu.memory_space<hbm>> -> memref<1x2x512xi32, #tpu.memory_space<hbm>>
      %dma_start3A_90 = tpu.memref_squeeze %dma_start3A_89 : memref<1x2x512xi32, #tpu.memory_space<hbm>> -> memref<2x512xi32, #tpu.memory_space<hbm>>
      %dma_start3A_91 = arith.constant 0 : i32
      %dma_start3A_92 = arith.constant 0 : i32
      %dma_start3A_93 = tpu.memref_slice %arg11[%dma_start3A, %dma_start3A_91, %dma_start3A_92] : memref<2x2x512xi32, #tpu.memory_space<vmem>> -> memref<1x2x512xi32, #tpu.memory_space<vmem>>
      %dma_start3A_94 = tpu.memref_squeeze %dma_start3A_93 : memref<1x2x512xi32, #tpu.memory_space<vmem>> -> memref<2x512xi32, #tpu.memory_space<vmem>>
      %dma_start3A_95 = arith.constant 0 : i32
      %dma_start3A_96 = arith.constant 0 : i32
      %dma_start3A_97 = tpu.memref_slice %arg3[%add3A_80, %dma_start3A_95, %dma_start3A_96] : memref<640x2x512xi32, #tpu.memory_space<hbm>> -> memref<1x2x512xi32, #tpu.memory_space<hbm>>
      %dma_start3A_98 = tpu.memref_squeeze %dma_start3A_97 : memref<1x2x512xi32, #tpu.memory_space<hbm>> -> memref<2x512xi32, #tpu.memory_space<hbm>>
      tpu.enqueue_dma source(%dma_start3A_98 : memref<2x512xi32, #tpu.memory_space<hbm>>) target(%dma_start3A_94 : memref<2x512xi32, #tpu.memory_space<vmem>>) target_semaphore(%arg15 : memref<!tpu.dma_semaphore, #tpu.memory_space<semaphore_mem>>)
      %dma_wait3A_99 = arith.constant 0 : i32
      %dma_wait3A_100 = arith.constant 0 : i32
      %dma_wait3A_101 = arith.constant 0 : i32
      %dma_wait3A_102 = tpu.memref_slice %arg11[%dma_wait3A_99, %dma_wait3A_100, %dma_wait3A_101] : memref<2x2x512xi32, #tpu.memory_space<vmem>> -> memref<1x2x512xi32, #tpu.memory_space<vmem>>
      %dma_wait3A_103 = tpu.memref_squeeze %dma_wait3A_102 : memref<1x2x512xi32, #tpu.memory_space<vmem>> -> memref<2x512xi32, #tpu.memory_space<vmem>>
      %dma_wait3A_104 = arith.constant 0 : i32
      %dma_wait3A_105 = arith.constant 0 : i32
      %dma_wait3A_106 = tpu.memref_slice %arg3[%add3A_80, %dma_wait3A_104, %dma_wait3A_105] : memref<640x2x512xi32, #tpu.memory_space<hbm>> -> memref<1x2x512xi32, #tpu.memory_space<hbm>>
      %dma_wait3A_107 = tpu.memref_squeeze %dma_wait3A_106 : memref<1x2x512xi32, #tpu.memory_space<hbm>> -> memref<2x512xi32, #tpu.memory_space<hbm>>
      %dma_wait3A_108 = arith.constant 0 : i32
      %dma_wait3A_109 = arith.constant 0 : i32
      %dma_wait3A_110 = tpu.memref_slice %arg11[%dma_wait3A_99, %dma_wait3A_108, %dma_wait3A_109] : memref<2x2x512xi32, #tpu.memory_space<vmem>> -> memref<1x2x512xi32, #tpu.memory_space<vmem>>
      %dma_wait3A_111 = tpu.memref_squeeze %dma_wait3A_110 : memref<1x2x512xi32, #tpu.memory_space<vmem>> -> memref<2x512xi32, #tpu.memory_space<vmem>>
      %dma_wait3A_112 = arith.constant 0 : i32
      %dma_wait3A_113 = arith.constant 0 : i32
      %dma_wait3A_114 = tpu.memref_slice %arg3[%add3A_80, %dma_wait3A_112, %dma_wait3A_113] : memref<640x2x512xi32, #tpu.memory_space<hbm>> -> memref<1x2x512xi32, #tpu.memory_space<hbm>>
      %dma_wait3A_115 = tpu.memref_squeeze %dma_wait3A_114 : memref<1x2x512xi32, #tpu.memory_space<hbm>> -> memref<2x512xi32, #tpu.memory_space<hbm>>
      tpu.wait_dma2 semaphore(%arg15 : memref<!tpu.dma_semaphore, #tpu.memory_space<semaphore_mem>>) src(%dma_wait3A_115 : memref<2x512xi32, #tpu.memory_space<hbm>>) dst(%dma_wait3A_111 : memref<2x512xi32, #tpu.memory_space<vmem>>)
      %dma_start3A_116 = arith.constant 0 : i32
      %dma_start3A_117 = arith.constant 0 : i32
      %dma_start3A_118 = arith.constant 0 : i32
      %dma_start3A_119 = arith.constant 0 : i32
      %dma_start3A_120 = arith.constant 0 : i32
      %dma_start3A_121 = tpu.memref_slice %arg13[%dma_start3A_118, %dma_start3A_119, %dma_start3A_120] : memref<2x512x32xf32, #tpu.memory_space<vmem>> -> memref<1x512x32xf32, #tpu.memory_space<vmem>>
      %dma_start3A_122 = tpu.memref_squeeze %dma_start3A_121 : memref<1x512x32xf32, #tpu.memory_space<vmem>> -> memref<512x32xf32, #tpu.memory_space<vmem>>
      %dma_start3A_123 = arith.constant 0 : i32
      %dma_start3A_124 = tpu.memref_slice %arg11[%dma_start3A_116, %dma_start3A_117, %dma_start3A_123] : memref<2x2x512xi32, #tpu.memory_space<vmem>> -> memref<1x1x512xi32, #tpu.memory_space<vmem>>
      %dma_start3A_125 = tpu.memref_squeeze %dma_start3A_124 : memref<1x1x512xi32, #tpu.memory_space<vmem>> -> memref<512xi32, #tpu.memory_space<vmem>>
      %dma_start3A_126 = arith.constant 0 : i32
      %dma_start3A_127 = arith.constant 0 : i32
      %dma_start3A_128 = tpu.memref_slice %arg2[%dma_start3A_126, %dma_start3A_127] : memref<10752x32xf32, #tpu.memory_space<hbm>> -> memref<10752x32xf32, #tpu.memory_space<hbm>>
      tpu.enqueue_indirect_dma source(%dma_start3A_128 : memref<10752x32xf32, #tpu.memory_space<hbm>>) target(%dma_start3A_122 : memref<512x32xf32, #tpu.memory_space<vmem>>) offsets(%dma_start3A_125 : memref<512xi32, #tpu.memory_space<vmem>>) semaphore(%arg17 : memref<!tpu.dma_semaphore, #tpu.memory_space<semaphore_mem>>)
      %get3A = arith.constant 0 : i32
      %get3A_129 = arith.constant 0 : i32
      %get3A_130 = arith.index_cast %get3A : i32 to index
      %get3A_131 = arith.index_cast %get3A_129 : i32 to index
      %get3A_132 = arith.constant 0 : index
      %get3A_133 = tpu.vector_load %arg11[%get3A_130, %get3A_131, %get3A_132] {strides = array<i32>} : memref<2x2x512xi32, #tpu.memory_space<vmem>>, vector<1x1x16xi32>,
      %get3A_134 = vector.shape_cast %get3A_133 : vector<1x1x16xi32> to vector<16xi32>
      %get3A_135 = arith.constant 0 : i32
      %get3A_136 = arith.constant 1 : i32
      %get3A_137 = arith.index_cast %get3A_135 : i32 to index
      %get3A_138 = arith.index_cast %get3A_136 : i32 to index
      %get3A_139 = arith.constant 0 : index
      %get3A_140 = tpu.vector_load %arg11[%get3A_137, %get3A_138, %get3A_139] {strides = array<i32>} : memref<2x2x512xi32, #tpu.memory_space<vmem>>, vector<1x1x16xi32>,
      %get3A_141 = vector.shape_cast %get3A_140 : vector<1x1x16xi32> to vector<16xi32>
      %eq3A_142 = arith.cmpi eq, %get3A_134, %get3A_141 : vector<16xi32>
      %jit3A_143 = arith.constant 10752 : i32
      %jit3A_144 = arith.constant 0 : i32
      %broadcast_in_dim3A = vector.broadcast %jit3A_143 : i32 to vector<16xi32>
      %broadcast_in_dim3A_145 = vector.broadcast %jit3A_144 : i32 to vector<16xi32>
      %select_n3A_146 = arith.select %eq3A_142, %broadcast_in_dim3A, %broadcast_in_dim3A_145 : vector<16xi1>, vector<16xi32>
      %add3A_147 = arith.addi %get3A_141, %select_n3A_146 : vector<16xi32>
      %swap3A = arith.constant 0 : i32
      %swap3A_148 = arith.index_cast %swap3A : i32 to index
      %swap3A_149 = arith.constant 0 : index
      %swap3A_150 = tpu.vector_load %arg12[%swap3A_148, %swap3A_149] {strides = array<i32>} : memref<2x512xi32, #tpu.memory_space<vmem>>, vector<1x16xi32>,
      %swap3A_151 = vector.shape_cast %swap3A_150 : vector<1x16xi32> to vector<16xi32>
      %swap3A_152 = vector.shape_cast %add3A_147 : vector<16xi32> to vector<1x16xi32>
      tpu.vector_store %arg12[%swap3A_148, %swap3A_149], %swap3A_152 {strides = array<i32>} : memref<2x512xi32, #tpu.memory_space<vmem>>, vector<1x16xi32>,
      %get3A_153 = arith.constant 0 : i32
      %get3A_154 = arith.constant 0 : i32
      %get3A_155 = arith.index_cast %get3A_153 : i32 to index
      %get3A_156 = arith.index_cast %get3A_154 : i32 to index
      %get3A_157 = arith.constant 16 : index
      %get3A_158 = tpu.vector_load %arg11[%get3A_155, %get3A_156, %get3A_157] {strides = array<i32>} : memref<2x2x512xi32, #tpu.memory_space<vmem>>, vector<1x1x16xi32>,
      %get3A_159 = vector.shape_cast %get3A_158 : vector<1x1x16xi32> to vector<16xi32>
      %get3A_160 = arith.constant 0 : i32
      %get3A_161 = arith.constant 1 : i32
      %get3A_162 = arith.index_cast %get3A_160 : i32 to index
      %get3A_163 = arith.index_cast %get3A_161 : i32 to index
      %get3A_164 = arith.constant 16 : index
      %get3A_165 = tpu.vector_load %arg11[%get3A_162, %get3A_163, %get3A_164] {strides = array<i32>} : memref<2x2x512xi32, #tpu.memory_space<vmem>>, vector<1x1x16xi32>,
      %get3A_166 = vector.shape_cast %get3A_165 : vector<1x1x16xi32> to vector<16xi32>
      %eq3A_167 = arith.cmpi eq, %get3A_159, %get3A_166 : vector<16xi32>
      %jit3A_168 = arith.constant 10752 : i32
      %jit3A_169 = arith.constant 0 : i32
      %broadcast_in_dim3A_170 = vector.broadcast %jit3A_168 : i32 to vector<16xi32>
      %broadcast_in_dim3A_171 = vector.broadcast %jit3A_169 : i32 to vector<16xi32>
      %select_n3A_172 = arith.select %eq3A_167, %broadcast_in_dim3A_170, %broadcast_in_dim3A_171 : vector<16xi1>, vector<16xi32>
      %add3A_173 = arith.addi %get3A_166, %select_n3A_172 : vector<16xi32>
      %swap3A_174 = arith.constant 0 : i32
      %swap3A_175 = arith.index_cast %swap3A_174 : i32 to index
      %swap3A_176 = arith.constant 16 : index
      %swap3A_177 = tpu.vector_load %arg12[%swap3A_175, %swap3A_176] {strides = array<i32>} : memref<2x512xi32, #tpu.memory_space<vmem>>, vector<1x16xi32>,
      %swap3A_178 = vector.shape_cast %swap3A_177 : vector<1x16xi32> to vector<16xi32>
      %swap3A_179 = vector.shape_cast %add3A_173 : vector<16xi32> to vector<1x16xi32>
      tpu.vector_store %arg12[%swap3A_175, %swap3A_176], %swap3A_179 {strides = array<i32>} : memref<2x512xi32, #tpu.memory_space<vmem>>, vector<1x16xi32>,
      %get3A_180 = arith.constant 0 : i32
      %get3A_181 = arith.constant 0 : i32
      %get3A_182 = arith.index_cast %get3A_180 : i32 to index
      %get3A_183 = arith.index_cast %get3A_181 : i32 to index
      %get3A_184 = arith.constant 32 : index
      %get3A_185 = tpu.vector_load %arg11[%get3A_182, %get3A_183, %get3A_184] {strides = array<i32>} : memref<2x2x512xi32, #tpu.memory_space<vmem>>, vector<1x1x16xi32>,
      %get3A_186 = vector.shape_cast %get3A_185 : vector<1x1x16xi32> to vector<16xi32>
      %get3A_187 = arith.constant 0 : i32
      %get3A_188 = arith.constant 1 : i32
      %get3A_189 = arith.index_cast %get3A_187 : i32 to index
      %get3A_190 = arith.index_cast %get3A_188 : i32 to index
      %get3A_191 = arith.constant 32 : index
      %get3A_192 = tpu.vector_load %arg11[%get3A_189, %get3A_190, %get3A_191] {strides = array<i32>} : memref<2x2x512xi32, #tpu.memory_space<vmem>>, vector<1x1x16xi32>,
      %get3A_193 = vector.shape_cast %get3A_192 : vector<1x1x16xi32> to vector<16xi32>
      %eq3A_194 = arith.cmpi eq, %get3A_186, %get3A_193 : vector<16xi32>
      %jit3A_195 = arith.constant 10752 : i32
      %jit3A_196 = arith.constant 0 : i32
      %broadcast_in_dim3A_197 = vector.broadcast %jit3A_195 : i32 to vector<16xi32>
      %broadcast_in_dim3A_198 = vector.broadcast %jit3A_196 : i32 to vector<16xi32>
      %select_n3A_199 = arith.select %eq3A_194, %broadcast_in_dim3A_197, %broadcast_in_dim3A_198 : vector<16xi1>, vector<16xi32>
      %add3A_200 = arith.addi %get3A_193, %select_n3A_199 : vector<16xi32>
      %swap3A_201 = arith.constant 0 : i32
      %swap3A_202 = arith.index_cast %swap3A_201 : i32 to index
      %swap3A_203 = arith.constant 32 : index
      %swap3A_204 = tpu.vector_load %arg12[%swap3A_202, %swap3A_203] {strides = array<i32>} : memref<2x512xi32, #tpu.memory_space<vmem>>, vector<1x16xi32>,
      %swap3A_205 = vector.shape_cast %swap3A_204 : vector<1x16xi32> to vector<16xi32>
      %swap3A_206 = vector.shape_cast %add3A_200 : vector<16xi32> to vector<1x16xi32>
      tpu.vector_store %arg12[%swap3A_202, %swap3A_203], %swap3A_206 {strides = array<i32>} : memref<2x512xi32, #tpu.memory_space<vmem>>, vector<1x16xi32>,
      %get3A_207 = arith.constant 0 : i32
      %get3A_208 = arith.constant 0 : i32
      %get3A_209 = arith.index_cast %get3A_207 : i32 to index
      %get3A_210 = arith.index_cast %get3A_208 : i32 to index
      %get3A_211 = arith.constant 48 : index
      %get3A_212 = tpu.vector_load %arg11[%get3A_209, %get3A_210, %get3A_211] {strides = array<i32>} : memref<2x2x512xi32, #tpu.memory_space<vmem>>, vector<1x1x16xi32>,
      %get3A_213 = vector.shape_cast %get3A_212 : vector<1x1x16xi32> to vector<16xi32>
      %get3A_214 = arith.constant 0 : i32
      %get3A_215 = arith.constant 1 : i32
      %get3A_216 = arith.index_cast %get3A_214 : i32 to index
      %get3A_217 = arith.index_cast %get3A_215 : i32 to index
      %get3A_218 = arith.constant 48 : index
      %get3A_219 = tpu.vector_load %arg11[%get3A_216, %get3A_217, %get3A_218] {strides = array<i32>} : memref<2x2x512xi32, #tpu.memory_space<vmem>>, vector<1x1x16xi32>,
      %get3A_220 = vector.shape_cast %get3A_219 : vector<1x1x16xi32> to vector<16xi32>
      %eq3A_221 = arith.cmpi eq, %get3A_213, %get3A_220 : vector<16xi32>
      %jit3A_222 = arith.constant 10752 : i32
      %jit3A_223 = arith.constant 0 : i32
      %broadcast_in_dim3A_224 = vector.broadcast %jit3A_222 : i32 to vector<16xi32>
      %broadcast_in_dim3A_225 = vector.broadcast %jit3A_223 : i32 to vector<16xi32>
      %select_n3A_226 = arith.select %eq3A_221, %broadcast_in_dim3A_224, %broadcast_in_dim3A_225 : vector<16xi1>, vector<16xi32>
      %add3A_227 = arith.addi %get3A_220, %select_n3A_226 : vector<16xi32>
      %swap3A_228 = arith.constant 0 : i32
      %swap3A_229 = arith.index_cast %swap3A_228 : i32 to index
      %swap3A_230 = arith.constant 48 : index
      %swap3A_231 = tpu.vector_load %arg12[%swap3A_229, %swap3A_230] {strides = array<i32>} : memref<2x512xi32, #tpu.memory_space<vmem>>, vector<1x16xi32>,
      %swap3A_232 = vector.shape_cast %swap3A_231 : vector<1x16xi32> to vector<16xi32>
      %swap3A_233 = vector.shape_cast %add3A_227 : vector<16xi32> to vector<1x16xi32>
      tpu.vector_store %arg12[%swap3A_229, %swap3A_230], %swap3A_233 {strides = array<i32>} : memref<2x512xi32, #tpu.memory_space<vmem>>, vector<1x16xi32>,
      %get3A_234 = arith.constant 0 : i32
      %get3A_235 = arith.constant 0 : i32
      %get3A_236 = arith.index_cast %get3A_234 : i32 to index
      %get3A_237 = arith.index_cast %get3A_235 : i32 to index
      %get3A_238 = arith.constant 64 : index
      %get3A_239 = tpu.vector_load %arg11[%get3A_236, %get3A_237, %get3A_238] {strides = array<i32>} : memref<2x2x512xi32, #tpu.memory_space<vmem>>, vector<1x1x16xi32>,
      %get3A_240 = vector.shape_cast %get3A_239 : vector<1x1x16xi32> to vector<16xi32>
      %get3A_241 = arith.constant 0 : i32
      %get3A_242 = arith.constant 1 : i32
      %get3A_243 = arith.index_cast %get3A_241 : i32 to index
      %get3A_244 = arith.index_cast %get3A_242 : i32 to index
      %get3A_245 = arith.constant 64 : index
      %get3A_246 = tpu.vector_load %arg11[%get3A_243, %get3A_244, %get3A_245] {strides = array<i32>} : memref<2x2x512xi32, #tpu.memory_space<vmem>>, vector<1x1x16xi32>,
      %get3A_247 = vector.shape_cast %get3A_246 : vector<1x1x16xi32> to vector<16xi32>
      %eq3A_248 = arith.cmpi eq, %get3A_240, %get3A_247 : vector<16xi32>
      %jit3A_249 = arith.constant 10752 : i32
      %jit3A_250 = arith.constant 0 : i32
      %broadcast_in_dim3A_251 = vector.broadcast %jit3A_249 : i32 to vector<16xi32>
      %broadcast_in_dim3A_252 = vector.broadcast %jit3A_250 : i32 to vector<16xi32>
      %select_n3A_253 = arith.select %eq3A_248, %broadcast_in_dim3A_251, %broadcast_in_dim3A_252 : vector<16xi1>, vector<16xi32>
      %add3A_254 = arith.addi %get3A_247, %select_n3A_253 : vector<16xi32>
      %swap3A_255 = arith.constant 0 : i32
      %swap3A_256 = arith.index_cast %swap3A_255 : i32 to index
      %swap3A_257 = arith.constant 64 : index
      %swap3A_258 = tpu.vector_load %arg12[%swap3A_256, %swap3A_257] {strides = array<i32>} : memref<2x512xi32, #tpu.memory_space<vmem>>, vector<1x16xi32>,
      %swap3A_259 = vector.shape_cast %swap3A_258 : vector<1x16xi32> to vector<16xi32>
      %swap3A_260 = vector.shape_cast %add3A_254 : vector<16xi32> to vector<1x16xi32>
      tpu.vector_store %arg12[%swap3A_256, %swap3A_257], %swap3A_260 {strides = array<i32>} : memref<2x512xi32, #tpu.memory_space<vmem>>, vector<1x16xi32>,
      %get3A_261 = arith.constant 0 : i32
      %get3A_262 = arith.constant 0 : i32
      %get3A_263 = arith.index_cast %get3A_261 : i32 to index
      %get3A_264 = arith.index_cast %get3A_262 : i32 to index
      %get3A_265 = arith.constant 80 : index
      %get3A_266 = tpu.vector_load %arg11[%get3A_263, %get3A_264, %get3A_265] {strides = array<i32>} : memref<2x2x512xi32, #tpu.memory_space<vmem>>, vector<1x1x16xi32>,
      %get3A_267 = vector.shape_cast %get3A_266 : vector<1x1x16xi32> to vector<16xi32>
      %get3A_268 = arith.constant 0 : i32
      %get3A_269 = arith.constant 1 : i32
      %get3A_270 = arith.index_cast %get3A_268 : i32 to index
      %get3A_271 = arith.index_cast %get3A_269 : i32 to index
      %get3A_272 = arith.constant 80 : index
      %get3A_273 = tpu.vector_load %arg11[%get3A_270, %get3A_271, %get3A_272] {strides = array<i32>} : memref<2x2x512xi32, #tpu.memory_space<vmem>>, vector<1x1x16xi32>,
      %get3A_274 = vector.shape_cast %get3A_273 : vector<1x1x16xi32> to vector<16xi32>
      %eq3A_275 = arith.cmpi eq, %get3A_267, %get3A_274 : vector<16xi32>
      %jit3A_276 = arith.constant 10752 : i32
      %jit3A_277 = arith.constant 0 : i32
      %broadcast_in_dim3A_278 = vector.broadcast %jit3A_276 : i32 to vector<16xi32>
      %broadcast_in_dim3A_279 = vector.broadcast %jit3A_277 : i32 to vector<16xi32>
      %select_n3A_280 = arith.select %eq3A_275, %broadcast_in_dim3A_278, %broadcast_in_dim3A_279 : vector<16xi1>, vector<16xi32>
      %add3A_281 = arith.addi %get3A_274, %select_n3A_280 : vector<16xi32>
      %swap3A_282 = arith.constant 0 : i32
      %swap3A_283 = arith.index_cast %swap3A_282 : i32 to index
      %swap3A_284 = arith.constant 80 : index
      %swap3A_285 = tpu.vector_load %arg12[%swap3A_283, %swap3A_284] {strides = array<i32>} : memref<2x512xi32, #tpu.memory_space<vmem>>, vector<1x16xi32>,
      %swap3A_286 = vector.shape_cast %swap3A_285 : vector<1x16xi32> to vector<16xi32>
      %swap3A_287 = vector.shape_cast %add3A_281 : vector<16xi32> to vector<1x16xi32>
      tpu.vector_store %arg12[%swap3A_283, %swap3A_284], %swap3A_287 {strides = array<i32>} : memref<2x512xi32, #tpu.memory_space<vmem>>, vector<1x16xi32>,
      %get3A_288 = arith.constant 0 : i32
      %get3A_289 = arith.constant 0 : i32
      %get3A_290 = arith.index_cast %get3A_288 : i32 to index
      %get3A_291 = arith.index_cast %get3A_289 : i32 to index
      %get3A_292 = arith.constant 96 : index
      %get3A_293 = tpu.vector_load %arg11[%get3A_290, %get3A_291, %get3A_292] {strides = array<i32>} : memref<2x2x512xi32, #tpu.memory_space<vmem>>, vector<1x1x16xi32>,
      %get3A_294 = vector.shape_cast %get3A_293 : vector<1x1x16xi32> to vector<16xi32>
      %get3A_295 = arith.constant 0 : i32
      %get3A_296 = arith.constant 1 : i32
      %get3A_297 = arith.index_cast %get3A_295 : i32 to index
      %get3A_298 = arith.index_cast %get3A_296 : i32 to index
      %get3A_299 = arith.constant 96 : index
      %get3A_300 = tpu.vector_load %arg11[%get3A_297, %get3A_298, %get3A_299] {strides = array<i32>} : memref<2x2x512xi32, #tpu.memory_space<vmem>>, vector<1x1x16xi32>,
      %get3A_301 = vector.shape_cast %get3A_300 : vector<1x1x16xi32> to vector<16xi32>
      %eq3A_302 = arith.cmpi eq, %get3A_294, %get3A_301 : vector<16xi32>
      %jit3A_303 = arith.constant 10752 : i32
      %jit3A_304 = arith.constant 0 : i32
      %broadcast_in_dim3A_305 = vector.broadcast %jit3A_303 : i32 to vector<16xi32>
      %broadcast_in_dim3A_306 = vector.broadcast %jit3A_304 : i32 to vector<16xi32>
      %select_n3A_307 = arith.select %eq3A_302, %broadcast_in_dim3A_305, %broadcast_in_dim3A_306 : vector<16xi1>, vector<16xi32>
      %add3A_308 = arith.addi %get3A_301, %select_n3A_307 : vector<16xi32>
      %swap3A_309 = arith.constant 0 : i32
      %swap3A_310 = arith.index_cast %swap3A_309 : i32 to index
      %swap3A_311 = arith.constant 96 : index
      %swap3A_312 = tpu.vector_load %arg12[%swap3A_310, %swap3A_311] {strides = array<i32>} : memref<2x512xi32, #tpu.memory_space<vmem>>, vector<1x16xi32>,
      %swap3A_313 = vector.shape_cast %swap3A_312 : vector<1x16xi32> to vector<16xi32>
      %swap3A_314 = vector.shape_cast %add3A_308 : vector<16xi32> to vector<1x16xi32>
      tpu.vector_store %arg12[%swap3A_310, %swap3A_311], %swap3A_314 {strides = array<i32>} : memref<2x512xi32, #tpu.memory_space<vmem>>, vector<1x16xi32>,
      %get3A_315 = arith.constant 0 : i32
      %get3A_316 = arith.constant 0 : i32
      %get3A_317 = arith.index_cast %get3A_315 : i32 to index
      %get3A_318 = arith.index_cast %get3A_316 : i32 to index
      %get3A_319 = arith.constant 112 : index
      %get3A_320 = tpu.vector_load %arg11[%get3A_317, %get3A_318, %get3A_319] {strides = array<i32>} : memref<2x2x512xi32, #tpu.memory_space<vmem>>, vector<1x1x16xi32>,
      %get3A_321 = vector.shape_cast %get3A_320 : vector<1x1x16xi32> to vector<16xi32>
      %get3A_322 = arith.constant 0 : i32
      %get3A_323 = arith.constant 1 : i32
      %get3A_324 = arith.index_cast %get3A_322 : i32 to index
      %get3A_325 = arith.index_cast %get3A_323 : i32 to index
      %get3A_326 = arith.constant 112 : index
      %get3A_327 = tpu.vector_load %arg11[%get3A_324, %get3A_325, %get3A_326] {strides = array<i32>} : memref<2x2x512xi32, #tpu.memory_space<vmem>>, vector<1x1x16xi32>,
      %get3A_328 = vector.shape_cast %get3A_327 : vector<1x1x16xi32> to vector<16xi32>
      %eq3A_329 = arith.cmpi eq, %get3A_321, %get3A_328 : vector<16xi32>
      %jit3A_330 = arith.constant 10752 : i32
      %jit3A_331 = arith.constant 0 : i32
      %broadcast_in_dim3A_332 = vector.broadcast %jit3A_330 : i32 to vector<16xi32>
      %broadcast_in_dim3A_333 = vector.broadcast %jit3A_331 : i32 to vector<16xi32>
      %select_n3A_334 = arith.select %eq3A_329, %broadcast_in_dim3A_332, %broadcast_in_dim3A_333 : vector<16xi1>, vector<16xi32>
      %add3A_335 = arith.addi %get3A_328, %select_n3A_334 : vector<16xi32>
      %swap3A_336 = arith.constant 0 : i32
      %swap3A_337 = arith.index_cast %swap3A_336 : i32 to index
      %swap3A_338 = arith.constant 112 : index
      %swap3A_339 = tpu.vector_load %arg12[%swap3A_337, %swap3A_338] {strides = array<i32>} : memref<2x512xi32, #tpu.memory_space<vmem>>, vector<1x16xi32>,
      %swap3A_340 = vector.shape_cast %swap3A_339 : vector<1x16xi32> to vector<16xi32>
      %swap3A_341 = vector.shape_cast %add3A_335 : vector<16xi32> to vector<1x16xi32>
      tpu.vector_store %arg12[%swap3A_337, %swap3A_338], %swap3A_341 {strides = array<i32>} : memref<2x512xi32, #tpu.memory_space<vmem>>, vector<1x16xi32>,
      %get3A_342 = arith.constant 0 : i32
      %get3A_343 = arith.constant 0 : i32
      %get3A_344 = arith.index_cast %get3A_342 : i32 to index
      %get3A_345 = arith.index_cast %get3A_343 : i32 to index
      %get3A_346 = arith.constant 128 : index
      %get3A_347 = tpu.vector_load %arg11[%get3A_344, %get3A_345, %get3A_346] {strides = array<i32>} : memref<2x2x512xi32, #tpu.memory_space<vmem>>, vector<1x1x16xi32>,
      %get3A_348 = vector.shape_cast %get3A_347 : vector<1x1x16xi32> to vector<16xi32>
      %get3A_349 = arith.constant 0 : i32
      %get3A_350 = arith.constant 1 : i32
      %get3A_351 = arith.index_cast %get3A_349 : i32 to index
      %get3A_352 = arith.index_cast %get3A_350 : i32 to index
      %get3A_353 = arith.constant 128 : index
      %get3A_354 = tpu.vector_load %arg11[%get3A_351, %get3A_352, %get3A_353] {strides = array<i32>} : memref<2x2x512xi32, #tpu.memory_space<vmem>>, vector<1x1x16xi32>,
      %get3A_355 = vector.shape_cast %get3A_354 : vector<1x1x16xi32> to vector<16xi32>
      %eq3A_356 = arith.cmpi eq, %get3A_348, %get3A_355 : vector<16xi32>
      %jit3A_357 = arith.constant 10752 : i32
      %jit3A_358 = arith.constant 0 : i32
      %broadcast_in_dim3A_359 = vector.broadcast %jit3A_357 : i32 to vector<16xi32>
      %broadcast_in_dim3A_360 = vector.broadcast %jit3A_358 : i32 to vector<16xi32>
      %select_n3A_361 = arith.select %eq3A_356, %broadcast_in_dim3A_359, %broadcast_in_dim3A_360 : vector<16xi1>, vector<16xi32>
      %add3A_362 = arith.addi %get3A_355, %select_n3A_361 : vector<16xi32>
      %swap3A_363 = arith.constant 0 : i32
      %swap3A_364 = arith.index_cast %swap3A_363 : i32 to index
      %swap3A_365 = arith.constant 128 : index
      %swap3A_366 = tpu.vector_load %arg12[%swap3A_364, %swap3A_365] {strides = array<i32>} : memref<2x512xi32, #tpu.memory_space<vmem>>, vector<1x16xi32>,
      %swap3A_367 = vector.shape_cast %swap3A_366 : vector<1x16xi32> to vector<16xi32>
      %swap3A_368 = vector.shape_cast %add3A_362 : vector<16xi32> to vector<1x16xi32>
      tpu.vector_store %arg12[%swap3A_364, %swap3A_365], %swap3A_368 {strides = array<i32>} : memref<2x512xi32, #tpu.memory_space<vmem>>, vector<1x16xi32>,
      %get3A_369 = arith.constant 0 : i32
      %get3A_370 = arith.constant 0 : i32
      %get3A_371 = arith.index_cast %get3A_369 : i32 to index
      %get3A_372 = arith.index_cast %get3A_370 : i32 to index
      %get3A_373 = arith.constant 144 : index
      %get3A_374 = tpu.vector_load %arg11[%get3A_371, %get3A_372, %get3A_373] {strides = array<i32>} : memref<2x2x512xi32, #tpu.memory_space<vmem>>, vector<1x1x16xi32>,
      %get3A_375 = vector.shape_cast %get3A_374 : vector<1x1x16xi32> to vector<16xi32>
      %get3A_376 = arith.constant 0 : i32
      %get3A_377 = arith.constant 1 : i32
      %get3A_378 = arith.index_cast %get3A_376 : i32 to index
      %get3A_379 = arith.index_cast %get3A_377 : i32 to index
      %get3A_380 = arith.constant 144 : index
      %get3A_381 = tpu.vector_load %arg11[%get3A_378, %get3A_379, %get3A_380] {strides = array<i32>} : memref<2x2x512xi32, #tpu.memory_space<vmem>>, vector<1x1x16xi32>,
      %get3A_382 = vector.shape_cast %get3A_381 : vector<1x1x16xi32> to vector<16xi32>
      %eq3A_383 = arith.cmpi eq, %get3A_375, %get3A_382 : vector<16xi32>
      %jit3A_384 = arith.constant 10752 : i32
      %jit3A_385 = arith.constant 0 : i32
      %broadcast_in_dim3A_386 = vector.broadcast %jit3A_384 : i32 to vector<16xi32>
      %broadcast_in_dim3A_387 = vector.broadcast %jit3A_385 : i32 to vector<16xi32>
      %select_n3A_388 = arith.select %eq3A_383, %broadcast_in_dim3A_386, %broadcast_in_dim3A_387 : vector<16xi1>, vector<16xi32>
      %add3A_389 = arith.addi %get3A_382, %select_n3A_388 : vector<16xi32>
      %swap3A_390 = arith.constant 0 : i32
      %swap3A_391 = arith.index_cast %swap3A_390 : i32 to index
      %swap3A_392 = arith.constant 144 : index
      %swap3A_393 = tpu.vector_load %arg12[%swap3A_391, %swap3A_392] {strides = array<i32>} : memref<2x512xi32, #tpu.memory_space<vmem>>, vector<1x16xi32>,
      %swap3A_394 = vector.shape_cast %swap3A_393 : vector<1x16xi32> to vector<16xi32>
      %swap3A_395 = vector.shape_cast %add3A_389 : vector<16xi32> to vector<1x16xi32>
      tpu.vector_store %arg12[%swap3A_391, %swap3A_392], %swap3A_395 {strides = array<i32>} : memref<2x512xi32, #tpu.memory_space<vmem>>, vector<1x16xi32>,
      %get3A_396 = arith.constant 0 : i32
      %get3A_397 = arith.constant 0 : i32
      %get3A_398 = arith.index_cast %get3A_396 : i32 to index
      %get3A_399 = arith.index_cast %get3A_397 : i32 to index
      %get3A_400 = arith.constant 160 : index
      %get3A_401 = tpu.vector_load %arg11[%get3A_398, %get3A_399, %get3A_400] {strides = array<i32>} : memref<2x2x512xi32, #tpu.memory_space<vmem>>, vector<1x1x16xi32>,
      %get3A_402 = vector.shape_cast %get3A_401 : vector<1x1x16xi32> to vector<16xi32>
      %get3A_403 = arith.constant 0 : i32
      %get3A_404 = arith.constant 1 : i32
      %get3A_405 = arith.index_cast %get3A_403 : i32 to index
      %get3A_406 = arith.index_cast %get3A_404 : i32 to index
      %get3A_407 = arith.constant 160 : index
      %get3A_408 = tpu.vector_load %arg11[%get3A_405, %get3A_406, %get3A_407] {strides = array<i32>} : memref<2x2x512xi32, #tpu.memory_space<vmem>>, vector<1x1x16xi32>,
      %get3A_409 = vector.shape_cast %get3A_408 : vector<1x1x16xi32> to vector<16xi32>
      %eq3A_410 = arith.cmpi eq, %get3A_402, %get3A_409 : vector<16xi32>
      %jit3A_411 = arith.constant 10752 : i32
      %jit3A_412 = arith.constant 0 : i32
      %broadcast_in_dim3A_413 = vector.broadcast %jit3A_411 : i32 to vector<16xi32>
      %broadcast_in_dim3A_414 = vector.broadcast %jit3A_412 : i32 to vector<16xi32>
      %select_n3A_415 = arith.select %eq3A_410, %broadcast_in_dim3A_413, %broadcast_in_dim3A_414 : vector<16xi1>, vector<16xi32>
      %add3A_416 = arith.addi %get3A_409, %select_n3A_415 : vector<16xi32>
      %swap3A_417 = arith.constant 0 : i32
      %swap3A_418 = arith.index_cast %swap3A_417 : i32 to index
      %swap3A_419 = arith.constant 160 : index
      %swap3A_420 = tpu.vector_load %arg12[%swap3A_418, %swap3A_419] {strides = array<i32>} : memref<2x512xi32, #tpu.memory_space<vmem>>, vector<1x16xi32>,
      %swap3A_421 = vector.shape_cast %swap3A_420 : vector<1x16xi32> to vector<16xi32>
      %swap3A_422 = vector.shape_cast %add3A_416 : vector<16xi32> to vector<1x16xi32>
      tpu.vector_store %arg12[%swap3A_418, %swap3A_419], %swap3A_422 {strides = array<i32>} : memref<2x512xi32, #tpu.memory_space<vmem>>, vector<1x16xi32>,
      %get3A_423 = arith.constant 0 : i32
      %get3A_424 = arith.constant 0 : i32
      %get3A_425 = arith.index_cast %get3A_423 : i32 to index
      %get3A_426 = arith.index_cast %get3A_424 : i32 to index
      %get3A_427 = arith.constant 176 : index
      %get3A_428 = tpu.vector_load %arg11[%get3A_425, %get3A_426, %get3A_427] {strides = array<i32>} : memref<2x2x512xi32, #tpu.memory_space<vmem>>, vector<1x1x16xi32>,
      %get3A_429 = vector.shape_cast %get3A_428 : vector<1x1x16xi32> to vector<16xi32>
      %get3A_430 = arith.constant 0 : i32
      %get3A_431 = arith.constant 1 : i32
      %get3A_432 = arith.index_cast %get3A_430 : i32 to index
      %get3A_433 = arith.index_cast %get3A_431 : i32 to index
      %get3A_434 = arith.constant 176 : index
      %get3A_435 = tpu.vector_load %arg11[%get3A_432, %get3A_433, %get3A_434] {strides = array<i32>} : memref<2x2x512xi32, #tpu.memory_space<vmem>>, vector<1x1x16xi32>,
      %get3A_436 = vector.shape_cast %get3A_435 : vector<1x1x16xi32> to vector<16xi32>
      %eq3A_437 = arith.cmpi eq, %get3A_429, %get3A_436 : vector<16xi32>
      %jit3A_438 = arith.constant 10752 : i32
      %jit3A_439 = arith.constant 0 : i32
      %broadcast_in_dim3A_440 = vector.broadcast %jit3A_438 : i32 to vector<16xi32>
      %broadcast_in_dim3A_441 = vector.broadcast %jit3A_439 : i32 to vector<16xi32>
      %select_n3A_442 = arith.select %eq3A_437, %broadcast_in_dim3A_440, %broadcast_in_dim3A_441 : vector<16xi1>, vector<16xi32>
      %add3A_443 = arith.addi %get3A_436, %select_n3A_442 : vector<16xi32>
      %swap3A_444 = arith.constant 0 : i32
      %swap3A_445 = arith.index_cast %swap3A_444 : i32 to index
      %swap3A_446 = arith.constant 176 : index
      %swap3A_447 = tpu.vector_load %arg12[%swap3A_445, %swap3A_446] {strides = array<i32>} : memref<2x512xi32, #tpu.memory_space<vmem>>, vector<1x16xi32>,
      %swap3A_448 = vector.shape_cast %swap3A_447 : vector<1x16xi32> to vector<16xi32>
      %swap3A_449 = vector.shape_cast %add3A_443 : vector<16xi32> to vector<1x16xi32>
      tpu.vector_store %arg12[%swap3A_445, %swap3A_446], %swap3A_449 {strides = array<i32>} : memref<2x512xi32, #tpu.memory_space<vmem>>, vector<1x16xi32>,
      %get3A_450 = arith.constant 0 : i32
      %get3A_451 = arith.constant 0 : i32
      %get3A_452 = arith.index_cast %get3A_450 : i32 to index
      %get3A_453 = arith.index_cast %get3A_451 : i32 to index
      %get3A_454 = arith.constant 192 : index
      %get3A_455 = tpu.vector_load %arg11[%get3A_452, %get3A_453, %get3A_454] {strides = array<i32>} : memref<2x2x512xi32, #tpu.memory_space<vmem>>, vector<1x1x16xi32>,
      %get3A_456 = vector.shape_cast %get3A_455 : vector<1x1x16xi32> to vector<16xi32>
      %get3A_457 = arith.constant 0 : i32
      %get3A_458 = arith.constant 1 : i32
      %get3A_459 = arith.index_cast %get3A_457 : i32 to index
      %get3A_460 = arith.index_cast %get3A_458 : i32 to index
      %get3A_461 = arith.constant 192 : index
      %get3A_462 = tpu.vector_load %arg11[%get3A_459, %get3A_460, %get3A_461] {strides = array<i32>} : memref<2x2x512xi32, #tpu.memory_space<vmem>>, vector<1x1x16xi32>,
      %get3A_463 = vector.shape_cast %get3A_462 : vector<1x1x16xi32> to vector<16xi32>
      %eq3A_464 = arith.cmpi eq, %get3A_456, %get3A_463 : vector<16xi32>
      %jit3A_465 = arith.constant 10752 : i32
      %jit3A_466 = arith.constant 0 : i32
      %broadcast_in_dim3A_467 = vector.broadcast %jit3A_465 : i32 to vector<16xi32>
      %broadcast_in_dim3A_468 = vector.broadcast %jit3A_466 : i32 to vector<16xi32>
      %select_n3A_469 = arith.select %eq3A_464, %broadcast_in_dim3A_467, %broadcast_in_dim3A_468 : vector<16xi1>, vector<16xi32>
      %add3A_470 = arith.addi %get3A_463, %select_n3A_469 : vector<16xi32>
      %swap3A_471 = arith.constant 0 : i32
      %swap3A_472 = arith.index_cast %swap3A_471 : i32 to index
      %swap3A_473 = arith.constant 192 : index
      %swap3A_474 = tpu.vector_load %arg12[%swap3A_472, %swap3A_473] {strides = array<i32>} : memref<2x512xi32, #tpu.memory_space<vmem>>, vector<1x16xi32>,
      %swap3A_475 = vector.shape_cast %swap3A_474 : vector<1x16xi32> to vector<16xi32>
      %swap3A_476 = vector.shape_cast %add3A_470 : vector<16xi32> to vector<1x16xi32>
      tpu.vector_store %arg12[%swap3A_472, %swap3A_473], %swap3A_476 {strides = array<i32>} : memref<2x512xi32, #tpu.memory_space<vmem>>, vector<1x16xi32>,
      %get3A_477 = arith.constant 0 : i32
      %get3A_478 = arith.constant 0 : i32
      %get3A_479 = arith.index_cast %get3A_477 : i32 to index
      %get3A_480 = arith.index_cast %get3A_478 : i32 to index
      %get3A_481 = arith.constant 208 : index
      %get3A_482 = tpu.vector_load %arg11[%get3A_479, %get3A_480, %get3A_481] {strides = array<i32>} : memref<2x2x512xi32, #tpu.memory_space<vmem>>, vector<1x1x16xi32>,
      %get3A_483 = vector.shape_cast %get3A_482 : vector<1x1x16xi32> to vector<16xi32>
      %get3A_484 = arith.constant 0 : i32
      %get3A_485 = arith.constant 1 : i32
      %get3A_486 = arith.index_cast %get3A_484 : i32 to index
      %get3A_487 = arith.index_cast %get3A_485 : i32 to index
      %get3A_488 = arith.constant 208 : index
      %get3A_489 = tpu.vector_load %arg11[%get3A_486, %get3A_487, %get3A_488] {strides = array<i32>} : memref<2x2x512xi32, #tpu.memory_space<vmem>>, vector<1x1x16xi32>,
      %get3A_490 = vector.shape_cast %get3A_489 : vector<1x1x16xi32> to vector<16xi32>
      %eq3A_491 = arith.cmpi eq, %get3A_483, %get3A_490 : vector<16xi32>
      %jit3A_492 = arith.constant 10752 : i32
      %jit3A_493 = arith.constant 0 : i32
      %broadcast_in_dim3A_494 = vector.broadcast %jit3A_492 : i32 to vector<16xi32>
      %broadcast_in_dim3A_495 = vector.broadcast %jit3A_493 : i32 to vector<16xi32>
      %select_n3A_496 = arith.select %eq3A_491, %broadcast_in_dim3A_494, %broadcast_in_dim3A_495 : vector<16xi1>, vector<16xi32>
      %add3A_497 = arith.addi %get3A_490, %select_n3A_496 : vector<16xi32>
      %swap3A_498 = arith.constant 0 : i32
      %swap3A_499 = arith.index_cast %swap3A_498 : i32 to index
      %swap3A_500 = arith.constant 208 : index
      %swap3A_501 = tpu.vector_load %arg12[%swap3A_499, %swap3A_500] {strides = array<i32>} : memref<2x512xi32, #tpu.memory_space<vmem>>, vector<1x16xi32>,
      %swap3A_502 = vector.shape_cast %swap3A_501 : vector<1x16xi32> to vector<16xi32>
      %swap3A_503 = vector.shape_cast %add3A_497 : vector<16xi32> to vector<1x16xi32>
      tpu.vector_store %arg12[%swap3A_499, %swap3A_500], %swap3A_503 {strides = array<i32>} : memref<2x512xi32, #tpu.memory_space<vmem>>, vector<1x16xi32>,
      %get3A_504 = arith.constant 0 : i32
      %get3A_505 = arith.constant 0 : i32
      %get3A_506 = arith.index_cast %get3A_504 : i32 to index
      %get3A_507 = arith.index_cast %get3A_505 : i32 to index
      %get3A_508 = arith.constant 224 : index
      %get3A_509 = tpu.vector_load %arg11[%get3A_506, %get3A_507, %get3A_508] {strides = array<i32>} : memref<2x2x512xi32, #tpu.memory_space<vmem>>, vector<1x1x16xi32>,
      %get3A_510 = vector.shape_cast %get3A_509 : vector<1x1x16xi32> to vector<16xi32>
      %get3A_511 = arith.constant 0 : i32
      %get3A_512 = arith.constant 1 : i32
      %get3A_513 = arith.index_cast %get3A_511 : i32 to index
      %get3A_514 = arith.index_cast %get3A_512 : i32 to index
      %get3A_515 = arith.constant 224 : index
      %get3A_516 = tpu.vector_load %arg11[%get3A_513, %get3A_514, %get3A_515] {strides = array<i32>} : memref<2x2x512xi32, #tpu.memory_space<vmem>>, vector<1x1x16xi32>,
      %get3A_517 = vector.shape_cast %get3A_516 : vector<1x1x16xi32> to vector<16xi32>
      %eq3A_518 = arith.cmpi eq, %get3A_510, %get3A_517 : vector<16xi32>
      %jit3A_519 = arith.constant 10752 : i32
      %jit3A_520 = arith.constant 0 : i32
      %broadcast_in_dim3A_521 = vector.broadcast %jit3A_519 : i32 to vector<16xi32>
      %broadcast_in_dim3A_522 = vector.broadcast %jit3A_520 : i32 to vector<16xi32>
      %select_n3A_523 = arith.select %eq3A_518, %broadcast_in_dim3A_521, %broadcast_in_dim3A_522 : vector<16xi1>, vector<16xi32>
      %add3A_524 = arith.addi %get3A_517, %select_n3A_523 : vector<16xi32>
      %swap3A_525 = arith.constant 0 : i32
      %swap3A_526 = arith.index_cast %swap3A_525 : i32 to index
      %swap3A_527 = arith.constant 224 : index
      %swap3A_528 = tpu.vector_load %arg12[%swap3A_526, %swap3A_527] {strides = array<i32>} : memref<2x512xi32, #tpu.memory_space<vmem>>, vector<1x16xi32>,
      %swap3A_529 = vector.shape_cast %swap3A_528 : vector<1x16xi32> to vector<16xi32>
      %swap3A_530 = vector.shape_cast %add3A_524 : vector<16xi32> to vector<1x16xi32>
      tpu.vector_store %arg12[%swap3A_526, %swap3A_527], %swap3A_530 {strides = array<i32>} : memref<2x512xi32, #tpu.memory_space<vmem>>, vector<1x16xi32>,
      %get3A_531 = arith.constant 0 : i32
      %get3A_532 = arith.constant 0 : i32
      %get3A_533 = arith.index_cast %get3A_531 : i32 to index
      %get3A_534 = arith.index_cast %get3A_532 : i32 to index
      %get3A_535 = arith.constant 240 : index
      %get3A_536 = tpu.vector_load %arg11[%get3A_533, %get3A_534, %get3A_535] {strides = array<i32>} : memref<2x2x512xi32, #tpu.memory_space<vmem>>, vector<1x1x16xi32>,
      %get3A_537 = vector.shape_cast %get3A_536 : vector<1x1x16xi32> to vector<16xi32>
      %get3A_538 = arith.constant 0 : i32
      %get3A_539 = arith.constant 1 : i32
      %get3A_540 = arith.index_cast %get3A_538 : i32 to index
      %get3A_541 = arith.index_cast %get3A_539 : i32 to index
      %get3A_542 = arith.constant 240 : index
      %get3A_543 = tpu.vector_load %arg11[%get3A_540, %get3A_541, %get3A_542] {strides = array<i32>} : memref<2x2x512xi32, #tpu.memory_space<vmem>>, vector<1x1x16xi32>,
      %get3A_544 = vector.shape_cast %get3A_543 : vector<1x1x16xi32> to vector<16xi32>
      %eq3A_545 = arith.cmpi eq, %get3A_537, %get3A_544 : vector<16xi32>
      %jit3A_546 = arith.constant 10752 : i32
      %jit3A_547 = arith.constant 0 : i32
      %broadcast_in_dim3A_548 = vector.broadcast %jit3A_546 : i32 to vector<16xi32>
      %broadcast_in_dim3A_549 = vector.broadcast %jit3A_547 : i32 to vector<16xi32>
      %select_n3A_550 = arith.select %eq3A_545, %broadcast_in_dim3A_548, %broadcast_in_dim3A_549 : vector<16xi1>, vector<16xi32>
      %add3A_551 = arith.addi %get3A_544, %select_n3A_550 : vector<16xi32>
      %swap3A_552 = arith.constant 0 : i32
      %swap3A_553 = arith.index_cast %swap3A_552 : i32 to index
      %swap3A_554 = arith.constant 240 : index
      %swap3A_555 = tpu.vector_load %arg12[%swap3A_553, %swap3A_554] {strides = array<i32>} : memref<2x512xi32, #tpu.memory_space<vmem>>, vector<1x16xi32>,
      %swap3A_556 = vector.shape_cast %swap3A_555 : vector<1x16xi32> to vector<16xi32>
      %swap3A_557 = vector.shape_cast %add3A_551 : vector<16xi32> to vector<1x16xi32>
      tpu.vector_store %arg12[%swap3A_553, %swap3A_554], %swap3A_557 {strides = array<i32>} : memref<2x512xi32, #tpu.memory_space<vmem>>, vector<1x16xi32>,
      %get3A_558 = arith.constant 0 : i32
      %get3A_559 = arith.constant 0 : i32
      %get3A_560 = arith.index_cast %get3A_558 : i32 to index
      %get3A_561 = arith.index_cast %get3A_559 : i32 to index
      %get3A_562 = arith.constant 256 : index
      %get3A_563 = tpu.vector_load %arg11[%get3A_560, %get3A_561, %get3A_562] {strides = array<i32>} : memref<2x2x512xi32, #tpu.memory_space<vmem>>, vector<1x1x16xi32>,
      %get3A_564 = vector.shape_cast %get3A_563 : vector<1x1x16xi32> to vector<16xi32>
      %get3A_565 = arith.constant 0 : i32
      %get3A_566 = arith.constant 1 : i32
      %get3A_567 = arith.index_cast %get3A_565 : i32 to index
      %get3A_568 = arith.index_cast %get3A_566 : i32 to index
      %get3A_569 = arith.constant 256 : index
      %get3A_570 = tpu.vector_load %arg11[%get3A_567, %get3A_568, %get3A_569] {strides = array<i32>} : memref<2x2x512xi32, #tpu.memory_space<vmem>>, vector<1x1x16xi32>,
      %get3A_571 = vector.shape_cast %get3A_570 : vector<1x1x16xi32> to vector<16xi32>
      %eq3A_572 = arith.cmpi eq, %get3A_564, %get3A_571 : vector<16xi32>
      %jit3A_573 = arith.constant 10752 : i32
      %jit3A_574 = arith.constant 0 : i32
      %broadcast_in_dim3A_575 = vector.broadcast %jit3A_573 : i32 to vector<16xi32>
      %broadcast_in_dim3A_576 = vector.broadcast %jit3A_574 : i32 to vector<16xi32>
      %select_n3A_577 = arith.select %eq3A_572, %broadcast_in_dim3A_575, %broadcast_in_dim3A_576 : vector<16xi1>, vector<16xi32>
      %add3A_578 = arith.addi %get3A_571, %select_n3A_577 : vector<16xi32>
      %swap3A_579 = arith.constant 0 : i32
      %swap3A_580 = arith.index_cast %swap3A_579 : i32 to index
      %swap3A_581 = arith.constant 256 : index
      %swap3A_582 = tpu.vector_load %arg12[%swap3A_580, %swap3A_581] {strides = array<i32>} : memref<2x512xi32, #tpu.memory_space<vmem>>, vector<1x16xi32>,
      %swap3A_583 = vector.shape_cast %swap3A_582 : vector<1x16xi32> to vector<16xi32>
      %swap3A_584 = vector.shape_cast %add3A_578 : vector<16xi32> to vector<1x16xi32>
      tpu.vector_store %arg12[%swap3A_580, %swap3A_581], %swap3A_584 {strides = array<i32>} : memref<2x512xi32, #tpu.memory_space<vmem>>, vector<1x16xi32>,
      %get3A_585 = arith.constant 0 : i32
      %get3A_586 = arith.constant 0 : i32
      %get3A_587 = arith.index_cast %get3A_585 : i32 to index
      %get3A_588 = arith.index_cast %get3A_586 : i32 to index
      %get3A_589 = arith.constant 272 : index
      %get3A_590 = tpu.vector_load %arg11[%get3A_587, %get3A_588, %get3A_589] {strides = array<i32>} : memref<2x2x512xi32, #tpu.memory_space<vmem>>, vector<1x1x16xi32>,
      %get3A_591 = vector.shape_cast %get3A_590 : vector<1x1x16xi32> to vector<16xi32>
      %get3A_592 = arith.constant 0 : i32
      %get3A_593 = arith.constant 1 : i32
      %get3A_594 = arith.index_cast %get3A_592 : i32 to index
      %get3A_595 = arith.index_cast %get3A_593 : i32 to index
      %get3A_596 = arith.constant 272 : index
      %get3A_597 = tpu.vector_load %arg11[%get3A_594, %get3A_595, %get3A_596] {strides = array<i32>} : memref<2x2x512xi32, #tpu.memory_space<vmem>>, vector<1x1x16xi32>,
      %get3A_598 = vector.shape_cast %get3A_597 : vector<1x1x16xi32> to vector<16xi32>
      %eq3A_599 = arith.cmpi eq, %get3A_591, %get3A_598 : vector<16xi32>
      %jit3A_600 = arith.constant 10752 : i32
      %jit3A_601 = arith.constant 0 : i32
      %broadcast_in_dim3A_602 = vector.broadcast %jit3A_600 : i32 to vector<16xi32>
      %broadcast_in_dim3A_603 = vector.broadcast %jit3A_601 : i32 to vector<16xi32>
      %select_n3A_604 = arith.select %eq3A_599, %broadcast_in_dim3A_602, %broadcast_in_dim3A_603 : vector<16xi1>, vector<16xi32>
      %add3A_605 = arith.addi %get3A_598, %select_n3A_604 : vector<16xi32>
      %swap3A_606 = arith.constant 0 : i32
      %swap3A_607 = arith.index_cast %swap3A_606 : i32 to index
      %swap3A_608 = arith.constant 272 : index
      %swap3A_609 = tpu.vector_load %arg12[%swap3A_607, %swap3A_608] {strides = array<i32>} : memref<2x512xi32, #tpu.memory_space<vmem>>, vector<1x16xi32>,
      %swap3A_610 = vector.shape_cast %swap3A_609 : vector<1x16xi32> to vector<16xi32>
      %swap3A_611 = vector.shape_cast %add3A_605 : vector<16xi32> to vector<1x16xi32>
      tpu.vector_store %arg12[%swap3A_607, %swap3A_608], %swap3A_611 {strides = array<i32>} : memref<2x512xi32, #tpu.memory_space<vmem>>, vector<1x16xi32>,
      %get3A_612 = arith.constant 0 : i32
      %get3A_613 = arith.constant 0 : i32
      %get3A_614 = arith.index_cast %get3A_612 : i32 to index
      %get3A_615 = arith.index_cast %get3A_613 : i32 to index
      %get3A_616 = arith.constant 288 : index
      %get3A_617 = tpu.vector_load %arg11[%get3A_614, %get3A_615, %get3A_616] {strides = array<i32>} : memref<2x2x512xi32, #tpu.memory_space<vmem>>, vector<1x1x16xi32>,
      %get3A_618 = vector.shape_cast %get3A_617 : vector<1x1x16xi32> to vector<16xi32>
      %get3A_619 = arith.constant 0 : i32
      %get3A_620 = arith.constant 1 : i32
      %get3A_621 = arith.index_cast %get3A_619 : i32 to index
      %get3A_622 = arith.index_cast %get3A_620 : i32 to index
      %get3A_623 = arith.constant 288 : index
      %get3A_624 = tpu.vector_load %arg11[%get3A_621, %get3A_622, %get3A_623] {strides = array<i32>} : memref<2x2x512xi32, #tpu.memory_space<vmem>>, vector<1x1x16xi32>,
      %get3A_625 = vector.shape_cast %get3A_624 : vector<1x1x16xi32> to vector<16xi32>
      %eq3A_626 = arith.cmpi eq, %get3A_618, %get3A_625 : vector<16xi32>
      %jit3A_627 = arith.constant 10752 : i32
      %jit3A_628 = arith.constant 0 : i32
      %broadcast_in_dim3A_629 = vector.broadcast %jit3A_627 : i32 to vector<16xi32>
      %broadcast_in_dim3A_630 = vector.broadcast %jit3A_628 : i32 to vector<16xi32>
      %select_n3A_631 = arith.select %eq3A_626, %broadcast_in_dim3A_629, %broadcast_in_dim3A_630 : vector<16xi1>, vector<16xi32>
      %add3A_632 = arith.addi %get3A_625, %select_n3A_631 : vector<16xi32>
      %swap3A_633 = arith.constant 0 : i32
      %swap3A_634 = arith.index_cast %swap3A_633 : i32 to index
      %swap3A_635 = arith.constant 288 : index
      %swap3A_636 = tpu.vector_load %arg12[%swap3A_634, %swap3A_635] {strides = array<i32>} : memref<2x512xi32, #tpu.memory_space<vmem>>, vector<1x16xi32>,
      %swap3A_637 = vector.shape_cast %swap3A_636 : vector<1x16xi32> to vector<16xi32>
      %swap3A_638 = vector.shape_cast %add3A_632 : vector<16xi32> to vector<1x16xi32>
      tpu.vector_store %arg12[%swap3A_634, %swap3A_635], %swap3A_638 {strides = array<i32>} : memref<2x512xi32, #tpu.memory_space<vmem>>, vector<1x16xi32>,
      %get3A_639 = arith.constant 0 : i32
      %get3A_640 = arith.constant 0 : i32
      %get3A_641 = arith.index_cast %get3A_639 : i32 to index
      %get3A_642 = arith.index_cast %get3A_640 : i32 to index
      %get3A_643 = arith.constant 304 : index
      %get3A_644 = tpu.vector_load %arg11[%get3A_641, %get3A_642, %get3A_643] {strides = array<i32>} : memref<2x2x512xi32, #tpu.memory_space<vmem>>, vector<1x1x16xi32>,
      %get3A_645 = vector.shape_cast %get3A_644 : vector<1x1x16xi32> to vector<16xi32>
      %get3A_646 = arith.constant 0 : i32
      %get3A_647 = arith.constant 1 : i32
      %get3A_648 = arith.index_cast %get3A_646 : i32 to index
      %get3A_649 = arith.index_cast %get3A_647 : i32 to index
      %get3A_650 = arith.constant 304 : index
      %get3A_651 = tpu.vector_load %arg11[%get3A_648, %get3A_649, %get3A_650] {strides = array<i32>} : memref<2x2x512xi32, #tpu.memory_space<vmem>>, vector<1x1x16xi32>,
      %get3A_652 = vector.shape_cast %get3A_651 : vector<1x1x16xi32> to vector<16xi32>
      %eq3A_653 = arith.cmpi eq, %get3A_645, %get3A_652 : vector<16xi32>
      %jit3A_654 = arith.constant 10752 : i32
      %jit3A_655 = arith.constant 0 : i32
      %broadcast_in_dim3A_656 = vector.broadcast %jit3A_654 : i32 to vector<16xi32>
      %broadcast_in_dim3A_657 = vector.broadcast %jit3A_655 : i32 to vector<16xi32>
      %select_n3A_658 = arith.select %eq3A_653, %broadcast_in_dim3A_656, %broadcast_in_dim3A_657 : vector<16xi1>, vector<16xi32>
      %add3A_659 = arith.addi %get3A_652, %select_n3A_658 : vector<16xi32>
      %swap3A_660 = arith.constant 0 : i32
      %swap3A_661 = arith.index_cast %swap3A_660 : i32 to index
      %swap3A_662 = arith.constant 304 : index
      %swap3A_663 = tpu.vector_load %arg12[%swap3A_661, %swap3A_662] {strides = array<i32>} : memref<2x512xi32, #tpu.memory_space<vmem>>, vector<1x16xi32>,
      %swap3A_664 = vector.shape_cast %swap3A_663 : vector<1x16xi32> to vector<16xi32>
      %swap3A_665 = vector.shape_cast %add3A_659 : vector<16xi32> to vector<1x16xi32>
      tpu.vector_store %arg12[%swap3A_661, %swap3A_662], %swap3A_665 {strides = array<i32>} : memref<2x512xi32, #tpu.memory_space<vmem>>, vector<1x16xi32>,
      %get3A_666 = arith.constant 0 : i32
      %get3A_667 = arith.constant 0 : i32
      %get3A_668 = arith.index_cast %get3A_666 : i32 to index
      %get3A_669 = arith.index_cast %get3A_667 : i32 to index
      %get3A_670 = arith.constant 320 : index
      %get3A_671 = tpu.vector_load %arg11[%get3A_668, %get3A_669, %get3A_670] {strides = array<i32>} : memref<2x2x512xi32, #tpu.memory_space<vmem>>, vector<1x1x16xi32>,
      %get3A_672 = vector.shape_cast %get3A_671 : vector<1x1x16xi32> to vector<16xi32>
      %get3A_673 = arith.constant 0 : i32
      %get3A_674 = arith.constant 1 : i32
      %get3A_675 = arith.index_cast %get3A_673 : i32 to index
      %get3A_676 = arith.index_cast %get3A_674 : i32 to index
      %get3A_677 = arith.constant 320 : index
      %get3A_678 = tpu.vector_load %arg11[%get3A_675, %get3A_676, %get3A_677] {strides = array<i32>} : memref<2x2x512xi32, #tpu.memory_space<vmem>>, vector<1x1x16xi32>,
      %get3A_679 = vector.shape_cast %get3A_678 : vector<1x1x16xi32> to vector<16xi32>
      %eq3A_680 = arith.cmpi eq, %get3A_672, %get3A_679 : vector<16xi32>
      %jit3A_681 = arith.constant 10752 : i32
      %jit3A_682 = arith.constant 0 : i32
      %broadcast_in_dim3A_683 = vector.broadcast %jit3A_681 : i32 to vector<16xi32>
      %broadcast_in_dim3A_684 = vector.broadcast %jit3A_682 : i32 to vector<16xi32>
      %select_n3A_685 = arith.select %eq3A_680, %broadcast_in_dim3A_683, %broadcast_in_dim3A_684 : vector<16xi1>, vector<16xi32>
      %add3A_686 = arith.addi %get3A_679, %select_n3A_685 : vector<16xi32>
      %swap3A_687 = arith.constant 0 : i32
      %swap3A_688 = arith.index_cast %swap3A_687 : i32 to index
      %swap3A_689 = arith.constant 320 : index
      %swap3A_690 = tpu.vector_load %arg12[%swap3A_688, %swap3A_689] {strides = array<i32>} : memref<2x512xi32, #tpu.memory_space<vmem>>, vector<1x16xi32>,
      %swap3A_691 = vector.shape_cast %swap3A_690 : vector<1x16xi32> to vector<16xi32>
      %swap3A_692 = vector.shape_cast %add3A_686 : vector<16xi32> to vector<1x16xi32>
      tpu.vector_store %arg12[%swap3A_688, %swap3A_689], %swap3A_692 {strides = array<i32>} : memref<2x512xi32, #tpu.memory_space<vmem>>, vector<1x16xi32>,
      %get3A_693 = arith.constant 0 : i32
      %get3A_694 = arith.constant 0 : i32
      %get3A_695 = arith.index_cast %get3A_693 : i32 to index
      %get3A_696 = arith.index_cast %get3A_694 : i32 to index
      %get3A_697 = arith.constant 336 : index
      %get3A_698 = tpu.vector_load %arg11[%get3A_695, %get3A_696, %get3A_697] {strides = array<i32>} : memref<2x2x512xi32, #tpu.memory_space<vmem>>, vector<1x1x16xi32>,
      %get3A_699 = vector.shape_cast %get3A_698 : vector<1x1x16xi32> to vector<16xi32>
      %get3A_700 = arith.constant 0 : i32
      %get3A_701 = arith.constant 1 : i32
      %get3A_702 = arith.index_cast %get3A_700 : i32 to index
      %get3A_703 = arith.index_cast %get3A_701 : i32 to index
      %get3A_704 = arith.constant 336 : index
      %get3A_705 = tpu.vector_load %arg11[%get3A_702, %get3A_703, %get3A_704] {strides = array<i32>} : memref<2x2x512xi32, #tpu.memory_space<vmem>>, vector<1x1x16xi32>,
      %get3A_706 = vector.shape_cast %get3A_705 : vector<1x1x16xi32> to vector<16xi32>
      %eq3A_707 = arith.cmpi eq, %get3A_699, %get3A_706 : vector<16xi32>
      %jit3A_708 = arith.constant 10752 : i32
      %jit3A_709 = arith.constant 0 : i32
      %broadcast_in_dim3A_710 = vector.broadcast %jit3A_708 : i32 to vector<16xi32>
      %broadcast_in_dim3A_711 = vector.broadcast %jit3A_709 : i32 to vector<16xi32>
      %select_n3A_712 = arith.select %eq3A_707, %broadcast_in_dim3A_710, %broadcast_in_dim3A_711 : vector<16xi1>, vector<16xi32>
      %add3A_713 = arith.addi %get3A_706, %select_n3A_712 : vector<16xi32>
      %swap3A_714 = arith.constant 0 : i32
      %swap3A_715 = arith.index_cast %swap3A_714 : i32 to index
      %swap3A_716 = arith.constant 336 : index
      %swap3A_717 = tpu.vector_load %arg12[%swap3A_715, %swap3A_716] {strides = array<i32>} : memref<2x512xi32, #tpu.memory_space<vmem>>, vector<1x16xi32>,
      %swap3A_718 = vector.shape_cast %swap3A_717 : vector<1x16xi32> to vector<16xi32>
      %swap3A_719 = vector.shape_cast %add3A_713 : vector<16xi32> to vector<1x16xi32>
      tpu.vector_store %arg12[%swap3A_715, %swap3A_716], %swap3A_719 {strides = array<i32>} : memref<2x512xi32, #tpu.memory_space<vmem>>, vector<1x16xi32>,
      %get3A_720 = arith.constant 0 : i32
      %get3A_721 = arith.constant 0 : i32
      %get3A_722 = arith.index_cast %get3A_720 : i32 to index
      %get3A_723 = arith.index_cast %get3A_721 : i32 to index
      %get3A_724 = arith.constant 352 : index
      %get3A_725 = tpu.vector_load %arg11[%get3A_722, %get3A_723, %get3A_724] {strides = array<i32>} : memref<2x2x512xi32, #tpu.memory_space<vmem>>, vector<1x1x16xi32>,
      %get3A_726 = vector.shape_cast %get3A_725 : vector<1x1x16xi32> to vector<16xi32>
      %get3A_727 = arith.constant 0 : i32
      %get3A_728 = arith.constant 1 : i32
      %get3A_729 = arith.index_cast %get3A_727 : i32 to index
      %get3A_730 = arith.index_cast %get3A_728 : i32 to index
      %get3A_731 = arith.constant 352 : index
      %get3A_732 = tpu.vector_load %arg11[%get3A_729, %get3A_730, %get3A_731] {strides = array<i32>} : memref<2x2x512xi32, #tpu.memory_space<vmem>>, vector<1x1x16xi32>,
      %get3A_733 = vector.shape_cast %get3A_732 : vector<1x1x16xi32> to vector<16xi32>
      %eq3A_734 = arith.cmpi eq, %get3A_726, %get3A_733 : vector<16xi32>
      %jit3A_735 = arith.constant 10752 : i32
      %jit3A_736 = arith.constant 0 : i32
      %broadcast_in_dim3A_737 = vector.broadcast %jit3A_735 : i32 to vector<16xi32>
      %broadcast_in_dim3A_738 = vector.broadcast %jit3A_736 : i32 to vector<16xi32>
      %select_n3A_739 = arith.select %eq3A_734, %broadcast_in_dim3A_737, %broadcast_in_dim3A_738 : vector<16xi1>, vector<16xi32>
      %add3A_740 = arith.addi %get3A_733, %select_n3A_739 : vector<16xi32>
      %swap3A_741 = arith.constant 0 : i32
      %swap3A_742 = arith.index_cast %swap3A_741 : i32 to index
      %swap3A_743 = arith.constant 352 : index
      %swap3A_744 = tpu.vector_load %arg12[%swap3A_742, %swap3A_743] {strides = array<i32>} : memref<2x512xi32, #tpu.memory_space<vmem>>, vector<1x16xi32>,
      %swap3A_745 = vector.shape_cast %swap3A_744 : vector<1x16xi32> to vector<16xi32>
      %swap3A_746 = vector.shape_cast %add3A_740 : vector<16xi32> to vector<1x16xi32>
      tpu.vector_store %arg12[%swap3A_742, %swap3A_743], %swap3A_746 {strides = array<i32>} : memref<2x512xi32, #tpu.memory_space<vmem>>, vector<1x16xi32>,
      %get3A_747 = arith.constant 0 : i32
      %get3A_748 = arith.constant 0 : i32
      %get3A_749 = arith.index_cast %get3A_747 : i32 to index
      %get3A_750 = arith.index_cast %get3A_748 : i32 to index
      %get3A_751 = arith.constant 368 : index
      %get3A_752 = tpu.vector_load %arg11[%get3A_749, %get3A_750, %get3A_751] {strides = array<i32>} : memref<2x2x512xi32, #tpu.memory_space<vmem>>, vector<1x1x16xi32>,
      %get3A_753 = vector.shape_cast %get3A_752 : vector<1x1x16xi32> to vector<16xi32>
      %get3A_754 = arith.constant 0 : i32
      %get3A_755 = arith.constant 1 : i32
      %get3A_756 = arith.index_cast %get3A_754 : i32 to index
      %get3A_757 = arith.index_cast %get3A_755 : i32 to index
      %get3A_758 = arith.constant 368 : index
      %get3A_759 = tpu.vector_load %arg11[%get3A_756, %get3A_757, %get3A_758] {strides = array<i32>} : memref<2x2x512xi32, #tpu.memory_space<vmem>>, vector<1x1x16xi32>,
      %get3A_760 = vector.shape_cast %get3A_759 : vector<1x1x16xi32> to vector<16xi32>
      %eq3A_761 = arith.cmpi eq, %get3A_753, %get3A_760 : vector<16xi32>
      %jit3A_762 = arith.constant 10752 : i32
      %jit3A_763 = arith.constant 0 : i32
      %broadcast_in_dim3A_764 = vector.broadcast %jit3A_762 : i32 to vector<16xi32>
      %broadcast_in_dim3A_765 = vector.broadcast %jit3A_763 : i32 to vector<16xi32>
      %select_n3A_766 = arith.select %eq3A_761, %broadcast_in_dim3A_764, %broadcast_in_dim3A_765 : vector<16xi1>, vector<16xi32>
      %add3A_767 = arith.addi %get3A_760, %select_n3A_766 : vector<16xi32>
      %swap3A_768 = arith.constant 0 : i32
      %swap3A_769 = arith.index_cast %swap3A_768 : i32 to index
      %swap3A_770 = arith.constant 368 : index
      %swap3A_771 = tpu.vector_load %arg12[%swap3A_769, %swap3A_770] {strides = array<i32>} : memref<2x512xi32, #tpu.memory_space<vmem>>, vector<1x16xi32>,
      %swap3A_772 = vector.shape_cast %swap3A_771 : vector<1x16xi32> to vector<16xi32>
      %swap3A_773 = vector.shape_cast %add3A_767 : vector<16xi32> to vector<1x16xi32>
      tpu.vector_store %arg12[%swap3A_769, %swap3A_770], %swap3A_773 {strides = array<i32>} : memref<2x512xi32, #tpu.memory_space<vmem>>, vector<1x16xi32>,
      %get3A_774 = arith.constant 0 : i32
      %get3A_775 = arith.constant 0 : i32
      %get3A_776 = arith.index_cast %get3A_774 : i32 to index
      %get3A_777 = arith.index_cast %get3A_775 : i32 to index
      %get3A_778 = arith.constant 384 : index
      %get3A_779 = tpu.vector_load %arg11[%get3A_776, %get3A_777, %get3A_778] {strides = array<i32>} : memref<2x2x512xi32, #tpu.memory_space<vmem>>, vector<1x1x16xi32>,
      %get3A_780 = vector.shape_cast %get3A_779 : vector<1x1x16xi32> to vector<16xi32>
      %get3A_781 = arith.constant 0 : i32
      %get3A_782 = arith.constant 1 : i32
      %get3A_783 = arith.index_cast %get3A_781 : i32 to index
      %get3A_784 = arith.index_cast %get3A_782 : i32 to index
      %get3A_785 = arith.constant 384 : index
      %get3A_786 = tpu.vector_load %arg11[%get3A_783, %get3A_784, %get3A_785] {strides = array<i32>} : memref<2x2x512xi32, #tpu.memory_space<vmem>>, vector<1x1x16xi32>,
      %get3A_787 = vector.shape_cast %get3A_786 : vector<1x1x16xi32> to vector<16xi32>
      %eq3A_788 = arith.cmpi eq, %get3A_780, %get3A_787 : vector<16xi32>
      %jit3A_789 = arith.constant 10752 : i32
      %jit3A_790 = arith.constant 0 : i32
      %broadcast_in_dim3A_791 = vector.broadcast %jit3A_789 : i32 to vector<16xi32>
      %broadcast_in_dim3A_792 = vector.broadcast %jit3A_790 : i32 to vector<16xi32>
      %select_n3A_793 = arith.select %eq3A_788, %broadcast_in_dim3A_791, %broadcast_in_dim3A_792 : vector<16xi1>, vector<16xi32>
      %add3A_794 = arith.addi %get3A_787, %select_n3A_793 : vector<16xi32>
      %swap3A_795 = arith.constant 0 : i32
      %swap3A_796 = arith.index_cast %swap3A_795 : i32 to index
      %swap3A_797 = arith.constant 384 : index
      %swap3A_798 = tpu.vector_load %arg12[%swap3A_796, %swap3A_797] {strides = array<i32>} : memref<2x512xi32, #tpu.memory_space<vmem>>, vector<1x16xi32>,
      %swap3A_799 = vector.shape_cast %swap3A_798 : vector<1x16xi32> to vector<16xi32>
      %swap3A_800 = vector.shape_cast %add3A_794 : vector<16xi32> to vector<1x16xi32>
      tpu.vector_store %arg12[%swap3A_796, %swap3A_797], %swap3A_800 {strides = array<i32>} : memref<2x512xi32, #tpu.memory_space<vmem>>, vector<1x16xi32>,
      %get3A_801 = arith.constant 0 : i32
      %get3A_802 = arith.constant 0 : i32
      %get3A_803 = arith.index_cast %get3A_801 : i32 to index
      %get3A_804 = arith.index_cast %get3A_802 : i32 to index
      %get3A_805 = arith.constant 400 : index
      %get3A_806 = tpu.vector_load %arg11[%get3A_803, %get3A_804, %get3A_805] {strides = array<i32>} : memref<2x2x512xi32, #tpu.memory_space<vmem>>, vector<1x1x16xi32>,
      %get3A_807 = vector.shape_cast %get3A_806 : vector<1x1x16xi32> to vector<16xi32>
      %get3A_808 = arith.constant 0 : i32
      %get3A_809 = arith.constant 1 : i32
      %get3A_810 = arith.index_cast %get3A_808 : i32 to index
      %get3A_811 = arith.index_cast %get3A_809 : i32 to index
      %get3A_812 = arith.constant 400 : index
      %get3A_813 = tpu.vector_load %arg11[%get3A_810, %get3A_811, %get3A_812] {strides = array<i32>} : memref<2x2x512xi32, #tpu.memory_space<vmem>>, vector<1x1x16xi32>,
      %get3A_814 = vector.shape_cast %get3A_813 : vector<1x1x16xi32> to vector<16xi32>
      %eq3A_815 = arith.cmpi eq, %get3A_807, %get3A_814 : vector<16xi32>
      %jit3A_816 = arith.constant 10752 : i32
      %jit3A_817 = arith.constant 0 : i32
      %broadcast_in_dim3A_818 = vector.broadcast %jit3A_816 : i32 to vector<16xi32>
      %broadcast_in_dim3A_819 = vector.broadcast %jit3A_817 : i32 to vector<16xi32>
      %select_n3A_820 = arith.select %eq3A_815, %broadcast_in_dim3A_818, %broadcast_in_dim3A_819 : vector<16xi1>, vector<16xi32>
      %add3A_821 = arith.addi %get3A_814, %select_n3A_820 : vector<16xi32>
      %swap3A_822 = arith.constant 0 : i32
      %swap3A_823 = arith.index_cast %swap3A_822 : i32 to index
      %swap3A_824 = arith.constant 400 : index
      %swap3A_825 = tpu.vector_load %arg12[%swap3A_823, %swap3A_824] {strides = array<i32>} : memref<2x512xi32, #tpu.memory_space<vmem>>, vector<1x16xi32>,
      %swap3A_826 = vector.shape_cast %swap3A_825 : vector<1x16xi32> to vector<16xi32>
      %swap3A_827 = vector.shape_cast %add3A_821 : vector<16xi32> to vector<1x16xi32>
      tpu.vector_store %arg12[%swap3A_823, %swap3A_824], %swap3A_827 {strides = array<i32>} : memref<2x512xi32, #tpu.memory_space<vmem>>, vector<1x16xi32>,
      %get3A_828 = arith.constant 0 : i32
      %get3A_829 = arith.constant 0 : i32
      %get3A_830 = arith.index_cast %get3A_828 : i32 to index
      %get3A_831 = arith.index_cast %get3A_829 : i32 to index
      %get3A_832 = arith.constant 416 : index
      %get3A_833 = tpu.vector_load %arg11[%get3A_830, %get3A_831, %get3A_832] {strides = array<i32>} : memref<2x2x512xi32, #tpu.memory_space<vmem>>, vector<1x1x16xi32>,
      %get3A_834 = vector.shape_cast %get3A_833 : vector<1x1x16xi32> to vector<16xi32>
      %get3A_835 = arith.constant 0 : i32
      %get3A_836 = arith.constant 1 : i32
      %get3A_837 = arith.index_cast %get3A_835 : i32 to index
      %get3A_838 = arith.index_cast %get3A_836 : i32 to index
      %get3A_839 = arith.constant 416 : index
      %get3A_840 = tpu.vector_load %arg11[%get3A_837, %get3A_838, %get3A_839] {strides = array<i32>} : memref<2x2x512xi32, #tpu.memory_space<vmem>>, vector<1x1x16xi32>,
      %get3A_841 = vector.shape_cast %get3A_840 : vector<1x1x16xi32> to vector<16xi32>
      %eq3A_842 = arith.cmpi eq, %get3A_834, %get3A_841 : vector<16xi32>
      %jit3A_843 = arith.constant 10752 : i32
      %jit3A_844 = arith.constant 0 : i32
      %broadcast_in_dim3A_845 = vector.broadcast %jit3A_843 : i32 to vector<16xi32>
      %broadcast_in_dim3A_846 = vector.broadcast %jit3A_844 : i32 to vector<16xi32>
      %select_n3A_847 = arith.select %eq3A_842, %broadcast_in_dim3A_845, %broadcast_in_dim3A_846 : vector<16xi1>, vector<16xi32>
      %add3A_848 = arith.addi %get3A_841, %select_n3A_847 : vector<16xi32>
      %swap3A_849 = arith.constant 0 : i32
      %swap3A_850 = arith.index_cast %swap3A_849 : i32 to index
      %swap3A_851 = arith.constant 416 : index
      %swap3A_852 = tpu.vector_load %arg12[%swap3A_850, %swap3A_851] {strides = array<i32>} : memref<2x512xi32, #tpu.memory_space<vmem>>, vector<1x16xi32>,
      %swap3A_853 = vector.shape_cast %swap3A_852 : vector<1x16xi32> to vector<16xi32>
      %swap3A_854 = vector.shape_cast %add3A_848 : vector<16xi32> to vector<1x16xi32>
      tpu.vector_store %arg12[%swap3A_850, %swap3A_851], %swap3A_854 {strides = array<i32>} : memref<2x512xi32, #tpu.memory_space<vmem>>, vector<1x16xi32>,
      %get3A_855 = arith.constant 0 : i32
      %get3A_856 = arith.constant 0 : i32
      %get3A_857 = arith.index_cast %get3A_855 : i32 to index
      %get3A_858 = arith.index_cast %get3A_856 : i32 to index
      %get3A_859 = arith.constant 432 : index
      %get3A_860 = tpu.vector_load %arg11[%get3A_857, %get3A_858, %get3A_859] {strides = array<i32>} : memref<2x2x512xi32, #tpu.memory_space<vmem>>, vector<1x1x16xi32>,
      %get3A_861 = vector.shape_cast %get3A_860 : vector<1x1x16xi32> to vector<16xi32>
      %get3A_862 = arith.constant 0 : i32
      %get3A_863 = arith.constant 1 : i32
      %get3A_864 = arith.index_cast %get3A_862 : i32 to index
      %get3A_865 = arith.index_cast %get3A_863 : i32 to index
      %get3A_866 = arith.constant 432 : index
      %get3A_867 = tpu.vector_load %arg11[%get3A_864, %get3A_865, %get3A_866] {strides = array<i32>} : memref<2x2x512xi32, #tpu.memory_space<vmem>>, vector<1x1x16xi32>,
      %get3A_868 = vector.shape_cast %get3A_867 : vector<1x1x16xi32> to vector<16xi32>
      %eq3A_869 = arith.cmpi eq, %get3A_861, %get3A_868 : vector<16xi32>
      %jit3A_870 = arith.constant 10752 : i32
      %jit3A_871 = arith.constant 0 : i32
      %broadcast_in_dim3A_872 = vector.broadcast %jit3A_870 : i32 to vector<16xi32>
      %broadcast_in_dim3A_873 = vector.broadcast %jit3A_871 : i32 to vector<16xi32>
      %select_n3A_874 = arith.select %eq3A_869, %broadcast_in_dim3A_872, %broadcast_in_dim3A_873 : vector<16xi1>, vector<16xi32>
      %add3A_875 = arith.addi %get3A_868, %select_n3A_874 : vector<16xi32>
      %swap3A_876 = arith.constant 0 : i32
      %swap3A_877 = arith.index_cast %swap3A_876 : i32 to index
      %swap3A_878 = arith.constant 432 : index
      %swap3A_879 = tpu.vector_load %arg12[%swap3A_877, %swap3A_878] {strides = array<i32>} : memref<2x512xi32, #tpu.memory_space<vmem>>, vector<1x16xi32>,
      %swap3A_880 = vector.shape_cast %swap3A_879 : vector<1x16xi32> to vector<16xi32>
      %swap3A_881 = vector.shape_cast %add3A_875 : vector<16xi32> to vector<1x16xi32>
      tpu.vector_store %arg12[%swap3A_877, %swap3A_878], %swap3A_881 {strides = array<i32>} : memref<2x512xi32, #tpu.memory_space<vmem>>, vector<1x16xi32>,
      %get3A_882 = arith.constant 0 : i32
      %get3A_883 = arith.constant 0 : i32
      %get3A_884 = arith.index_cast %get3A_882 : i32 to index
      %get3A_885 = arith.index_cast %get3A_883 : i32 to index
      %get3A_886 = arith.constant 448 : index
      %get3A_887 = tpu.vector_load %arg11[%get3A_884, %get3A_885, %get3A_886] {strides = array<i32>} : memref<2x2x512xi32, #tpu.memory_space<vmem>>, vector<1x1x16xi32>,
      %get3A_888 = vector.shape_cast %get3A_887 : vector<1x1x16xi32> to vector<16xi32>
      %get3A_889 = arith.constant 0 : i32
      %get3A_890 = arith.constant 1 : i32
      %get3A_891 = arith.index_cast %get3A_889 : i32 to index
      %get3A_892 = arith.index_cast %get3A_890 : i32 to index
      %get3A_893 = arith.constant 448 : index
      %get3A_894 = tpu.vector_load %arg11[%get3A_891, %get3A_892, %get3A_893] {strides = array<i32>} : memref<2x2x512xi32, #tpu.memory_space<vmem>>, vector<1x1x16xi32>,
      %get3A_895 = vector.shape_cast %get3A_894 : vector<1x1x16xi32> to vector<16xi32>
      %eq3A_896 = arith.cmpi eq, %get3A_888, %get3A_895 : vector<16xi32>
      %jit3A_897 = arith.constant 10752 : i32
      %jit3A_898 = arith.constant 0 : i32
      %broadcast_in_dim3A_899 = vector.broadcast %jit3A_897 : i32 to vector<16xi32>
      %broadcast_in_dim3A_900 = vector.broadcast %jit3A_898 : i32 to vector<16xi32>
      %select_n3A_901 = arith.select %eq3A_896, %broadcast_in_dim3A_899, %broadcast_in_dim3A_900 : vector<16xi1>, vector<16xi32>
      %add3A_902 = arith.addi %get3A_895, %select_n3A_901 : vector<16xi32>
      %swap3A_903 = arith.constant 0 : i32
      %swap3A_904 = arith.index_cast %swap3A_903 : i32 to index
      %swap3A_905 = arith.constant 448 : index
      %swap3A_906 = tpu.vector_load %arg12[%swap3A_904, %swap3A_905] {strides = array<i32>} : memref<2x512xi32, #tpu.memory_space<vmem>>, vector<1x16xi32>,
      %swap3A_907 = vector.shape_cast %swap3A_906 : vector<1x16xi32> to vector<16xi32>
      %swap3A_908 = vector.shape_cast %add3A_902 : vector<16xi32> to vector<1x16xi32>
      tpu.vector_store %arg12[%swap3A_904, %swap3A_905], %swap3A_908 {strides = array<i32>} : memref<2x512xi32, #tpu.memory_space<vmem>>, vector<1x16xi32>,
      %get3A_909 = arith.constant 0 : i32
      %get3A_910 = arith.constant 0 : i32
      %get3A_911 = arith.index_cast %get3A_909 : i32 to index
      %get3A_912 = arith.index_cast %get3A_910 : i32 to index
      %get3A_913 = arith.constant 464 : index
      %get3A_914 = tpu.vector_load %arg11[%get3A_911, %get3A_912, %get3A_913] {strides = array<i32>} : memref<2x2x512xi32, #tpu.memory_space<vmem>>, vector<1x1x16xi32>,
      %get3A_915 = vector.shape_cast %get3A_914 : vector<1x1x16xi32> to vector<16xi32>
      %get3A_916 = arith.constant 0 : i32
      %get3A_917 = arith.constant 1 : i32
      %get3A_918 = arith.index_cast %get3A_916 : i32 to index
      %get3A_919 = arith.index_cast %get3A_917 : i32 to index
      %get3A_920 = arith.constant 464 : index
      %get3A_921 = tpu.vector_load %arg11[%get3A_918, %get3A_919, %get3A_920] {strides = array<i32>} : memref<2x2x512xi32, #tpu.memory_space<vmem>>, vector<1x1x16xi32>,
      %get3A_922 = vector.shape_cast %get3A_921 : vector<1x1x16xi32> to vector<16xi32>
      %eq3A_923 = arith.cmpi eq, %get3A_915, %get3A_922 : vector<16xi32>
      %jit3A_924 = arith.constant 10752 : i32
      %jit3A_925 = arith.constant 0 : i32
      %broadcast_in_dim3A_926 = vector.broadcast %jit3A_924 : i32 to vector<16xi32>
      %broadcast_in_dim3A_927 = vector.broadcast %jit3A_925 : i32 to vector<16xi32>
      %select_n3A_928 = arith.select %eq3A_923, %broadcast_in_dim3A_926, %broadcast_in_dim3A_927 : vector<16xi1>, vector<16xi32>
      %add3A_929 = arith.addi %get3A_922, %select_n3A_928 : vector<16xi32>
      %swap3A_930 = arith.constant 0 : i32
      %swap3A_931 = arith.index_cast %swap3A_930 : i32 to index
      %swap3A_932 = arith.constant 464 : index
      %swap3A_933 = tpu.vector_load %arg12[%swap3A_931, %swap3A_932] {strides = array<i32>} : memref<2x512xi32, #tpu.memory_space<vmem>>, vector<1x16xi32>,
      %swap3A_934 = vector.shape_cast %swap3A_933 : vector<1x16xi32> to vector<16xi32>
      %swap3A_935 = vector.shape_cast %add3A_929 : vector<16xi32> to vector<1x16xi32>
      tpu.vector_store %arg12[%swap3A_931, %swap3A_932], %swap3A_935 {strides = array<i32>} : memref<2x512xi32, #tpu.memory_space<vmem>>, vector<1x16xi32>,
      %get3A_936 = arith.constant 0 : i32
      %get3A_937 = arith.constant 0 : i32
      %get3A_938 = arith.index_cast %get3A_936 : i32 to index
      %get3A_939 = arith.index_cast %get3A_937 : i32 to index
      %get3A_940 = arith.constant 480 : index
      %get3A_941 = tpu.vector_load %arg11[%get3A_938, %get3A_939, %get3A_940] {strides = array<i32>} : memref<2x2x512xi32, #tpu.memory_space<vmem>>, vector<1x1x16xi32>,
      %get3A_942 = vector.shape_cast %get3A_941 : vector<1x1x16xi32> to vector<16xi32>
      %get3A_943 = arith.constant 0 : i32
      %get3A_944 = arith.constant 1 : i32
      %get3A_945 = arith.index_cast %get3A_943 : i32 to index
      %get3A_946 = arith.index_cast %get3A_944 : i32 to index
      %get3A_947 = arith.constant 480 : index
      %get3A_948 = tpu.vector_load %arg11[%get3A_945, %get3A_946, %get3A_947] {strides = array<i32>} : memref<2x2x512xi32, #tpu.memory_space<vmem>>, vector<1x1x16xi32>,
      %get3A_949 = vector.shape_cast %get3A_948 : vector<1x1x16xi32> to vector<16xi32>
      %eq3A_950 = arith.cmpi eq, %get3A_942, %get3A_949 : vector<16xi32>
      %jit3A_951 = arith.constant 10752 : i32
      %jit3A_952 = arith.constant 0 : i32
      %broadcast_in_dim3A_953 = vector.broadcast %jit3A_951 : i32 to vector<16xi32>
      %broadcast_in_dim3A_954 = vector.broadcast %jit3A_952 : i32 to vector<16xi32>
      %select_n3A_955 = arith.select %eq3A_950, %broadcast_in_dim3A_953, %broadcast_in_dim3A_954 : vector<16xi1>, vector<16xi32>
      %add3A_956 = arith.addi %get3A_949, %select_n3A_955 : vector<16xi32>
      %swap3A_957 = arith.constant 0 : i32
      %swap3A_958 = arith.index_cast %swap3A_957 : i32 to index
      %swap3A_959 = arith.constant 480 : index
      %swap3A_960 = tpu.vector_load %arg12[%swap3A_958, %swap3A_959] {strides = array<i32>} : memref<2x512xi32, #tpu.memory_space<vmem>>, vector<1x16xi32>,
      %swap3A_961 = vector.shape_cast %swap3A_960 : vector<1x16xi32> to vector<16xi32>
      %swap3A_962 = vector.shape_cast %add3A_956 : vector<16xi32> to vector<1x16xi32>
      tpu.vector_store %arg12[%swap3A_958, %swap3A_959], %swap3A_962 {strides = array<i32>} : memref<2x512xi32, #tpu.memory_space<vmem>>, vector<1x16xi32>,
      %get3A_963 = arith.constant 0 : i32
      %get3A_964 = arith.constant 0 : i32
      %get3A_965 = arith.index_cast %get3A_963 : i32 to index
      %get3A_966 = arith.index_cast %get3A_964 : i32 to index
      %get3A_967 = arith.constant 496 : index
      %get3A_968 = tpu.vector_load %arg11[%get3A_965, %get3A_966, %get3A_967] {strides = array<i32>} : memref<2x2x512xi32, #tpu.memory_space<vmem>>, vector<1x1x16xi32>,
      %get3A_969 = vector.shape_cast %get3A_968 : vector<1x1x16xi32> to vector<16xi32>
      %get3A_970 = arith.constant 0 : i32
      %get3A_971 = arith.constant 1 : i32
      %get3A_972 = arith.index_cast %get3A_970 : i32 to index
      %get3A_973 = arith.index_cast %get3A_971 : i32 to index
      %get3A_974 = arith.constant 496 : index
      %get3A_975 = tpu.vector_load %arg11[%get3A_972, %get3A_973, %get3A_974] {strides = array<i32>} : memref<2x2x512xi32, #tpu.memory_space<vmem>>, vector<1x1x16xi32>,
      %get3A_976 = vector.shape_cast %get3A_975 : vector<1x1x16xi32> to vector<16xi32>
      %eq3A_977 = arith.cmpi eq, %get3A_969, %get3A_976 : vector<16xi32>
      %jit3A_978 = arith.constant 10752 : i32
      %jit3A_979 = arith.constant 0 : i32
      %broadcast_in_dim3A_980 = vector.broadcast %jit3A_978 : i32 to vector<16xi32>
      %broadcast_in_dim3A_981 = vector.broadcast %jit3A_979 : i32 to vector<16xi32>
      %select_n3A_982 = arith.select %eq3A_977, %broadcast_in_dim3A_980, %broadcast_in_dim3A_981 : vector<16xi1>, vector<16xi32>
      %add3A_983 = arith.addi %get3A_976, %select_n3A_982 : vector<16xi32>
      %swap3A_984 = arith.constant 0 : i32
      %swap3A_985 = arith.index_cast %swap3A_984 : i32 to index
      %swap3A_986 = arith.constant 496 : index
      %swap3A_987 = tpu.vector_load %arg12[%swap3A_985, %swap3A_986] {strides = array<i32>} : memref<2x512xi32, #tpu.memory_space<vmem>>, vector<1x16xi32>,
      %swap3A_988 = vector.shape_cast %swap3A_987 : vector<1x16xi32> to vector<16xi32>
      %swap3A_989 = vector.shape_cast %add3A_983 : vector<16xi32> to vector<1x16xi32>
      tpu.vector_store %arg12[%swap3A_985, %swap3A_986], %swap3A_989 {strides = array<i32>} : memref<2x512xi32, #tpu.memory_space<vmem>>, vector<1x16xi32>,
      %dma_wait3A_990 = arith.constant 0 : i32
      %dma_wait3A_991 = arith.constant 0 : i32
      %dma_wait3A_992 = arith.constant 0 : i32
      %dma_wait3A_993 = arith.constant 0 : i32
      %dma_wait3A_994 = arith.constant 0 : i32
      %dma_wait3A_995 = tpu.memref_slice %arg13[%dma_wait3A_992, %dma_wait3A_993, %dma_wait3A_994] : memref<2x512x32xf32, #tpu.memory_space<vmem>> -> memref<1x512x32xf32, #tpu.memory_space<vmem>>
      %dma_wait3A_996 = tpu.memref_squeeze %dma_wait3A_995 : memref<1x512x32xf32, #tpu.memory_space<vmem>> -> memref<512x32xf32, #tpu.memory_space<vmem>>
      %dma_wait3A_997 = arith.constant 0 : i32
      %dma_wait3A_998 = tpu.memref_slice %arg11[%dma_wait3A_990, %dma_wait3A_991, %dma_wait3A_997] : memref<2x2x512xi32, #tpu.memory_space<vmem>> -> memref<1x1x512xi32, #tpu.memory_space<vmem>>
      %dma_wait3A_999 = tpu.memref_squeeze %dma_wait3A_998 : memref<1x1x512xi32, #tpu.memory_space<vmem>> -> memref<512xi32, #tpu.memory_space<vmem>>
      %dma_wait3A_1000 = arith.constant 0 : i32
      %dma_wait3A_1001 = arith.constant 0 : i32
      %dma_wait3A_1002 = tpu.memref_slice %arg2[%dma_wait3A_1000, %dma_wait3A_1001] : memref<10752x32xf32, #tpu.memory_space<hbm>> -> memref<10752x32xf32, #tpu.memory_space<hbm>>
      tpu.wait_indirect_dma semaphore(%arg17 : memref<!tpu.dma_semaphore, #tpu.memory_space<semaphore_mem>>) src(%dma_wait3A_1002 : memref<10752x32xf32, #tpu.memory_space<hbm>>) dst(%dma_wait3A_996 : memref<512x32xf32, #tpu.memory_space<vmem>>)
      %dma_start3A_1003 = arith.constant 0 : i32
      %dma_start3A_1004 = arith.constant 0 : i32
      %dma_start3A_1005 = arith.constant 1 : i32
      %dma_start3A_1006 = arith.constant 0 : i32
      %dma_start3A_1007 = arith.constant 0 : i32
      %dma_start3A_1008 = tpu.memref_slice %arg13[%dma_start3A_1003, %dma_start3A_1006, %dma_start3A_1007] : memref<2x512x32xf32, #tpu.memory_space<vmem>> -> memref<1x512x32xf32, #tpu.memory_space<vmem>>
      %dma_start3A_1009 = tpu.memref_squeeze %dma_start3A_1008 : memref<1x512x32xf32, #tpu.memory_space<vmem>> -> memref<512x32xf32, #tpu.memory_space<vmem>>
      %dma_start3A_1010 = arith.constant 0 : i32
      %dma_start3A_1011 = tpu.memref_slice %arg11[%dma_start3A_1004, %dma_start3A_1005, %dma_start3A_1010] : memref<2x2x512xi32, #tpu.memory_space<vmem>> -> memref<1x1x512xi32, #tpu.memory_space<vmem>>
      %dma_start3A_1012 = tpu.memref_squeeze %dma_start3A_1011 : memref<1x1x512xi32, #tpu.memory_space<vmem>> -> memref<512xi32, #tpu.memory_space<vmem>>
      %dma_start3A_1013 = arith.constant 0 : i32
      %dma_start3A_1014 = arith.constant 0 : i32
      %dma_start3A_1015 = tpu.memref_slice %arg9[%dma_start3A_1013, %dma_start3A_1014] : memref<10752x32xf32, #tpu.memory_space<vmem_shared>> -> memref<10752x32xf32, #tpu.memory_space<vmem_shared>>
      tpu.enqueue_indirect_dma source(%dma_start3A_1009 : memref<512x32xf32, #tpu.memory_space<vmem>>) target(%dma_start3A_1015 : memref<10752x32xf32, #tpu.memory_space<vmem_shared>>) offsets(%dma_start3A_1012 : memref<512xi32, #tpu.memory_space<vmem>>) semaphore(%arg19 : memref<!tpu.dma_semaphore, #tpu.memory_space<semaphore_mem>>) {add = true}
      %dma_start3A_1016 = arith.constant 0 : i32
      %dma_start3A_1017 = arith.constant 0 : i32
      %dma_start3A_1018 = tpu.memref_slice %arg12[%dma_start3A_1016, %dma_start3A_1017] : memref<2x512xi32, #tpu.memory_space<vmem>> -> memref<1x512xi32, #tpu.memory_space<vmem>>
      %dma_start3A_1019 = tpu.memref_squeeze %dma_start3A_1018 : memref<1x512xi32, #tpu.memory_space<vmem>> -> memref<512xi32, #tpu.memory_space<vmem>>
      %dma_start3A_1020 = arith.constant 0 : i32
      %dma_start3A_1021 = arith.constant 0 : i32
      %dma_start3A_1022 = tpu.memref_slice %arg10[%dma_start3A_1020, %dma_start3A_1021] : memref<21504x16xf32, #tpu.memory_space<vmem_shared>> -> memref<21504x16xf32, #tpu.memory_space<vmem_shared>>
      tpu.enqueue_indirect_dma source(%arg14 : memref<512x16xf32, #tpu.memory_space<vmem>>) target(%dma_start3A_1022 : memref<21504x16xf32, #tpu.memory_space<vmem_shared>>) offsets(%dma_start3A_1019 : memref<512xi32, #tpu.memory_space<vmem>>) semaphore(%arg21 : memref<!tpu.dma_semaphore, #tpu.memory_space<semaphore_mem>>) {add = true}
      %mul3A_1023 = arith.constant 2 : i32
      %mul3A_1024 = arith.muli %add3A_75, %mul3A_1023 : i32
      %add3A_1025 = arith.constant 1 : i32
      %add3A_1026 = arith.addi %mul3A_1024, %add3A_1025 : i32
      %add3A_1027 = arith.addi %select_n3A, %add3A_1026 : i32
      %gt3A_1028 = arith.constant 0 : i32
      %gt3A_1029 = arith.cmpi sgt, %add3A_75, %gt3A_1028 : i32
      %convert_element_type3A_1030 = arith.extui %gt3A_1029 : i1 to i32
      %cond3A_1031 = arith.constant 0 : i32
      %cond3A_1032 = arith.cmpi ne, %convert_element_type3A_1030, %cond3A_1031 : i32
      scf.if %cond3A_1032 {
        %dma_wait3A_1977 = arith.constant 1 : i32
        %dma_wait3A_1978 = arith.constant 1 : i32
        %dma_wait3A_1979 = arith.constant 1 : i32
        %dma_wait3A_1980 = arith.constant 0 : i32
        %dma_wait3A_1981 = arith.constant 0 : i32
        %dma_wait3A_1982 = tpu.memref_slice %arg13[%dma_wait3A_1977, %dma_wait3A_1980, %dma_wait3A_1981] : memref<2x512x32xf32, #tpu.memory_space<vmem>> -> memref<1x512x32xf32, #tpu.memory_space<vmem>>
        %dma_wait3A_1983 = tpu.memref_squeeze %dma_wait3A_1982 : memref<1x512x32xf32, #tpu.memory_space<vmem>> -> memref<512x32xf32, #tpu.memory_space<vmem>>
        %dma_wait3A_1984 = arith.constant 0 : i32
        %dma_wait3A_1985 = tpu.memref_slice %arg11[%dma_wait3A_1978, %dma_wait3A_1979, %dma_wait3A_1984] : memref<2x2x512xi32, #tpu.memory_space<vmem>> -> memref<1x1x512xi32, #tpu.memory_space<vmem>>
        %dma_wait3A_1986 = tpu.memref_squeeze %dma_wait3A_1985 : memref<1x1x512xi32, #tpu.memory_space<vmem>> -> memref<512xi32, #tpu.memory_space<vmem>>
        %dma_wait3A_1987 = arith.constant 0 : i32
        %dma_wait3A_1988 = arith.constant 0 : i32
        %dma_wait3A_1989 = tpu.memref_slice %arg9[%dma_wait3A_1987, %dma_wait3A_1988] : memref<10752x32xf32, #tpu.memory_space<vmem_shared>> -> memref<10752x32xf32, #tpu.memory_space<vmem_shared>>
        tpu.wait_indirect_dma semaphore(%arg20 : memref<!tpu.dma_semaphore, #tpu.memory_space<semaphore_mem>>) src(%dma_wait3A_1983 : memref<512x32xf32, #tpu.memory_space<vmem>>) dst(%dma_wait3A_1989 : memref<10752x32xf32, #tpu.memory_space<vmem_shared>>)
        %dma_wait3A_1990 = arith.constant 1 : i32
        %dma_wait3A_1991 = arith.constant 0 : i32
        %dma_wait3A_1992 = tpu.memref_slice %arg12[%dma_wait3A_1990, %dma_wait3A_1991] : memref<2x512xi32, #tpu.memory_space<vmem>> -> memref<1x512xi32, #tpu.memory_space<vmem>>
        %dma_wait3A_1993 = tpu.memref_squeeze %dma_wait3A_1992 : memref<1x512xi32, #tpu.memory_space<vmem>> -> memref<512xi32, #tpu.memory_space<vmem>>
        %dma_wait3A_1994 = arith.constant 0 : i32
        %dma_wait3A_1995 = arith.constant 0 : i32
        %dma_wait3A_1996 = tpu.memref_slice %arg10[%dma_wait3A_1994, %dma_wait3A_1995] : memref<21504x16xf32, #tpu.memory_space<vmem_shared>> -> memref<21504x16xf32, #tpu.memory_space<vmem_shared>>
        tpu.wait_indirect_dma semaphore(%arg22 : memref<!tpu.dma_semaphore, #tpu.memory_space<semaphore_mem>>) src(%arg14 : memref<512x16xf32, #tpu.memory_space<vmem>>) dst(%dma_wait3A_1996 : memref<21504x16xf32, #tpu.memory_space<vmem_shared>>)
      } else {
      }
      %dma_start3A_1033 = arith.constant 1 : i32
      %dma_start3A_1034 = arith.constant 0 : i32
      %dma_start3A_1035 = arith.constant 0 : i32
      %dma_start3A_1036 = tpu.memref_slice %arg11[%dma_start3A_1033, %dma_start3A_1034, %dma_start3A_1035] : memref<2x2x512xi32, #tpu.memory_space<vmem>> -> memref<1x2x512xi32, #tpu.memory_space<vmem>>
      %dma_start3A_1037 = tpu.memref_squeeze %dma_start3A_1036 : memref<1x2x512xi32, #tpu.memory_space<vmem>> -> memref<2x512xi32, #tpu.memory_space<vmem>>
      %dma_start3A_1038 = arith.constant 0 : i32
      %dma_start3A_1039 = arith.constant 0 : i32
      %dma_start3A_1040 = tpu.memref_slice %arg3[%add3A_1027, %dma_start3A_1038, %dma_start3A_1039] : memref<640x2x512xi32, #tpu.memory_space<hbm>> -> memref<1x2x512xi32, #tpu.memory_space<hbm>>
      %dma_start3A_1041 = tpu.memref_squeeze %dma_start3A_1040 : memref<1x2x512xi32, #tpu.memory_space<hbm>> -> memref<2x512xi32, #tpu.memory_space<hbm>>
      %dma_start3A_1042 = arith.constant 0 : i32
      %dma_start3A_1043 = arith.constant 0 : i32
      %dma_start3A_1044 = tpu.memref_slice %arg11[%dma_start3A_1033, %dma_start3A_1042, %dma_start3A_1043] : memref<2x2x512xi32, #tpu.memory_space<vmem>> -> memref<1x2x512xi32, #tpu.memory_space<vmem>>
      %dma_start3A_1045 = tpu.memref_squeeze %dma_start3A_1044 : memref<1x2x512xi32, #tpu.memory_space<vmem>> -> memref<2x512xi32, #tpu.memory_space<vmem>>
      %dma_start3A_1046 = arith.constant 0 : i32
      %dma_start3A_1047 = arith.constant 0 : i32
      %dma_start3A_1048 = tpu.memref_slice %arg3[%add3A_1027, %dma_start3A_1046, %dma_start3A_1047] : memref<640x2x512xi32, #tpu.memory_space<hbm>> -> memref<1x2x512xi32, #tpu.memory_space<hbm>>
      %dma_start3A_1049 = tpu.memref_squeeze %dma_start3A_1048 : memref<1x2x512xi32, #tpu.memory_space<hbm>> -> memref<2x512xi32, #tpu.memory_space<hbm>>
      tpu.enqueue_dma source(%dma_start3A_1049 : memref<2x512xi32, #tpu.memory_space<hbm>>) target(%dma_start3A_1045 : memref<2x512xi32, #tpu.memory_space<vmem>>) target_semaphore(%arg16 : memref<!tpu.dma_semaphore, #tpu.memory_space<semaphore_mem>>)
      %dma_wait3A_1050 = arith.constant 1 : i32
      %dma_wait3A_1051 = arith.constant 0 : i32
      %dma_wait3A_1052 = arith.constant 0 : i32
      %dma_wait3A_1053 = tpu.memref_slice %arg11[%dma_wait3A_1050, %dma_wait3A_1051, %dma_wait3A_1052] : memref<2x2x512xi32, #tpu.memory_space<vmem>> -> memref<1x2x512xi32, #tpu.memory_space<vmem>>
      %dma_wait3A_1054 = tpu.memref_squeeze %dma_wait3A_1053 : memref<1x2x512xi32, #tpu.memory_space<vmem>> -> memref<2x512xi32, #tpu.memory_space<vmem>>
      %dma_wait3A_1055 = arith.constant 0 : i32
      %dma_wait3A_1056 = arith.constant 0 : i32
      %dma_wait3A_1057 = tpu.memref_slice %arg3[%add3A_1027, %dma_wait3A_1055, %dma_wait3A_1056] : memref<640x2x512xi32, #tpu.memory_space<hbm>> -> memref<1x2x512xi32, #tpu.memory_space<hbm>>
      %dma_wait3A_1058 = tpu.memref_squeeze %dma_wait3A_1057 : memref<1x2x512xi32, #tpu.memory_space<hbm>> -> memref<2x512xi32, #tpu.memory_space<hbm>>
      %dma_wait3A_1059 = arith.constant 0 : i32
      %dma_wait3A_1060 = arith.constant 0 : i32
      %dma_wait3A_1061 = tpu.memref_slice %arg11[%dma_wait3A_1050, %dma_wait3A_1059, %dma_wait3A_1060] : memref<2x2x512xi32, #tpu.memory_space<vmem>> -> memref<1x2x512xi32, #tpu.memory_space<vmem>>
      %dma_wait3A_1062 = tpu.memref_squeeze %dma_wait3A_1061 : memref<1x2x512xi32, #tpu.memory_space<vmem>> -> memref<2x512xi32, #tpu.memory_space<vmem>>
      %dma_wait3A_1063 = arith.constant 0 : i32
      %dma_wait3A_1064 = arith.constant 0 : i32
      %dma_wait3A_1065 = tpu.memref_slice %arg3[%add3A_1027, %dma_wait3A_1063, %dma_wait3A_1064] : memref<640x2x512xi32, #tpu.memory_space<hbm>> -> memref<1x2x512xi32, #tpu.memory_space<hbm>>
      %dma_wait3A_1066 = tpu.memref_squeeze %dma_wait3A_1065 : memref<1x2x512xi32, #tpu.memory_space<hbm>> -> memref<2x512xi32, #tpu.memory_space<hbm>>
      tpu.wait_dma2 semaphore(%arg16 : memref<!tpu.dma_semaphore, #tpu.memory_space<semaphore_mem>>) src(%dma_wait3A_1066 : memref<2x512xi32, #tpu.memory_space<hbm>>) dst(%dma_wait3A_1062 : memref<2x512xi32, #tpu.memory_space<vmem>>)
      %dma_start3A_1067 = arith.constant 1 : i32
      %dma_start3A_1068 = arith.constant 0 : i32
      %dma_start3A_1069 = arith.constant 1 : i32
      %dma_start3A_1070 = arith.constant 0 : i32
      %dma_start3A_1071 = arith.constant 0 : i32
      %dma_start3A_1072 = tpu.memref_slice %arg13[%dma_start3A_1069, %dma_start3A_1070, %dma_start3A_1071] : memref<2x512x32xf32, #tpu.memory_space<vmem>> -> memref<1x512x32xf32, #tpu.memory_space<vmem>>
      %dma_start3A_1073 = tpu.memref_squeeze %dma_start3A_1072 : memref<1x512x32xf32, #tpu.memory_space<vmem>> -> memref<512x32xf32, #tpu.memory_space<vmem>>
      %dma_start3A_1074 = arith.constant 0 : i32
      %dma_start3A_1075 = tpu.memref_slice %arg11[%dma_start3A_1067, %dma_start3A_1068, %dma_start3A_1074] : memref<2x2x512xi32, #tpu.memory_space<vmem>> -> memref<1x1x512xi32, #tpu.memory_space<vmem>>
      %dma_start3A_1076 = tpu.memref_squeeze %dma_start3A_1075 : memref<1x1x512xi32, #tpu.memory_space<vmem>> -> memref<512xi32, #tpu.memory_space<vmem>>
      %dma_start3A_1077 = arith.constant 0 : i32
      %dma_start3A_1078 = arith.constant 0 : i32
      %dma_start3A_1079 = tpu.memref_slice %arg2[%dma_start3A_1077, %dma_start3A_1078] : memref<10752x32xf32, #tpu.memory_space<hbm>> -> memref<10752x32xf32, #tpu.memory_space<hbm>>
      tpu.enqueue_indirect_dma source(%dma_start3A_1079 : memref<10752x32xf32, #tpu.memory_space<hbm>>) target(%dma_start3A_1073 : memref<512x32xf32, #tpu.memory_space<vmem>>) offsets(%dma_start3A_1076 : memref<512xi32, #tpu.memory_space<vmem>>) semaphore(%arg18 : memref<!tpu.dma_semaphore, #tpu.memory_space<semaphore_mem>>)
      %get3A_1080 = arith.constant 1 : i32
      %get3A_1081 = arith.constant 0 : i32
      %get3A_1082 = arith.index_cast %get3A_1080 : i32 to index
      %get3A_1083 = arith.index_cast %get3A_1081 : i32 to index
      %get3A_1084 = arith.constant 0 : index
      %get3A_1085 = tpu.vector_load %arg11[%get3A_1082, %get3A_1083, %get3A_1084] {strides = array<i32>} : memref<2x2x512xi32, #tpu.memory_space<vmem>>, vector<1x1x16xi32>,
      %get3A_1086 = vector.shape_cast %get3A_1085 : vector<1x1x16xi32> to vector<16xi32>
      %get3A_1087 = arith.constant 1 : i32
      %get3A_1088 = arith.constant 1 : i32
      %get3A_1089 = arith.index_cast %get3A_1087 : i32 to index
      %get3A_1090 = arith.index_cast %get3A_1088 : i32 to index
      %get3A_1091 = arith.constant 0 : index
      %get3A_1092 = tpu.vector_load %arg11[%get3A_1089, %get3A_1090, %get3A_1091] {strides = array<i32>} : memref<2x2x512xi32, #tpu.memory_space<vmem>>, vector<1x1x16xi32>,
      %get3A_1093 = vector.shape_cast %get3A_1092 : vector<1x1x16xi32> to vector<16xi32>
      %eq3A_1094 = arith.cmpi eq, %get3A_1086, %get3A_1093 : vector<16xi32>
      %jit3A_1095 = arith.constant 10752 : i32
      %jit3A_1096 = arith.constant 0 : i32
      %broadcast_in_dim3A_1097 = vector.broadcast %jit3A_1095 : i32 to vector<16xi32>
      %broadcast_in_dim3A_1098 = vector.broadcast %jit3A_1096 : i32 to vector<16xi32>
      %select_n3A_1099 = arith.select %eq3A_1094, %broadcast_in_dim3A_1097, %broadcast_in_dim3A_1098 : vector<16xi1>, vector<16xi32>
      %add3A_1100 = arith.addi %get3A_1093, %select_n3A_1099 : vector<16xi32>
      %swap3A_1101 = arith.constant 1 : i32
      %swap3A_1102 = arith.index_cast %swap3A_1101 : i32 to index
      %swap3A_1103 = arith.constant 0 : index
      %swap3A_1104 = tpu.vector_load %arg12[%swap3A_1102, %swap3A_1103] {strides = array<i32>} : memref<2x512xi32, #tpu.memory_space<vmem>>, vector<1x16xi32>,
      %swap3A_1105 = vector.shape_cast %swap3A_1104 : vector<1x16xi32> to vector<16xi32>
      %swap3A_1106 = vector.shape_cast %add3A_1100 : vector<16xi32> to vector<1x16xi32>
      tpu.vector_store %arg12[%swap3A_1102, %swap3A_1103], %swap3A_1106 {strides = array<i32>} : memref<2x512xi32, #tpu.memory_space<vmem>>, vector<1x16xi32>,
      %get3A_1107 = arith.constant 1 : i32
      %get3A_1108 = arith.constant 0 : i32
      %get3A_1109 = arith.index_cast %get3A_1107 : i32 to index
      %get3A_1110 = arith.index_cast %get3A_1108 : i32 to index
      %get3A_1111 = arith.constant 16 : index
      %get3A_1112 = tpu.vector_load %arg11[%get3A_1109, %get3A_1110, %get3A_1111] {strides = array<i32>} : memref<2x2x512xi32, #tpu.memory_space<vmem>>, vector<1x1x16xi32>,
      %get3A_1113 = vector.shape_cast %get3A_1112 : vector<1x1x16xi32> to vector<16xi32>
      %get3A_1114 = arith.constant 1 : i32
      %get3A_1115 = arith.constant 1 : i32
      %get3A_1116 = arith.index_cast %get3A_1114 : i32 to index
      %get3A_1117 = arith.index_cast %get3A_1115 : i32 to index
      %get3A_1118 = arith.constant 16 : index
      %get3A_1119 = tpu.vector_load %arg11[%get3A_1116, %get3A_1117, %get3A_1118] {strides = array<i32>} : memref<2x2x512xi32, #tpu.memory_space<vmem>>, vector<1x1x16xi32>,
      %get3A_1120 = vector.shape_cast %get3A_1119 : vector<1x1x16xi32> to vector<16xi32>
      %eq3A_1121 = arith.cmpi eq, %get3A_1113, %get3A_1120 : vector<16xi32>
      %jit3A_1122 = arith.constant 10752 : i32
      %jit3A_1123 = arith.constant 0 : i32
      %broadcast_in_dim3A_1124 = vector.broadcast %jit3A_1122 : i32 to vector<16xi32>
      %broadcast_in_dim3A_1125 = vector.broadcast %jit3A_1123 : i32 to vector<16xi32>
      %select_n3A_1126 = arith.select %eq3A_1121, %broadcast_in_dim3A_1124, %broadcast_in_dim3A_1125 : vector<16xi1>, vector<16xi32>
      %add3A_1127 = arith.addi %get3A_1120, %select_n3A_1126 : vector<16xi32>
      %swap3A_1128 = arith.constant 1 : i32
      %swap3A_1129 = arith.index_cast %swap3A_1128 : i32 to index
      %swap3A_1130 = arith.constant 16 : index
      %swap3A_1131 = tpu.vector_load %arg12[%swap3A_1129, %swap3A_1130] {strides = array<i32>} : memref<2x512xi32, #tpu.memory_space<vmem>>, vector<1x16xi32>,
      %swap3A_1132 = vector.shape_cast %swap3A_1131 : vector<1x16xi32> to vector<16xi32>
      %swap3A_1133 = vector.shape_cast %add3A_1127 : vector<16xi32> to vector<1x16xi32>
      tpu.vector_store %arg12[%swap3A_1129, %swap3A_1130], %swap3A_1133 {strides = array<i32>} : memref<2x512xi32, #tpu.memory_space<vmem>>, vector<1x16xi32>,
      %get3A_1134 = arith.constant 1 : i32
      %get3A_1135 = arith.constant 0 : i32
      %get3A_1136 = arith.index_cast %get3A_1134 : i32 to index
      %get3A_1137 = arith.index_cast %get3A_1135 : i32 to index
      %get3A_1138 = arith.constant 32 : index
      %get3A_1139 = tpu.vector_load %arg11[%get3A_1136, %get3A_1137, %get3A_1138] {strides = array<i32>} : memref<2x2x512xi32, #tpu.memory_space<vmem>>, vector<1x1x16xi32>,
      %get3A_1140 = vector.shape_cast %get3A_1139 : vector<1x1x16xi32> to vector<16xi32>
      %get3A_1141 = arith.constant 1 : i32
      %get3A_1142 = arith.constant 1 : i32
      %get3A_1143 = arith.index_cast %get3A_1141 : i32 to index
      %get3A_1144 = arith.index_cast %get3A_1142 : i32 to index
      %get3A_1145 = arith.constant 32 : index
      %get3A_1146 = tpu.vector_load %arg11[%get3A_1143, %get3A_1144, %get3A_1145] {strides = array<i32>} : memref<2x2x512xi32, #tpu.memory_space<vmem>>, vector<1x1x16xi32>,
      %get3A_1147 = vector.shape_cast %get3A_1146 : vector<1x1x16xi32> to vector<16xi32>
      %eq3A_1148 = arith.cmpi eq, %get3A_1140, %get3A_1147 : vector<16xi32>
      %jit3A_1149 = arith.constant 10752 : i32
      %jit3A_1150 = arith.constant 0 : i32
      %broadcast_in_dim3A_1151 = vector.broadcast %jit3A_1149 : i32 to vector<16xi32>
      %broadcast_in_dim3A_1152 = vector.broadcast %jit3A_1150 : i32 to vector<16xi32>
      %select_n3A_1153 = arith.select %eq3A_1148, %broadcast_in_dim3A_1151, %broadcast_in_dim3A_1152 : vector<16xi1>, vector<16xi32>
      %add3A_1154 = arith.addi %get3A_1147, %select_n3A_1153 : vector<16xi32>
      %swap3A_1155 = arith.constant 1 : i32
      %swap3A_1156 = arith.index_cast %swap3A_1155 : i32 to index
      %swap3A_1157 = arith.constant 32 : index
      %swap3A_1158 = tpu.vector_load %arg12[%swap3A_1156, %swap3A_1157] {strides = array<i32>} : memref<2x512xi32, #tpu.memory_space<vmem>>, vector<1x16xi32>,
      %swap3A_1159 = vector.shape_cast %swap3A_1158 : vector<1x16xi32> to vector<16xi32>
      %swap3A_1160 = vector.shape_cast %add3A_1154 : vector<16xi32> to vector<1x16xi32>
      tpu.vector_store %arg12[%swap3A_1156, %swap3A_1157], %swap3A_1160 {strides = array<i32>} : memref<2x512xi32, #tpu.memory_space<vmem>>, vector<1x16xi32>,
      %get3A_1161 = arith.constant 1 : i32
      %get3A_1162 = arith.constant 0 : i32
      %get3A_1163 = arith.index_cast %get3A_1161 : i32 to index
      %get3A_1164 = arith.index_cast %get3A_1162 : i32 to index
      %get3A_1165 = arith.constant 48 : index
      %get3A_1166 = tpu.vector_load %arg11[%get3A_1163, %get3A_1164, %get3A_1165] {strides = array<i32>} : memref<2x2x512xi32, #tpu.memory_space<vmem>>, vector<1x1x16xi32>,
      %get3A_1167 = vector.shape_cast %get3A_1166 : vector<1x1x16xi32> to vector<16xi32>
      %get3A_1168 = arith.constant 1 : i32
      %get3A_1169 = arith.constant 1 : i32
      %get3A_1170 = arith.index_cast %get3A_1168 : i32 to index
      %get3A_1171 = arith.index_cast %get3A_1169 : i32 to index
      %get3A_1172 = arith.constant 48 : index
      %get3A_1173 = tpu.vector_load %arg11[%get3A_1170, %get3A_1171, %get3A_1172] {strides = array<i32>} : memref<2x2x512xi32, #tpu.memory_space<vmem>>, vector<1x1x16xi32>,
      %get3A_1174 = vector.shape_cast %get3A_1173 : vector<1x1x16xi32> to vector<16xi32>
      %eq3A_1175 = arith.cmpi eq, %get3A_1167, %get3A_1174 : vector<16xi32>
      %jit3A_1176 = arith.constant 10752 : i32
      %jit3A_1177 = arith.constant 0 : i32
      %broadcast_in_dim3A_1178 = vector.broadcast %jit3A_1176 : i32 to vector<16xi32>
      %broadcast_in_dim3A_1179 = vector.broadcast %jit3A_1177 : i32 to vector<16xi32>
      %select_n3A_1180 = arith.select %eq3A_1175, %broadcast_in_dim3A_1178, %broadcast_in_dim3A_1179 : vector<16xi1>, vector<16xi32>
      %add3A_1181 = arith.addi %get3A_1174, %select_n3A_1180 : vector<16xi32>
      %swap3A_1182 = arith.constant 1 : i32
      %swap3A_1183 = arith.index_cast %swap3A_1182 : i32 to index
      %swap3A_1184 = arith.constant 48 : index
      %swap3A_1185 = tpu.vector_load %arg12[%swap3A_1183, %swap3A_1184] {strides = array<i32>} : memref<2x512xi32, #tpu.memory_space<vmem>>, vector<1x16xi32>,
      %swap3A_1186 = vector.shape_cast %swap3A_1185 : vector<1x16xi32> to vector<16xi32>
      %swap3A_1187 = vector.shape_cast %add3A_1181 : vector<16xi32> to vector<1x16xi32>
      tpu.vector_store %arg12[%swap3A_1183, %swap3A_1184], %swap3A_1187 {strides = array<i32>} : memref<2x512xi32, #tpu.memory_space<vmem>>, vector<1x16xi32>,
      %get3A_1188 = arith.constant 1 : i32
      %get3A_1189 = arith.constant 0 : i32
      %get3A_1190 = arith.index_cast %get3A_1188 : i32 to index
      %get3A_1191 = arith.index_cast %get3A_1189 : i32 to index
      %get3A_1192 = arith.constant 64 : index
      %get3A_1193 = tpu.vector_load %arg11[%get3A_1190, %get3A_1191, %get3A_1192] {strides = array<i32>} : memref<2x2x512xi32, #tpu.memory_space<vmem>>, vector<1x1x16xi32>,
      %get3A_1194 = vector.shape_cast %get3A_1193 : vector<1x1x16xi32> to vector<16xi32>
      %get3A_1195 = arith.constant 1 : i32
      %get3A_1196 = arith.constant 1 : i32
      %get3A_1197 = arith.index_cast %get3A_1195 : i32 to index
      %get3A_1198 = arith.index_cast %get3A_1196 : i32 to index
      %get3A_1199 = arith.constant 64 : index
      %get3A_1200 = tpu.vector_load %arg11[%get3A_1197, %get3A_1198, %get3A_1199] {strides = array<i32>} : memref<2x2x512xi32, #tpu.memory_space<vmem>>, vector<1x1x16xi32>,
      %get3A_1201 = vector.shape_cast %get3A_1200 : vector<1x1x16xi32> to vector<16xi32>
      %eq3A_1202 = arith.cmpi eq, %get3A_1194, %get3A_1201 : vector<16xi32>
      %jit3A_1203 = arith.constant 10752 : i32
      %jit3A_1204 = arith.constant 0 : i32
      %broadcast_in_dim3A_1205 = vector.broadcast %jit3A_1203 : i32 to vector<16xi32>
      %broadcast_in_dim3A_1206 = vector.broadcast %jit3A_1204 : i32 to vector<16xi32>
      %select_n3A_1207 = arith.select %eq3A_1202, %broadcast_in_dim3A_1205, %broadcast_in_dim3A_1206 : vector<16xi1>, vector<16xi32>
      %add3A_1208 = arith.addi %get3A_1201, %select_n3A_1207 : vector<16xi32>
      %swap3A_1209 = arith.constant 1 : i32
      %swap3A_1210 = arith.index_cast %swap3A_1209 : i32 to index
      %swap3A_1211 = arith.constant 64 : index
      %swap3A_1212 = tpu.vector_load %arg12[%swap3A_1210, %swap3A_1211] {strides = array<i32>} : memref<2x512xi32, #tpu.memory_space<vmem>>, vector<1x16xi32>,
      %swap3A_1213 = vector.shape_cast %swap3A_1212 : vector<1x16xi32> to vector<16xi32>
      %swap3A_1214 = vector.shape_cast %add3A_1208 : vector<16xi32> to vector<1x16xi32>
      tpu.vector_store %arg12[%swap3A_1210, %swap3A_1211], %swap3A_1214 {strides = array<i32>} : memref<2x512xi32, #tpu.memory_space<vmem>>, vector<1x16xi32>,
      %get3A_1215 = arith.constant 1 : i32
      %get3A_1216 = arith.constant 0 : i32
      %get3A_1217 = arith.index_cast %get3A_1215 : i32 to index
      %get3A_1218 = arith.index_cast %get3A_1216 : i32 to index
      %get3A_1219 = arith.constant 80 : index
      %get3A_1220 = tpu.vector_load %arg11[%get3A_1217, %get3A_1218, %get3A_1219] {strides = array<i32>} : memref<2x2x512xi32, #tpu.memory_space<vmem>>, vector<1x1x16xi32>,
      %get3A_1221 = vector.shape_cast %get3A_1220 : vector<1x1x16xi32> to vector<16xi32>
      %get3A_1222 = arith.constant 1 : i32
      %get3A_1223 = arith.constant 1 : i32
      %get3A_1224 = arith.index_cast %get3A_1222 : i32 to index
      %get3A_1225 = arith.index_cast %get3A_1223 : i32 to index
      %get3A_1226 = arith.constant 80 : index
      %get3A_1227 = tpu.vector_load %arg11[%get3A_1224, %get3A_1225, %get3A_1226] {strides = array<i32>} : memref<2x2x512xi32, #tpu.memory_space<vmem>>, vector<1x1x16xi32>,
      %get3A_1228 = vector.shape_cast %get3A_1227 : vector<1x1x16xi32> to vector<16xi32>
      %eq3A_1229 = arith.cmpi eq, %get3A_1221, %get3A_1228 : vector<16xi32>
      %jit3A_1230 = arith.constant 10752 : i32
      %jit3A_1231 = arith.constant 0 : i32
      %broadcast_in_dim3A_1232 = vector.broadcast %jit3A_1230 : i32 to vector<16xi32>
      %broadcast_in_dim3A_1233 = vector.broadcast %jit3A_1231 : i32 to vector<16xi32>
      %select_n3A_1234 = arith.select %eq3A_1229, %broadcast_in_dim3A_1232, %broadcast_in_dim3A_1233 : vector<16xi1>, vector<16xi32>
      %add3A_1235 = arith.addi %get3A_1228, %select_n3A_1234 : vector<16xi32>
      %swap3A_1236 = arith.constant 1 : i32
      %swap3A_1237 = arith.index_cast %swap3A_1236 : i32 to index
      %swap3A_1238 = arith.constant 80 : index
      %swap3A_1239 = tpu.vector_load %arg12[%swap3A_1237, %swap3A_1238] {strides = array<i32>} : memref<2x512xi32, #tpu.memory_space<vmem>>, vector<1x16xi32>,
      %swap3A_1240 = vector.shape_cast %swap3A_1239 : vector<1x16xi32> to vector<16xi32>
      %swap3A_1241 = vector.shape_cast %add3A_1235 : vector<16xi32> to vector<1x16xi32>
      tpu.vector_store %arg12[%swap3A_1237, %swap3A_1238], %swap3A_1241 {strides = array<i32>} : memref<2x512xi32, #tpu.memory_space<vmem>>, vector<1x16xi32>,
      %get3A_1242 = arith.constant 1 : i32
      %get3A_1243 = arith.constant 0 : i32
      %get3A_1244 = arith.index_cast %get3A_1242 : i32 to index
      %get3A_1245 = arith.index_cast %get3A_1243 : i32 to index
      %get3A_1246 = arith.constant 96 : index
      %get3A_1247 = tpu.vector_load %arg11[%get3A_1244, %get3A_1245, %get3A_1246] {strides = array<i32>} : memref<2x2x512xi32, #tpu.memory_space<vmem>>, vector<1x1x16xi32>,
      %get3A_1248 = vector.shape_cast %get3A_1247 : vector<1x1x16xi32> to vector<16xi32>
      %get3A_1249 = arith.constant 1 : i32
      %get3A_1250 = arith.constant 1 : i32
      %get3A_1251 = arith.index_cast %get3A_1249 : i32 to index
      %get3A_1252 = arith.index_cast %get3A_1250 : i32 to index
      %get3A_1253 = arith.constant 96 : index
      %get3A_1254 = tpu.vector_load %arg11[%get3A_1251, %get3A_1252, %get3A_1253] {strides = array<i32>} : memref<2x2x512xi32, #tpu.memory_space<vmem>>, vector<1x1x16xi32>,
      %get3A_1255 = vector.shape_cast %get3A_1254 : vector<1x1x16xi32> to vector<16xi32>
      %eq3A_1256 = arith.cmpi eq, %get3A_1248, %get3A_1255 : vector<16xi32>
      %jit3A_1257 = arith.constant 10752 : i32
      %jit3A_1258 = arith.constant 0 : i32
      %broadcast_in_dim3A_1259 = vector.broadcast %jit3A_1257 : i32 to vector<16xi32>
      %broadcast_in_dim3A_1260 = vector.broadcast %jit3A_1258 : i32 to vector<16xi32>
      %select_n3A_1261 = arith.select %eq3A_1256, %broadcast_in_dim3A_1259, %broadcast_in_dim3A_1260 : vector<16xi1>, vector<16xi32>
      %add3A_1262 = arith.addi %get3A_1255, %select_n3A_1261 : vector<16xi32>
      %swap3A_1263 = arith.constant 1 : i32
      %swap3A_1264 = arith.index_cast %swap3A_1263 : i32 to index
      %swap3A_1265 = arith.constant 96 : index
      %swap3A_1266 = tpu.vector_load %arg12[%swap3A_1264, %swap3A_1265] {strides = array<i32>} : memref<2x512xi32, #tpu.memory_space<vmem>>, vector<1x16xi32>,
      %swap3A_1267 = vector.shape_cast %swap3A_1266 : vector<1x16xi32> to vector<16xi32>
      %swap3A_1268 = vector.shape_cast %add3A_1262 : vector<16xi32> to vector<1x16xi32>
      tpu.vector_store %arg12[%swap3A_1264, %swap3A_1265], %swap3A_1268 {strides = array<i32>} : memref<2x512xi32, #tpu.memory_space<vmem>>, vector<1x16xi32>,
      %get3A_1269 = arith.constant 1 : i32
      %get3A_1270 = arith.constant 0 : i32
      %get3A_1271 = arith.index_cast %get3A_1269 : i32 to index
      %get3A_1272 = arith.index_cast %get3A_1270 : i32 to index
      %get3A_1273 = arith.constant 112 : index
      %get3A_1274 = tpu.vector_load %arg11[%get3A_1271, %get3A_1272, %get3A_1273] {strides = array<i32>} : memref<2x2x512xi32, #tpu.memory_space<vmem>>, vector<1x1x16xi32>,
      %get3A_1275 = vector.shape_cast %get3A_1274 : vector<1x1x16xi32> to vector<16xi32>
      %get3A_1276 = arith.constant 1 : i32
      %get3A_1277 = arith.constant 1 : i32
      %get3A_1278 = arith.index_cast %get3A_1276 : i32 to index
      %get3A_1279 = arith.index_cast %get3A_1277 : i32 to index
      %get3A_1280 = arith.constant 112 : index
      %get3A_1281 = tpu.vector_load %arg11[%get3A_1278, %get3A_1279, %get3A_1280] {strides = array<i32>} : memref<2x2x512xi32, #tpu.memory_space<vmem>>, vector<1x1x16xi32>,
      %get3A_1282 = vector.shape_cast %get3A_1281 : vector<1x1x16xi32> to vector<16xi32>
      %eq3A_1283 = arith.cmpi eq, %get3A_1275, %get3A_1282 : vector<16xi32>
      %jit3A_1284 = arith.constant 10752 : i32
      %jit3A_1285 = arith.constant 0 : i32
      %broadcast_in_dim3A_1286 = vector.broadcast %jit3A_1284 : i32 to vector<16xi32>
      %broadcast_in_dim3A_1287 = vector.broadcast %jit3A_1285 : i32 to vector<16xi32>
      %select_n3A_1288 = arith.select %eq3A_1283, %broadcast_in_dim3A_1286, %broadcast_in_dim3A_1287 : vector<16xi1>, vector<16xi32>
      %add3A_1289 = arith.addi %get3A_1282, %select_n3A_1288 : vector<16xi32>
      %swap3A_1290 = arith.constant 1 : i32
      %swap3A_1291 = arith.index_cast %swap3A_1290 : i32 to index
      %swap3A_1292 = arith.constant 112 : index
      %swap3A_1293 = tpu.vector_load %arg12[%swap3A_1291, %swap3A_1292] {strides = array<i32>} : memref<2x512xi32, #tpu.memory_space<vmem>>, vector<1x16xi32>,
      %swap3A_1294 = vector.shape_cast %swap3A_1293 : vector<1x16xi32> to vector<16xi32>
      %swap3A_1295 = vector.shape_cast %add3A_1289 : vector<16xi32> to vector<1x16xi32>
      tpu.vector_store %arg12[%swap3A_1291, %swap3A_1292], %swap3A_1295 {strides = array<i32>} : memref<2x512xi32, #tpu.memory_space<vmem>>, vector<1x16xi32>,
      %get3A_1296 = arith.constant 1 : i32
      %get3A_1297 = arith.constant 0 : i32
      %get3A_1298 = arith.index_cast %get3A_1296 : i32 to index
      %get3A_1299 = arith.index_cast %get3A_1297 : i32 to index
      %get3A_1300 = arith.constant 128 : index
      %get3A_1301 = tpu.vector_load %arg11[%get3A_1298, %get3A_1299, %get3A_1300] {strides = array<i32>} : memref<2x2x512xi32, #tpu.memory_space<vmem>>, vector<1x1x16xi32>,
      %get3A_1302 = vector.shape_cast %get3A_1301 : vector<1x1x16xi32> to vector<16xi32>
      %get3A_1303 = arith.constant 1 : i32
      %get3A_1304 = arith.constant 1 : i32
      %get3A_1305 = arith.index_cast %get3A_1303 : i32 to index
      %get3A_1306 = arith.index_cast %get3A_1304 : i32 to index
      %get3A_1307 = arith.constant 128 : index
      %get3A_1308 = tpu.vector_load %arg11[%get3A_1305, %get3A_1306, %get3A_1307] {strides = array<i32>} : memref<2x2x512xi32, #tpu.memory_space<vmem>>, vector<1x1x16xi32>,
      %get3A_1309 = vector.shape_cast %get3A_1308 : vector<1x1x16xi32> to vector<16xi32>
      %eq3A_1310 = arith.cmpi eq, %get3A_1302, %get3A_1309 : vector<16xi32>
      %jit3A_1311 = arith.constant 10752 : i32
      %jit3A_1312 = arith.constant 0 : i32
      %broadcast_in_dim3A_1313 = vector.broadcast %jit3A_1311 : i32 to vector<16xi32>
      %broadcast_in_dim3A_1314 = vector.broadcast %jit3A_1312 : i32 to vector<16xi32>
      %select_n3A_1315 = arith.select %eq3A_1310, %broadcast_in_dim3A_1313, %broadcast_in_dim3A_1314 : vector<16xi1>, vector<16xi32>
      %add3A_1316 = arith.addi %get3A_1309, %select_n3A_1315 : vector<16xi32>
      %swap3A_1317 = arith.constant 1 : i32
      %swap3A_1318 = arith.index_cast %swap3A_1317 : i32 to index
      %swap3A_1319 = arith.constant 128 : index
      %swap3A_1320 = tpu.vector_load %arg12[%swap3A_1318, %swap3A_1319] {strides = array<i32>} : memref<2x512xi32, #tpu.memory_space<vmem>>, vector<1x16xi32>,
      %swap3A_1321 = vector.shape_cast %swap3A_1320 : vector<1x16xi32> to vector<16xi32>
      %swap3A_1322 = vector.shape_cast %add3A_1316 : vector<16xi32> to vector<1x16xi32>
      tpu.vector_store %arg12[%swap3A_1318, %swap3A_1319], %swap3A_1322 {strides = array<i32>} : memref<2x512xi32, #tpu.memory_space<vmem>>, vector<1x16xi32>,
      %get3A_1323 = arith.constant 1 : i32
      %get3A_1324 = arith.constant 0 : i32
      %get3A_1325 = arith.index_cast %get3A_1323 : i32 to index
      %get3A_1326 = arith.index_cast %get3A_1324 : i32 to index
      %get3A_1327 = arith.constant 144 : index
      %get3A_1328 = tpu.vector_load %arg11[%get3A_1325, %get3A_1326, %get3A_1327] {strides = array<i32>} : memref<2x2x512xi32, #tpu.memory_space<vmem>>, vector<1x1x16xi32>,
      %get3A_1329 = vector.shape_cast %get3A_1328 : vector<1x1x16xi32> to vector<16xi32>
      %get3A_1330 = arith.constant 1 : i32
      %get3A_1331 = arith.constant 1 : i32
      %get3A_1332 = arith.index_cast %get3A_1330 : i32 to index
      %get3A_1333 = arith.index_cast %get3A_1331 : i32 to index
      %get3A_1334 = arith.constant 144 : index
      %get3A_1335 = tpu.vector_load %arg11[%get3A_1332, %get3A_1333, %get3A_1334] {strides = array<i32>} : memref<2x2x512xi32, #tpu.memory_space<vmem>>, vector<1x1x16xi32>,
      %get3A_1336 = vector.shape_cast %get3A_1335 : vector<1x1x16xi32> to vector<16xi32>
      %eq3A_1337 = arith.cmpi eq, %get3A_1329, %get3A_1336 : vector<16xi32>
      %jit3A_1338 = arith.constant 10752 : i32
      %jit3A_1339 = arith.constant 0 : i32
      %broadcast_in_dim3A_1340 = vector.broadcast %jit3A_1338 : i32 to vector<16xi32>
      %broadcast_in_dim3A_1341 = vector.broadcast %jit3A_1339 : i32 to vector<16xi32>
      %select_n3A_1342 = arith.select %eq3A_1337, %broadcast_in_dim3A_1340, %broadcast_in_dim3A_1341 : vector<16xi1>, vector<16xi32>
      %add3A_1343 = arith.addi %get3A_1336, %select_n3A_1342 : vector<16xi32>
      %swap3A_1344 = arith.constant 1 : i32
      %swap3A_1345 = arith.index_cast %swap3A_1344 : i32 to index
      %swap3A_1346 = arith.constant 144 : index
      %swap3A_1347 = tpu.vector_load %arg12[%swap3A_1345, %swap3A_1346] {strides = array<i32>} : memref<2x512xi32, #tpu.memory_space<vmem>>, vector<1x16xi32>,
      %swap3A_1348 = vector.shape_cast %swap3A_1347 : vector<1x16xi32> to vector<16xi32>
      %swap3A_1349 = vector.shape_cast %add3A_1343 : vector<16xi32> to vector<1x16xi32>
      tpu.vector_store %arg12[%swap3A_1345, %swap3A_1346], %swap3A_1349 {strides = array<i32>} : memref<2x512xi32, #tpu.memory_space<vmem>>, vector<1x16xi32>,
      %get3A_1350 = arith.constant 1 : i32
      %get3A_1351 = arith.constant 0 : i32
      %get3A_1352 = arith.index_cast %get3A_1350 : i32 to index
      %get3A_1353 = arith.index_cast %get3A_1351 : i32 to index
      %get3A_1354 = arith.constant 160 : index
      %get3A_1355 = tpu.vector_load %arg11[%get3A_1352, %get3A_1353, %get3A_1354] {strides = array<i32>} : memref<2x2x512xi32, #tpu.memory_space<vmem>>, vector<1x1x16xi32>,
      %get3A_1356 = vector.shape_cast %get3A_1355 : vector<1x1x16xi32> to vector<16xi32>
      %get3A_1357 = arith.constant 1 : i32
      %get3A_1358 = arith.constant 1 : i32
      %get3A_1359 = arith.index_cast %get3A_1357 : i32 to index
      %get3A_1360 = arith.index_cast %get3A_1358 : i32 to index
      %get3A_1361 = arith.constant 160 : index
      %get3A_1362 = tpu.vector_load %arg11[%get3A_1359, %get3A_1360, %get3A_1361] {strides = array<i32>} : memref<2x2x512xi32, #tpu.memory_space<vmem>>, vector<1x1x16xi32>,
      %get3A_1363 = vector.shape_cast %get3A_1362 : vector<1x1x16xi32> to vector<16xi32>
      %eq3A_1364 = arith.cmpi eq, %get3A_1356, %get3A_1363 : vector<16xi32>
      %jit3A_1365 = arith.constant 10752 : i32
      %jit3A_1366 = arith.constant 0 : i32
      %broadcast_in_dim3A_1367 = vector.broadcast %jit3A_1365 : i32 to vector<16xi32>
      %broadcast_in_dim3A_1368 = vector.broadcast %jit3A_1366 : i32 to vector<16xi32>
      %select_n3A_1369 = arith.select %eq3A_1364, %broadcast_in_dim3A_1367, %broadcast_in_dim3A_1368 : vector<16xi1>, vector<16xi32>
      %add3A_1370 = arith.addi %get3A_1363, %select_n3A_1369 : vector<16xi32>
      %swap3A_1371 = arith.constant 1 : i32
      %swap3A_1372 = arith.index_cast %swap3A_1371 : i32 to index
      %swap3A_1373 = arith.constant 160 : index
      %swap3A_1374 = tpu.vector_load %arg12[%swap3A_1372, %swap3A_1373] {strides = array<i32>} : memref<2x512xi32, #tpu.memory_space<vmem>>, vector<1x16xi32>,
      %swap3A_1375 = vector.shape_cast %swap3A_1374 : vector<1x16xi32> to vector<16xi32>
      %swap3A_1376 = vector.shape_cast %add3A_1370 : vector<16xi32> to vector<1x16xi32>
      tpu.vector_store %arg12[%swap3A_1372, %swap3A_1373], %swap3A_1376 {strides = array<i32>} : memref<2x512xi32, #tpu.memory_space<vmem>>, vector<1x16xi32>,
      %get3A_1377 = arith.constant 1 : i32
      %get3A_1378 = arith.constant 0 : i32
      %get3A_1379 = arith.index_cast %get3A_1377 : i32 to index
      %get3A_1380 = arith.index_cast %get3A_1378 : i32 to index
      %get3A_1381 = arith.constant 176 : index
      %get3A_1382 = tpu.vector_load %arg11[%get3A_1379, %get3A_1380, %get3A_1381] {strides = array<i32>} : memref<2x2x512xi32, #tpu.memory_space<vmem>>, vector<1x1x16xi32>,
      %get3A_1383 = vector.shape_cast %get3A_1382 : vector<1x1x16xi32> to vector<16xi32>
      %get3A_1384 = arith.constant 1 : i32
      %get3A_1385 = arith.constant 1 : i32
      %get3A_1386 = arith.index_cast %get3A_1384 : i32 to index
      %get3A_1387 = arith.index_cast %get3A_1385 : i32 to index
      %get3A_1388 = arith.constant 176 : index
      %get3A_1389 = tpu.vector_load %arg11[%get3A_1386, %get3A_1387, %get3A_1388] {strides = array<i32>} : memref<2x2x512xi32, #tpu.memory_space<vmem>>, vector<1x1x16xi32>,
      %get3A_1390 = vector.shape_cast %get3A_1389 : vector<1x1x16xi32> to vector<16xi32>
      %eq3A_1391 = arith.cmpi eq, %get3A_1383, %get3A_1390 : vector<16xi32>
      %jit3A_1392 = arith.constant 10752 : i32
      %jit3A_1393 = arith.constant 0 : i32
      %broadcast_in_dim3A_1394 = vector.broadcast %jit3A_1392 : i32 to vector<16xi32>
      %broadcast_in_dim3A_1395 = vector.broadcast %jit3A_1393 : i32 to vector<16xi32>
      %select_n3A_1396 = arith.select %eq3A_1391, %broadcast_in_dim3A_1394, %broadcast_in_dim3A_1395 : vector<16xi1>, vector<16xi32>
      %add3A_1397 = arith.addi %get3A_1390, %select_n3A_1396 : vector<16xi32>
      %swap3A_1398 = arith.constant 1 : i32
      %swap3A_1399 = arith.index_cast %swap3A_1398 : i32 to index
      %swap3A_1400 = arith.constant 176 : index
      %swap3A_1401 = tpu.vector_load %arg12[%swap3A_1399, %swap3A_1400] {strides = array<i32>} : memref<2x512xi32, #tpu.memory_space<vmem>>, vector<1x16xi32>,
      %swap3A_1402 = vector.shape_cast %swap3A_1401 : vector<1x16xi32> to vector<16xi32>
      %swap3A_1403 = vector.shape_cast %add3A_1397 : vector<16xi32> to vector<1x16xi32>
      tpu.vector_store %arg12[%swap3A_1399, %swap3A_1400], %swap3A_1403 {strides = array<i32>} : memref<2x512xi32, #tpu.memory_space<vmem>>, vector<1x16xi32>,
      %get3A_1404 = arith.constant 1 : i32
      %get3A_1405 = arith.constant 0 : i32
      %get3A_1406 = arith.index_cast %get3A_1404 : i32 to index
      %get3A_1407 = arith.index_cast %get3A_1405 : i32 to index
      %get3A_1408 = arith.constant 192 : index
      %get3A_1409 = tpu.vector_load %arg11[%get3A_1406, %get3A_1407, %get3A_1408] {strides = array<i32>} : memref<2x2x512xi32, #tpu.memory_space<vmem>>, vector<1x1x16xi32>,
      %get3A_1410 = vector.shape_cast %get3A_1409 : vector<1x1x16xi32> to vector<16xi32>
      %get3A_1411 = arith.constant 1 : i32
      %get3A_1412 = arith.constant 1 : i32
      %get3A_1413 = arith.index_cast %get3A_1411 : i32 to index
      %get3A_1414 = arith.index_cast %get3A_1412 : i32 to index
      %get3A_1415 = arith.constant 192 : index
      %get3A_1416 = tpu.vector_load %arg11[%get3A_1413, %get3A_1414, %get3A_1415] {strides = array<i32>} : memref<2x2x512xi32, #tpu.memory_space<vmem>>, vector<1x1x16xi32>,
      %get3A_1417 = vector.shape_cast %get3A_1416 : vector<1x1x16xi32> to vector<16xi32>
      %eq3A_1418 = arith.cmpi eq, %get3A_1410, %get3A_1417 : vector<16xi32>
      %jit3A_1419 = arith.constant 10752 : i32
      %jit3A_1420 = arith.constant 0 : i32
      %broadcast_in_dim3A_1421 = vector.broadcast %jit3A_1419 : i32 to vector<16xi32>
      %broadcast_in_dim3A_1422 = vector.broadcast %jit3A_1420 : i32 to vector<16xi32>
      %select_n3A_1423 = arith.select %eq3A_1418, %broadcast_in_dim3A_1421, %broadcast_in_dim3A_1422 : vector<16xi1>, vector<16xi32>
      %add3A_1424 = arith.addi %get3A_1417, %select_n3A_1423 : vector<16xi32>
      %swap3A_1425 = arith.constant 1 : i32
      %swap3A_1426 = arith.index_cast %swap3A_1425 : i32 to index
      %swap3A_1427 = arith.constant 192 : index
      %swap3A_1428 = tpu.vector_load %arg12[%swap3A_1426, %swap3A_1427] {strides = array<i32>} : memref<2x512xi32, #tpu.memory_space<vmem>>, vector<1x16xi32>,
      %swap3A_1429 = vector.shape_cast %swap3A_1428 : vector<1x16xi32> to vector<16xi32>
      %swap3A_1430 = vector.shape_cast %add3A_1424 : vector<16xi32> to vector<1x16xi32>
      tpu.vector_store %arg12[%swap3A_1426, %swap3A_1427], %swap3A_1430 {strides = array<i32>} : memref<2x512xi32, #tpu.memory_space<vmem>>, vector<1x16xi32>,
      %get3A_1431 = arith.constant 1 : i32
      %get3A_1432 = arith.constant 0 : i32
      %get3A_1433 = arith.index_cast %get3A_1431 : i32 to index
      %get3A_1434 = arith.index_cast %get3A_1432 : i32 to index
      %get3A_1435 = arith.constant 208 : index
      %get3A_1436 = tpu.vector_load %arg11[%get3A_1433, %get3A_1434, %get3A_1435] {strides = array<i32>} : memref<2x2x512xi32, #tpu.memory_space<vmem>>, vector<1x1x16xi32>,
      %get3A_1437 = vector.shape_cast %get3A_1436 : vector<1x1x16xi32> to vector<16xi32>
      %get3A_1438 = arith.constant 1 : i32
      %get3A_1439 = arith.constant 1 : i32
      %get3A_1440 = arith.index_cast %get3A_1438 : i32 to index
      %get3A_1441 = arith.index_cast %get3A_1439 : i32 to index
      %get3A_1442 = arith.constant 208 : index
      %get3A_1443 = tpu.vector_load %arg11[%get3A_1440, %get3A_1441, %get3A_1442] {strides = array<i32>} : memref<2x2x512xi32, #tpu.memory_space<vmem>>, vector<1x1x16xi32>,
      %get3A_1444 = vector.shape_cast %get3A_1443 : vector<1x1x16xi32> to vector<16xi32>
      %eq3A_1445 = arith.cmpi eq, %get3A_1437, %get3A_1444 : vector<16xi32>
      %jit3A_1446 = arith.constant 10752 : i32
      %jit3A_1447 = arith.constant 0 : i32
      %broadcast_in_dim3A_1448 = vector.broadcast %jit3A_1446 : i32 to vector<16xi32>
      %broadcast_in_dim3A_1449 = vector.broadcast %jit3A_1447 : i32 to vector<16xi32>
      %select_n3A_1450 = arith.select %eq3A_1445, %broadcast_in_dim3A_1448, %broadcast_in_dim3A_1449 : vector<16xi1>, vector<16xi32>
      %add3A_1451 = arith.addi %get3A_1444, %select_n3A_1450 : vector<16xi32>
      %swap3A_1452 = arith.constant 1 : i32
      %swap3A_1453 = arith.index_cast %swap3A_1452 : i32 to index
      %swap3A_1454 = arith.constant 208 : index
      %swap3A_1455 = tpu.vector_load %arg12[%swap3A_1453, %swap3A_1454] {strides = array<i32>} : memref<2x512xi32, #tpu.memory_space<vmem>>, vector<1x16xi32>,
      %swap3A_1456 = vector.shape_cast %swap3A_1455 : vector<1x16xi32> to vector<16xi32>
      %swap3A_1457 = vector.shape_cast %add3A_1451 : vector<16xi32> to vector<1x16xi32>
      tpu.vector_store %arg12[%swap3A_1453, %swap3A_1454], %swap3A_1457 {strides = array<i32>} : memref<2x512xi32, #tpu.memory_space<vmem>>, vector<1x16xi32>,
      %get3A_1458 = arith.constant 1 : i32
      %get3A_1459 = arith.constant 0 : i32
      %get3A_1460 = arith.index_cast %get3A_1458 : i32 to index
      %get3A_1461 = arith.index_cast %get3A_1459 : i32 to index
      %get3A_1462 = arith.constant 224 : index
      %get3A_1463 = tpu.vector_load %arg11[%get3A_1460, %get3A_1461, %get3A_1462] {strides = array<i32>} : memref<2x2x512xi32, #tpu.memory_space<vmem>>, vector<1x1x16xi32>,
      %get3A_1464 = vector.shape_cast %get3A_1463 : vector<1x1x16xi32> to vector<16xi32>
      %get3A_1465 = arith.constant 1 : i32
      %get3A_1466 = arith.constant 1 : i32
      %get3A_1467 = arith.index_cast %get3A_1465 : i32 to index
      %get3A_1468 = arith.index_cast %get3A_1466 : i32 to index
      %get3A_1469 = arith.constant 224 : index
      %get3A_1470 = tpu.vector_load %arg11[%get3A_1467, %get3A_1468, %get3A_1469] {strides = array<i32>} : memref<2x2x512xi32, #tpu.memory_space<vmem>>, vector<1x1x16xi32>,
      %get3A_1471 = vector.shape_cast %get3A_1470 : vector<1x1x16xi32> to vector<16xi32>
      %eq3A_1472 = arith.cmpi eq, %get3A_1464, %get3A_1471 : vector<16xi32>
      %jit3A_1473 = arith.constant 10752 : i32
      %jit3A_1474 = arith.constant 0 : i32
      %broadcast_in_dim3A_1475 = vector.broadcast %jit3A_1473 : i32 to vector<16xi32>
      %broadcast_in_dim3A_1476 = vector.broadcast %jit3A_1474 : i32 to vector<16xi32>
      %select_n3A_1477 = arith.select %eq3A_1472, %broadcast_in_dim3A_1475, %broadcast_in_dim3A_1476 : vector<16xi1>, vector<16xi32>
      %add3A_1478 = arith.addi %get3A_1471, %select_n3A_1477 : vector<16xi32>
      %swap3A_1479 = arith.constant 1 : i32
      %swap3A_1480 = arith.index_cast %swap3A_1479 : i32 to index
      %swap3A_1481 = arith.constant 224 : index
      %swap3A_1482 = tpu.vector_load %arg12[%swap3A_1480, %swap3A_1481] {strides = array<i32>} : memref<2x512xi32, #tpu.memory_space<vmem>>, vector<1x16xi32>,
      %swap3A_1483 = vector.shape_cast %swap3A_1482 : vector<1x16xi32> to vector<16xi32>
      %swap3A_1484 = vector.shape_cast %add3A_1478 : vector<16xi32> to vector<1x16xi32>
      tpu.vector_store %arg12[%swap3A_1480, %swap3A_1481], %swap3A_1484 {strides = array<i32>} : memref<2x512xi32, #tpu.memory_space<vmem>>, vector<1x16xi32>,
      %get3A_1485 = arith.constant 1 : i32
      %get3A_1486 = arith.constant 0 : i32
      %get3A_1487 = arith.index_cast %get3A_1485 : i32 to index
      %get3A_1488 = arith.index_cast %get3A_1486 : i32 to index
      %get3A_1489 = arith.constant 240 : index
      %get3A_1490 = tpu.vector_load %arg11[%get3A_1487, %get3A_1488, %get3A_1489] {strides = array<i32>} : memref<2x2x512xi32, #tpu.memory_space<vmem>>, vector<1x1x16xi32>,
      %get3A_1491 = vector.shape_cast %get3A_1490 : vector<1x1x16xi32> to vector<16xi32>
      %get3A_1492 = arith.constant 1 : i32
      %get3A_1493 = arith.constant 1 : i32
      %get3A_1494 = arith.index_cast %get3A_1492 : i32 to index
      %get3A_1495 = arith.index_cast %get3A_1493 : i32 to index
      %get3A_1496 = arith.constant 240 : index
      %get3A_1497 = tpu.vector_load %arg11[%get3A_1494, %get3A_1495, %get3A_1496] {strides = array<i32>} : memref<2x2x512xi32, #tpu.memory_space<vmem>>, vector<1x1x16xi32>,
      %get3A_1498 = vector.shape_cast %get3A_1497 : vector<1x1x16xi32> to vector<16xi32>
      %eq3A_1499 = arith.cmpi eq, %get3A_1491, %get3A_1498 : vector<16xi32>
      %jit3A_1500 = arith.constant 10752 : i32
      %jit3A_1501 = arith.constant 0 : i32
      %broadcast_in_dim3A_1502 = vector.broadcast %jit3A_1500 : i32 to vector<16xi32>
      %broadcast_in_dim3A_1503 = vector.broadcast %jit3A_1501 : i32 to vector<16xi32>
      %select_n3A_1504 = arith.select %eq3A_1499, %broadcast_in_dim3A_1502, %broadcast_in_dim3A_1503 : vector<16xi1>, vector<16xi32>
      %add3A_1505 = arith.addi %get3A_1498, %select_n3A_1504 : vector<16xi32>
      %swap3A_1506 = arith.constant 1 : i32
      %swap3A_1507 = arith.index_cast %swap3A_1506 : i32 to index
      %swap3A_1508 = arith.constant 240 : index
      %swap3A_1509 = tpu.vector_load %arg12[%swap3A_1507, %swap3A_1508] {strides = array<i32>} : memref<2x512xi32, #tpu.memory_space<vmem>>, vector<1x16xi32>,
      %swap3A_1510 = vector.shape_cast %swap3A_1509 : vector<1x16xi32> to vector<16xi32>
      %swap3A_1511 = vector.shape_cast %add3A_1505 : vector<16xi32> to vector<1x16xi32>
      tpu.vector_store %arg12[%swap3A_1507, %swap3A_1508], %swap3A_1511 {strides = array<i32>} : memref<2x512xi32, #tpu.memory_space<vmem>>, vector<1x16xi32>,
      %get3A_1512 = arith.constant 1 : i32
      %get3A_1513 = arith.constant 0 : i32
      %get3A_1514 = arith.index_cast %get3A_1512 : i32 to index
      %get3A_1515 = arith.index_cast %get3A_1513 : i32 to index
      %get3A_1516 = arith.constant 256 : index
      %get3A_1517 = tpu.vector_load %arg11[%get3A_1514, %get3A_1515, %get3A_1516] {strides = array<i32>} : memref<2x2x512xi32, #tpu.memory_space<vmem>>, vector<1x1x16xi32>,
      %get3A_1518 = vector.shape_cast %get3A_1517 : vector<1x1x16xi32> to vector<16xi32>
      %get3A_1519 = arith.constant 1 : i32
      %get3A_1520 = arith.constant 1 : i32
      %get3A_1521 = arith.index_cast %get3A_1519 : i32 to index
      %get3A_1522 = arith.index_cast %get3A_1520 : i32 to index
      %get3A_1523 = arith.constant 256 : index
      %get3A_1524 = tpu.vector_load %arg11[%get3A_1521, %get3A_1522, %get3A_1523] {strides = array<i32>} : memref<2x2x512xi32, #tpu.memory_space<vmem>>, vector<1x1x16xi32>,
      %get3A_1525 = vector.shape_cast %get3A_1524 : vector<1x1x16xi32> to vector<16xi32>
      %eq3A_1526 = arith.cmpi eq, %get3A_1518, %get3A_1525 : vector<16xi32>
      %jit3A_1527 = arith.constant 10752 : i32
      %jit3A_1528 = arith.constant 0 : i32
      %broadcast_in_dim3A_1529 = vector.broadcast %jit3A_1527 : i32 to vector<16xi32>
      %broadcast_in_dim3A_1530 = vector.broadcast %jit3A_1528 : i32 to vector<16xi32>
      %select_n3A_1531 = arith.select %eq3A_1526, %broadcast_in_dim3A_1529, %broadcast_in_dim3A_1530 : vector<16xi1>, vector<16xi32>
      %add3A_1532 = arith.addi %get3A_1525, %select_n3A_1531 : vector<16xi32>
      %swap3A_1533 = arith.constant 1 : i32
      %swap3A_1534 = arith.index_cast %swap3A_1533 : i32 to index
      %swap3A_1535 = arith.constant 256 : index
      %swap3A_1536 = tpu.vector_load %arg12[%swap3A_1534, %swap3A_1535] {strides = array<i32>} : memref<2x512xi32, #tpu.memory_space<vmem>>, vector<1x16xi32>,
      %swap3A_1537 = vector.shape_cast %swap3A_1536 : vector<1x16xi32> to vector<16xi32>
      %swap3A_1538 = vector.shape_cast %add3A_1532 : vector<16xi32> to vector<1x16xi32>
      tpu.vector_store %arg12[%swap3A_1534, %swap3A_1535], %swap3A_1538 {strides = array<i32>} : memref<2x512xi32, #tpu.memory_space<vmem>>, vector<1x16xi32>,
      %get3A_1539 = arith.constant 1 : i32
      %get3A_1540 = arith.constant 0 : i32
      %get3A_1541 = arith.index_cast %get3A_1539 : i32 to index
      %get3A_1542 = arith.index_cast %get3A_1540 : i32 to index
      %get3A_1543 = arith.constant 272 : index
      %get3A_1544 = tpu.vector_load %arg11[%get3A_1541, %get3A_1542, %get3A_1543] {strides = array<i32>} : memref<2x2x512xi32, #tpu.memory_space<vmem>>, vector<1x1x16xi32>,
      %get3A_1545 = vector.shape_cast %get3A_1544 : vector<1x1x16xi32> to vector<16xi32>
      %get3A_1546 = arith.constant 1 : i32
      %get3A_1547 = arith.constant 1 : i32
      %get3A_1548 = arith.index_cast %get3A_1546 : i32 to index
      %get3A_1549 = arith.index_cast %get3A_1547 : i32 to index
      %get3A_1550 = arith.constant 272 : index
      %get3A_1551 = tpu.vector_load %arg11[%get3A_1548, %get3A_1549, %get3A_1550] {strides = array<i32>} : memref<2x2x512xi32, #tpu.memory_space<vmem>>, vector<1x1x16xi32>,
      %get3A_1552 = vector.shape_cast %get3A_1551 : vector<1x1x16xi32> to vector<16xi32>
      %eq3A_1553 = arith.cmpi eq, %get3A_1545, %get3A_1552 : vector<16xi32>
      %jit3A_1554 = arith.constant 10752 : i32
      %jit3A_1555 = arith.constant 0 : i32
      %broadcast_in_dim3A_1556 = vector.broadcast %jit3A_1554 : i32 to vector<16xi32>
      %broadcast_in_dim3A_1557 = vector.broadcast %jit3A_1555 : i32 to vector<16xi32>
      %select_n3A_1558 = arith.select %eq3A_1553, %broadcast_in_dim3A_1556, %broadcast_in_dim3A_1557 : vector<16xi1>, vector<16xi32>
      %add3A_1559 = arith.addi %get3A_1552, %select_n3A_1558 : vector<16xi32>
      %swap3A_1560 = arith.constant 1 : i32
      %swap3A_1561 = arith.index_cast %swap3A_1560 : i32 to index
      %swap3A_1562 = arith.constant 272 : index
      %swap3A_1563 = tpu.vector_load %arg12[%swap3A_1561, %swap3A_1562] {strides = array<i32>} : memref<2x512xi32, #tpu.memory_space<vmem>>, vector<1x16xi32>,
      %swap3A_1564 = vector.shape_cast %swap3A_1563 : vector<1x16xi32> to vector<16xi32>
      %swap3A_1565 = vector.shape_cast %add3A_1559 : vector<16xi32> to vector<1x16xi32>
      tpu.vector_store %arg12[%swap3A_1561, %swap3A_1562], %swap3A_1565 {strides = array<i32>} : memref<2x512xi32, #tpu.memory_space<vmem>>, vector<1x16xi32>,
      %get3A_1566 = arith.constant 1 : i32
      %get3A_1567 = arith.constant 0 : i32
      %get3A_1568 = arith.index_cast %get3A_1566 : i32 to index
      %get3A_1569 = arith.index_cast %get3A_1567 : i32 to index
      %get3A_1570 = arith.constant 288 : index
      %get3A_1571 = tpu.vector_load %arg11[%get3A_1568, %get3A_1569, %get3A_1570] {strides = array<i32>} : memref<2x2x512xi32, #tpu.memory_space<vmem>>, vector<1x1x16xi32>,
      %get3A_1572 = vector.shape_cast %get3A_1571 : vector<1x1x16xi32> to vector<16xi32>
      %get3A_1573 = arith.constant 1 : i32
      %get3A_1574 = arith.constant 1 : i32
      %get3A_1575 = arith.index_cast %get3A_1573 : i32 to index
      %get3A_1576 = arith.index_cast %get3A_1574 : i32 to index
      %get3A_1577 = arith.constant 288 : index
      %get3A_1578 = tpu.vector_load %arg11[%get3A_1575, %get3A_1576, %get3A_1577] {strides = array<i32>} : memref<2x2x512xi32, #tpu.memory_space<vmem>>, vector<1x1x16xi32>,
      %get3A_1579 = vector.shape_cast %get3A_1578 : vector<1x1x16xi32> to vector<16xi32>
      %eq3A_1580 = arith.cmpi eq, %get3A_1572, %get3A_1579 : vector<16xi32>
      %jit3A_1581 = arith.constant 10752 : i32
      %jit3A_1582 = arith.constant 0 : i32
      %broadcast_in_dim3A_1583 = vector.broadcast %jit3A_1581 : i32 to vector<16xi32>
      %broadcast_in_dim3A_1584 = vector.broadcast %jit3A_1582 : i32 to vector<16xi32>
      %select_n3A_1585 = arith.select %eq3A_1580, %broadcast_in_dim3A_1583, %broadcast_in_dim3A_1584 : vector<16xi1>, vector<16xi32>
      %add3A_1586 = arith.addi %get3A_1579, %select_n3A_1585 : vector<16xi32>
      %swap3A_1587 = arith.constant 1 : i32
      %swap3A_1588 = arith.index_cast %swap3A_1587 : i32 to index
      %swap3A_1589 = arith.constant 288 : index
      %swap3A_1590 = tpu.vector_load %arg12[%swap3A_1588, %swap3A_1589] {strides = array<i32>} : memref<2x512xi32, #tpu.memory_space<vmem>>, vector<1x16xi32>,
      %swap3A_1591 = vector.shape_cast %swap3A_1590 : vector<1x16xi32> to vector<16xi32>
      %swap3A_1592 = vector.shape_cast %add3A_1586 : vector<16xi32> to vector<1x16xi32>
      tpu.vector_store %arg12[%swap3A_1588, %swap3A_1589], %swap3A_1592 {strides = array<i32>} : memref<2x512xi32, #tpu.memory_space<vmem>>, vector<1x16xi32>,
      %get3A_1593 = arith.constant 1 : i32
      %get3A_1594 = arith.constant 0 : i32
      %get3A_1595 = arith.index_cast %get3A_1593 : i32 to index
      %get3A_1596 = arith.index_cast %get3A_1594 : i32 to index
      %get3A_1597 = arith.constant 304 : index
      %get3A_1598 = tpu.vector_load %arg11[%get3A_1595, %get3A_1596, %get3A_1597] {strides = array<i32>} : memref<2x2x512xi32, #tpu.memory_space<vmem>>, vector<1x1x16xi32>,
      %get3A_1599 = vector.shape_cast %get3A_1598 : vector<1x1x16xi32> to vector<16xi32>
      %get3A_1600 = arith.constant 1 : i32
      %get3A_1601 = arith.constant 1 : i32
      %get3A_1602 = arith.index_cast %get3A_1600 : i32 to index
      %get3A_1603 = arith.index_cast %get3A_1601 : i32 to index
      %get3A_1604 = arith.constant 304 : index
      %get3A_1605 = tpu.vector_load %arg11[%get3A_1602, %get3A_1603, %get3A_1604] {strides = array<i32>} : memref<2x2x512xi32, #tpu.memory_space<vmem>>, vector<1x1x16xi32>,
      %get3A_1606 = vector.shape_cast %get3A_1605 : vector<1x1x16xi32> to vector<16xi32>
      %eq3A_1607 = arith.cmpi eq, %get3A_1599, %get3A_1606 : vector<16xi32>
      %jit3A_1608 = arith.constant 10752 : i32
      %jit3A_1609 = arith.constant 0 : i32
      %broadcast_in_dim3A_1610 = vector.broadcast %jit3A_1608 : i32 to vector<16xi32>
      %broadcast_in_dim3A_1611 = vector.broadcast %jit3A_1609 : i32 to vector<16xi32>
      %select_n3A_1612 = arith.select %eq3A_1607, %broadcast_in_dim3A_1610, %broadcast_in_dim3A_1611 : vector<16xi1>, vector<16xi32>
      %add3A_1613 = arith.addi %get3A_1606, %select_n3A_1612 : vector<16xi32>
      %swap3A_1614 = arith.constant 1 : i32
      %swap3A_1615 = arith.index_cast %swap3A_1614 : i32 to index
      %swap3A_1616 = arith.constant 304 : index
      %swap3A_1617 = tpu.vector_load %arg12[%swap3A_1615, %swap3A_1616] {strides = array<i32>} : memref<2x512xi32, #tpu.memory_space<vmem>>, vector<1x16xi32>,
      %swap3A_1618 = vector.shape_cast %swap3A_1617 : vector<1x16xi32> to vector<16xi32>
      %swap3A_1619 = vector.shape_cast %add3A_1613 : vector<16xi32> to vector<1x16xi32>
      tpu.vector_store %arg12[%swap3A_1615, %swap3A_1616], %swap3A_1619 {strides = array<i32>} : memref<2x512xi32, #tpu.memory_space<vmem>>, vector<1x16xi32>,
      %get3A_1620 = arith.constant 1 : i32
      %get3A_1621 = arith.constant 0 : i32
      %get3A_1622 = arith.index_cast %get3A_1620 : i32 to index
      %get3A_1623 = arith.index_cast %get3A_1621 : i32 to index
      %get3A_1624 = arith.constant 320 : index
      %get3A_1625 = tpu.vector_load %arg11[%get3A_1622, %get3A_1623, %get3A_1624] {strides = array<i32>} : memref<2x2x512xi32, #tpu.memory_space<vmem>>, vector<1x1x16xi32>,
      %get3A_1626 = vector.shape_cast %get3A_1625 : vector<1x1x16xi32> to vector<16xi32>
      %get3A_1627 = arith.constant 1 : i32
      %get3A_1628 = arith.constant 1 : i32
      %get3A_1629 = arith.index_cast %get3A_1627 : i32 to index
      %get3A_1630 = arith.index_cast %get3A_1628 : i32 to index
      %get3A_1631 = arith.constant 320 : index
      %get3A_1632 = tpu.vector_load %arg11[%get3A_1629, %get3A_1630, %get3A_1631] {strides = array<i32>} : memref<2x2x512xi32, #tpu.memory_space<vmem>>, vector<1x1x16xi32>,
      %get3A_1633 = vector.shape_cast %get3A_1632 : vector<1x1x16xi32> to vector<16xi32>
      %eq3A_1634 = arith.cmpi eq, %get3A_1626, %get3A_1633 : vector<16xi32>
      %jit3A_1635 = arith.constant 10752 : i32
      %jit3A_1636 = arith.constant 0 : i32
      %broadcast_in_dim3A_1637 = vector.broadcast %jit3A_1635 : i32 to vector<16xi32>
      %broadcast_in_dim3A_1638 = vector.broadcast %jit3A_1636 : i32 to vector<16xi32>
      %select_n3A_1639 = arith.select %eq3A_1634, %broadcast_in_dim3A_1637, %broadcast_in_dim3A_1638 : vector<16xi1>, vector<16xi32>
      %add3A_1640 = arith.addi %get3A_1633, %select_n3A_1639 : vector<16xi32>
      %swap3A_1641 = arith.constant 1 : i32
      %swap3A_1642 = arith.index_cast %swap3A_1641 : i32 to index
      %swap3A_1643 = arith.constant 320 : index
      %swap3A_1644 = tpu.vector_load %arg12[%swap3A_1642, %swap3A_1643] {strides = array<i32>} : memref<2x512xi32, #tpu.memory_space<vmem>>, vector<1x16xi32>,
      %swap3A_1645 = vector.shape_cast %swap3A_1644 : vector<1x16xi32> to vector<16xi32>
      %swap3A_1646 = vector.shape_cast %add3A_1640 : vector<16xi32> to vector<1x16xi32>
      tpu.vector_store %arg12[%swap3A_1642, %swap3A_1643], %swap3A_1646 {strides = array<i32>} : memref<2x512xi32, #tpu.memory_space<vmem>>, vector<1x16xi32>,
      %get3A_1647 = arith.constant 1 : i32
      %get3A_1648 = arith.constant 0 : i32
      %get3A_1649 = arith.index_cast %get3A_1647 : i32 to index
      %get3A_1650 = arith.index_cast %get3A_1648 : i32 to index
      %get3A_1651 = arith.constant 336 : index
      %get3A_1652 = tpu.vector_load %arg11[%get3A_1649, %get3A_1650, %get3A_1651] {strides = array<i32>} : memref<2x2x512xi32, #tpu.memory_space<vmem>>, vector<1x1x16xi32>,
      %get3A_1653 = vector.shape_cast %get3A_1652 : vector<1x1x16xi32> to vector<16xi32>
      %get3A_1654 = arith.constant 1 : i32
      %get3A_1655 = arith.constant 1 : i32
      %get3A_1656 = arith.index_cast %get3A_1654 : i32 to index
      %get3A_1657 = arith.index_cast %get3A_1655 : i32 to index
      %get3A_1658 = arith.constant 336 : index
      %get3A_1659 = tpu.vector_load %arg11[%get3A_1656, %get3A_1657, %get3A_1658] {strides = array<i32>} : memref<2x2x512xi32, #tpu.memory_space<vmem>>, vector<1x1x16xi32>,
      %get3A_1660 = vector.shape_cast %get3A_1659 : vector<1x1x16xi32> to vector<16xi32>
      %eq3A_1661 = arith.cmpi eq, %get3A_1653, %get3A_1660 : vector<16xi32>
      %jit3A_1662 = arith.constant 10752 : i32
      %jit3A_1663 = arith.constant 0 : i32
      %broadcast_in_dim3A_1664 = vector.broadcast %jit3A_1662 : i32 to vector<16xi32>
      %broadcast_in_dim3A_1665 = vector.broadcast %jit3A_1663 : i32 to vector<16xi32>
      %select_n3A_1666 = arith.select %eq3A_1661, %broadcast_in_dim3A_1664, %broadcast_in_dim3A_1665 : vector<16xi1>, vector<16xi32>
      %add3A_1667 = arith.addi %get3A_1660, %select_n3A_1666 : vector<16xi32>
      %swap3A_1668 = arith.constant 1 : i32
      %swap3A_1669 = arith.index_cast %swap3A_1668 : i32 to index
      %swap3A_1670 = arith.constant 336 : index
      %swap3A_1671 = tpu.vector_load %arg12[%swap3A_1669, %swap3A_1670] {strides = array<i32>} : memref<2x512xi32, #tpu.memory_space<vmem>>, vector<1x16xi32>,
      %swap3A_1672 = vector.shape_cast %swap3A_1671 : vector<1x16xi32> to vector<16xi32>
      %swap3A_1673 = vector.shape_cast %add3A_1667 : vector<16xi32> to vector<1x16xi32>
      tpu.vector_store %arg12[%swap3A_1669, %swap3A_1670], %swap3A_1673 {strides = array<i32>} : memref<2x512xi32, #tpu.memory_space<vmem>>, vector<1x16xi32>,
      %get3A_1674 = arith.constant 1 : i32
      %get3A_1675 = arith.constant 0 : i32
      %get3A_1676 = arith.index_cast %get3A_1674 : i32 to index
      %get3A_1677 = arith.index_cast %get3A_1675 : i32 to index
      %get3A_1678 = arith.constant 352 : index
      %get3A_1679 = tpu.vector_load %arg11[%get3A_1676, %get3A_1677, %get3A_1678] {strides = array<i32>} : memref<2x2x512xi32, #tpu.memory_space<vmem>>, vector<1x1x16xi32>,
      %get3A_1680 = vector.shape_cast %get3A_1679 : vector<1x1x16xi32> to vector<16xi32>
      %get3A_1681 = arith.constant 1 : i32
      %get3A_1682 = arith.constant 1 : i32
      %get3A_1683 = arith.index_cast %get3A_1681 : i32 to index
      %get3A_1684 = arith.index_cast %get3A_1682 : i32 to index
      %get3A_1685 = arith.constant 352 : index
      %get3A_1686 = tpu.vector_load %arg11[%get3A_1683, %get3A_1684, %get3A_1685] {strides = array<i32>} : memref<2x2x512xi32, #tpu.memory_space<vmem>>, vector<1x1x16xi32>,
      %get3A_1687 = vector.shape_cast %get3A_1686 : vector<1x1x16xi32> to vector<16xi32>
      %eq3A_1688 = arith.cmpi eq, %get3A_1680, %get3A_1687 : vector<16xi32>
      %jit3A_1689 = arith.constant 10752 : i32
      %jit3A_1690 = arith.constant 0 : i32
      %broadcast_in_dim3A_1691 = vector.broadcast %jit3A_1689 : i32 to vector<16xi32>
      %broadcast_in_dim3A_1692 = vector.broadcast %jit3A_1690 : i32 to vector<16xi32>
      %select_n3A_1693 = arith.select %eq3A_1688, %broadcast_in_dim3A_1691, %broadcast_in_dim3A_1692 : vector<16xi1>, vector<16xi32>
      %add3A_1694 = arith.addi %get3A_1687, %select_n3A_1693 : vector<16xi32>
      %swap3A_1695 = arith.constant 1 : i32
      %swap3A_1696 = arith.index_cast %swap3A_1695 : i32 to index
      %swap3A_1697 = arith.constant 352 : index
      %swap3A_1698 = tpu.vector_load %arg12[%swap3A_1696, %swap3A_1697] {strides = array<i32>} : memref<2x512xi32, #tpu.memory_space<vmem>>, vector<1x16xi32>,
      %swap3A_1699 = vector.shape_cast %swap3A_1698 : vector<1x16xi32> to vector<16xi32>
      %swap3A_1700 = vector.shape_cast %add3A_1694 : vector<16xi32> to vector<1x16xi32>
      tpu.vector_store %arg12[%swap3A_1696, %swap3A_1697], %swap3A_1700 {strides = array<i32>} : memref<2x512xi32, #tpu.memory_space<vmem>>, vector<1x16xi32>,
      %get3A_1701 = arith.constant 1 : i32
      %get3A_1702 = arith.constant 0 : i32
      %get3A_1703 = arith.index_cast %get3A_1701 : i32 to index
      %get3A_1704 = arith.index_cast %get3A_1702 : i32 to index
      %get3A_1705 = arith.constant 368 : index
      %get3A_1706 = tpu.vector_load %arg11[%get3A_1703, %get3A_1704, %get3A_1705] {strides = array<i32>} : memref<2x2x512xi32, #tpu.memory_space<vmem>>, vector<1x1x16xi32>,
      %get3A_1707 = vector.shape_cast %get3A_1706 : vector<1x1x16xi32> to vector<16xi32>
      %get3A_1708 = arith.constant 1 : i32
      %get3A_1709 = arith.constant 1 : i32
      %get3A_1710 = arith.index_cast %get3A_1708 : i32 to index
      %get3A_1711 = arith.index_cast %get3A_1709 : i32 to index
      %get3A_1712 = arith.constant 368 : index
      %get3A_1713 = tpu.vector_load %arg11[%get3A_1710, %get3A_1711, %get3A_1712] {strides = array<i32>} : memref<2x2x512xi32, #tpu.memory_space<vmem>>, vector<1x1x16xi32>,
      %get3A_1714 = vector.shape_cast %get3A_1713 : vector<1x1x16xi32> to vector<16xi32>
      %eq3A_1715 = arith.cmpi eq, %get3A_1707, %get3A_1714 : vector<16xi32>
      %jit3A_1716 = arith.constant 10752 : i32
      %jit3A_1717 = arith.constant 0 : i32
      %broadcast_in_dim3A_1718 = vector.broadcast %jit3A_1716 : i32 to vector<16xi32>
      %broadcast_in_dim3A_1719 = vector.broadcast %jit3A_1717 : i32 to vector<16xi32>
      %select_n3A_1720 = arith.select %eq3A_1715, %broadcast_in_dim3A_1718, %broadcast_in_dim3A_1719 : vector<16xi1>, vector<16xi32>
      %add3A_1721 = arith.addi %get3A_1714, %select_n3A_1720 : vector<16xi32>
      %swap3A_1722 = arith.constant 1 : i32
      %swap3A_1723 = arith.index_cast %swap3A_1722 : i32 to index
      %swap3A_1724 = arith.constant 368 : index
      %swap3A_1725 = tpu.vector_load %arg12[%swap3A_1723, %swap3A_1724] {strides = array<i32>} : memref<2x512xi32, #tpu.memory_space<vmem>>, vector<1x16xi32>,
      %swap3A_1726 = vector.shape_cast %swap3A_1725 : vector<1x16xi32> to vector<16xi32>
      %swap3A_1727 = vector.shape_cast %add3A_1721 : vector<16xi32> to vector<1x16xi32>
      tpu.vector_store %arg12[%swap3A_1723, %swap3A_1724], %swap3A_1727 {strides = array<i32>} : memref<2x512xi32, #tpu.memory_space<vmem>>, vector<1x16xi32>,
      %get3A_1728 = arith.constant 1 : i32
      %get3A_1729 = arith.constant 0 : i32
      %get3A_1730 = arith.index_cast %get3A_1728 : i32 to index
      %get3A_1731 = arith.index_cast %get3A_1729 : i32 to index
      %get3A_1732 = arith.constant 384 : index
      %get3A_1733 = tpu.vector_load %arg11[%get3A_1730, %get3A_1731, %get3A_1732] {strides = array<i32>} : memref<2x2x512xi32, #tpu.memory_space<vmem>>, vector<1x1x16xi32>,
      %get3A_1734 = vector.shape_cast %get3A_1733 : vector<1x1x16xi32> to vector<16xi32>
      %get3A_1735 = arith.constant 1 : i32
      %get3A_1736 = arith.constant 1 : i32
      %get3A_1737 = arith.index_cast %get3A_1735 : i32 to index
      %get3A_1738 = arith.index_cast %get3A_1736 : i32 to index
      %get3A_1739 = arith.constant 384 : index
      %get3A_1740 = tpu.vector_load %arg11[%get3A_1737, %get3A_1738, %get3A_1739] {strides = array<i32>} : memref<2x2x512xi32, #tpu.memory_space<vmem>>, vector<1x1x16xi32>,
      %get3A_1741 = vector.shape_cast %get3A_1740 : vector<1x1x16xi32> to vector<16xi32>
      %eq3A_1742 = arith.cmpi eq, %get3A_1734, %get3A_1741 : vector<16xi32>
      %jit3A_1743 = arith.constant 10752 : i32
      %jit3A_1744 = arith.constant 0 : i32
      %broadcast_in_dim3A_1745 = vector.broadcast %jit3A_1743 : i32 to vector<16xi32>
      %broadcast_in_dim3A_1746 = vector.broadcast %jit3A_1744 : i32 to vector<16xi32>
      %select_n3A_1747 = arith.select %eq3A_1742, %broadcast_in_dim3A_1745, %broadcast_in_dim3A_1746 : vector<16xi1>, vector<16xi32>
      %add3A_1748 = arith.addi %get3A_1741, %select_n3A_1747 : vector<16xi32>
      %swap3A_1749 = arith.constant 1 : i32
      %swap3A_1750 = arith.index_cast %swap3A_1749 : i32 to index
      %swap3A_1751 = arith.constant 384 : index
      %swap3A_1752 = tpu.vector_load %arg12[%swap3A_1750, %swap3A_1751] {strides = array<i32>} : memref<2x512xi32, #tpu.memory_space<vmem>>, vector<1x16xi32>,
      %swap3A_1753 = vector.shape_cast %swap3A_1752 : vector<1x16xi32> to vector<16xi32>
      %swap3A_1754 = vector.shape_cast %add3A_1748 : vector<16xi32> to vector<1x16xi32>
      tpu.vector_store %arg12[%swap3A_1750, %swap3A_1751], %swap3A_1754 {strides = array<i32>} : memref<2x512xi32, #tpu.memory_space<vmem>>, vector<1x16xi32>,
      %get3A_1755 = arith.constant 1 : i32
      %get3A_1756 = arith.constant 0 : i32
      %get3A_1757 = arith.index_cast %get3A_1755 : i32 to index
      %get3A_1758 = arith.index_cast %get3A_1756 : i32 to index
      %get3A_1759 = arith.constant 400 : index
      %get3A_1760 = tpu.vector_load %arg11[%get3A_1757, %get3A_1758, %get3A_1759] {strides = array<i32>} : memref<2x2x512xi32, #tpu.memory_space<vmem>>, vector<1x1x16xi32>,
      %get3A_1761 = vector.shape_cast %get3A_1760 : vector<1x1x16xi32> to vector<16xi32>
      %get3A_1762 = arith.constant 1 : i32
      %get3A_1763 = arith.constant 1 : i32
      %get3A_1764 = arith.index_cast %get3A_1762 : i32 to index
      %get3A_1765 = arith.index_cast %get3A_1763 : i32 to index
      %get3A_1766 = arith.constant 400 : index
      %get3A_1767 = tpu.vector_load %arg11[%get3A_1764, %get3A_1765, %get3A_1766] {strides = array<i32>} : memref<2x2x512xi32, #tpu.memory_space<vmem>>, vector<1x1x16xi32>,
      %get3A_1768 = vector.shape_cast %get3A_1767 : vector<1x1x16xi32> to vector<16xi32>
      %eq3A_1769 = arith.cmpi eq, %get3A_1761, %get3A_1768 : vector<16xi32>
      %jit3A_1770 = arith.constant 10752 : i32
      %jit3A_1771 = arith.constant 0 : i32
      %broadcast_in_dim3A_1772 = vector.broadcast %jit3A_1770 : i32 to vector<16xi32>
      %broadcast_in_dim3A_1773 = vector.broadcast %jit3A_1771 : i32 to vector<16xi32>
      %select_n3A_1774 = arith.select %eq3A_1769, %broadcast_in_dim3A_1772, %broadcast_in_dim3A_1773 : vector<16xi1>, vector<16xi32>
      %add3A_1775 = arith.addi %get3A_1768, %select_n3A_1774 : vector<16xi32>
      %swap3A_1776 = arith.constant 1 : i32
      %swap3A_1777 = arith.index_cast %swap3A_1776 : i32 to index
      %swap3A_1778 = arith.constant 400 : index
      %swap3A_1779 = tpu.vector_load %arg12[%swap3A_1777, %swap3A_1778] {strides = array<i32>} : memref<2x512xi32, #tpu.memory_space<vmem>>, vector<1x16xi32>,
      %swap3A_1780 = vector.shape_cast %swap3A_1779 : vector<1x16xi32> to vector<16xi32>
      %swap3A_1781 = vector.shape_cast %add3A_1775 : vector<16xi32> to vector<1x16xi32>
      tpu.vector_store %arg12[%swap3A_1777, %swap3A_1778], %swap3A_1781 {strides = array<i32>} : memref<2x512xi32, #tpu.memory_space<vmem>>, vector<1x16xi32>,
      %get3A_1782 = arith.constant 1 : i32
      %get3A_1783 = arith.constant 0 : i32
      %get3A_1784 = arith.index_cast %get3A_1782 : i32 to index
      %get3A_1785 = arith.index_cast %get3A_1783 : i32 to index
      %get3A_1786 = arith.constant 416 : index
      %get3A_1787 = tpu.vector_load %arg11[%get3A_1784, %get3A_1785, %get3A_1786] {strides = array<i32>} : memref<2x2x512xi32, #tpu.memory_space<vmem>>, vector<1x1x16xi32>,
      %get3A_1788 = vector.shape_cast %get3A_1787 : vector<1x1x16xi32> to vector<16xi32>
      %get3A_1789 = arith.constant 1 : i32
      %get3A_1790 = arith.constant 1 : i32
      %get3A_1791 = arith.index_cast %get3A_1789 : i32 to index
      %get3A_1792 = arith.index_cast %get3A_1790 : i32 to index
      %get3A_1793 = arith.constant 416 : index
      %get3A_1794 = tpu.vector_load %arg11[%get3A_1791, %get3A_1792, %get3A_1793] {strides = array<i32>} : memref<2x2x512xi32, #tpu.memory_space<vmem>>, vector<1x1x16xi32>,
      %get3A_1795 = vector.shape_cast %get3A_1794 : vector<1x1x16xi32> to vector<16xi32>
      %eq3A_1796 = arith.cmpi eq, %get3A_1788, %get3A_1795 : vector<16xi32>
      %jit3A_1797 = arith.constant 10752 : i32
      %jit3A_1798 = arith.constant 0 : i32
      %broadcast_in_dim3A_1799 = vector.broadcast %jit3A_1797 : i32 to vector<16xi32>
      %broadcast_in_dim3A_1800 = vector.broadcast %jit3A_1798 : i32 to vector<16xi32>
      %select_n3A_1801 = arith.select %eq3A_1796, %broadcast_in_dim3A_1799, %broadcast_in_dim3A_1800 : vector<16xi1>, vector<16xi32>
      %add3A_1802 = arith.addi %get3A_1795, %select_n3A_1801 : vector<16xi32>
      %swap3A_1803 = arith.constant 1 : i32
      %swap3A_1804 = arith.index_cast %swap3A_1803 : i32 to index
      %swap3A_1805 = arith.constant 416 : index
      %swap3A_1806 = tpu.vector_load %arg12[%swap3A_1804, %swap3A_1805] {strides = array<i32>} : memref<2x512xi32, #tpu.memory_space<vmem>>, vector<1x16xi32>,
      %swap3A_1807 = vector.shape_cast %swap3A_1806 : vector<1x16xi32> to vector<16xi32>
      %swap3A_1808 = vector.shape_cast %add3A_1802 : vector<16xi32> to vector<1x16xi32>
      tpu.vector_store %arg12[%swap3A_1804, %swap3A_1805], %swap3A_1808 {strides = array<i32>} : memref<2x512xi32, #tpu.memory_space<vmem>>, vector<1x16xi32>,
      %get3A_1809 = arith.constant 1 : i32
      %get3A_1810 = arith.constant 0 : i32
      %get3A_1811 = arith.index_cast %get3A_1809 : i32 to index
      %get3A_1812 = arith.index_cast %get3A_1810 : i32 to index
      %get3A_1813 = arith.constant 432 : index
      %get3A_1814 = tpu.vector_load %arg11[%get3A_1811, %get3A_1812, %get3A_1813] {strides = array<i32>} : memref<2x2x512xi32, #tpu.memory_space<vmem>>, vector<1x1x16xi32>,
      %get3A_1815 = vector.shape_cast %get3A_1814 : vector<1x1x16xi32> to vector<16xi32>
      %get3A_1816 = arith.constant 1 : i32
      %get3A_1817 = arith.constant 1 : i32
      %get3A_1818 = arith.index_cast %get3A_1816 : i32 to index
      %get3A_1819 = arith.index_cast %get3A_1817 : i32 to index
      %get3A_1820 = arith.constant 432 : index
      %get3A_1821 = tpu.vector_load %arg11[%get3A_1818, %get3A_1819, %get3A_1820] {strides = array<i32>} : memref<2x2x512xi32, #tpu.memory_space<vmem>>, vector<1x1x16xi32>,
      %get3A_1822 = vector.shape_cast %get3A_1821 : vector<1x1x16xi32> to vector<16xi32>
      %eq3A_1823 = arith.cmpi eq, %get3A_1815, %get3A_1822 : vector<16xi32>
      %jit3A_1824 = arith.constant 10752 : i32
      %jit3A_1825 = arith.constant 0 : i32
      %broadcast_in_dim3A_1826 = vector.broadcast %jit3A_1824 : i32 to vector<16xi32>
      %broadcast_in_dim3A_1827 = vector.broadcast %jit3A_1825 : i32 to vector<16xi32>
      %select_n3A_1828 = arith.select %eq3A_1823, %broadcast_in_dim3A_1826, %broadcast_in_dim3A_1827 : vector<16xi1>, vector<16xi32>
      %add3A_1829 = arith.addi %get3A_1822, %select_n3A_1828 : vector<16xi32>
      %swap3A_1830 = arith.constant 1 : i32
      %swap3A_1831 = arith.index_cast %swap3A_1830 : i32 to index
      %swap3A_1832 = arith.constant 432 : index
      %swap3A_1833 = tpu.vector_load %arg12[%swap3A_1831, %swap3A_1832] {strides = array<i32>} : memref<2x512xi32, #tpu.memory_space<vmem>>, vector<1x16xi32>,
      %swap3A_1834 = vector.shape_cast %swap3A_1833 : vector<1x16xi32> to vector<16xi32>
      %swap3A_1835 = vector.shape_cast %add3A_1829 : vector<16xi32> to vector<1x16xi32>
      tpu.vector_store %arg12[%swap3A_1831, %swap3A_1832], %swap3A_1835 {strides = array<i32>} : memref<2x512xi32, #tpu.memory_space<vmem>>, vector<1x16xi32>,
      %get3A_1836 = arith.constant 1 : i32
      %get3A_1837 = arith.constant 0 : i32
      %get3A_1838 = arith.index_cast %get3A_1836 : i32 to index
      %get3A_1839 = arith.index_cast %get3A_1837 : i32 to index
      %get3A_1840 = arith.constant 448 : index
      %get3A_1841 = tpu.vector_load %arg11[%get3A_1838, %get3A_1839, %get3A_1840] {strides = array<i32>} : memref<2x2x512xi32, #tpu.memory_space<vmem>>, vector<1x1x16xi32>,
      %get3A_1842 = vector.shape_cast %get3A_1841 : vector<1x1x16xi32> to vector<16xi32>
      %get3A_1843 = arith.constant 1 : i32
      %get3A_1844 = arith.constant 1 : i32
      %get3A_1845 = arith.index_cast %get3A_1843 : i32 to index
      %get3A_1846 = arith.index_cast %get3A_1844 : i32 to index
      %get3A_1847 = arith.constant 448 : index
      %get3A_1848 = tpu.vector_load %arg11[%get3A_1845, %get3A_1846, %get3A_1847] {strides = array<i32>} : memref<2x2x512xi32, #tpu.memory_space<vmem>>, vector<1x1x16xi32>,
      %get3A_1849 = vector.shape_cast %get3A_1848 : vector<1x1x16xi32> to vector<16xi32>
      %eq3A_1850 = arith.cmpi eq, %get3A_1842, %get3A_1849 : vector<16xi32>
      %jit3A_1851 = arith.constant 10752 : i32
      %jit3A_1852 = arith.constant 0 : i32
      %broadcast_in_dim3A_1853 = vector.broadcast %jit3A_1851 : i32 to vector<16xi32>
      %broadcast_in_dim3A_1854 = vector.broadcast %jit3A_1852 : i32 to vector<16xi32>
      %select_n3A_1855 = arith.select %eq3A_1850, %broadcast_in_dim3A_1853, %broadcast_in_dim3A_1854 : vector<16xi1>, vector<16xi32>
      %add3A_1856 = arith.addi %get3A_1849, %select_n3A_1855 : vector<16xi32>
      %swap3A_1857 = arith.constant 1 : i32
      %swap3A_1858 = arith.index_cast %swap3A_1857 : i32 to index
      %swap3A_1859 = arith.constant 448 : index
      %swap3A_1860 = tpu.vector_load %arg12[%swap3A_1858, %swap3A_1859] {strides = array<i32>} : memref<2x512xi32, #tpu.memory_space<vmem>>, vector<1x16xi32>,
      %swap3A_1861 = vector.shape_cast %swap3A_1860 : vector<1x16xi32> to vector<16xi32>
      %swap3A_1862 = vector.shape_cast %add3A_1856 : vector<16xi32> to vector<1x16xi32>
      tpu.vector_store %arg12[%swap3A_1858, %swap3A_1859], %swap3A_1862 {strides = array<i32>} : memref<2x512xi32, #tpu.memory_space<vmem>>, vector<1x16xi32>,
      %get3A_1863 = arith.constant 1 : i32
      %get3A_1864 = arith.constant 0 : i32
      %get3A_1865 = arith.index_cast %get3A_1863 : i32 to index
      %get3A_1866 = arith.index_cast %get3A_1864 : i32 to index
      %get3A_1867 = arith.constant 464 : index
      %get3A_1868 = tpu.vector_load %arg11[%get3A_1865, %get3A_1866, %get3A_1867] {strides = array<i32>} : memref<2x2x512xi32, #tpu.memory_space<vmem>>, vector<1x1x16xi32>,
      %get3A_1869 = vector.shape_cast %get3A_1868 : vector<1x1x16xi32> to vector<16xi32>
      %get3A_1870 = arith.constant 1 : i32
      %get3A_1871 = arith.constant 1 : i32
      %get3A_1872 = arith.index_cast %get3A_1870 : i32 to index
      %get3A_1873 = arith.index_cast %get3A_1871 : i32 to index
      %get3A_1874 = arith.constant 464 : index
      %get3A_1875 = tpu.vector_load %arg11[%get3A_1872, %get3A_1873, %get3A_1874] {strides = array<i32>} : memref<2x2x512xi32, #tpu.memory_space<vmem>>, vector<1x1x16xi32>,
      %get3A_1876 = vector.shape_cast %get3A_1875 : vector<1x1x16xi32> to vector<16xi32>
      %eq3A_1877 = arith.cmpi eq, %get3A_1869, %get3A_1876 : vector<16xi32>
      %jit3A_1878 = arith.constant 10752 : i32
      %jit3A_1879 = arith.constant 0 : i32
      %broadcast_in_dim3A_1880 = vector.broadcast %jit3A_1878 : i32 to vector<16xi32>
      %broadcast_in_dim3A_1881 = vector.broadcast %jit3A_1879 : i32 to vector<16xi32>
      %select_n3A_1882 = arith.select %eq3A_1877, %broadcast_in_dim3A_1880, %broadcast_in_dim3A_1881 : vector<16xi1>, vector<16xi32>
      %add3A_1883 = arith.addi %get3A_1876, %select_n3A_1882 : vector<16xi32>
      %swap3A_1884 = arith.constant 1 : i32
      %swap3A_1885 = arith.index_cast %swap3A_1884 : i32 to index
      %swap3A_1886 = arith.constant 464 : index
      %swap3A_1887 = tpu.vector_load %arg12[%swap3A_1885, %swap3A_1886] {strides = array<i32>} : memref<2x512xi32, #tpu.memory_space<vmem>>, vector<1x16xi32>,
      %swap3A_1888 = vector.shape_cast %swap3A_1887 : vector<1x16xi32> to vector<16xi32>
      %swap3A_1889 = vector.shape_cast %add3A_1883 : vector<16xi32> to vector<1x16xi32>
      tpu.vector_store %arg12[%swap3A_1885, %swap3A_1886], %swap3A_1889 {strides = array<i32>} : memref<2x512xi32, #tpu.memory_space<vmem>>, vector<1x16xi32>,
      %get3A_1890 = arith.constant 1 : i32
      %get3A_1891 = arith.constant 0 : i32
      %get3A_1892 = arith.index_cast %get3A_1890 : i32 to index
      %get3A_1893 = arith.index_cast %get3A_1891 : i32 to index
      %get3A_1894 = arith.constant 480 : index
      %get3A_1895 = tpu.vector_load %arg11[%get3A_1892, %get3A_1893, %get3A_1894] {strides = array<i32>} : memref<2x2x512xi32, #tpu.memory_space<vmem>>, vector<1x1x16xi32>,
      %get3A_1896 = vector.shape_cast %get3A_1895 : vector<1x1x16xi32> to vector<16xi32>
      %get3A_1897 = arith.constant 1 : i32
      %get3A_1898 = arith.constant 1 : i32
      %get3A_1899 = arith.index_cast %get3A_1897 : i32 to index
      %get3A_1900 = arith.index_cast %get3A_1898 : i32 to index
      %get3A_1901 = arith.constant 480 : index
      %get3A_1902 = tpu.vector_load %arg11[%get3A_1899, %get3A_1900, %get3A_1901] {strides = array<i32>} : memref<2x2x512xi32, #tpu.memory_space<vmem>>, vector<1x1x16xi32>,
      %get3A_1903 = vector.shape_cast %get3A_1902 : vector<1x1x16xi32> to vector<16xi32>
      %eq3A_1904 = arith.cmpi eq, %get3A_1896, %get3A_1903 : vector<16xi32>
      %jit3A_1905 = arith.constant 10752 : i32
      %jit3A_1906 = arith.constant 0 : i32
      %broadcast_in_dim3A_1907 = vector.broadcast %jit3A_1905 : i32 to vector<16xi32>
      %broadcast_in_dim3A_1908 = vector.broadcast %jit3A_1906 : i32 to vector<16xi32>
      %select_n3A_1909 = arith.select %eq3A_1904, %broadcast_in_dim3A_1907, %broadcast_in_dim3A_1908 : vector<16xi1>, vector<16xi32>
      %add3A_1910 = arith.addi %get3A_1903, %select_n3A_1909 : vector<16xi32>
      %swap3A_1911 = arith.constant 1 : i32
      %swap3A_1912 = arith.index_cast %swap3A_1911 : i32 to index
      %swap3A_1913 = arith.constant 480 : index
      %swap3A_1914 = tpu.vector_load %arg12[%swap3A_1912, %swap3A_1913] {strides = array<i32>} : memref<2x512xi32, #tpu.memory_space<vmem>>, vector<1x16xi32>,
      %swap3A_1915 = vector.shape_cast %swap3A_1914 : vector<1x16xi32> to vector<16xi32>
      %swap3A_1916 = vector.shape_cast %add3A_1910 : vector<16xi32> to vector<1x16xi32>
      tpu.vector_store %arg12[%swap3A_1912, %swap3A_1913], %swap3A_1916 {strides = array<i32>} : memref<2x512xi32, #tpu.memory_space<vmem>>, vector<1x16xi32>,
      %get3A_1917 = arith.constant 1 : i32
      %get3A_1918 = arith.constant 0 : i32
      %get3A_1919 = arith.index_cast %get3A_1917 : i32 to index
      %get3A_1920 = arith.index_cast %get3A_1918 : i32 to index
      %get3A_1921 = arith.constant 496 : index
      %get3A_1922 = tpu.vector_load %arg11[%get3A_1919, %get3A_1920, %get3A_1921] {strides = array<i32>} : memref<2x2x512xi32, #tpu.memory_space<vmem>>, vector<1x1x16xi32>,
      %get3A_1923 = vector.shape_cast %get3A_1922 : vector<1x1x16xi32> to vector<16xi32>
      %get3A_1924 = arith.constant 1 : i32
      %get3A_1925 = arith.constant 1 : i32
      %get3A_1926 = arith.index_cast %get3A_1924 : i32 to index
      %get3A_1927 = arith.index_cast %get3A_1925 : i32 to index
      %get3A_1928 = arith.constant 496 : index
      %get3A_1929 = tpu.vector_load %arg11[%get3A_1926, %get3A_1927, %get3A_1928] {strides = array<i32>} : memref<2x2x512xi32, #tpu.memory_space<vmem>>, vector<1x1x16xi32>,
      %get3A_1930 = vector.shape_cast %get3A_1929 : vector<1x1x16xi32> to vector<16xi32>
      %eq3A_1931 = arith.cmpi eq, %get3A_1923, %get3A_1930 : vector<16xi32>
      %jit3A_1932 = arith.constant 10752 : i32
      %jit3A_1933 = arith.constant 0 : i32
      %broadcast_in_dim3A_1934 = vector.broadcast %jit3A_1932 : i32 to vector<16xi32>
      %broadcast_in_dim3A_1935 = vector.broadcast %jit3A_1933 : i32 to vector<16xi32>
      %select_n3A_1936 = arith.select %eq3A_1931, %broadcast_in_dim3A_1934, %broadcast_in_dim3A_1935 : vector<16xi1>, vector<16xi32>
      %add3A_1937 = arith.addi %get3A_1930, %select_n3A_1936 : vector<16xi32>
      %swap3A_1938 = arith.constant 1 : i32
      %swap3A_1939 = arith.index_cast %swap3A_1938 : i32 to index
      %swap3A_1940 = arith.constant 496 : index
      %swap3A_1941 = tpu.vector_load %arg12[%swap3A_1939, %swap3A_1940] {strides = array<i32>} : memref<2x512xi32, #tpu.memory_space<vmem>>, vector<1x16xi32>,
      %swap3A_1942 = vector.shape_cast %swap3A_1941 : vector<1x16xi32> to vector<16xi32>
      %swap3A_1943 = vector.shape_cast %add3A_1937 : vector<16xi32> to vector<1x16xi32>
      tpu.vector_store %arg12[%swap3A_1939, %swap3A_1940], %swap3A_1943 {strides = array<i32>} : memref<2x512xi32, #tpu.memory_space<vmem>>, vector<1x16xi32>,
      %dma_wait3A_1944 = arith.constant 1 : i32
      %dma_wait3A_1945 = arith.constant 0 : i32
      %dma_wait3A_1946 = arith.constant 1 : i32
      %dma_wait3A_1947 = arith.constant 0 : i32
      %dma_wait3A_1948 = arith.constant 0 : i32
      %dma_wait3A_1949 = tpu.memref_slice %arg13[%dma_wait3A_1946, %dma_wait3A_1947, %dma_wait3A_1948] : memref<2x512x32xf32, #tpu.memory_space<vmem>> -> memref<1x512x32xf32, #tpu.memory_space<vmem>>
      %dma_wait3A_1950 = tpu.memref_squeeze %dma_wait3A_1949 : memref<1x512x32xf32, #tpu.memory_space<vmem>> -> memref<512x32xf32, #tpu.memory_space<vmem>>
      %dma_wait3A_1951 = arith.constant 0 : i32
      %dma_wait3A_1952 = tpu.memref_slice %arg11[%dma_wait3A_1944, %dma_wait3A_1945, %dma_wait3A_1951] : memref<2x2x512xi32, #tpu.memory_space<vmem>> -> memref<1x1x512xi32, #tpu.memory_space<vmem>>
      %dma_wait3A_1953 = tpu.memref_squeeze %dma_wait3A_1952 : memref<1x1x512xi32, #tpu.memory_space<vmem>> -> memref<512xi32, #tpu.memory_space<vmem>>
      %dma_wait3A_1954 = arith.constant 0 : i32
      %dma_wait3A_1955 = arith.constant 0 : i32
      %dma_wait3A_1956 = tpu.memref_slice %arg2[%dma_wait3A_1954, %dma_wait3A_1955] : memref<10752x32xf32, #tpu.memory_space<hbm>> -> memref<10752x32xf32, #tpu.memory_space<hbm>>
      tpu.wait_indirect_dma semaphore(%arg18 : memref<!tpu.dma_semaphore, #tpu.memory_space<semaphore_mem>>) src(%dma_wait3A_1956 : memref<10752x32xf32, #tpu.memory_space<hbm>>) dst(%dma_wait3A_1950 : memref<512x32xf32, #tpu.memory_space<vmem>>)
      %dma_start3A_1957 = arith.constant 1 : i32
      %dma_start3A_1958 = arith.constant 1 : i32
      %dma_start3A_1959 = arith.constant 1 : i32
      %dma_start3A_1960 = arith.constant 0 : i32
      %dma_start3A_1961 = arith.constant 0 : i32
      %dma_start3A_1962 = tpu.memref_slice %arg13[%dma_start3A_1957, %dma_start3A_1960, %dma_start3A_1961] : memref<2x512x32xf32, #tpu.memory_space<vmem>> -> memref<1x512x32xf32, #tpu.memory_space<vmem>>
      %dma_start3A_1963 = tpu.memref_squeeze %dma_start3A_1962 : memref<1x512x32xf32, #tpu.memory_space<vmem>> -> memref<512x32xf32, #tpu.memory_space<vmem>>
      %dma_start3A_1964 = arith.constant 0 : i32
      %dma_start3A_1965 = tpu.memref_slice %arg11[%dma_start3A_1958, %dma_start3A_1959, %dma_start3A_1964] : memref<2x2x512xi32, #tpu.memory_space<vmem>> -> memref<1x1x512xi32, #tpu.memory_space<vmem>>
      %dma_start3A_1966 = tpu.memref_squeeze %dma_start3A_1965 : memref<1x1x512xi32, #tpu.memory_space<vmem>> -> memref<512xi32, #tpu.memory_space<vmem>>
      %dma_start3A_1967 = arith.constant 0 : i32
      %dma_start3A_1968 = arith.constant 0 : i32
      %dma_start3A_1969 = tpu.memref_slice %arg9[%dma_start3A_1967, %dma_start3A_1968] : memref<10752x32xf32, #tpu.memory_space<vmem_shared>> -> memref<10752x32xf32, #tpu.memory_space<vmem_shared>>
      tpu.enqueue_indirect_dma source(%dma_start3A_1963 : memref<512x32xf32, #tpu.memory_space<vmem>>) target(%dma_start3A_1969 : memref<10752x32xf32, #tpu.memory_space<vmem_shared>>) offsets(%dma_start3A_1966 : memref<512xi32, #tpu.memory_space<vmem>>) semaphore(%arg20 : memref<!tpu.dma_semaphore, #tpu.memory_space<semaphore_mem>>) {add = true}
      %dma_start3A_1970 = arith.constant 1 : i32
      %dma_start3A_1971 = arith.constant 0 : i32
      %dma_start3A_1972 = tpu.memref_slice %arg12[%dma_start3A_1970, %dma_start3A_1971] : memref<2x512xi32, #tpu.memory_space<vmem>> -> memref<1x512xi32, #tpu.memory_space<vmem>>
      %dma_start3A_1973 = tpu.memref_squeeze %dma_start3A_1972 : memref<1x512xi32, #tpu.memory_space<vmem>> -> memref<512xi32, #tpu.memory_space<vmem>>
      %dma_start3A_1974 = arith.constant 0 : i32
      %dma_start3A_1975 = arith.constant 0 : i32
      %dma_start3A_1976 = tpu.memref_slice %arg10[%dma_start3A_1974, %dma_start3A_1975] : memref<21504x16xf32, #tpu.memory_space<vmem_shared>> -> memref<21504x16xf32, #tpu.memory_space<vmem_shared>>
      tpu.enqueue_indirect_dma source(%arg14 : memref<512x16xf32, #tpu.memory_space<vmem>>) target(%dma_start3A_1976 : memref<21504x16xf32, #tpu.memory_space<vmem_shared>>) offsets(%dma_start3A_1973 : memref<512xi32, #tpu.memory_space<vmem>>) semaphore(%arg22 : memref<!tpu.dma_semaphore, #tpu.memory_space<semaphore_mem>>) {add = true}
    }
    %dma_wait3A = arith.constant 0 : i32
    %dma_wait3A_29 = arith.constant 0 : i32
    %dma_wait3A_30 = arith.constant 1 : i32
    %dma_wait3A_31 = arith.constant 0 : i32
    %dma_wait3A_32 = arith.constant 0 : i32
    %dma_wait3A_33 = tpu.memref_slice %arg13[%dma_wait3A, %dma_wait3A_31, %dma_wait3A_32] : memref<2x512x32xf32, #tpu.memory_space<vmem>> -> memref<1x512x32xf32, #tpu.memory_space<vmem>>
    %dma_wait3A_34 = tpu.memref_squeeze %dma_wait3A_33 : memref<1x512x32xf32, #tpu.memory_space<vmem>> -> memref<512x32xf32, #tpu.memory_space<vmem>>
    %dma_wait3A_35 = arith.constant 0 : i32
    %dma_wait3A_36 = tpu.memref_slice %arg11[%dma_wait3A_29, %dma_wait3A_30, %dma_wait3A_35] : memref<2x2x512xi32, #tpu.memory_space<vmem>> -> memref<1x1x512xi32, #tpu.memory_space<vmem>>
    %dma_wait3A_37 = tpu.memref_squeeze %dma_wait3A_36 : memref<1x1x512xi32, #tpu.memory_space<vmem>> -> memref<512xi32, #tpu.memory_space<vmem>>
    %dma_wait3A_38 = arith.constant 0 : i32
    %dma_wait3A_39 = arith.constant 0 : i32
    %dma_wait3A_40 = tpu.memref_slice %arg9[%dma_wait3A_38, %dma_wait3A_39] : memref<10752x32xf32, #tpu.memory_space<vmem_shared>> -> memref<10752x32xf32, #tpu.memory_space<vmem_shared>>
    tpu.wait_indirect_dma semaphore(%arg19 : memref<!tpu.dma_semaphore, #tpu.memory_space<semaphore_mem>>) src(%dma_wait3A_34 : memref<512x32xf32, #tpu.memory_space<vmem>>) dst(%dma_wait3A_40 : memref<10752x32xf32, #tpu.memory_space<vmem_shared>>)
    %dma_wait3A_41 = arith.constant 0 : i32
    %dma_wait3A_42 = arith.constant 0 : i32
    %dma_wait3A_43 = tpu.memref_slice %arg12[%dma_wait3A_41, %dma_wait3A_42] : memref<2x512xi32, #tpu.memory_space<vmem>> -> memref<1x512xi32, #tpu.memory_space<vmem>>
    %dma_wait3A_44 = tpu.memref_squeeze %dma_wait3A_43 : memref<1x512xi32, #tpu.memory_space<vmem>> -> memref<512xi32, #tpu.memory_space<vmem>>
    %dma_wait3A_45 = arith.constant 0 : i32
    %dma_wait3A_46 = arith.constant 0 : i32
    %dma_wait3A_47 = tpu.memref_slice %arg10[%dma_wait3A_45, %dma_wait3A_46] : memref<21504x16xf32, #tpu.memory_space<vmem_shared>> -> memref<21504x16xf32, #tpu.memory_space<vmem_shared>>
    tpu.wait_indirect_dma semaphore(%arg21 : memref<!tpu.dma_semaphore, #tpu.memory_space<semaphore_mem>>) src(%arg14 : memref<512x16xf32, #tpu.memory_space<vmem>>) dst(%dma_wait3A_47 : memref<21504x16xf32, #tpu.memory_space<vmem_shared>>)
    %dma_wait3A_48 = arith.constant 1 : i32
    %dma_wait3A_49 = arith.constant 1 : i32
    %dma_wait3A_50 = arith.constant 1 : i32
    %dma_wait3A_51 = arith.constant 0 : i32
    %dma_wait3A_52 = arith.constant 0 : i32
    %dma_wait3A_53 = tpu.memref_slice %arg13[%dma_wait3A_48, %dma_wait3A_51, %dma_wait3A_52] : memref<2x512x32xf32, #tpu.memory_space<vmem>> -> memref<1x512x32xf32, #tpu.memory_space<vmem>>
    %dma_wait3A_54 = tpu.memref_squeeze %dma_wait3A_53 : memref<1x512x32xf32, #tpu.memory_space<vmem>> -> memref<512x32xf32, #tpu.memory_space<vmem>>
    %dma_wait3A_55 = arith.constant 0 : i32
    %dma_wait3A_56 = tpu.memref_slice %arg11[%dma_wait3A_49, %dma_wait3A_50, %dma_wait3A_55] : memref<2x2x512xi32, #tpu.memory_space<vmem>> -> memref<1x1x512xi32, #tpu.memory_space<vmem>>
    %dma_wait3A_57 = tpu.memref_squeeze %dma_wait3A_56 : memref<1x1x512xi32, #tpu.memory_space<vmem>> -> memref<512xi32, #tpu.memory_space<vmem>>
    %dma_wait3A_58 = arith.constant 0 : i32
    %dma_wait3A_59 = arith.constant 0 : i32
    %dma_wait3A_60 = tpu.memref_slice %arg9[%dma_wait3A_58, %dma_wait3A_59] : memref<10752x32xf32, #tpu.memory_space<vmem_shared>> -> memref<10752x32xf32, #tpu.memory_space<vmem_shared>>
    tpu.wait_indirect_dma semaphore(%arg20 : memref<!tpu.dma_semaphore, #tpu.memory_space<semaphore_mem>>) src(%dma_wait3A_54 : memref<512x32xf32, #tpu.memory_space<vmem>>) dst(%dma_wait3A_60 : memref<10752x32xf32, #tpu.memory_space<vmem_shared>>)
    %dma_wait3A_61 = arith.constant 1 : i32
    %dma_wait3A_62 = arith.constant 0 : i32
    %dma_wait3A_63 = tpu.memref_slice %arg12[%dma_wait3A_61, %dma_wait3A_62] : memref<2x512xi32, #tpu.memory_space<vmem>> -> memref<1x512xi32, #tpu.memory_space<vmem>>
    %dma_wait3A_64 = tpu.memref_squeeze %dma_wait3A_63 : memref<1x512xi32, #tpu.memory_space<vmem>> -> memref<512xi32, #tpu.memory_space<vmem>>
    %dma_wait3A_65 = arith.constant 0 : i32
    %dma_wait3A_66 = arith.constant 0 : i32
    %dma_wait3A_67 = tpu.memref_slice %arg10[%dma_wait3A_65, %dma_wait3A_66] : memref<21504x16xf32, #tpu.memory_space<vmem_shared>> -> memref<21504x16xf32, #tpu.memory_space<vmem_shared>>
    tpu.wait_indirect_dma semaphore(%arg22 : memref<!tpu.dma_semaphore, #tpu.memory_space<semaphore_mem>>) src(%arg14 : memref<512x16xf32, #tpu.memory_space<vmem>>) dst(%dma_wait3A_67 : memref<21504x16xf32, #tpu.memory_space<vmem_shared>>)
    %barrier3A_68 = arith.constant 0 : index
    tpu.barrier barrier_id(%barrier3A_68)
    %mul3A_69 = arith.constant 672 : i32
    %mul3A_70 = arith.muli %arg1, %mul3A_69 : i32
    %mul3A_71 = arith.constant 1344 : i32
    %mul3A_72 = arith.muli %arg1, %mul3A_71 : i32
    "tpu.region"() ({
      %run_scoped3A = tpu.sem_alloc : memref<!tpu.dma_semaphore, #tpu.memory_space<semaphore_mem>>
      %dma_start3A = arith.constant 0 : i32
      %dma_start3A_73 = tpu.memref_slice %arg7[%arg0, %mul3A_70, %dma_start3A] : memref<2x10752x32xf32, #tpu.memory_space<hbm>> -> memref<1x672x32xf32, #tpu.memory_space<hbm>>
      %dma_start3A_74 = tpu.memref_squeeze %dma_start3A_73 : memref<1x672x32xf32, #tpu.memory_space<hbm>> -> memref<672x32xf32, #tpu.memory_space<hbm>>
      %dma_start3A_75 = arith.constant 0 : i32
      %dma_start3A_76 = tpu.memref_slice %arg9[%mul3A_70, %dma_start3A_75] : memref<10752x32xf32, #tpu.memory_space<vmem_shared>> -> memref<672x32xf32, #tpu.memory_space<vmem_shared>>
      tpu.enqueue_dma source(%dma_start3A_76 : memref<672x32xf32, #tpu.memory_space<vmem_shared>>) target(%dma_start3A_74 : memref<672x32xf32, #tpu.memory_space<hbm>>) target_semaphore(%run_scoped3A : memref<!tpu.dma_semaphore, #tpu.memory_space<semaphore_mem>>)
      %dma_wait3A_77 = arith.constant 0 : i32
      %dma_wait3A_78 = tpu.memref_slice %arg7[%arg0, %mul3A_70, %dma_wait3A_77] : memref<2x10752x32xf32, #tpu.memory_space<hbm>> -> memref<1x672x32xf32, #tpu.memory_space<hbm>>
      %dma_wait3A_79 = tpu.memref_squeeze %dma_wait3A_78 : memref<1x672x32xf32, #tpu.memory_space<hbm>> -> memref<672x32xf32, #tpu.memory_space<hbm>>
      %dma_wait3A_80 = arith.constant 0 : i32
      %dma_wait3A_81 = tpu.memref_slice %arg9[%mul3A_70, %dma_wait3A_80] : memref<10752x32xf32, #tpu.memory_space<vmem_shared>> -> memref<672x32xf32, #tpu.memory_space<vmem_shared>>
      tpu.wait_dma2 semaphore(%run_scoped3A : memref<!tpu.dma_semaphore, #tpu.memory_space<semaphore_mem>>) src(%dma_wait3A_81 : memref<672x32xf32, #tpu.memory_space<vmem_shared>>) dst(%dma_wait3A_79 : memref<672x32xf32, #tpu.memory_space<hbm>>)
      tpu.yield
    }) : () -> ()
    "tpu.region"() ({
      %run_scoped3A = tpu.sem_alloc : memref<!tpu.dma_semaphore, #tpu.memory_space<semaphore_mem>>
      %dma_start3A = arith.constant 0 : i32
      %dma_start3A_73 = tpu.memref_slice %arg8[%arg0, %mul3A_72, %dma_start3A] : memref<2x21504x16xf32, #tpu.memory_space<hbm>> -> memref<1x1344x16xf32, #tpu.memory_space<hbm>>
      %dma_start3A_74 = tpu.memref_squeeze %dma_start3A_73 : memref<1x1344x16xf32, #tpu.memory_space<hbm>> -> memref<1344x16xf32, #tpu.memory_space<hbm>>
      %dma_start3A_75 = arith.constant 0 : i32
      %dma_start3A_76 = tpu.memref_slice %arg10[%mul3A_72, %dma_start3A_75] : memref<21504x16xf32, #tpu.memory_space<vmem_shared>> -> memref<1344x16xf32, #tpu.memory_space<vmem_shared>>
      tpu.enqueue_dma source(%dma_start3A_76 : memref<1344x16xf32, #tpu.memory_space<vmem_shared>>) target(%dma_start3A_74 : memref<1344x16xf32, #tpu.memory_space<hbm>>) target_semaphore(%run_scoped3A : memref<!tpu.dma_semaphore, #tpu.memory_space<semaphore_mem>>)
      %dma_wait3A_77 = arith.constant 0 : i32
      %dma_wait3A_78 = tpu.memref_slice %arg8[%arg0, %mul3A_72, %dma_wait3A_77] : memref<2x21504x16xf32, #tpu.memory_space<hbm>> -> memref<1x1344x16xf32, #tpu.memory_space<hbm>>
      %dma_wait3A_79 = tpu.memref_squeeze %dma_wait3A_78 : memref<1x1344x16xf32, #tpu.memory_space<hbm>> -> memref<1344x16xf32, #tpu.memory_space<hbm>>
      %dma_wait3A_80 = arith.constant 0 : i32
      %dma_wait3A_81 = tpu.memref_slice %arg10[%mul3A_72, %dma_wait3A_80] : memref<21504x16xf32, #tpu.memory_space<vmem_shared>> -> memref<1344x16xf32, #tpu.memory_space<vmem_shared>>
      tpu.wait_dma2 semaphore(%run_scoped3A : memref<!tpu.dma_semaphore, #tpu.memory_space<semaphore_mem>>) src(%dma_wait3A_81 : memref<1344x16xf32, #tpu.memory_space<vmem_shared>>) dst(%dma_wait3A_79 : memref<1344x16xf32, #tpu.memory_space<hbm>>)
      tpu.yield
    }) : () -> ()
    return
  }
}

module attributes {stable_mosaic.version = 14 : i64} {
  func.func @_mm1_body(%arg0: i32, %arg1: memref<512x128xf32, #tpu.memory_space<vmem>>, %arg2: memref<128x32xf32, #tpu.memory_space<vmem>>, %arg3: memref<512x32xf32, #tpu.memory_space<vmem>>) attributes {dimension_semantics = [#tpu.dimension_semantics<arbitrary>], iteration_bounds = array<i64: 21>, scalar_prefetch = 0 : i64, scratch_operands = 0 : i64, tpu.core_type = #tpu.core_type<tc>, window_params = [{transform_indices = @transform_0, window_bounds = array<i64: 512, 128>}, {pipeline_mode = #tpu.pipeline_mode<synchronous>, transform_indices = @transform_1, window_bounds = array<i64: 128, 32>}, {transform_indices = @transform_2, window_bounds = array<i64: 512, 32>}]} {
    %get3A = arith.constant 0 : index
    %get3A_0 = arith.constant 0 : index
    %get3A_1 = vector.load %arg1[%get3A, %get3A_0] : memref<512x128xf32, #tpu.memory_space<vmem>>, vector<512x128xf32>
    %get3A_2 = arith.constant 0 : index
    %get3A_3 = arith.constant 0 : index
    %get3A_4 = vector.load %arg2[%get3A_2, %get3A_3] : memref<128x32xf32, #tpu.memory_space<vmem>>, vector<128x32xf32>
    %dot_general3A = arith.constant dense<0.000000e+00> : vector<512x32xf32>
    %dot_general3A_5 = tpu.matmul %get3A_1, %get3A_4, %dot_general3A {dimension_numbers = #tpu.dot_dimension_numbers<[1], [0], [0], [1], [0, 0, 1, 1], [], []>, transpose_lhs_hint = false} : vector<512x128xf32>, vector<128x32xf32>, vector<512x32xf32> -> vector<512x32xf32>
    %swap3A = arith.constant 0 : index
    %swap3A_6 = arith.constant 0 : index
    %swap3A_7 = vector.load %arg3[%swap3A, %swap3A_6] : memref<512x32xf32, #tpu.memory_space<vmem>>, vector<512x32xf32>
    tpu.vector_store %arg3[%swap3A, %swap3A_6], %dot_general3A_5 {strides = array<i32>} : memref<512x32xf32, #tpu.memory_space<vmem>>, vector<512x32xf32>,
    return
  }
  func.func @transform_0(%arg0: i32) -> (i32, i32) {
    %c0_i32 = arith.constant 0 : i32
    %c0_i32_0 = arith.constant 0 : i32
    return %arg0, %c0_i32 : i32, i32
  }
  func.func @transform_1(%arg0: i32) -> (i32, i32) {
    %c0_i32 = arith.constant 0 : i32
    %c0_i32_0 = arith.constant 0 : i32
    %c0_i32_1 = arith.constant 0 : i32
    return %c0_i32, %c0_i32_0 : i32, i32
  }
  func.func @transform_2(%arg0: i32) -> (i32, i32) {
    %c0_i32 = arith.constant 0 : i32
    %c0_i32_0 = arith.constant 0 : i32
    return %arg0, %c0_i32 : i32, i32
  }
}

module attributes {stable_mosaic.version = 14 : i64} {
  func.func @_mid_body(%arg0: i32, %arg1: memref<2x512x32xf32, #tpu.memory_space<vmem>>, %arg2: memref<2x512x16xf32, #tpu.memory_space<vmem>>, %arg3: memref<2x512x16xf32, #tpu.memory_space<vmem>>, %arg4: memref<512x32xf32, #tpu.memory_space<vmem>>, %arg5: memref<1x32xf32, #tpu.memory_space<vmem>>, %arg6: memref<512x32xf32, #tpu.memory_space<vmem>>, %arg7: memref<512x16xf32, #tpu.memory_space<vmem>>) attributes {dimension_semantics = [#tpu.dimension_semantics<arbitrary>], iteration_bounds = array<i64: 21>, scalar_prefetch = 0 : i64, scratch_operands = 0 : i64, tpu.core_type = #tpu.core_type<tc>, window_params = [{transform_indices = @transform_0, window_bounds = array<i64: 2, 512, 32>}, {transform_indices = @transform_1, window_bounds = array<i64: 2, 512, 16>}, {transform_indices = @transform_2, window_bounds = array<i64: 2, 512, 16>}, {transform_indices = @transform_3, window_bounds = array<i64: 512, 32>}, {pipeline_mode = #tpu.pipeline_mode<synchronous>, transform_indices = @transform_4, window_bounds = array<i64: 1, 32>}, {transform_indices = @transform_5, window_bounds = array<i64: 512, 32>}, {transform_indices = @transform_6, window_bounds = array<i64: 512, 16>}]} {
    %get3A = arith.constant 0 : index
    %get3A_0 = arith.constant 0 : index
    %get3A_1 = arith.constant 0 : index
    %get3A_2 = vector.load %arg1[%get3A, %get3A_0, %get3A_1] : memref<2x512x32xf32, #tpu.memory_space<vmem>>, vector<1x512x32xf32>
    %get3A_3 = vector.shape_cast %get3A_2 : vector<1x512x32xf32> to vector<512x32xf32>
    %get3A_4 = arith.constant 1 : index
    %get3A_5 = arith.constant 0 : index
    %get3A_6 = arith.constant 0 : index
    %get3A_7 = vector.load %arg1[%get3A_4, %get3A_5, %get3A_6] : memref<2x512x32xf32, #tpu.memory_space<vmem>>, vector<1x512x32xf32>
    %get3A_8 = vector.shape_cast %get3A_7 : vector<1x512x32xf32> to vector<512x32xf32>
    %add3A = arith.addf %get3A_3, %get3A_8 : vector<512x32xf32>
    %get3A_9 = arith.constant 0 : index
    %get3A_10 = arith.constant 0 : index
    %get3A_11 = arith.constant 0 : index
    %get3A_12 = vector.load %arg2[%get3A_9, %get3A_10, %get3A_11] : memref<2x512x16xf32, #tpu.memory_space<vmem>>, vector<1x512x16xf32>
    %get3A_13 = vector.shape_cast %get3A_12 : vector<1x512x16xf32> to vector<512x16xf32>
    %get3A_14 = arith.constant 1 : index
    %get3A_15 = arith.constant 0 : index
    %get3A_16 = arith.constant 0 : index
    %get3A_17 = vector.load %arg2[%get3A_14, %get3A_15, %get3A_16] : memref<2x512x16xf32, #tpu.memory_space<vmem>>, vector<1x512x16xf32>
    %get3A_18 = vector.shape_cast %get3A_17 : vector<1x512x16xf32> to vector<512x16xf32>
    %add3A_19 = arith.addf %get3A_13, %get3A_18 : vector<512x16xf32>
    %get3A_20 = arith.constant 0 : index
    %get3A_21 = arith.constant 0 : index
    %get3A_22 = arith.constant 0 : index
    %get3A_23 = vector.load %arg3[%get3A_20, %get3A_21, %get3A_22] : memref<2x512x16xf32, #tpu.memory_space<vmem>>, vector<1x512x16xf32>
    %get3A_24 = vector.shape_cast %get3A_23 : vector<1x512x16xf32> to vector<512x16xf32>
    %get3A_25 = arith.constant 1 : index
    %get3A_26 = arith.constant 0 : index
    %get3A_27 = arith.constant 0 : index
    %get3A_28 = vector.load %arg3[%get3A_25, %get3A_26, %get3A_27] : memref<2x512x16xf32, #tpu.memory_space<vmem>>, vector<1x512x16xf32>
    %get3A_29 = vector.shape_cast %get3A_28 : vector<1x512x16xf32> to vector<512x16xf32>
    %add3A_30 = arith.addf %get3A_24, %get3A_29 : vector<512x16xf32>
    %slice3A = vector.extract_strided_slice %add3A_30 {offsets = [0, 0], sizes = [512, 1], strides = [1, 1]} : vector<512x16xf32> to vector<512x1xf32>
    %slice3A_31 = vector.extract_strided_slice %add3A_19 {offsets = [0, 0], sizes = [512, 1], strides = [1, 1]} : vector<512x16xf32> to vector<512x1xf32>
    %add3A_32 = arith.addf %slice3A_31, %slice3A : vector<512x1xf32>
    %gt3A = arith.constant 0.000000e+00 : f32
    %gt3A_33 = vector.broadcast %gt3A : f32 to vector<512x1xf32>
    %gt3A_34 = arith.cmpf ogt, %slice3A, %gt3A_33 : vector<512x1xf32>
    %jit3A = arith.constant 0.000000e+00 : f32
    %jit3A_35 = arith.constant 1.000000e+00 : f32
    %broadcast_in_dim3A = vector.broadcast %jit3A : f32 to vector<512x1xf32>
    %broadcast_in_dim3A_36 = vector.broadcast %jit3A_35 : f32 to vector<512x1xf32>
    %select_n3A = arith.select %gt3A_34, %broadcast_in_dim3A, %broadcast_in_dim3A_36 : vector<512x1xi1>, vector<512x1xf32>
    %add3A_37 = arith.addf %add3A_32, %select_n3A : vector<512x1xf32>
    %max3A = arith.constant 1.000000e+00 : f32
    %max3A_38 = vector.broadcast %max3A : f32 to vector<512x1xf32>
    %max3A_39 = arith.maximumf %add3A_37, %max3A_38 : vector<512x1xf32>
    %get3A_40 = arith.constant 0 : index
    %get3A_41 = arith.constant 0 : index
    %get3A_42 = vector.load %arg4[%get3A_40, %get3A_41] : memref<512x32xf32, #tpu.memory_space<vmem>>, vector<512x32xf32>
    %mul3A = vector.broadcast %select_n3A : vector<512x1xf32> to vector<512x32xf32>
    %mul3A_43 = arith.mulf %get3A_42, %mul3A : vector<512x32xf32>
    %add3A_44 = arith.addf %add3A, %mul3A_43 : vector<512x32xf32>
    %div3A = vector.broadcast %max3A_39 : vector<512x1xf32> to vector<512x32xf32>
    %div3A_45 = arith.divf %add3A_44, %div3A : vector<512x32xf32>
    %get3A_46 = arith.constant 0 : index
    %get3A_47 = arith.constant 0 : index
    %get3A_48 = vector.load %arg5[%get3A_46, %get3A_47] : memref<1x32xf32, #tpu.memory_space<vmem>>, vector<1x32xf32>
    %add3A_49 = vector.broadcast %get3A_48 : vector<1x32xf32> to vector<512x32xf32>
    %add3A_50 = arith.addf %div3A_45, %add3A_49 : vector<512x32xf32>
    %max3A_51 = arith.constant 0.000000e+00 : f32
    %max3A_52 = vector.broadcast %max3A_51 : f32 to vector<512x32xf32>
    %max3A_53 = arith.maximumf %add3A_50, %max3A_52 : vector<512x32xf32>
    %swap3A = arith.constant 0 : index
    %swap3A_54 = arith.constant 0 : index
    %swap3A_55 = vector.load %arg6[%swap3A, %swap3A_54] : memref<512x32xf32, #tpu.memory_space<vmem>>, vector<512x32xf32>
    tpu.vector_store %arg6[%swap3A, %swap3A_54], %max3A_53 {strides = array<i32>} : memref<512x32xf32, #tpu.memory_space<vmem>>, vector<512x32xf32>,
    %broadcast_in_dim3A_56 = arith.constant 0.000000e+00 : f32
    %broadcast_in_dim3A_57 = vector.broadcast %broadcast_in_dim3A_56 : f32 to vector<512x14xf32>
    %concatenate3A = tpu.concatenate %select_n3A, %max3A_39, %broadcast_in_dim3A_57 in 1 : vector<512x1xf32>, vector<512x1xf32>, vector<512x14xf32> -> vector<512x16xf32>
    %swap3A_58 = arith.constant 0 : index
    %swap3A_59 = arith.constant 0 : index
    %swap3A_60 = vector.load %arg7[%swap3A_58, %swap3A_59] : memref<512x16xf32, #tpu.memory_space<vmem>>, vector<512x16xf32>
    tpu.vector_store %arg7[%swap3A_58, %swap3A_59], %concatenate3A {strides = array<i32>} : memref<512x16xf32, #tpu.memory_space<vmem>>, vector<512x16xf32>,
    return
  }
  func.func @transform_0(%arg0: i32) -> (i32, i32, i32) {
    %c0_i32 = arith.constant 0 : i32
    %c0_i32_0 = arith.constant 0 : i32
    %c0_i32_1 = arith.constant 0 : i32
    return %c0_i32, %arg0, %c0_i32_0 : i32, i32, i32
  }
  func.func @transform_1(%arg0: i32) -> (i32, i32, i32) {
    %c0_i32 = arith.constant 0 : i32
    %c0_i32_0 = arith.constant 0 : i32
    %c0_i32_1 = arith.constant 0 : i32
    return %c0_i32, %arg0, %c0_i32_0 : i32, i32, i32
  }
  func.func @transform_2(%arg0: i32) -> (i32, i32, i32) {
    %add3A = arith.constant 21 : i32
    %add3A_0 = arith.addi %arg0, %add3A : i32
    %c0_i32 = arith.constant 0 : i32
    %c0_i32_1 = arith.constant 0 : i32
    %c0_i32_2 = arith.constant 0 : i32
    return %c0_i32, %add3A_0, %c0_i32_1 : i32, i32, i32
  }
  func.func @transform_3(%arg0: i32) -> (i32, i32) {
    %c0_i32 = arith.constant 0 : i32
    %c0_i32_0 = arith.constant 0 : i32
    return %arg0, %c0_i32 : i32, i32
  }
  func.func @transform_4(%arg0: i32) -> (i32, i32) {
    %c0_i32 = arith.constant 0 : i32
    %c0_i32_0 = arith.constant 0 : i32
    %c0_i32_1 = arith.constant 0 : i32
    return %c0_i32, %c0_i32_0 : i32, i32
  }
  func.func @transform_5(%arg0: i32) -> (i32, i32) {
    %c0_i32 = arith.constant 0 : i32
    %c0_i32_0 = arith.constant 0 : i32
    return %arg0, %c0_i32 : i32, i32
  }
  func.func @transform_6(%arg0: i32) -> (i32, i32) {
    %c0_i32 = arith.constant 0 : i32
    %c0_i32_0 = arith.constant 0 : i32
    return %arg0, %c0_i32 : i32, i32
  }
}

module attributes {stable_mosaic.version = 14 : i64} {
  func.func @_fin_body(%arg0: i32, %arg1: memref<2x512x32xf32, #tpu.memory_space<vmem>>, %arg2: memref<512x32xf32, #tpu.memory_space<vmem>>, %arg3: memref<512x16xf32, #tpu.memory_space<vmem>>, %arg4: memref<32x128xf32, #tpu.memory_space<vmem>>, %arg5: memref<1x128xf32, #tpu.memory_space<vmem>>, %arg6: memref<512x128xf32, #tpu.memory_space<vmem>>) attributes {dimension_semantics = [#tpu.dimension_semantics<arbitrary>], iteration_bounds = array<i64: 21>, scalar_prefetch = 0 : i64, scratch_operands = 0 : i64, tpu.core_type = #tpu.core_type<tc>, window_params = [{transform_indices = @transform_0, window_bounds = array<i64: 2, 512, 32>}, {transform_indices = @transform_1, window_bounds = array<i64: 512, 32>}, {transform_indices = @transform_2, window_bounds = array<i64: 512, 16>}, {pipeline_mode = #tpu.pipeline_mode<synchronous>, transform_indices = @transform_3, window_bounds = array<i64: 32, 128>}, {pipeline_mode = #tpu.pipeline_mode<synchronous>, transform_indices = @transform_4, window_bounds = array<i64: 1, 128>}, {transform_indices = @transform_5, window_bounds = array<i64: 512, 128>}]} {
    %get3A = arith.constant 0 : index
    %get3A_0 = arith.constant 0 : index
    %get3A_1 = arith.constant 0 : index
    %get3A_2 = vector.load %arg1[%get3A, %get3A_0, %get3A_1] : memref<2x512x32xf32, #tpu.memory_space<vmem>>, vector<1x512x32xf32>
    %get3A_3 = vector.shape_cast %get3A_2 : vector<1x512x32xf32> to vector<512x32xf32>
    %get3A_4 = arith.constant 1 : index
    %get3A_5 = arith.constant 0 : index
    %get3A_6 = arith.constant 0 : index
    %get3A_7 = vector.load %arg1[%get3A_4, %get3A_5, %get3A_6] : memref<2x512x32xf32, #tpu.memory_space<vmem>>, vector<1x512x32xf32>
    %get3A_8 = vector.shape_cast %get3A_7 : vector<1x512x32xf32> to vector<512x32xf32>
    %add3A = arith.addf %get3A_3, %get3A_8 : vector<512x32xf32>
    %get3A_9 = arith.constant 0 : index
    %get3A_10 = arith.constant 0 : index
    %get3A_11 = vector.load %arg3[%get3A_9, %get3A_10] : memref<512x16xf32, #tpu.memory_space<vmem>>, vector<512x1xf32>
    %get3A_12 = arith.constant 0 : index
    %get3A_13 = arith.constant 1 : index
    %get3A_14 = vector.load %arg3[%get3A_12, %get3A_13] : memref<512x16xf32, #tpu.memory_space<vmem>>, vector<512x1xf32>
    %get3A_15 = arith.constant 0 : index
    %get3A_16 = arith.constant 0 : index
    %get3A_17 = vector.load %arg2[%get3A_15, %get3A_16] : memref<512x32xf32, #tpu.memory_space<vmem>>, vector<512x32xf32>
    %mul3A = vector.broadcast %get3A_11 : vector<512x1xf32> to vector<512x32xf32>
    %mul3A_18 = arith.mulf %get3A_17, %mul3A : vector<512x32xf32>
    %add3A_19 = arith.addf %add3A, %mul3A_18 : vector<512x32xf32>
    %div3A = vector.broadcast %get3A_14 : vector<512x1xf32> to vector<512x32xf32>
    %div3A_20 = arith.divf %add3A_19, %div3A : vector<512x32xf32>
    %get3A_21 = arith.constant 0 : index
    %get3A_22 = arith.constant 0 : index
    %get3A_23 = vector.load %arg4[%get3A_21, %get3A_22] : memref<32x128xf32, #tpu.memory_space<vmem>>, vector<32x128xf32>
    %dot_general3A = arith.constant dense<0.000000e+00> : vector<512x128xf32>
    %dot_general3A_24 = tpu.matmul %div3A_20, %get3A_23, %dot_general3A {dimension_numbers = #tpu.dot_dimension_numbers<[1], [0], [0], [1], [0, 0, 1, 1], [], []>, transpose_lhs_hint = false} : vector<512x32xf32>, vector<32x128xf32>, vector<512x128xf32> -> vector<512x128xf32>
    %get3A_25 = arith.constant 0 : index
    %get3A_26 = arith.constant 0 : index
    %get3A_27 = vector.load %arg5[%get3A_25, %get3A_26] : memref<1x128xf32, #tpu.memory_space<vmem>>, vector<1x128xf32>
    %add3A_28 = vector.broadcast %get3A_27 : vector<1x128xf32> to vector<512x128xf32>
    %add3A_29 = arith.addf %dot_general3A_24, %add3A_28 : vector<512x128xf32>
    %reduce_max3A = arith.constant dense<0xFF800000> : vector<512xf32>
    %reduce_max3A_30 = vector.multi_reduction <maximumf>, %add3A_29, %reduce_max3A [1] : vector<512x128xf32> to vector<512xf32>
    %broadcast_in_dim3A = vector.shape_cast %reduce_max3A_30 : vector<512xf32> to vector<512x1xf32>
    %sub3A = vector.broadcast %broadcast_in_dim3A : vector<512x1xf32> to vector<512x128xf32>
    %sub3A_31 = arith.subf %add3A_29, %sub3A : vector<512x128xf32>
    %exp3A = math.exp %sub3A_31 : vector<512x128xf32>
    %reduce_sum3A = arith.constant dense<0.000000e+00> : vector<512xf32>
    %reduce_sum3A_32 = vector.multi_reduction <add>, %exp3A, %reduce_sum3A [1] : vector<512x128xf32> to vector<512xf32>
    %broadcast_in_dim3A_33 = vector.shape_cast %reduce_sum3A_32 : vector<512xf32> to vector<512x1xf32>
    %log3A = math.log %broadcast_in_dim3A_33 : vector<512x1xf32>
    %sub3A_34 = vector.broadcast %broadcast_in_dim3A : vector<512x1xf32> to vector<512x128xf32>
    %sub3A_35 = arith.subf %add3A_29, %sub3A_34 : vector<512x128xf32>
    %sub3A_36 = vector.broadcast %log3A : vector<512x1xf32> to vector<512x128xf32>
    %sub3A_37 = arith.subf %sub3A_35, %sub3A_36 : vector<512x128xf32>
    %swap3A = arith.constant 0 : index
    %swap3A_38 = arith.constant 0 : index
    %swap3A_39 = vector.load %arg6[%swap3A, %swap3A_38] : memref<512x128xf32, #tpu.memory_space<vmem>>, vector<512x128xf32>
    tpu.vector_store %arg6[%swap3A, %swap3A_38], %sub3A_37 {strides = array<i32>} : memref<512x128xf32, #tpu.memory_space<vmem>>, vector<512x128xf32>,
    return
  }
  func.func @transform_0(%arg0: i32) -> (i32, i32, i32) {
    %c0_i32 = arith.constant 0 : i32
    %c0_i32_0 = arith.constant 0 : i32
    %c0_i32_1 = arith.constant 0 : i32
    return %c0_i32, %arg0, %c0_i32_0 : i32, i32, i32
  }
  func.func @transform_1(%arg0: i32) -> (i32, i32) {
    %c0_i32 = arith.constant 0 : i32
    %c0_i32_0 = arith.constant 0 : i32
    return %arg0, %c0_i32 : i32, i32
  }
  func.func @transform_2(%arg0: i32) -> (i32, i32) {
    %c0_i32 = arith.constant 0 : i32
    %c0_i32_0 = arith.constant 0 : i32
    return %arg0, %c0_i32 : i32, i32
  }
  func.func @transform_3(%arg0: i32) -> (i32, i32) {
    %c0_i32 = arith.constant 0 : i32
    %c0_i32_0 = arith.constant 0 : i32
    %c0_i32_1 = arith.constant 0 : i32
    return %c0_i32, %c0_i32_0 : i32, i32
  }
  func.func @transform_4(%arg0: i32) -> (i32, i32) {
    %c0_i32 = arith.constant 0 : i32
    %c0_i32_0 = arith.constant 0 : i32
    %c0_i32_1 = arith.constant 0 : i32
    return %c0_i32, %c0_i32_0 : i32, i32
  }
  func.func @transform_5(%arg0: i32) -> (i32, i32) {
    %c0_i32 = arith.constant 0 : i32
    %c0_i32_0 = arith.constant 0 : i32
    return %arg0, %c0_i32 : i32, i32
  }
}

</mosaic_0001>

<sc_bundles>
// kernel: kernel.10.cloned.1.call-start
scs
__scs_entry_jumppad:
0x0: {  	(pc) =	sbr.rel $0x88, $3  }
0x1: {  	(tag) =	ssettag $0x0;
	lr =	simm.s32 $0x1  }
0x2: {  	[smem:$0x3F9B] =	sst lr;
	_ =	strace $0xD0000000  }
0x3: {  	_ = 	snop  }
0x4: {  	_ = 	snop  }
0x5: {  	_ = 	snop  }
0x6: {  	_ = 	snop  }
0x7: {  	_ = 	snop  }
__scs_overlays_trampoline_lowered:
0x8: {  	[smem:$0x3FAA] =	sst s0  }
0x9: {  	[smem:$0x3FAB] =	sst s1  }
0xa: {  	[smem:$0x3FAC] =	sst s2  }
0xb: {  	[smem:$0x3FAD] =	sst s3  }
0xc: {  	[smem:$0x3FAE] =	sst s4  }
0xd: {  	[smem:$0x3FAF] =	sst s5  }
0xe: {  	[smem:$0x3FB0] =	sst s6  }
0xf: {  	[smem:$0x3FB1] =	sst s7  }
0x10: {  	[smem:$0x3FB2] =	sst s8  }
0x11: {  	[smem:$0x3FB3] =	sst s9;
	s0 =	simm.s32 @!p0 $0x0  }
0x12: {  	s1 =	sld [smem:$0x3F99];
	s0 =	simm.s32 @p0 $0x1  }
0x13: {  	[smem:$0x3FB4] =	sst s0;
	s0 =	simm.s32 @!p1 $0x0  }
0x14: {  	s2 =	sld [smem:$0x3F98];
	s0 =	simm.s32 @p1 $0x1  }
0x15: {  	[smem:$0x3FB5] =	sst s0;
	s0 =	simm.s32 @!p2 $0x0  }
0x16: {  	s3 =	sld [smem:$0x3FDB];
	s0 =	simm.s32 @p2 $0x1  }
0x17: {  	s4 =	simm.s32 $0x1BF5;
	[smem:$0x3FB7] =	sst s0  }
0x18: {  	s0 =	sld [smem:$0x3F9A];
	_ =	swait.ge [sflag:s4], $0x0  }
0x19: {  	s7 =	sld [smem:$0x3F9B]  }
0x1a: {  	s8 =	sadd.s32 $0xFFFFE003, lr  }
0x1b: {  	s9 =	sadd.s32 $0xFFFFFEF7, lr;
	s5 =	simm.s32 $0xFFFFFFFF;
	p2 =	slt.u32 s8, $0xFFFFF086  }
0x1c: {  	p1 =	slt.u32 s9, $0xF7A;
	s5 =	simm.s32 @!p2 $0x0  }
0x1d: {  	s5 =	simm.s32 @p1 $0x1;
	p0 =	seq.s32 s7, s2  }
0x1e: {  	s7 =	smul.u32 @!p0 $0xF7A, s2;
	p2 =	seq.s32 @!p0 s5, $0x0  }
0x1f: {  	s9 =	smul.u32 $0xF7A, s1;
	s8 =	simm.s32 @!p0 $0x1BF5;
	p2 =	por !p2, p0  }
0x20: {  	[sflag:s8] =	ssyncset.s32 @!p0 $0xFFFFF086;
	s6 =	sadd.s32 @!p0 s3, s7;
	s7 =	simm.s32 @!p0 $0x108  }
0x21: {  	s3 =	sadd.s32 s3, s9;
	s6 =	sadd.s32 @!p0 $0x88, s6;
	s7 =	simm.s32 @p2 $0x1082  }
0x22: {  	[simem:s7], [sflag:s8] =	dma.local @!p0 [hbm:s6], $0xF7A  }
0x23: {  	s9 =	sor.u32 $0xD0000000, s2;
	s6 =	simm.s32 $0x108;
	_ =	swait.ge @!p0 [sflag:s8], $0x0  }
0x24: {  	s3 =	sadd.s32 $0x88, s3;
	s6 =	simm.s32 @!p1 $0x1082;
	[sflag:s4] =	ssyncset.s32 $0xFFFFF086  }
0x25: {  	[simem:s6], [sflag:s4] =	dma.local [hbm:s3], $0xF7A  }
0x26: {  	[smem:$0x3F9B] =	sst s1;
	(tag) =	ssettag s2;
	_ =	strace s9  }
0x27: {  	s1 =	sld [smem:$0x3FAB]  }
0x28: {  	s2 =	sld [smem:$0x3FAC]  }
0x29: {  	s4 =	sld [smem:$0x3FAE]  }
0x2a: {  	p0 =	seq.s32 s5, $0x0;
	s5 =	sld [smem:$0x3FAF]  }
0x2b: {  	s6 =	sld [smem:$0x3FB0]  }
0x2c: {  	s7 =	sld [smem:$0x3FB1]  }
0x2d: {  	s3 =	simm.s32 $0x108;
	s8 =	sld [smem:$0x3FB2]  }
0x2e: {  	s3 =	simm.s32 @!p0 $0x1082;
	s9 =	sld [smem:$0x3FB3]  }
0x2f: {  	lr =	sadd.s32 s0, s3;
	s0 =	sld [smem:$0x3FAA]  }
0x30: {  	s3 =	sld [smem:$0x3FAD]  }
0x31: {  	[smem:$0x3FB6] =	sst s10  }
0x32: {  	s10 =	sld [smem:$0x3FB4];
	_ =	sdelay $0x3  }
0x33: {  	p0 =	seq.s32 s10, $0x1;
	s10 =	sld [smem:$0x3FB6];
	_ =	sdelay $0x3  }
0x34: {  	[smem:$0x3FB6] =	sst s10  }
0x35: {  	s10 =	sld [smem:$0x3FB5];
	_ =	sdelay $0x3  }
0x36: {  	p1 =	seq.s32 s10, $0x1;
	s10 =	sld [smem:$0x3FB6];
	_ =	sdelay $0x3  }
0x37: {  	[smem:$0x3FB6] =	sst s10  }
0x38: {  	s10 =	sld [smem:$0x3FB7]  }
0x39: {  	_ = 	snop;
	(pc) =	sbr.ind lr, $3  }
0x3a: {  	_ = 	snop  }
0x3b: {  	_ = 	snop  }
0x3c: {  	p2 =	seq.s32 s10, $0x1;
	s10 =	sld [smem:$0x3FB6]  }
0x3d: {  	_ =	shalt  }
0x3e: {  	_ =	shalt  }
0x3f: {  	_ =	shalt  }
0x40: {  	_ =	shalt  }
0x41: {  	_ =	shalt  }
0x42: {  	_ =	shalt  }
0x43: {  	_ =	shalt  }
0x44: {  	_ =	shalt  }
0x45: {  	_ =	shalt  }
0x46: {  	_ =	shalt  }
0x47: {  	_ =	shalt  }
0x48: {  	_ =	shalt  }
0x49: {  	_ =	shalt  }
0x4a: {  	_ =	shalt  }
0x4b: {  	_ =	shalt  }
0x4c: {  	_ =	shalt  }
0x4d: {  	_ =	shalt  }
0x4e: {  	_ =	shalt  }
0x4f: {  	_ =	shalt  }
0x50: {  	_ =	shalt  }
0x51: {  	_ =	shalt  }
0x52: {  	_ =	shalt  }
0x53: {  	_ =	shalt  }
0x54: {  	_ =	shalt  }
0x55: {  	_ =	shalt  }
0x56: {  	_ =	shalt  }
0x57: {  	_ =	shalt  }
0x58: {  	_ =	shalt  }
0x59: {  	_ =	shalt  }
0x5a: {  	_ =	shalt  }
0x5b: {  	_ =	shalt  }
0x5c: {  	_ =	shalt  }
0x5d: {  	_ =	shalt  }
0x5e: {  	_ =	shalt  }
0x5f: {  	_ =	shalt  }
0x60: {  	_ =	shalt  }
0x61: {  	_ =	shalt  }
0x62: {  	_ =	shalt  }
0x63: {  	_ =	shalt  }
0x64: {  	_ =	shalt  }
0x65: {  	_ =	shalt  }
0x66: {  	_ =	shalt  }
0x67: {  	_ =	shalt  }
0x68: {  	_ =	shalt  }
0x69: {  	_ =	shalt  }
0x6a: {  	_ =	shalt  }
0x6b: {  	_ =	shalt  }
0x6c: {  	_ =	shalt  }
0x6d: {  	_ =	shalt  }
0x6e: {  	_ =	shalt  }
0x6f: {  	_ =	shalt  }
0x70: {  	_ =	shalt  }
0x71: {  	_ =	shalt  }
0x72: {  	_ =	shalt  }
0x73: {  	_ =	shalt  }
0x74: {  	_ =	shalt  }
0x75: {  	_ =	shalt  }
0x76: {  	_ =	shalt  }
0x77: {  	_ =	shalt  }
0x78: {  	_ =	shalt  }
0x79: {  	_ =	shalt  }
0x7a: {  	_ =	shalt  }
0x7b: {  	_ =	shalt  }
0x7c: {  	_ =	shalt  }
0x7d: {  	_ =	shalt  }
0x7e: {  	_ =	shalt  }
0x7f: {  	_ =	shalt  }
0x80: {  	_ =	shalt  }
0x81: {  	_ =	shalt  }
0x82: {  	_ =	shalt  }
0x83: {  	_ =	shalt  }
0x84: {  	_ =	shalt  }
0x85: {  	_ =	shalt  }
0x86: {  	_ =	shalt  }
0x87: {  	_ =	shalt  }
.Lfunc_end0:
.L_simem_size_0:
called_computation.1_lowered:
.L_overlay_start_0:
0x88: {  	s2 =	sld [smem:$0x3FD9]  }
0x89: {  	s3 =	sld [smem:$0x3FFE];
	_ =	sdelay $0x1  }
0x8a: {  	s1 =	srdreg.scid  }
0x8b: {  	s0 =	sand.u32 $0x1, s1  }
0x8c: {  	s17 =	sshll.u32 s0, $0xA;
	s2 =	sadd.s32 s3, s2  }
0x8d: {  	s2 =	sadd.s32 s2, s17  }
0x8e: {  	[smem:$0x3FC2] =	sst s2  }
0x8f: {  	_ = 	snop  }
0x90: {  	s2 =	sld [smem:$0x3FD0];
	(tm) =	ssettm $0x1  }
0x91: {  	s18 =	sld [smem:$0x3FFB];
	_ =	sdelay $0x3  }
0x92: {  	_ =	strace s18  }
0x93: {  	s3 =	sld [smem:$0x3FFC];
	_ =	sdelay $0x3  }
0x94: {  	_ =	strace s3  }
0x95: {  	s3 =	sld [smem:$0x3FFD];
	_ =	sdelay $0x3  }
0x96: {  	_ =	strace s3  }
0x97: {  	_ =	strace $0x8FFFFFFF  }
0x98: {  	s19 =	sld [smem:$0x3FDB];
	_ =	sdelay $0x1  }
0x99: {  	s4 =	simm.s32 $_scs_section_size  }
0x9a: {  	s5 =	simm.s32 $_size__tile_overlayer_lowered;
	s6 =	simm.s32 $_tile_overlayer_lowered  }
0x9b: {  	s22 =	simm.s32 $0x1BFF;
	s21 =	sshll.u32 s6, $0x1;
	s3 =	sadd.s32 s4, s19  }
0x9c: {  	s7 =	simm.s32 $0x0;
	s20 =	sshll.u32 s5, $0x1;
	s5 =	sadd.s32 s21, s3  }
0x9d: {  	[timem:s7], [sflag:s22] =	dma.local [hbm:s5], s20  }
0x9e: {  	_ =	swait.ge [sflag:s22], s20  }
0x9f: {  	s4 =	ssub.s32 $0x0, s20;
	[sflag:s22] =	ssyncset.done $0x0  }
0xa0: {  	[sflag:s22] =	ssyncadd.s32 s4;
	_ =	sdelay $0x1  }
0xa1: {  	s23 =	simm.s32 $0x1B8B  }
0xa2: {  	_ =	swait.ge [sflag:s23], $0x1  }
0xa3: {  	[sflag:s23] =	ssyncset.done $0x0  }
0xa4: {  	s25 =	simm.s32 $0x1B8E;
	s24 =	sld [smem:$0x3FFE];
	[sflag:s23] =	ssyncadd.s32 $0xFFFFFFFF  }
0xa5: {  	s26 =	simm.s32 $execute0_lowered;
	[smem:$0x3FD2] =	sst s25  }
0xa6: {  	s5 =	sshll.u32 s26, $0x1;
	_ =	strace $0x80000049;
	[dreg:$0x1] =	wrdreg $0xFFFFFFFF  }
0xa7: {  	s28 =	simm.s32 $_size_execute0_lowered;
	s3 =	sadd.s32 s3, s5;
	[dreg:$0x0] =	wrdreg $0x0  }
0xa8: {  	s5 =	sshll.u32 s28, $0x1;
	[dreg:$0x2] =	wrdreg s3  }
0xa9: {  	[dreg:$0x3] =	wrdreg s5  }
0xaa: {  	[dreg:$0x4] =	wrdreg $0xC0  }
0xab: {  	_ =	task [dreg:s7], $0x5FFFF  }
0xac: {  	[dreg:$0x1] =	wrdreg $0xFFFFFFFF  }
0xad: {  	[dreg:$0x0] =	wrdreg $0x60  }
0xae: {  	[dreg:$0x2] =	wrdreg s24  }
0xaf: {  	[dreg:$0x3] =	wrdreg s2  }
0xb0: {  	[dreg:$0x4] =	wrdreg $0x0  }
0xb1: {  	[dreg:$0x5] =	wrdreg $0x9  }
0xb2: {  	_ =	task.clear_ibuf [dreg:s7], $0x6FFFF;
	_ =	strace $0x90000049  }
0xb3: {  	s29 =	simm.s32 $0x9;
	_ =	strace $0x8000004B  }
0xb4: {  	_ =	swait.ge [sflag:s29], $0x1  }
0xb5: {  	[sflag:s29] =	ssyncadd.s32 $0xFFFFFFFF  }
0xb6: {  	_ =	strace $0x9000004B  }
0xb7: {  	_ =	sfence  }
0xb8: {  	s30 =	sld [smem:$0x0];
	_ =	sdelay $0x2  }
0xb9: {  	s31 =	sshll.u32 s1, $0xD;
	s1 =	sshrl.u32 s1, $0x2  }
0xba: {  	s3 =	sand.u32 $0x4000, s31;
	s1 =	sadd.s32 s1, s30  }
0xbb: {  	s0 =	sor.u32 s3, s0;
	s1 =	sshll.u32 s1, $0x11  }
0xbc: {  	s0 =	sor.u32 s1, s0  }
0xbd: {  	s0 =	sadd.s32 $0x8F2B, s0  }
0xbe: {  	[sflag:s0] =	ssyncadd.remote.s32 $0x1  }
0xbf: {  	_ =	sfence.sel $0xFFFF  }
0xc0: {  	[dreg:$0x0] =	wrdreg $0xFFFFFFFF;
	(pc) =	sbr.abs _section_cstart, $3  }
0xc1: {  	[dreg:$0x1] =	wrdreg $0xFFFFFFFF  }
0xc2: {  	_ =	task.clear_ibuf [dreg:s7], $0x2FFFF;
	_ =	strace $0x9FFFFFFF  }
0xc3: {  	(tm) =	ssettm $0x7FFFFFFF  }
tec
execute0_lowered:
.L_overlay_start_1:
0x0: {  	(tag) =	ssettag $0x1  }
0x1: {  	s5 =	rddreg [dreg:$0x0]  }
0x2: {  	s8 =	rddreg [dreg:$0x1]  }
0x3: {  	s2 =	rddreg [dreg:$0x2]  }
0x4: {  	s1 =	stileid.u32;
	s4 =	srdreg.scid;
	s3 =	simm.s32 $0x0  }
0x5: {  	s14 =	simm.s32 $0x7;
	s15 =	simm.s32 $0x5400;
	s16 =	simm.s32 $0x1  }
0x6: {  	s17 =	simm.s32 $0x200;
	s18 =	simm.s32 $0x5C00;
	s19 =	simm.s32 $0x3  }
0x7: {  	s20 =	simm.s32 $0x5600;
	s21 =	simm.s32 $0x5800;
	s22 =	simm.s32 $0x2  }
0x8: {  	s23 =	simm.s32 $0x9C00;
	s24 =	simm.s32 $0x4;
	s25 =	simm.s32 $0x5A00  }
0x9: {  	s26 =	simm.s32 $0x5;
	s28 =	simm.s32 $0x6;
	s6 =	smul.u32 $0x6, s1  }
0xa: {  	s29 =	simm.s32 $0x0;
	s7 =	sand.u32 $0x1, s4;
	s9 =	smul.u32 $0x22, s1  }
0xb: {  	[smem:$0x7FF] =	sst s3;
	s4 =	sadd.s32 $0x15400, s5;
	s10 =	smul.u32 $0x5400, s1  }
0xc: {  	s11 =	sshll.u32 s1, $0x6;
	p0 =	seq.s32 s7, $0x0;
	_ =	strace $0x8000004A  }
0xd: {  	s30 =	ssub.s32 $0x2, s7;
	s7 =	smul.u32 $0x54000, s7;
	s6 =	sadd.s32 $0x220, s6  }
0xe: {  	s31 =	sshrl.u32 s30, $0x1;
	s13 =	sadd.s32 s10, s2;
	s6 =	smov.u32 @p0 s9  }
0xf: {  	s9 =	ssub.s32 s30, s31;
	s10 =	sadd.s32 s10, s7;
	s7 =	sor.u32 $0x1C07, s11  }
0x10: {  	s13 =	sshrl.u32 s13, $0x3;
	s6 =	sshll.u32 s6, $0x7;
	s10 =	sshrl.u32 s10, $0x3  }
0x11: {  	s9 =	smax.u32 s9, $0x1;
	s12 =	sadd.s32 s6, s5;
	s6 =	simm.s32 $0x10  }
0x12: {  	s5 =	sadd.s32 $0x20800, s5;
	s8 =	sadd.s32 s8, s10;
	s6 =	simm.s32 @!p0 $0x2  }
0x13: {  	s10 =	sadd.s32 $0x1400, s12;
	s11 =	sadd.s32 $0x1480, s12;
	s12 =	sadd.s32 $0x1580, s12  }
.LBB2_1:
0x14: {  	[spmem:s13], [sflag:s7] =	dma.local [hbm:s5], $0xA80  }
0x15: {  	_ =	swait.ge [sflag:s14], $0xA80  }
0x16: {  	[sflag:s14] =	ssyncset.done $0x0  }
0x17: {  	[sflag:s14] =	ssyncadd.s32 $0xFFFFF580  }
0x18: {  	[bflag:$0x0] =	sbarrier.arrive $0xFFFF  }
0x19: {  	[tilespmem:s15], [sflag:$0x1] =	stream.linear.gather [hbm4b:s10+s3], $0x400, $0x38;
	[tilespmem:$0xDC00] =	vst v63  }
0x1a: {  	_ =	swait.ge [sflag:s16], $0x400  }
0x1b: {  	[sflag:s16] =	ssyncset.done $0x0  }
0x1c: {  	[sflag:s16] =	ssyncadd.s32 $0xFFFFFC00  }
0x1d: {  	[tilespmem:s18], [sflag:$0x3] =	stream.indirect.gather [hbm4b:s4+s17], $0x20, s15, s17, $0xb8;
	[tilespmem:$0xDC00] =	vst v63  }
0x1e: {  	_ =	swait.ge [sflag:s19], $0x4000  }
0x1f: {  	[sflag:s19] =	ssyncset.done $0x0  }
0x20: {  	[sflag:s19] =	ssyncadd.s32 $0xFFFFC000  }
0x21: {  	[spmem:s2] =	stream.indirect.scatter.add.f32 [tilespmem:s18], [sflag:$0x5], $0x20, s20, s17, $0xb8;
	[tilespmem:$0xDC00] =	vst v63  }
0x22: {  	_ = 	snop  }
0x23: {  	[tilespmem:s21], [sflag:$0x2] =	stream.linear.gather [hbm4b:s11+s3], $0x400, $0x38;
	[tilespmem:$0xDC00] =	vst v63  }
0x24: {  	_ =	swait.ge [sflag:s22], $0x400  }
0x25: {  	[sflag:s22] =	ssyncset.done $0x0  }
0x26: {  	[sflag:s22] =	ssyncadd.s32 $0xFFFFFC00  }
0x27: {  	[tilespmem:s23], [sflag:$0x4] =	stream.indirect.gather [hbm4b:s4+s17], $0x20, s21, s17, $0xb8;
	[tilespmem:$0xDC00] =	vst v63  }
0x28: {  	_ =	swait.ge [sflag:s24], $0x4000  }
0x29: {  	[sflag:s24] =	ssyncset.done $0x0  }
0x2a: {  	[sflag:s24] =	ssyncadd.s32 $0xFFFFC000  }
0x2b: {  	[spmem:s2] =	stream.indirect.scatter.add.f32 [tilespmem:s23], [sflag:$0x6], $0x20, s25, s17, $0xb8;
	[tilespmem:$0xDC00] =	vst v63  }
0x2c: {  	_ =	swait.ge [sflag:s26], $0x4000  }
0x2d: {  	[sflag:s26] =	ssyncset.done $0x0  }
0x2e: {  	s30 =	sadd.s32 $0xFFFFFF80, s12;
	[sflag:s26] =	ssyncadd.s32 $0xFFFFC000  }
0x2f: {  	[tilespmem:s15], [sflag:$0x1] =	stream.linear.gather [hbm4b:s30+s3], $0x400, $0x38;
	[tilespmem:$0xDC00] =	vst v63  }
0x30: {  	_ =	swait.ge [sflag:s16], $0x400  }
0x31: {  	[sflag:s16] =	ssyncset.done $0x0  }
0x32: {  	[sflag:s16] =	ssyncadd.s32 $0xFFFFFC00  }
0x33: {  	[tilespmem:s18], [sflag:$0x3] =	stream.indirect.gather [hbm4b:s4+s17], $0x20, s15, s17, $0xb8;
	[tilespmem:$0xDC00] =	vst v63  }
0x34: {  	_ =	swait.ge [sflag:s19], $0x4000  }
0x35: {  	[sflag:s19] =	ssyncset.done $0x0  }
0x36: {  	[sflag:s19] =	ssyncadd.s32 $0xFFFFC000  }
0x37: {  	[spmem:s2] =	stream.indirect.scatter.add.f32 [tilespmem:s18], [sflag:$0x5], $0x20, s20, s17, $0xb8;
	[tilespmem:$0xDC00] =	vst v63  }
0x38: {  	_ =	swait.ge [sflag:s28], $0x4000  }
0x39: {  	[sflag:s28] =	ssyncset.done $0x0  }
0x3a: {  	[sflag:s28] =	ssyncadd.s32 $0xFFFFC000  }
0x3b: {  	[tilespmem:s21], [sflag:$0x2] =	stream.linear.gather [hbm4b:s12+s3], $0x400, $0x38;
	[tilespmem:$0xDC00] =	vst v63  }
0x3c: {  	_ =	swait.ge [sflag:s22], $0x400  }
0x3d: {  	p0 =	sne.s32 s6, $0x1;
	[sflag:s22] =	ssyncset.done $0x0  }
.Ltmp0:
0x3e: {  	[sflag:s22] =	ssyncadd.s32 $0xFFFFFC00;
	(pc) =	sbr.rel @!p0 .LBB2_3-.Ltmp0, $4  }
0x3f: {  	[tilespmem:s23], [sflag:$0x4] =	stream.indirect.gather [hbm4b:s4+s17], $0x20, s21, s17, $0xb8;
	[tilespmem:$0xDC00] =	vst v63  }
0x40: {  	_ =	swait.ge [sflag:s24], $0x4000  }
0x41: {  	[sflag:s24] =	ssyncset.done $0x0  }
0x42: {  	s31 =	sadd.s32 $0x100, s12;
	s30 =	sadd.s32 $0xFFFFFFFF, s6;
	[sflag:s24] =	ssyncadd.s32 $0xFFFFC000  }
.LBB2_2:
0x43: {  	[spmem:s2] =	stream.indirect.scatter.add.f32 [tilespmem:s23], [sflag:$0x6], $0x20, s25, s17, $0xb8;
	[tilespmem:$0xDC00] =	vst v63  }
0x44: {  	p0 =	sne.s32 s30, $0x1;
	s30 =	sadd.s32 $0xFFFFFFFF, s30;
	_ =	swait.ge [sflag:s26], $0x4000  }
0x45: {  	[sflag:s26] =	ssyncset.done $0x0  }
0x46: {  	s0 =	sadd.s32 $0xFFFFFF80, s31;
	[sflag:s26] =	ssyncadd.s32 $0xFFFFC000  }
0x47: {  	[tilespmem:s15], [sflag:$0x1] =	stream.linear.gather [hbm4b:s0+s3], $0x400, $0x38;
	[tilespmem:$0xDC00] =	vst v63  }
0x48: {  	_ =	swait.ge [sflag:s16], $0x400  }
0x49: {  	[sflag:s16] =	ssyncset.done $0x0  }
0x4a: {  	[sflag:s16] =	ssyncadd.s32 $0xFFFFFC00  }
0x4b: {  	[tilespmem:s18], [sflag:$0x3] =	stream.indirect.gather [hbm4b:s4+s17], $0x20, s15, s17, $0xb8;
	[tilespmem:$0xDC00] =	vst v63  }
0x4c: {  	_ =	swait.ge [sflag:s19], $0x4000  }
0x4d: {  	[sflag:s19] =	ssyncset.done $0x0  }
0x4e: {  	[sflag:s19] =	ssyncadd.s32 $0xFFFFC000  }
0x4f: {  	[spmem:s2] =	stream.indirect.scatter.add.f32 [tilespmem:s18], [sflag:$0x5], $0x20, s20, s17, $0xb8;
	[tilespmem:$0xDC00] =	vst v63  }
0x50: {  	_ =	swait.ge [sflag:s28], $0x4000  }
0x51: {  	[sflag:s28] =	ssyncset.done $0x0  }
0x52: {  	[sflag:s28] =	ssyncadd.s32 $0xFFFFC000  }
0x53: {  	[tilespmem:s21], [sflag:$0x2] =	stream.linear.gather [hbm4b:s31+s3], $0x400, $0x38;
	[tilespmem:$0xDC00] =	vst v63  }
0x54: {  	_ =	swait.ge [sflag:s22], $0x400  }
0x55: {  	[sflag:s22] =	ssyncset.done $0x0  }
.Ltmp1:
0x56: {  	[sflag:s22] =	ssyncadd.s32 $0xFFFFFC00;
	(pc) =	sbr.rel @p0 .LBB2_2-.Ltmp1, $4  }
0x57: {  	[tilespmem:s23], [sflag:$0x4] =	stream.indirect.gather [hbm4b:s4+s17], $0x20, s21, s17, $0xb8;
	[tilespmem:$0xDC00] =	vst v63  }
0x58: {  	_ =	swait.ge [sflag:s24], $0x4000  }
0x59: {  	[sflag:s24] =	ssyncset.done $0x0  }
0x5a: {  	s31 =	sadd.s32 $0x100, s31;
	[sflag:s24] =	ssyncadd.s32 $0xFFFFC000  }
.LBB2_3:
0x5b: {  	[spmem:s2] =	stream.indirect.scatter.add.f32 [tilespmem:s23], [sflag:$0x6], $0x20, s25, s17, $0xb8;
	[tilespmem:$0xDC00] =	vst v63  }
0x5c: {  	_ =	swait.ge [sflag:s26], $0x4000  }
0x5d: {  	[sflag:s26] =	ssyncset.done $0x0  }
0x5e: {  	[sflag:s26] =	ssyncadd.s32 $0xFFFFC000  }
0x5f: {  	_ =	swait.ge [sflag:s28], $0x4000  }
0x60: {  	s29 =	sadd.s32 $0x1, s29;
	[sflag:s28] =	ssyncset.done $0x0  }
0x61: {  	p0 =	sne.s32 s29, s9;
	[sflag:s28] =	ssyncadd.s32 $0xFFFFC000  }
.Ltmp2:
0x62: {  	[bflag:$0x0] =	sbarrier.arrive $0xFFFF;
	(pc) =	sbr.rel @p0 .LBB2_1-.Ltmp2, $4  }
0x63: {  	[hbm:s8], [sflag:s7] =	dma.local [spmem:s13], $0xA80  }
0x64: {  	_ =	swait.ge [sflag:s14], $0xA80  }
0x65: {  	[sflag:s14] =	ssyncset.done $0x0  }
0x66: {  	[sflag:s14] =	ssyncadd.s32 $0xFFFFF580  }
0x67: {  	_ =	sfence.sel $0x180000  }
0x68: {  	[bflag:$0x0] =	sbarrier.arrive $0xFFFF  }
0x69: {  	_ =	strace $0x9000004A  }
0x6a: {  	[bflag:$0x2] =	sbarrier.arrive $0xFFFF  }
0x6b: {  	p0 =	sne.s32 s1, $0x0;
	s0 =	rddreg [dreg:$0x3]  }
0x6c: {  	s0 =	sadd.s32 @!p0 $0x100000, s0  }
0x6d: {  	[sflag:s0] =	ssyncadd.tile.s32 @!p0 $0x1;
	_ =	shalt  }
.Lfunc_end2:
_tile_overlayer_lowered:
.L_overlay_start_2:
0x6e: {  	(tag) =	ssettag $0x2  }
0x6f: {  	s0 =	rddreg [dreg:$0x0];
	s2 =	stileid.u32  }
0x70: {  	s1 =	rddreg [dreg:$0x1];
	p0 =	sne.s32 s2, $0x0  }
0x71: {  	s3 =	rddreg [dreg:$0x2];
	[bflag:$0x3] =	sbarrier.arrive $0xFFFF;
	s2 =	simm.s32 @!p0 $0x1C07  }
0x72: {  	[timem:s3], [sflag:s2] =	dma.local @!p0 [hbm:s0], s1  }
0x73: {  	s0 =	simm.s32 @!p0 $0x7  }
0x74: {  	_ =	swait.ge @!p0 [sflag:s0], s1  }
0x75: {  	s1 =	ssub.s32 @!p0 $0x0, s1;
	[sflag:s0] =	ssyncset.done @!p0 $0x0  }
0x76: {  	[sflag:s0] =	ssyncadd.s32 @!p0 s1  }
0x77: {  	[bflag:$0x3] =	sbarrier.arrive $0xFFFF  }
0x78: {  	_ =	shalt  }

// kernel: kernel.7.cloned.1.call-start
scs
__scs_entry_jumppad:
0x0: {  	(pc) =	sbr.rel $0x88, $3  }
0x1: {  	(tag) =	ssettag $0x0;
	lr =	simm.s32 $0x1  }
0x2: {  	[smem:$0x3F9B] =	sst lr;
	_ =	strace $0xD0000000  }
0x3: {  	_ = 	snop  }
0x4: {  	_ = 	snop  }
0x5: {  	_ = 	snop  }
0x6: {  	_ = 	snop  }
0x7: {  	_ = 	snop  }
__scs_overlays_trampoline_lowered:
0x8: {  	[smem:$0x3FAA] =	sst s0  }
0x9: {  	[smem:$0x3FAB] =	sst s1  }
0xa: {  	[smem:$0x3FAC] =	sst s2  }
0xb: {  	[smem:$0x3FAD] =	sst s3  }
0xc: {  	[smem:$0x3FAE] =	sst s4  }
0xd: {  	[smem:$0x3FAF] =	sst s5  }
0xe: {  	[smem:$0x3FB0] =	sst s6  }
0xf: {  	[smem:$0x3FB1] =	sst s7  }
0x10: {  	[smem:$0x3FB2] =	sst s8  }
0x11: {  	[smem:$0x3FB3] =	sst s9;
	s0 =	simm.s32 @!p0 $0x0  }
0x12: {  	s1 =	sld [smem:$0x3F99];
	s0 =	simm.s32 @p0 $0x1  }
0x13: {  	[smem:$0x3FB4] =	sst s0;
	s0 =	simm.s32 @!p1 $0x0  }
0x14: {  	s2 =	sld [smem:$0x3F98];
	s0 =	simm.s32 @p1 $0x1  }
0x15: {  	[smem:$0x3FB5] =	sst s0;
	s0 =	simm.s32 @!p2 $0x0  }
0x16: {  	s3 =	sld [smem:$0x3FDB];
	s0 =	simm.s32 @p2 $0x1  }
0x17: {  	s4 =	simm.s32 $0x1BF5;
	[smem:$0x3FB7] =	sst s0  }
0x18: {  	s0 =	sld [smem:$0x3F9A];
	_ =	swait.ge [sflag:s4], $0x0  }
0x19: {  	s7 =	sld [smem:$0x3F9B]  }
0x1a: {  	s8 =	sadd.s32 $0xFFFFE003, lr  }
0x1b: {  	s9 =	sadd.s32 $0xFFFFFEF7, lr;
	s5 =	simm.s32 $0xFFFFFFFF;
	p2 =	slt.u32 s8, $0xFFFFF086  }
0x1c: {  	p1 =	slt.u32 s9, $0xF7A;
	s5 =	simm.s32 @!p2 $0x0  }
0x1d: {  	s5 =	simm.s32 @p1 $0x1;
	p0 =	seq.s32 s7, s2  }
0x1e: {  	s7 =	smul.u32 @!p0 $0xF7A, s2;
	p2 =	seq.s32 @!p0 s5, $0x0  }
0x1f: {  	s9 =	smul.u32 $0xF7A, s1;
	s8 =	simm.s32 @!p0 $0x1BF5;
	p2 =	por !p2, p0  }
0x20: {  	[sflag:s8] =	ssyncset.s32 @!p0 $0xFFFFF086;
	s6 =	sadd.s32 @!p0 s3, s7;
	s7 =	simm.s32 @!p0 $0x108  }
0x21: {  	s3 =	sadd.s32 s3, s9;
	s6 =	sadd.s32 @!p0 $0x88, s6;
	s7 =	simm.s32 @p2 $0x1082  }
0x22: {  	[simem:s7], [sflag:s8] =	dma.local @!p0 [hbm:s6], $0xF7A  }
0x23: {  	s9 =	sor.u32 $0xD0000000, s2;
	s6 =	simm.s32 $0x108;
	_ =	swait.ge @!p0 [sflag:s8], $0x0  }
0x24: {  	s3 =	sadd.s32 $0x88, s3;
	s6 =	simm.s32 @!p1 $0x1082;
	[sflag:s4] =	ssyncset.s32 $0xFFFFF086  }
0x25: {  	[simem:s6], [sflag:s4] =	dma.local [hbm:s3], $0xF7A  }
0x26: {  	[smem:$0x3F9B] =	sst s1;
	(tag) =	ssettag s2;
	_ =	strace s9  }
0x27: {  	s1 =	sld [smem:$0x3FAB]  }
0x28: {  	s2 =	sld [smem:$0x3FAC]  }
0x29: {  	s4 =	sld [smem:$0x3FAE]  }
0x2a: {  	p0 =	seq.s32 s5, $0x0;
	s5 =	sld [smem:$0x3FAF]  }
0x2b: {  	s6 =	sld [smem:$0x3FB0]  }
0x2c: {  	s7 =	sld [smem:$0x3FB1]  }
0x2d: {  	s3 =	simm.s32 $0x108;
	s8 =	sld [smem:$0x3FB2]  }
0x2e: {  	s3 =	simm.s32 @!p0 $0x1082;
	s9 =	sld [smem:$0x3FB3]  }
0x2f: {  	lr =	sadd.s32 s0, s3;
	s0 =	sld [smem:$0x3FAA]  }
0x30: {  	s3 =	sld [smem:$0x3FAD]  }
0x31: {  	[smem:$0x3FB6] =	sst s10  }
0x32: {  	s10 =	sld [smem:$0x3FB4];
	_ =	sdelay $0x3  }
0x33: {  	p0 =	seq.s32 s10, $0x1;
	s10 =	sld [smem:$0x3FB6];
	_ =	sdelay $0x3  }
0x34: {  	[smem:$0x3FB6] =	sst s10  }
0x35: {  	s10 =	sld [smem:$0x3FB5];
	_ =	sdelay $0x3  }
0x36: {  	p1 =	seq.s32 s10, $0x1;
	s10 =	sld [smem:$0x3FB6];
	_ =	sdelay $0x3  }
0x37: {  	[smem:$0x3FB6] =	sst s10  }
0x38: {  	s10 =	sld [smem:$0x3FB7]  }
0x39: {  	_ = 	snop;
	(pc) =	sbr.ind lr, $3  }
0x3a: {  	_ = 	snop  }
0x3b: {  	_ = 	snop  }
0x3c: {  	p2 =	seq.s32 s10, $0x1;
	s10 =	sld [smem:$0x3FB6]  }
0x3d: {  	_ =	shalt  }
0x3e: {  	_ =	shalt  }
0x3f: {  	_ =	shalt  }
0x40: {  	_ =	shalt  }
0x41: {  	_ =	shalt  }
0x42: {  	_ =	shalt  }
0x43: {  	_ =	shalt  }
0x44: {  	_ =	shalt  }
0x45: {  	_ =	shalt  }
0x46: {  	_ =	shalt  }
0x47: {  	_ =	shalt  }
0x48: {  	_ =	shalt  }
0x49: {  	_ =	shalt  }
0x4a: {  	_ =	shalt  }
0x4b: {  	_ =	shalt  }
0x4c: {  	_ =	shalt  }
0x4d: {  	_ =	shalt  }
0x4e: {  	_ =	shalt  }
0x4f: {  	_ =	shalt  }
0x50: {  	_ =	shalt  }
0x51: {  	_ =	shalt  }
0x52: {  	_ =	shalt  }
0x53: {  	_ =	shalt  }
0x54: {  	_ =	shalt  }
0x55: {  	_ =	shalt  }
0x56: {  	_ =	shalt  }
0x57: {  	_ =	shalt  }
0x58: {  	_ =	shalt  }
0x59: {  	_ =	shalt  }
0x5a: {  	_ =	shalt  }
0x5b: {  	_ =	shalt  }
0x5c: {  	_ =	shalt  }
0x5d: {  	_ =	shalt  }
0x5e: {  	_ =	shalt  }
0x5f: {  	_ =	shalt  }
0x60: {  	_ =	shalt  }
0x61: {  	_ =	shalt  }
0x62: {  	_ =	shalt  }
0x63: {  	_ =	shalt  }
0x64: {  	_ =	shalt  }
0x65: {  	_ =	shalt  }
0x66: {  	_ =	shalt  }
0x67: {  	_ =	shalt  }
0x68: {  	_ =	shalt  }
0x69: {  	_ =	shalt  }
0x6a: {  	_ =	shalt  }
0x6b: {  	_ =	shalt  }
0x6c: {  	_ =	shalt  }
0x6d: {  	_ =	shalt  }
0x6e: {  	_ =	shalt  }
0x6f: {  	_ =	shalt  }
0x70: {  	_ =	shalt  }
0x71: {  	_ =	shalt  }
0x72: {  	_ =	shalt  }
0x73: {  	_ =	shalt  }
0x74: {  	_ =	shalt  }
0x75: {  	_ =	shalt  }
0x76: {  	_ =	shalt  }
0x77: {  	_ =	shalt  }
0x78: {  	_ =	shalt  }
0x79: {  	_ =	shalt  }
0x7a: {  	_ =	shalt  }
0x7b: {  	_ =	shalt  }
0x7c: {  	_ =	shalt  }
0x7d: {  	_ =	shalt  }
0x7e: {  	_ =	shalt  }
0x7f: {  	_ =	shalt  }
0x80: {  	_ =	shalt  }
0x81: {  	_ =	shalt  }
0x82: {  	_ =	shalt  }
0x83: {  	_ =	shalt  }
0x84: {  	_ =	shalt  }
0x85: {  	_ =	shalt  }
0x86: {  	_ =	shalt  }
0x87: {  	_ =	shalt  }
.Lfunc_end0:
.L_simem_size_0:
called_computation_lowered:
.L_overlay_start_0:
0x88: {  	s2 =	sld [smem:$0x3FD9]  }
0x89: {  	s3 =	sld [smem:$0x3FFE];
	_ =	sdelay $0x1  }
0x8a: {  	s1 =	srdreg.scid  }
0x8b: {  	s0 =	sand.u32 $0x1, s1  }
0x8c: {  	s17 =	sshll.u32 s0, $0xA;
	s2 =	sadd.s32 s3, s2  }
0x8d: {  	s2 =	sadd.s32 s2, s17  }
0x8e: {  	[smem:$0x3FC2] =	sst s2  }
0x8f: {  	_ = 	snop  }
0x90: {  	s2 =	sld [smem:$0x3FD0];
	(tm) =	ssettm $0x1  }
0x91: {  	s18 =	sld [smem:$0x3FFB];
	_ =	sdelay $0x3  }
0x92: {  	_ =	strace s18  }
0x93: {  	s3 =	sld [smem:$0x3FFC];
	_ =	sdelay $0x3  }
0x94: {  	_ =	strace s3  }
0x95: {  	s3 =	sld [smem:$0x3FFD];
	_ =	sdelay $0x3  }
0x96: {  	_ =	strace s3  }
0x97: {  	_ =	strace $0x8FFFFFFF  }
0x98: {  	s19 =	sld [smem:$0x3FDB];
	_ =	sdelay $0x1  }
0x99: {  	s4 =	simm.s32 $_scs_section_size  }
0x9a: {  	s5 =	simm.s32 $_size__tile_overlayer_lowered;
	s6 =	simm.s32 $_tile_overlayer_lowered  }
0x9b: {  	s22 =	simm.s32 $0x1BFF;
	s21 =	sshll.u32 s6, $0x1;
	s3 =	sadd.s32 s4, s19  }
0x9c: {  	s7 =	simm.s32 $0x0;
	s20 =	sshll.u32 s5, $0x1;
	s5 =	sadd.s32 s21, s3  }
0x9d: {  	[timem:s7], [sflag:s22] =	dma.local [hbm:s5], s20  }
0x9e: {  	_ =	swait.ge [sflag:s22], s20  }
0x9f: {  	s4 =	ssub.s32 $0x0, s20;
	[sflag:s22] =	ssyncset.done $0x0  }
0xa0: {  	[sflag:s22] =	ssyncadd.s32 s4;
	_ =	sdelay $0x1  }
0xa1: {  	s23 =	simm.s32 $0x1B8B  }
0xa2: {  	_ =	swait.ge [sflag:s23], $0x1  }
0xa3: {  	[sflag:s23] =	ssyncset.done $0x0  }
0xa4: {  	s25 =	simm.s32 $0x1B8E;
	s24 =	sld [smem:$0x3FFE];
	[sflag:s23] =	ssyncadd.s32 $0xFFFFFFFF  }
0xa5: {  	s26 =	simm.s32 $execute0_lowered;
	[smem:$0x3FD2] =	sst s25  }
0xa6: {  	s5 =	sshll.u32 s26, $0x1;
	_ =	strace $0x80000046;
	[dreg:$0x1] =	wrdreg $0xFFFFFFFF  }
0xa7: {  	s28 =	simm.s32 $_size_execute0_lowered;
	s3 =	sadd.s32 s3, s5;
	[dreg:$0x0] =	wrdreg $0x0  }
0xa8: {  	s5 =	sshll.u32 s28, $0x1;
	[dreg:$0x2] =	wrdreg s3  }
0xa9: {  	[dreg:$0x3] =	wrdreg s5  }
0xaa: {  	[dreg:$0x4] =	wrdreg $0xC0  }
0xab: {  	_ =	task [dreg:s7], $0x5FFFF  }
0xac: {  	[dreg:$0x1] =	wrdreg $0xFFFFFFFF  }
0xad: {  	[dreg:$0x0] =	wrdreg $0x60  }
0xae: {  	[dreg:$0x2] =	wrdreg s24  }
0xaf: {  	[dreg:$0x3] =	wrdreg s2  }
0xb0: {  	[dreg:$0x4] =	wrdreg $0x0  }
0xb1: {  	[dreg:$0x5] =	wrdreg $0x54000  }
0xb2: {  	[dreg:$0x6] =	wrdreg $0x9  }
0xb3: {  	_ =	task.clear_ibuf [dreg:s7], $0x7FFFF;
	_ =	strace $0x90000046  }
0xb4: {  	s29 =	simm.s32 $0x9;
	_ =	strace $0x80000048  }
0xb5: {  	_ =	swait.ge [sflag:s29], $0x1  }
0xb6: {  	[sflag:s29] =	ssyncadd.s32 $0xFFFFFFFF  }
0xb7: {  	_ =	strace $0x90000048  }
0xb8: {  	_ =	sfence  }
0xb9: {  	s30 =	sld [smem:$0x0];
	_ =	sdelay $0x2  }
0xba: {  	s31 =	sshll.u32 s1, $0xD;
	s1 =	sshrl.u32 s1, $0x2  }
0xbb: {  	s3 =	sand.u32 $0x4000, s31;
	s1 =	sadd.s32 s1, s30  }
0xbc: {  	s0 =	sor.u32 s3, s0;
	s1 =	sshll.u32 s1, $0x11  }
0xbd: {  	s0 =	sor.u32 s1, s0  }
0xbe: {  	s0 =	sadd.s32 $0x8F2B, s0  }
0xbf: {  	[sflag:s0] =	ssyncadd.remote.s32 $0x1  }
0xc0: {  	_ =	sfence.sel $0xFFFF  }
0xc1: {  	[dreg:$0x0] =	wrdreg $0xFFFFFFFF;
	(pc) =	sbr.abs _section_cstart, $3  }
0xc2: {  	[dreg:$0x1] =	wrdreg $0xFFFFFFFF  }
0xc3: {  	_ =	task.clear_ibuf [dreg:s7], $0x2FFFF;
	_ =	strace $0x9FFFFFFF  }
0xc4: {  	(tm) =	ssettm $0x7FFFFFFF  }
0xc5: {  	_ =	shalt  }
tec
execute0_lowered:
.L_overlay_start_1:
0x0: {  	(tag) =	ssettag $0x1  }
0x1: {  	s0 =	rddreg [dreg:$0x0]  }
0x2: {  	s2 =	rddreg [dreg:$0x1]  }
0x3: {  	s1 =	rddreg [dreg:$0x2];
	s10 =	stileid.u32  }
0x4: {  	s4 =	srdreg.scid;
	s3 =	rddreg [dreg:$0x3];
	s17 =	simm.s32 $0x9  }
0x5: {  	s19 =	simm.s32 $0x13400;
	s20 =	simm.s32 $0xA800;
	s28 =	simm.s32 $0xAC00  }
0x6: {  	s29 =	simm.s32 $0x2;
	s30 =	simm.s32 $0xF400;
	s5 =	smul.u32 $0x6, s10  }
0x7: {  	s31 =	simm.s32 $0x4;
	s6 =	sand.u32 $0x1, s4;
	s7 =	smul.u32 $0x22, s10  }
0x8: {  	s4 =	simm.s32 $0x0;
	s21 =	smul.u32 $0x5400, s10;
	s11 =	sadd.s32 $0x20800, s0  }
0x9: {  	s22 =	sadd.s32 $0x1FC00, s0;
	s12 =	sadd.s32 $0x1000, s0;
	s10 =	sshll.u32 s10, $0x6  }
0xa: {  	p0 =	seq.s32 s6, $0x0;
	[smem:$0x7FF] =	sst s4;
	s9 =	smul.u32 $0x54000, s6  }
0xb: {  	s6 =	ssub.s32 $0x2, s6;
	_ =	strace $0x80000047;
	[dreg:$0x5] =	wrdreg s11  }
0xc: {  	s10 =	sor.u32 $0x1C09, s10;
	s5 =	sadd.s32 $0x220, s5;
	[dreg:$0x6] =	wrdreg s22  }
0xd: {  	s24 =	sshrl.u32 s6, $0x1;
	[dreg:$0x7] =	wrdreg s12;
	s25 =	sadd.s32 s21, s1  }
0xe: {  	s22 =	simm.s32 $0x200;
	s11 =	simm.s32 $0x8;
	s12 =	simm.s32 $0x0  }
0xf: {  	s5 =	smov.u32 @p0 s7;
	s9 =	sadd.s32 s21, s9;
	s6 =	ssub.s32 s6, s24  }
0x10: {  	s7 =	sadd.s32 s21, s3;
	s16 =	sshrl.u32 s25, $0x3;
	s21 =	simm.s32 $0x1  }
0x11: {  	s24 =	simm.s32 $0x3;
	s25 =	simm.s32 $0xAA00;
	s8 =	sshll.u32 s5, $0x7  }
0x12: {  	s5 =	sadd.s32 $0x15400, s0;
	s23 =	sshrl.u32 s9, $0x3;
	s9 =	simm.s32 $0x1100  }
0x13: {  	s26 =	smax.u32 s6, $0x1;
	s18 =	sshrl.u32 s7, $0x3;
	s7 =	simm.s32 $0x7  }
0x14: {  	s8 =	sadd.s32 s8, s0;
	s0 =	sadd.s32 s23, s0;
	s9 =	simm.s32 @!p0 $0x300  }
0x15: {  	s2 =	sadd.s32 s2, s23;
	[dreg:$0xa] =	wrdreg s26;
	s23 =	simm.s32 $0xB400  }
0x16: {  	s26 =	simm.s32 $0xB000;
	[dreg:$0x8] =	wrdreg s2;
	s0 =	sadd.s32 $0x21400, s0  }
0x17: {  	s14 =	sadd.s32 $0x1400, s8;
	s15 =	sadd.s32 $0x1480, s8;
	s2 =	simm.s32 $0xAE00  }
0x18: {  	v0 =	vimm.s32 $0x0;
	s8 =	simm.s32 $0x6;
	[dreg:$0x9] =	wrdreg s0;
	s0 =	simm.s32 $0xB200  }
.LBB2_1:
0x19: {  	s6 =	rddreg [dreg:$0x5]  }
0x1a: {  	[spmem:s16], [sflag:s10] =	dma.local [hbm:s6], $0xA80  }
0x1b: {  	_ =	swait.ge [sflag:s17], $0xA80  }
0x1c: {  	[sflag:s17] =	ssyncset.done $0x0  }
0x1d: {  	s13 =	rddreg [dreg:$0x6];
	[sflag:s17] =	ssyncadd.s32 $0xFFFFF580  }
0x1e: {  	[spmem:s18], [sflag:s10] =	dma.local [hbm:s13], $0xA80  }
0x1f: {  	_ =	swait.ge [sflag:s17], $0xA80  }
0x20: {  	[sflag:s17] =	ssyncset.done $0x0  }
0x21: {  	s13 =	rddreg [dreg:$0x7];
	[sflag:s17] =	ssyncadd.s32 $0xFFFFF580  }
0x22: {  	[tilespmem:s19], [sflag:$0x9] =	stream.linear.gather [hbm4b:s13+s4], $0x2000, $0x38;
	[tilespmem:$0x15400] =	vst v63  }
0x23: {  	_ =	swait.ge [sflag:s17], $0x2000  }
0x24: {  	[sflag:s17] =	ssyncset.done $0x0  }
0x25: {  	[sflag:s17] =	ssyncadd.s32 $0xFFFFE000  }
0x26: {  	s13 =	simm.s32 $0x0;
	[bflag:$0x0] =	sbarrier.arrive $0xFFFF  }
.LBB2_2:
0x27: {  	p0 =	seq.s32 s13, $0x0  }
0x28: {  	s6 =	simm.s32 @!p0 $0x5  }
0x29: {  	_ =	swait.ge @!p0 [sflag:s6], $0x4000  }
0x2a: {  	[sflag:s6] =	ssyncset.done @!p0 $0x0  }
0x2b: {  	[sflag:s6] =	ssyncadd.s32 @!p0 $0xFFFFC000;
	s6 =	simm.s32 @!p0 $0x7  }
0x2c: {  	_ =	swait.ge @!p0 [sflag:s6], $0x2000  }
0x2d: {  	[sflag:s6] =	ssyncset.done @!p0 $0x0  }
0x2e: {  	[sflag:s6] =	ssyncadd.s32 @!p0 $0xFFFFE000;
	s6 =	sadd.s32 s13, s14  }
0x2f: {  	[tilespmem:s20], [sflag:$0x1] =	stream.linear.gather [hbm4b:s6+s4], $0x400, $0x38;
	[tilespmem:$0x15400] =	vst v63  }
0x30: {  	_ =	swait.ge [sflag:s21], $0x400  }
0x31: {  	[sflag:s21] =	ssyncset.done $0x0  }
0x32: {  	[sflag:s21] =	ssyncadd.s32 $0xFFFFFC00  }
0x33: {  	[tilespmem:s23], [sflag:$0x3] =	stream.indirect.gather [hbm4b:s5+s22], $0x20, s20, s22, $0xb8;
	[tilespmem:$0x15400] =	vst v63  }
0x34: {  	v1 =	vld [tilespmem:$0xA800]  }
0x35: {  	v2 =	vld [tilespmem:$0xAA00]  }
0x36: {  	v3 =	vld [tilespmem:$0xA810]  }
0x37: {  	v4 =	vld [tilespmem:$0xAA10]  }
0x38: {  	v5 =	vld [tilespmem:$0xA820]  }
0x39: {  	v6 =	vld [tilespmem:$0xAA20]  }
0x3a: {  	v7 =	vld [tilespmem:$0xA830]  }
0x3b: {  	v8 =	vld [tilespmem:$0xAA30]  }
0x3c: {  	v9 =	vld [tilespmem:$0xA840]  }
0x3d: {  	v10 =	vld [tilespmem:$0xAA40]  }
0x3e: {  	v11 =	vld [tilespmem:$0xA850]  }
0x3f: {  	v12 =	vld [tilespmem:$0xAA50]  }
0x40: {  	v13 =	vld [tilespmem:$0xA860]  }
0x41: {  	v14 =	vld [tilespmem:$0xAA60]  }
0x42: {  	v15 =	vld [tilespmem:$0xA870]  }
0x43: {  	v16 =	vld [tilespmem:$0xAA70]  }
0x44: {  	v17 =	vld [tilespmem:$0xA880]  }
0x45: {  	v18 =	vld [tilespmem:$0xAA80]  }
0x46: {  	v19 =	vld [tilespmem:$0xA890]  }
0x47: {  	v20 =	vld [tilespmem:$0xAA90]  }
0x48: {  	v21 =	vld [tilespmem:$0xA8A0]  }
0x49: {  	v22 =	vld [tilespmem:$0xAAA0]  }
0x4a: {  	v23 =	vld [tilespmem:$0xA8B0]  }
0x4b: {  	v24 =	vld [tilespmem:$0xAAB0]  }
0x4c: {  	v25 =	vld [tilespmem:$0xA8C0]  }
0x4d: {  	v26 =	vld [tilespmem:$0xAAC0]  }
0x4e: {  	v27 =	vld [tilespmem:$0xA8D0]  }
0x4f: {  	v28 =	vld [tilespmem:$0xAAD0]  }
0x50: {  	v29 =	vld [tilespmem:$0xA8E0]  }
0x51: {  	v30 =	vld [tilespmem:$0xAAE0]  }
0x52: {  	v31 =	vld [tilespmem:$0xA8F0]  }
0x53: {  	v32 =	vld [tilespmem:$0xAAF0]  }
0x54: {  	v33 =	vld [tilespmem:$0xA900]  }
0x55: {  	v34 =	vld [tilespmem:$0xAB00]  }
0x56: {  	v35 =	vld [tilespmem:$0xA910]  }
0x57: {  	v36 =	vld [tilespmem:$0xAB10]  }
0x58: {  	v37 =	vld [tilespmem:$0xA920]  }
0x59: {  	v49 =	vld [tilespmem:$0xA950];
	vm0 =	veq.s32 v1, v2;
	vm13 =	veq.s32 v3, v4  }
0x5a: {  	v51 =	vld [tilespmem:$0xAB50];
	vm14 =	veq.s32 v5, v6;
	vm15 =	veq.s32 v7, v8;
	v38 =	vsel vm0, $0x2A00, v0  }
0x5b: {  	v53 =	vld [tilespmem:$0xA960];
	vm4 =	veq.s32 v9, v10;
	v45 =	vsel vm13, $0x2A00, v0;
	v2 =	vadd.s32 v2, v38  }
0x5c: {  	v55 =	vld [tilespmem:$0xAB60];
	vm5 =	veq.s32 v11, v12;
	v46 =	vsel vm14, $0x2A00, v0;
	[tilespmem:$0xB000] =	vst v2;
	v2 =	vadd.s32 v4, v45  }
0x5d: {  	v57 =	vld [tilespmem:$0xA970];
	vm6 =	veq.s32 v13, v14;
	v47 =	vsel vm15, $0x2A00, v0;
	[tilespmem:$0xB010] =	vst v2;
	v2 =	vadd.s32 v6, v46  }
0x5e: {  	v59 =	vld [tilespmem:$0xAB70];
	vm7 =	veq.s32 v15, v16;
	v48 =	vsel vm4, $0x2A00, v0;
	[tilespmem:$0xB020] =	vst v2;
	v2 =	vadd.s32 v8, v47  }
0x5f: {  	v61 =	vld [tilespmem:$0xA980];
	vm8 =	veq.s32 v17, v18;
	v50 =	vsel vm5, $0x2A00, v0;
	[tilespmem:$0xB030] =	vst v2;
	v2 =	vadd.s32 v10, v48  }
0x60: {  	v63 =	vld [tilespmem:$0xAB80];
	vm9 =	veq.s32 v19, v20;
	v52 =	vsel vm6, $0x2A00, v0;
	[tilespmem:$0xB040] =	vst v2;
	v2 =	vadd.s32 v12, v50  }
0x61: {  	v39 =	vld [tilespmem:$0xA9A0];
	vm10 =	veq.s32 v21, v22;
	v54 =	vsel vm7, $0x2A00, v0;
	[tilespmem:$0xB050] =	vst v2;
	v2 =	vadd.s32 v14, v52  }
0x62: {  	v41 =	vld [tilespmem:$0xABA0];
	vm11 =	veq.s32 v23, v24;
	v56 =	vsel vm8, $0x2A00, v0;
	[tilespmem:$0xB060] =	vst v2;
	v2 =	vadd.s32 v16, v54  }
0x63: {  	v43 =	vld [tilespmem:$0xA9B0];
	vm12 =	veq.s32 v25, v26;
	v58 =	vsel vm9, $0x2A00, v0;
	[tilespmem:$0xB070] =	vst v2;
	v2 =	vadd.s32 v18, v56  }
0x64: {  	v1 =	vld [tilespmem:$0xAB20];
	v60 =	vsel vm10, $0x2A00, v0;
	v62 =	vsel vm11, $0x2A00, v0;
	[tilespmem:$0xB080] =	vst v2;
	v2 =	vadd.s32 v20, v58  }
0x65: {  	v3 =	vld [tilespmem:$0xA930];
	vm13 =	veq.s32 v27, v28;
	vm14 =	veq.s32 v29, v30;
	[tilespmem:$0xB090] =	vst v2;
	v2 =	vadd.s32 v22, v60  }
0x66: {  	v5 =	vld [tilespmem:$0xAB30];
	vm15 =	veq.s32 v31, v32;
	[tilespmem:$0xB0A0] =	vst v2;
	v2 =	vadd.s32 v24, v62;
	v24 =	vsel vm12, $0x2A00, v0  }
0x67: {  	v7 =	vld [tilespmem:$0xA940];
	vm4 =	veq.s32 v33, v34;
	v27 =	vsel vm13, $0x2A00, v0;
	[tilespmem:$0xB0B0] =	vst v2;
	v2 =	vadd.s32 v26, v24  }
0x68: {  	vm5 =	veq.s32 v35, v36;
	v38 =	vsel vm14, $0x2A00, v0;
	v6 =	vld [tilespmem:$0xAB40];
	[tilespmem:$0xB0C0] =	vst v2;
	v2 =	vadd.s32 v28, v27  }
0x69: {  	v25 =	vld [tilespmem:$0xA990];
	vm9 =	veq.s32 v49, v51;
	v40 =	vsel vm15, $0x2A00, v0;
	[tilespmem:$0xB0D0] =	vst v2;
	v2 =	vadd.s32 v30, v38  }
0x6a: {  	v29 =	vld [tilespmem:$0xAB90];
	vm10 =	veq.s32 v53, v55;
	v42 =	vsel vm4, $0x2A00, v0;
	[tilespmem:$0xB0E0] =	vst v2;
	v2 =	vadd.s32 v32, v40  }
0x6b: {  	v49 =	vld [tilespmem:$0xABD0];
	v44 =	vsel vm5, $0x2A00, v0;
	vm6 =	veq.s32 v37, v1;
	[tilespmem:$0xB0F0] =	vst v2;
	v2 =	vadd.s32 v34, v42  }
0x6c: {  	v53 =	vld [tilespmem:$0xABF0];
	vm7 =	veq.s32 v3, v5;
	v46 =	vsel vm6, $0x2A00, v0;
	[tilespmem:$0xB100] =	vst v2;
	v2 =	vadd.s32 v36, v44  }
0x6d: {  	v45 =	vld [tilespmem:$0xABB0];
	v1 =	vadd.s32 v1, v46;
	vm8 =	veq.s32 v7, v6;
	[tilespmem:$0xB110] =	vst v2;
	v2 =	vsel vm7, $0x2A00, v0  }
0x6e: {  	v3 =	vld [tilespmem:$0xA9C0];
	[tilespmem:$0xB120] =	vst v1;
	v1 =	vadd.s32 v5, v2;
	v2 =	vsel vm8, $0x2A00, v0  }
0x6f: {  	v47 =	vld [tilespmem:$0xABC0];
	[tilespmem:$0xB130] =	vst v1;
	v1 =	vadd.s32 v6, v2;
	v2 =	vsel vm9, $0x2A00, v0  }
0x70: {  	vm11 =	veq.s32 v57, v59;
	v48 =	vld [tilespmem:$0xA9D0];
	[tilespmem:$0xB140] =	vst v1;
	v1 =	vadd.s32 v51, v2;
	v2 =	vsel vm10, $0x2A00, v0  }
0x71: {  	v50 =	vld [tilespmem:$0xA9E0];
	vm12 =	veq.s32 v61, v63;
	[tilespmem:$0xB150] =	vst v1;
	v1 =	vadd.s32 v55, v2;
	v2 =	vsel vm11, $0x2A00, v0  }
0x72: {  	vm13 =	veq.s32 v25, v29;
	v51 =	vld [tilespmem:$0xABE0];
	[tilespmem:$0xB160] =	vst v1;
	v1 =	vadd.s32 v59, v2;
	v2 =	vsel vm12, $0x2A00, v0  }
0x73: {  	vm14 =	veq.s32 v39, v41;
	v52 =	vld [tilespmem:$0xA9F0];
	[tilespmem:$0xB170] =	vst v1;
	v1 =	vadd.s32 v63, v2;
	v2 =	vsel vm13, $0x2A00, v0  }
0x74: {  	vm15 =	veq.s32 v43, v45;
	[tilespmem:$0xB180] =	vst v1;
	v1 =	vadd.s32 v29, v2;
	v2 =	vsel vm14, $0x2A00, v0  }
0x75: {  	vm4 =	veq.s32 v3, v47;
	[tilespmem:$0xB190] =	vst v1;
	v1 =	vadd.s32 v41, v2;
	v2 =	vsel vm15, $0x2A00, v0  }
0x76: {  	vm5 =	veq.s32 v48, v49;
	[tilespmem:$0xB1A0] =	vst v1;
	v1 =	vadd.s32 v45, v2;
	v2 =	vsel vm4, $0x2A00, v0  }
0x77: {  	vm6 =	veq.s32 v50, v51;
	[tilespmem:$0xB1B0] =	vst v1;
	v1 =	vadd.s32 v47, v2;
	v2 =	vsel vm5, $0x2A00, v0  }
0x78: {  	vm7 =	veq.s32 v52, v53;
	[tilespmem:$0xB1C0] =	vst v1;
	v1 =	vadd.s32 v49, v2;
	v2 =	vsel vm6, $0x2A00, v0  }
0x79: {  	[tilespmem:$0xB1D0] =	vst v1;
	v1 =	vadd.s32 v51, v2;
	v2 =	vsel vm7, $0x2A00, v0  }
0x7a: {  	[tilespmem:$0xB1E0] =	vst v1;
	v1 =	vadd.s32 v53, v2  }
0x7b: {  	[tilespmem:$0xB1F0] =	vst v1  }
0x7c: {  	_ =	swait.ge [sflag:s24], $0x4000  }
0x7d: {  	[sflag:s24] =	ssyncset.done $0x0  }
0x7e: {  	[sflag:s24] =	ssyncadd.s32 $0xFFFFC000  }
0x7f: {  	[spmem:s1] =	stream.indirect.scatter.add.f32 [tilespmem:s23], [sflag:$0x5], $0x20, s25, s22, $0xb8;
	[tilespmem:$0x15400] =	vst v63  }
0x80: {  	s6 =	simm.s32 @!p0 $0x6  }
0x81: {  	[spmem:s3] =	stream.indirect.scatter.add.f32 [tilespmem:s19], [sflag:$0x7], $0x10, s26, s22, $0xb8;
	[tilespmem:$0x15400] =	vst v63  }
0x82: {  	_ =	swait.ge @!p0 [sflag:s6], $0x4000  }
0x83: {  	[sflag:s6] =	ssyncset.done @!p0 $0x0  }
0x84: {  	[sflag:s6] =	ssyncadd.s32 @!p0 $0xFFFFC000;
	s6 =	simm.s32 @!p0 $0x8  }
0x85: {  	_ =	swait.ge @!p0 [sflag:s6], $0x2000  }
0x86: {  	[sflag:s6] =	ssyncset.done @!p0 $0x0  }
0x87: {  	[sflag:s6] =	ssyncadd.s32 @!p0 $0xFFFFE000;
	s6 =	sadd.s32 s13, s15  }
0x88: {  	[tilespmem:s28], [sflag:$0x2] =	stream.linear.gather [hbm4b:s6+s4], $0x400, $0x38;
	[tilespmem:$0x15400] =	vst v63  }
0x89: {  	_ =	swait.ge [sflag:s29], $0x400  }
0x8a: {  	[sflag:s29] =	ssyncset.done $0x0  }
0x8b: {  	[sflag:s29] =	ssyncadd.s32 $0xFFFFFC00  }
0x8c: {  	[tilespmem:s30], [sflag:$0x4] =	stream.indirect.gather [hbm4b:s5+s22], $0x20, s28, s22, $0xb8;
	[tilespmem:$0x15400] =	vst v63  }
0x8d: {  	v1 =	vld [tilespmem:$0xAC00]  }
0x8e: {  	v2 =	vld [tilespmem:$0xAE00]  }
0x8f: {  	v3 =	vld [tilespmem:$0xAC10]  }
0x90: {  	v4 =	vld [tilespmem:$0xAE10]  }
0x91: {  	v54 =	vld [tilespmem:$0xAC20]  }
0x92: {  	v6 =	vld [tilespmem:$0xAE20]  }
0x93: {  	v55 =	vld [tilespmem:$0xAC30]  }
0x94: {  	v8 =	vld [tilespmem:$0xAE30]  }
0x95: {  	v56 =	vld [tilespmem:$0xAC40]  }
0x96: {  	v10 =	vld [tilespmem:$0xAE40]  }
0x97: {  	v57 =	vld [tilespmem:$0xAC50]  }
0x98: {  	v58 =	vld [tilespmem:$0xAE50]  }
0x99: {  	v59 =	vld [tilespmem:$0xAC60]  }
0x9a: {  	v60 =	vld [tilespmem:$0xAE60]  }
0x9b: {  	v61 =	vld [tilespmem:$0xAC70]  }
0x9c: {  	v16 =	vld [tilespmem:$0xAE70]  }
0x9d: {  	v62 =	vld [tilespmem:$0xAC80]  }
0x9e: {  	v18 =	vld [tilespmem:$0xAE80]  }
0x9f: {  	v63 =	vld [tilespmem:$0xAC90]  }
0xa0: {  	v40 =	vld [tilespmem:$0xAE90]  }
0xa1: {  	v41 =	vld [tilespmem:$0xACA0]  }
0xa2: {  	v42 =	vld [tilespmem:$0xAEA0]  }
0xa3: {  	v43 =	vld [tilespmem:$0xACB0]  }
0xa4: {  	v44 =	vld [tilespmem:$0xAEB0]  }
0xa5: {  	v45 =	vld [tilespmem:$0xACC0]  }
0xa6: {  	v46 =	vld [tilespmem:$0xAEC0]  }
0xa7: {  	v47 =	vld [tilespmem:$0xACD0]  }
0xa8: {  	v48 =	vld [tilespmem:$0xAED0]  }
0xa9: {  	v49 =	vld [tilespmem:$0xACE0]  }
0xaa: {  	v30 =	vld [tilespmem:$0xAEE0]  }
0xab: {  	v50 =	vld [tilespmem:$0xACF0]  }
0xac: {  	v32 =	vld [tilespmem:$0xAEF0]  }
0xad: {  	v51 =	vld [tilespmem:$0xAD00]  }
0xae: {  	v34 =	vld [tilespmem:$0xAF00]  }
0xaf: {  	v35 =	vld [tilespmem:$0xAD10]  }
0xb0: {  	v36 =	vld [tilespmem:$0xAF10]  }
0xb1: {  	v37 =	vld [tilespmem:$0xAD20]  }
0xb2: {  	v5 =	vld [tilespmem:$0xAF30];
	vm8 =	veq.s32 v1, v2  }
0xb3: {  	v7 =	vld [tilespmem:$0xAD40];
	vm9 =	veq.s32 v3, v4;
	vm10 =	veq.s32 v54, v6;
	v52 =	vsel vm8, $0x2A00, v0  }
0xb4: {  	v9 =	vld [tilespmem:$0xAF50];
	vm11 =	veq.s32 v55, v8;
	v53 =	vsel vm9, $0x2A00, v0;
	v2 =	vadd.s32 v2, v52  }
0xb5: {  	v39 =	vld [tilespmem:$0xAF70];
	vm12 =	veq.s32 v56, v10;
	v54 =	vsel vm10, $0x2A00, v0;
	[tilespmem:$0xB200] =	vst v2;
	v2 =	vadd.s32 v4, v53  }
0xb6: {  	v1 =	vld [tilespmem:$0xAF20];
	vm13 =	veq.s32 v57, v58;
	v55 =	vsel vm11, $0x2A00, v0;
	[tilespmem:$0xB210] =	vst v2;
	v2 =	vadd.s32 v6, v54  }
0xb7: {  	v3 =	vld [tilespmem:$0xAD30];
	vm14 =	veq.s32 v59, v60;
	v56 =	vsel vm12, $0x2A00, v0;
	[tilespmem:$0xB220] =	vst v2;
	v2 =	vadd.s32 v8, v55  }
0xb8: {  	vm15 =	veq.s32 v61, v16;
	v59 =	vld [tilespmem:$0xAD60];
	v57 =	vsel vm13, $0x2A00, v0;
	[tilespmem:$0xB230] =	vst v2;
	v2 =	vadd.s32 v10, v56  }
0xb9: {  	vm4 =	veq.s32 v62, v18;
	v61 =	vld [tilespmem:$0xAF60];
	[tilespmem:$0xB240] =	vst v2;
	v2 =	vadd.s32 v58, v57;
	v58 =	vsel vm14, $0x2A00, v0  }
0xba: {  	vm5 =	veq.s32 v63, v40;
	v63 =	vld [tilespmem:$0xAD70];
	[tilespmem:$0xB250] =	vst v2;
	v2 =	vadd.s32 v60, v58;
	v60 =	vsel vm15, $0x2A00, v0  }
0xbb: {  	vm6 =	veq.s32 v41, v42;
	v41 =	vld [tilespmem:$0xAD80];
	v62 =	vsel vm4, $0x2A00, v0;
	[tilespmem:$0xB260] =	vst v2;
	v2 =	vadd.s32 v16, v60  }
0xbc: {  	vm7 =	veq.s32 v43, v44;
	v43 =	vld [tilespmem:$0xAF80];
	v38 =	vsel vm5, $0x2A00, v0;
	[tilespmem:$0xB270] =	vst v2;
	v2 =	vadd.s32 v18, v62  }
0xbd: {  	vm8 =	veq.s32 v45, v46;
	v45 =	vld [tilespmem:$0xAD90];
	[tilespmem:$0xB280] =	vst v2;
	v2 =	vadd.s32 v40, v38;
	v40 =	vsel vm6, $0x2A00, v0  }
0xbe: {  	vm9 =	veq.s32 v47, v48;
	v47 =	vld [tilespmem:$0xAF90];
	[tilespmem:$0xB290] =	vst v2;
	v2 =	vadd.s32 v42, v40;
	v42 =	vsel vm7, $0x2A00, v0  }
0xbf: {  	vm10 =	veq.s32 v49, v30;
	v49 =	vld [tilespmem:$0xADA0];
	[tilespmem:$0xB2A0] =	vst v2;
	v2 =	vadd.s32 v44, v42;
	v44 =	vsel vm8, $0x2A00, v0  }
0xc0: {  	vm12 =	veq.s32 v51, v34;
	v51 =	vld [tilespmem:$0xAFA0];
	[tilespmem:$0xB2B0] =	vst v2;
	v2 =	vadd.s32 v46, v44;
	v46 =	vsel vm9, $0x2A00, v0  }
0xc1: {  	vm11 =	veq.s32 v50, v32;
	v6 =	vld [tilespmem:$0xAF40];
	[tilespmem:$0xB2C0] =	vst v2;
	v2 =	vadd.s32 v48, v46;
	v48 =	vsel vm10, $0x2A00, v0  }
0xc2: {  	v50 =	vsel vm11, $0x2A00, v0;
	v8 =	vld [tilespmem:$0xAD50];
	[tilespmem:$0xB2D0] =	vst v2;
	v2 =	vadd.s32 v30, v48  }
0xc3: {  	vm13 =	veq.s32 v35, v36;
	v52 =	vsel vm12, $0x2A00, v0;
	v53 =	vld [tilespmem:$0xADB0];
	[tilespmem:$0xB2E0] =	vst v2;
	v2 =	vadd.s32 v32, v50  }
0xc4: {  	v54 =	vsel vm13, $0x2A00, v0;
	v55 =	vld [tilespmem:$0xAFB0];
	vm14 =	veq.s32 v37, v1;
	[tilespmem:$0xB2F0] =	vst v2;
	v2 =	vadd.s32 v34, v52  }
0xc5: {  	v57 =	vld [tilespmem:$0xAFC0];
	v56 =	vsel vm14, $0x2A00, v0;
	vm15 =	veq.s32 v3, v5;
	[tilespmem:$0xB300] =	vst v2;
	v2 =	vadd.s32 v36, v54  }
0xc6: {  	v3 =	vld [tilespmem:$0xADC0];
	v1 =	vadd.s32 v1, v56;
	vm4 =	veq.s32 v7, v6;
	[tilespmem:$0xB310] =	vst v2;
	v2 =	vsel vm15, $0x2A00, v0  }
0xc7: {  	v58 =	vld [tilespmem:$0xADD0];
	[tilespmem:$0xB320] =	vst v1;
	vm5 =	veq.s32 v8, v9;
	v1 =	vadd.s32 v5, v2;
	v2 =	vsel vm4, $0x2A00, v0  }
0xc8: {  	v60 =	vld [tilespmem:$0xADE0];
	vm6 =	veq.s32 v59, v61;
	[tilespmem:$0xB330] =	vst v1;
	v1 =	vadd.s32 v6, v2;
	v2 =	vsel vm5, $0x2A00, v0  }
0xc9: {  	v62 =	vld [tilespmem:$0xADF0];
	vm7 =	veq.s32 v63, v39;
	[tilespmem:$0xB340] =	vst v1;
	v1 =	vadd.s32 v9, v2;
	v2 =	vsel vm6, $0x2A00, v0  }
0xca: {  	v59 =	vld [tilespmem:$0xAFD0];
	vm8 =	veq.s32 v41, v43;
	[tilespmem:$0xB350] =	vst v1;
	v1 =	vadd.s32 v61, v2;
	v2 =	vsel vm7, $0x2A00, v0  }
0xcb: {  	vm9 =	veq.s32 v45, v47;
	v61 =	vld [tilespmem:$0xAFE0];
	[tilespmem:$0xB360] =	vst v1;
	v1 =	vadd.s32 v39, v2;
	v2 =	vsel vm8, $0x2A00, v0  }
0xcc: {  	v63 =	vld [tilespmem:$0xAFF0];
	vm10 =	veq.s32 v49, v51;
	[tilespmem:$0xB370] =	vst v1;
	v1 =	vadd.s32 v43, v2;
	v2 =	vsel vm9, $0x2A00, v0  }
0xcd: {  	vm11 =	veq.s32 v53, v55;
	[tilespmem:$0xB380] =	vst v1;
	v1 =	vadd.s32 v47, v2;
	v2 =	vsel vm10, $0x2A00, v0  }
0xce: {  	vm12 =	veq.s32 v3, v57;
	[tilespmem:$0xB390] =	vst v1;
	v1 =	vadd.s32 v51, v2;
	v2 =	vsel vm11, $0x2A00, v0  }
0xcf: {  	vm13 =	veq.s32 v58, v59;
	[tilespmem:$0xB3A0] =	vst v1;
	v1 =	vadd.s32 v55, v2;
	v2 =	vsel vm12, $0x2A00, v0  }
0xd0: {  	vm14 =	veq.s32 v60, v61;
	[tilespmem:$0xB3B0] =	vst v1;
	v1 =	vadd.s32 v57, v2;
	v2 =	vsel vm13, $0x2A00, v0  }
0xd1: {  	vm15 =	veq.s32 v62, v63;
	[tilespmem:$0xB3C0] =	vst v1;
	v1 =	vadd.s32 v59, v2;
	v2 =	vsel vm14, $0x2A00, v0  }
0xd2: {  	[tilespmem:$0xB3D0] =	vst v1;
	v1 =	vadd.s32 v61, v2;
	v2 =	vsel vm15, $0x2A00, v0  }
0xd3: {  	[tilespmem:$0xB3E0] =	vst v1;
	v1 =	vadd.s32 v63, v2  }
0xd4: {  	s13 =	sadd.s32 $0x100, s13;
	[tilespmem:$0xB3F0] =	vst v1  }
0xd5: {  	p0 =	sne.s32 s9, s13;
	_ =	swait.ge [sflag:s31], $0x4000  }
.Ltmp0:
0xd6: {  	[sflag:s31] =	ssyncset.done $0x0;
	(pc) =	sbr.rel @p0 .LBB2_2-.Ltmp0, $4  }
0xd7: {  	[sflag:s31] =	ssyncadd.s32 $0xFFFFC000  }
0xd8: {  	[spmem:s1] =	stream.indirect.scatter.add.f32 [tilespmem:s30], [sflag:$0x6], $0x20, s2, s22, $0xb8;
	[tilespmem:$0x15400] =	vst v63  }
0xd9: {  	_ = 	snop  }
0xda: {  	[spmem:s3] =	stream.indirect.scatter.add.f32 [tilespmem:s19], [sflag:$0x8], $0x10, s0, s22, $0xb8;
	[tilespmem:$0x15400] =	vst v63  }
0xdb: {  	s6 =	simm.s32 $0x5  }
0xdc: {  	_ =	swait.ge [sflag:s6], $0x4000  }
0xdd: {  	[sflag:s6] =	ssyncset.done $0x0  }
0xde: {  	[sflag:s6] =	ssyncadd.s32 $0xFFFFC000  }
0xdf: {  	_ =	swait.ge [sflag:s7], $0x2000  }
0xe0: {  	[sflag:s7] =	ssyncset.done $0x0  }
0xe1: {  	[sflag:s7] =	ssyncadd.s32 $0xFFFFE000  }
0xe2: {  	_ =	swait.ge [sflag:s8], $0x4000  }
0xe3: {  	[sflag:s8] =	ssyncset.done $0x0  }
0xe4: {  	[sflag:s8] =	ssyncadd.s32 $0xFFFFC000  }
0xe5: {  	_ =	swait.ge [sflag:s11], $0x2000  }
0xe6: {  	[sflag:s11] =	ssyncset.done $0x0  }
0xe7: {  	[sflag:s11] =	ssyncadd.s32 $0xFFFFE000  }
0xe8: {  	[bflag:$0x0] =	sbarrier.arrive $0xFFFF  }
0xe9: {  	s13 =	rddreg [dreg:$0x8]  }
0xea: {  	[hbm:s13], [sflag:s10] =	dma.local [spmem:s16], $0xA80  }
0xeb: {  	_ =	swait.ge [sflag:s17], $0xA80  }
0xec: {  	[sflag:s17] =	ssyncset.done $0x0  }
0xed: {  	s13 =	rddreg [dreg:$0x9];
	[sflag:s17] =	ssyncadd.s32 $0xFFFFF580  }
0xee: {  	[hbm:s13], [sflag:s10] =	dma.local [spmem:s18], $0xA80  }
0xef: {  	_ =	swait.ge [sflag:s17], $0xA80  }
0xf0: {  	s12 =	sadd.s32 $0x1, s12;
	s13 =	rddreg [dreg:$0xa]  }
0xf1: {  	p0 =	sne.s32 s12, s13  }
.Ltmp1:
0xf2: {  	_ = 	snop;
	(pc) =	sbr.rel @p0 .LBB2_1-.Ltmp1, $3  }
0xf3: {  	_ =	sdelay $0x1  }
0xf4: {  	[sflag:s17] =	ssyncset.done $0x0  }
0xf5: {  	[sflag:s17] =	ssyncadd.s32 $0xFFFFF580  }
0xf6: {  	_ =	sfence.sel $0x180000  }
0xf7: {  	[bflag:$0x0] =	sbarrier.arrive $0xFFFF  }
0xf8: {  	_ =	strace $0x90000047  }
0xf9: {  	s0 =	stileid.u32;
	[bflag:$0x2] =	sbarrier.arrive $0xFFFF  }
0xfa: {  	p0 =	sne.s32 s0, $0x0;
	s0 =	rddreg [dreg:$0x4]  }
0xfb: {  	s0 =	sadd.s32 @!p0 $0x100000, s0  }
0xfc: {  	[sflag:s0] =	ssyncadd.tile.s32 @!p0 $0x1;
	_ =	shalt  }
.Lfunc_end2:
_tile_overlayer_lowered:
.L_overlay_start_2:
0xfd: {  	(tag) =	ssettag $0x2  }
0xfe: {  	s0 =	rddreg [dreg:$0x0];
	s2 =	stileid.u32  }
0xff: {  	s1 =	rddreg [dreg:$0x1];
	p0 =	sne.s32 s2, $0x0  }
0x100: {  	s3 =	rddreg [dreg:$0x2];
	[bflag:$0x3] =	sbarrier.arrive $0xFFFF;
	s2 =	simm.s32 @!p0 $0x1C09  }
0x101: {  	[timem:s3], [sflag:s2] =	dma.local @!p0 [hbm:s0], s1  }
0x102: {  	s0 =	simm.s32 @!p0 $0x9  }
0x103: {  	_ =	swait.ge @!p0 [sflag:s0], s1  }
0x104: {  	s1 =	ssub.s32 @!p0 $0x0, s1;
	[sflag:s0] =	ssyncset.done @!p0 $0x0  }
0x105: {  	[sflag:s0] =	ssyncadd.s32 @!p0 s1  }
0x106: {  	[bflag:$0x3] =	sbarrier.arrive $0xFFFF  }
0x107: {  	_ =	shalt  }

</sc_bundles>
